<compile_context>
chip_gen: v7x
topology: tpu7x:2x2x1
jax: 0.10.2.dev20260603
libtpu: 0.0.44.dev20260713+nightly
codegen_flags: <defaults>
</compile_context>

<pallas_src>
import functools

import jax
import jax.numpy as jnp
from jax import lax
from jax.experimental import pallas as pl
from jax.experimental.pallas import tpu as pltpu
from jax.experimental.pallas import tpu_sc as plsc

NC = 2
NS = 16
NW = NC * NS
LANES = 16
CH = 128
NBUF = 4
RING = 8
D_HID = 16
ROWBLK = 1024


def _mesh():
    return plsc.VectorSubcoreMesh(
        core_axis_name="c", subcore_axis_name="s", num_cores=NC, num_subcores=NS
    )


def _worker_range(cid, sid, gper, grem):
    w = sid * NC + cid
    extra = (w < grem).astype(jnp.int32)
    cnt = (gper + extra) * NBUF
    base = (gper * w + jnp.minimum(w, grem)) * NBUF
    return base, cnt, w


def _worker_group_range(cid, sid, gper, grem):
    w = sid * NC + cid
    extra = (w < grem).astype(jnp.int32)
    cnt = gper + extra
    base = gper * w + jnp.minimum(w, grem)
    return base, cnt, w




def _make_deg_kernel(gper, grem, n_pad, rpt):
    cmax = (gper + (1 if grem else 0)) * NBUF

    @functools.partial(
        pl.kernel,
        out_type=jax.ShapeDtypeStruct((NC, n_pad), jnp.float32),
        mesh=_mesh(),
        scratch_types=[
            pltpu.VMEM((cmax, CH), jnp.int32),
            pltpu.VMEM((CH,), jnp.float32),
            pltpu.VMEM((CH,), jnp.float32),
            pltpu.VMEM_SHARED((n_pad,), jnp.float32),
        ]
        + [pltpu.SemaphoreType.DMA] * NBUF,
        compiler_params=pltpu.CompilerParams(use_tc_tiling_on_sc=False),
        name="gcn_deg",
    )
    def deg_kernel(ei_hbm, out_hbm, idx_v, ones_v, zero_v, acc, *sems):
        cid = lax.axis_index("c")
        sid = lax.axis_index("s")
        cbase, cnt, w = _worker_range(cid, sid, gper, grem)
        for i in range(CH // LANES):
            ones_v[pl.ds(LANES * i, LANES)] = jnp.full((LANES,), 1.0, jnp.float32)
            zero_v[pl.ds(LANES * i, LANES)] = jnp.zeros((LANES,), jnp.float32)

        @pl.when(w < grem)
        def _():
            pltpu.sync_copy(ei_hbm.at[1, pl.ds(cbase, cmax)], idx_v)

        @pl.when(w >= grem)
        def _():
            pltpu.sync_copy(
                ei_hbm.at[1, pl.ds(cbase, gper * NBUF)],
                idx_v.at[pl.ds(0, gper * NBUF)],
            )

        base = sid * rpt
        for t in range(rpt // CH):
            pltpu.sync_copy(zero_v, acc.at[pl.ds(base + t * CH, CH)])
        plsc.subcore_barrier()

        for b in range(NBUF):
            pltpu.async_copy(ones_v, acc.at[idx_v.at[b]], sems[b], add=True)

        def group(g, carry):
            for b in range(NBUF):
                j = g * NBUF + b
                pltpu.make_async_copy(ones_v, acc.at[idx_v.at[j]], sems[b]).wait()

                @pl.when(j + NBUF < cnt)
                def _():
                    pltpu.async_copy(
                        ones_v, acc.at[idx_v.at[j + NBUF]], sems[b], add=True
                    )

            return carry

        lax.fori_loop(0, cnt // NBUF, group, 0)
        plsc.subcore_barrier()
        pltpu.sync_copy(acc.at[pl.ds(base, rpt)], out_hbm.at[cid, pl.ds(base, rpt)])

    return deg_kernel


def _make_agg_kernel(gper, grem, n_pad, rpt):
    cmax = (gper + (1 if grem else 0)) * NBUF

    @functools.partial(
        pl.kernel,
        out_type=jax.ShapeDtypeStruct((NC, n_pad, D_HID), jnp.float32),
        mesh=_mesh(),
        scratch_types=[
            pltpu.VMEM((cmax, CH), jnp.int32),
            pltpu.VMEM((cmax, CH), jnp.int32),
            pltpu.VMEM((RING, CH, D_HID), jnp.float32),
            pltpu.VMEM_SHARED((n_pad, D_HID), jnp.float32),
            pltpu.VMEM_SHARED((n_pad, D_HID), jnp.float32),
        ]
        + [pltpu.SemaphoreType.DMA] * (2 * RING),
        compiler_params=pltpu.CompilerParams(use_tc_tiling_on_sc=False),
        name="gcn_row_agg",
    )
    def agg_kernel(table_hbm, ei_hbm, out_hbm, src_v, dst_v, rows_v, acc,
                   table_sh, *sems):
        cid = lax.axis_index("c")
        sid = lax.axis_index("s")
        cbase, cnt, w = _worker_range(cid, sid, gper, grem)
        base = sid * rpt

        @pl.when(w < grem)
        def _():
            pltpu.sync_copy(ei_hbm.at[0, pl.ds(cbase, cmax)], src_v)
            pltpu.sync_copy(ei_hbm.at[1, pl.ds(cbase, cmax)], dst_v)

        @pl.when(w >= grem)
        def _():
            pltpu.sync_copy(
                ei_hbm.at[0, pl.ds(cbase, gper * NBUF)],
                src_v.at[pl.ds(0, gper * NBUF)],
            )
            pltpu.sync_copy(
                ei_hbm.at[1, pl.ds(cbase, gper * NBUF)],
                dst_v.at[pl.ds(0, gper * NBUF)],
            )

        def zrow(i, carry):
            rows_v[0, i, :] = jnp.zeros((LANES,), jnp.float32)
            return carry

        lax.fori_loop(0, CH, zrow, 0)
        for t in range(rpt // CH):
            pltpu.sync_copy(rows_v.at[0], acc.at[pl.ds(base + t * CH, CH)])
        pltpu.sync_copy(
            table_hbm.at[pl.ds(base, rpt)], table_sh.at[pl.ds(base, rpt)]
        )
        plsc.subcore_barrier()

        gsems = sems[:RING]
        ssems = sems[RING:]

        for b in range(RING):
            pltpu.async_copy(table_sh.at[src_v.at[b]], rows_v.at[b], gsems[b])

        csteps = -(-cmax // RING)

        def group(g, carry):
            for b in range(RING):
                j = g * RING + b

                @pl.when(j < cnt)
                def _():
                    pltpu.make_async_copy(
                        table_sh.at[src_v.at[j]], rows_v.at[b], gsems[b]
                    ).wait()
                    pltpu.async_copy(
                        rows_v.at[b], acc.at[dst_v.at[j]], ssems[b], add=True
                    )

            for b in range(RING):
                j = g * RING + b

                @pl.when(j < cnt)
                def _():
                    pltpu.make_async_copy(
                        rows_v.at[b], acc.at[dst_v.at[j]], ssems[b]
                    ).wait()

                    @pl.when(j + RING < cnt)
                    def _():
                        pltpu.async_copy(
                            table_sh.at[src_v.at[j + RING]], rows_v.at[b],
                            gsems[b],
                        )

            return carry

        lax.fori_loop(0, csteps, group, 0)
        plsc.subcore_barrier()
        pltpu.sync_copy(
            acc.at[pl.ds(base, rpt)], out_hbm.at[cid, pl.ds(base, rpt)]
        )

    return agg_kernel



PK = 128 // D_HID


def _pack(v, rb):
    v3 = v.reshape(rb, PK, D_HID)
    return jnp.concatenate([v3[:, j, :] for j in range(PK)], axis=1)


def _unpack(p, rb, d=D_HID):
    cols = [p[:, d * j : d * (j + 1)].reshape(rb, 1, d) for j in range(PK)]
    return jnp.concatenate(cols, axis=1).reshape(rb * PK, d)


def _tc_a_body(x_ref, w_ref, degp_ref, zp_ref, d16_ref):
    rb = ROWBLK // PK
    z = jnp.dot(x_ref[...], w_ref[...], preferred_element_type=jnp.float32)
    deg8 = 1.0 + degp_ref[0] + degp_ref[1]
    dinv8 = 1.0 / jnp.sqrt(deg8)
    d16_p = jnp.concatenate(
        [jnp.broadcast_to(dinv8[:, j : j + 1], (rb, D_HID)) for j in range(PK)],
        axis=1,
    )
    d16_ref[...] = d16_p
    zp_ref[...] = _pack(z, rb) * d16_p


def _tc_a(x, W1, degp_v):
    n = x.shape[0]
    d_in = x.shape[1]
    grid = n // ROWBLK
    return pl.pallas_call(
        _tc_a_body,
        grid=(grid,),
        in_specs=[
            pl.BlockSpec((ROWBLK, d_in), lambda i: (i, 0)),
            pl.BlockSpec((d_in, D_HID), lambda i: (0, 0)),
            pl.BlockSpec((NC, ROWBLK // PK, PK), lambda i: (0, i, 0)),
        ],
        out_specs=[
            pl.BlockSpec((ROWBLK // PK, 128), lambda i: (i, 0)),
            pl.BlockSpec((ROWBLK // PK, 128), lambda i: (i, 0)),
        ],
        out_shape=[
            jax.ShapeDtypeStruct((n // PK, 128), jnp.float32),
            jax.ShapeDtypeStruct((n // PK, 128), jnp.float32),
        ],
    )(x, W1, degp_v)


def _tc_b_body(agg_ref, zp_ref, d16_ref, b1_ref, out_ref):
    s = agg_ref[0] + agg_ref[1] + zp_ref[...]
    d16 = d16_ref[...]
    b128 = jnp.concatenate([b1_ref[...]] * PK, axis=1)
    h1 = jnp.maximum(d16 * s + b128, 0.0)
    out_ref[...] = h1 * d16


def _tc_b(agg1_v, zp, d16, b1):
    rp = zp.shape[0]
    rb = ROWBLK // PK
    grid = rp // rb
    return pl.pallas_call(
        _tc_b_body,
        grid=(grid,),
        in_specs=[
            pl.BlockSpec((NC, rb, 128), lambda i: (0, i, 0)),
            pl.BlockSpec((rb, 128), lambda i: (i, 0)),
            pl.BlockSpec((rb, 128), lambda i: (i, 0)),
            pl.BlockSpec((1, D_HID), lambda i: (0, 0)),
        ],
        out_specs=pl.BlockSpec((rb, 128), lambda i: (i, 0)),
        out_shape=jax.ShapeDtypeStruct((rp, 128), jnp.float32),
    )(agg1_v, zp, d16, b1)


def _tc_c_body(agg_ref, h1p_ref, d16_ref, w2b_ref, sb_ref, b2_ref, out_ref):
    rb = ROWBLK // PK
    n_cls = b2_ref.shape[1]
    s = agg_ref[0] + agg_ref[1] + h1p_ref[...]
    pre_p = d16_ref[...] * s
    h2 = jnp.dot(pre_p, w2b_ref[...], preferred_element_type=jnp.float32)
    h2 = h2 + jnp.concatenate([b2_ref[...]] * PK, axis=1)
    m = jnp.max(h2, axis=1, keepdims=True)
    e = jnp.exp(h2 - m)
    gs = jnp.dot(e, sb_ref[...], preferred_element_type=jnp.float32)
    o_pk = h2 - m - jnp.log(gs)
    out_ref[...] = _unpack(o_pk, rb, n_cls)


def _tc_c(agg2_v, h1p, d16, W2blk, Sblk, b2, n):
    rp = h1p.shape[0]
    n_cls = b2.shape[1]
    rb = ROWBLK // PK
    grid = rp // rb
    return pl.pallas_call(
        _tc_c_body,
        grid=(grid,),
        in_specs=[
            pl.BlockSpec((NC, rb, 128), lambda i: (0, i, 0)),
            pl.BlockSpec((rb, 128), lambda i: (i, 0)),
            pl.BlockSpec((rb, 128), lambda i: (i, 0)),
            pl.BlockSpec((128, PK * n_cls), lambda i: (0, 0)),
            pl.BlockSpec((PK * n_cls, PK * n_cls), lambda i: (0, 0)),
            pl.BlockSpec((1, n_cls), lambda i: (0, 0)),
        ],
        out_specs=pl.BlockSpec((ROWBLK, n_cls), lambda i: (i, 0)),
        out_shape=jax.ShapeDtypeStruct((n, n_cls), jnp.float32),
    )(agg2_v, h1p, d16, W2blk, Sblk, b2)




def kernel(x, edge_index, W1, b1, W2, b2):
    n = x.shape[0]
    e = edge_index.shape[1]

    gtot = -(-e // (CH * NBUF))
    e_pad = gtot * CH * NBUF
    ei = edge_index.astype(jnp.int32)
    if e_pad != e:
        fill = jnp.stack(
            [
                jnp.zeros((e_pad - e,), jnp.int32),
                jnp.full((e_pad - e,), n, jnp.int32),
            ]
        )
        ei = jnp.concatenate([ei, fill], axis=1)
    ei3 = ei.reshape(2, e_pad // CH, CH)

    gper, grem = gtot // NW, gtot % NW
    n_pad = -(-(n + 1) // (NS * CH)) * (NS * CH)
    rpt = n_pad // NS

    degp = _make_deg_kernel(gper, grem, n_pad, rpt)(ei3)

    x_pad = jnp.pad(x, ((0, n_pad - n), (0, 0)))
    zp, d16 = _tc_a(x_pad, W1, degp.reshape(NC, n_pad // PK, PK))
    agg = _make_agg_kernel(gper, grem, n_pad, rpt)
    agg1 = agg(zp.reshape(n_pad, D_HID), ei3)
    h1p = _tc_b(agg1.reshape(NC, n_pad // PK, 128), zp, d16, b1.reshape(1, D_HID))
    agg2 = agg(h1p.reshape(n_pad, D_HID), ei3)
    n_cls = W2.shape[1]
    eye8 = jnp.eye(PK, dtype=jnp.float32)
    W2blk = jnp.kron(eye8, W2)
    Sblk = jnp.kron(eye8, jnp.ones((n_cls, n_cls), jnp.float32))
    return _tc_c(
        agg2.reshape(NC, n_pad // PK, 128), h1p, d16, W2blk, Sblk,
        b2.reshape(1, -1), n,
    )

# --- scband reference (transcript-rebuilt; emitter-appended) ---
"""Pipeline reference for scband-gcn-15960098472722 (READ-ONLY COPY).

The authoritative reference and input builder live on the scoring server;
editing this copy changes nothing except your own understanding.
"""

import jax, jax.numpy as jnp
import numpy as np

N_NODES = 10000
N_EDGES = 320000
D_IN = 128
D_HID = 16
N_CLS = 12


def setup_inputs(seed: int = 0) -> dict:
    key = jax.random.key(seed)
    k_x, k_e, k_w1, k_b1, k_w2, k_b2 = jax.random.split(key, 6)
    x = jax.random.normal(k_x, (N_NODES, D_IN), dtype=jnp.float32)
    edge_index = jax.random.randint(k_e, (2, N_EDGES), 0, N_NODES, dtype=jnp.int64)
    # GCNConv weights (glorot-like) and biases
    W1 = jax.random.normal(k_w1, (D_IN, D_HID), dtype=jnp.float32) * (1.0 / np.sqrt(D_IN))
    b1 = jnp.zeros((D_HID,), dtype=jnp.float32)
    W2 = jax.random.normal(k_w2, (D_HID, N_CLS), dtype=jnp.float32) * (1.0 / np.sqrt(D_HID))
    b2 = jnp.zeros((N_CLS,), dtype=jnp.float32)
    return {"x": x, "edge_index": edge_index, "W1": W1, "b1": b1, "W2": W2, "b2": b2}


def _gcn_conv(h, src, dst, W, b, n_nodes):
    # linear transform first (as in PyG GCNConv)
    h = h @ W
    # symmetric normalization with self-loops already included in src/dst
    deg = jnp.zeros((n_nodes,), dtype=h.dtype).at[dst].add(1.0)
    dinv = jnp.where(deg > 0, deg ** -0.5, 0.0)
    norm = dinv[src] * dinv[dst]
    msg = h[src] * norm[:, None]
    out = jnp.zeros((n_nodes, h.shape[1]), dtype=h.dtype).at[dst].add(msg)
    return out + b


def reference(x, edge_index, W1, b1, W2, b2):
    n_nodes = x.shape[0]
    # add self loops
    loops = jnp.arange(n_nodes, dtype=edge_index.dtype)
    src = jnp.concatenate([edge_index[0], loops])
    dst = jnp.concatenate([edge_index[1], loops])
    h = _gcn_conv(x, src, dst, W1, b1, n_nodes)
    h = jax.nn.relu(h)
    h = _gcn_conv(h, src, dst, W2, b2, n_nodes)
    return jax.nn.log_softmax(h, axis=1)

if __name__ == "__main__":
    import jax
    _d = setup_inputs()
    print(jax.jit(kernel)(*tuple(_d.values())))

</pallas_src>

<mosaic_0001>
#map = affine_map<(d0, d1) -> (0, 0)>
#map1 = affine_map<(d0, d1) -> (0, 0, 0)>
module attributes {stable_mosaic.version = 14 : i64} {
  func.func @gcn_row_agg(%arg0: i32, %arg1: i32, %arg2: memref<10240x16xf32, #tpu.memory_space<hbm>>, %arg3: memref<2x2500x128xi32, #tpu.memory_space<hbm>>, %arg4: memref<2x10240x16xf32, #tpu.memory_space<hbm>>, %arg5: memref<80x128xi32, #tpu.memory_space<vmem>>, %arg6: memref<80x128xi32, #tpu.memory_space<vmem>>, %arg7: memref<8x128x16xf32, #tpu.memory_space<vmem>>, %arg8: memref<10240x16xf32, #tpu.memory_space<vmem_shared>>, %arg9: memref<10240x16xf32, #tpu.memory_space<vmem_shared>>, %arg10: memref<!tpu.dma_semaphore, #tpu.memory_space<semaphore_mem>>, %arg11: memref<!tpu.dma_semaphore, #tpu.memory_space<semaphore_mem>>, %arg12: memref<!tpu.dma_semaphore, #tpu.memory_space<semaphore_mem>>, %arg13: memref<!tpu.dma_semaphore, #tpu.memory_space<semaphore_mem>>, %arg14: memref<!tpu.dma_semaphore, #tpu.memory_space<semaphore_mem>>, %arg15: memref<!tpu.dma_semaphore, #tpu.memory_space<semaphore_mem>>, %arg16: memref<!tpu.dma_semaphore, #tpu.memory_space<semaphore_mem>>, %arg17: memref<!tpu.dma_semaphore, #tpu.memory_space<semaphore_mem>>, %arg18: memref<!tpu.dma_semaphore, #tpu.memory_space<semaphore_mem>>, %arg19: memref<!tpu.dma_semaphore, #tpu.memory_space<semaphore_mem>>, %arg20: memref<!tpu.dma_semaphore, #tpu.memory_space<semaphore_mem>>, %arg21: memref<!tpu.dma_semaphore, #tpu.memory_space<semaphore_mem>>, %arg22: memref<!tpu.dma_semaphore, #tpu.memory_space<semaphore_mem>>, %arg23: memref<!tpu.dma_semaphore, #tpu.memory_space<semaphore_mem>>, %arg24: memref<!tpu.dma_semaphore, #tpu.memory_space<semaphore_mem>>, %arg25: memref<!tpu.dma_semaphore, #tpu.memory_space<semaphore_mem>>) attributes {dimension_semantics = [#tpu.dimension_semantics<core_parallel>, #tpu.dimension_semantics<subcore_parallel>], iteration_bounds = array<i64: 2, 16>, scalar_prefetch = 0 : i64, scratch_operands = 21 : i64, tpu.core_type = #tpu.core_type<sc_vector_subcore>, window_params = [{transform_indices = #map}, {transform_indices = #map1}, {transform_indices = #map1}]} {
    %mul3A = arith.constant 2 : i32
    %mul3A_0 = arith.muli %arg1, %mul3A : i32
    %add3A = arith.addi %mul3A_0, %arg0 : i32
    %lt3A = arith.constant 17 : i32
    %lt3A_1 = arith.cmpi slt, %add3A, %lt3A : i32
    %convert_element_type3A = arith.extui %lt3A_1 : i1 to i32
    %add3A_2 = arith.constant 19 : i32
    %add3A_3 = arith.addi %add3A_2, %convert_element_type3A : i32
    %mul3A_4 = arith.constant 4 : i32
    %mul3A_5 = arith.muli %add3A_3, %mul3A_4 : i32
    %mul3A_6 = arith.constant 19 : i32
    %mul3A_7 = arith.muli %mul3A_6, %add3A : i32
    %min3A = arith.constant 17 : i32
    %min3A_8 = arith.minsi %add3A, %min3A : i32
    %add3A_9 = arith.addi %mul3A_7, %min3A_8 : i32
    %mul3A_10 = arith.constant 4 : i32
    %mul3A_11 = arith.muli %add3A_9, %mul3A_10 : i32
    %mul3A_12 = arith.constant 640 : i32
    %mul3A_13 = arith.muli %arg1, %mul3A_12 : i32
    %lt3A_14 = arith.constant 17 : i32
    %lt3A_15 = arith.cmpi slt, %add3A, %lt3A_14 : i32
    %convert_element_type3A_16 = arith.extui %lt3A_15 : i1 to i32
    %cond3A = arith.constant 0 : i32
    %cond3A_17 = arith.cmpi ne, %convert_element_type3A_16, %cond3A : i32
    scf.if %cond3A_17 {
      %run_scoped3A_143 = arith.constant 0 : i32
      "tpu.region"() ({
        %run_scoped3A_145 = tpu.sem_alloc : memref<!tpu.dma_semaphore, #tpu.memory_space<semaphore_mem>>
        %dma_start3A_146 = arith.constant 0 : i32
        %dma_start3A_147 = tpu.memref_slice %arg3[%run_scoped3A_143, %mul3A_11, %dma_start3A_146] : memref<2x2500x128xi32, #tpu.memory_space<hbm>> -> memref<1x80x128xi32, #tpu.memory_space<hbm>>
        %dma_start3A_148 = tpu.memref_squeeze %dma_start3A_147 : memref<1x80x128xi32, #tpu.memory_space<hbm>> -> memref<80x128xi32, #tpu.memory_space<hbm>>
        %dma_start3A_149 = arith.constant 0 : i32
        %dma_start3A_150 = tpu.memref_slice %arg3[%run_scoped3A_143, %mul3A_11, %dma_start3A_149] : memref<2x2500x128xi32, #tpu.memory_space<hbm>> -> memref<1x80x128xi32, #tpu.memory_space<hbm>>
        %dma_start3A_151 = tpu.memref_squeeze %dma_start3A_150 : memref<1x80x128xi32, #tpu.memory_space<hbm>> -> memref<80x128xi32, #tpu.memory_space<hbm>>
        tpu.enqueue_dma source(%dma_start3A_151 : memref<80x128xi32, #tpu.memory_space<hbm>>) target(%arg5 : memref<80x128xi32, #tpu.memory_space<vmem>>) target_semaphore(%run_scoped3A_145 : memref<!tpu.dma_semaphore, #tpu.memory_space<semaphore_mem>>)
        %dma_wait3A = arith.constant 0 : i32
        %dma_wait3A_152 = tpu.memref_slice %arg3[%run_scoped3A_143, %mul3A_11, %dma_wait3A] : memref<2x2500x128xi32, #tpu.memory_space<hbm>> -> memref<1x80x128xi32, #tpu.memory_space<hbm>>
        %dma_wait3A_153 = tpu.memref_squeeze %dma_wait3A_152 : memref<1x80x128xi32, #tpu.memory_space<hbm>> -> memref<80x128xi32, #tpu.memory_space<hbm>>
        %dma_wait3A_154 = arith.constant 0 : i32
        %dma_wait3A_155 = tpu.memref_slice %arg3[%run_scoped3A_143, %mul3A_11, %dma_wait3A_154] : memref<2x2500x128xi32, #tpu.memory_space<hbm>> -> memref<1x80x128xi32, #tpu.memory_space<hbm>>
        %dma_wait3A_156 = tpu.memref_squeeze %dma_wait3A_155 : memref<1x80x128xi32, #tpu.memory_space<hbm>> -> memref<80x128xi32, #tpu.memory_space<hbm>>
        tpu.wait_dma2 semaphore(%run_scoped3A_145 : memref<!tpu.dma_semaphore, #tpu.memory_space<semaphore_mem>>) src(%dma_wait3A_156 : memref<80x128xi32, #tpu.memory_space<hbm>>) dst(%arg5 : memref<80x128xi32, #tpu.memory_space<vmem>>)
        tpu.yield
      }) : () -> ()
      %run_scoped3A_144 = arith.constant 1 : i32
      "tpu.region"() ({
        %run_scoped3A_145 = tpu.sem_alloc : memref<!tpu.dma_semaphore, #tpu.memory_space<semaphore_mem>>
        %dma_start3A_146 = arith.constant 0 : i32
        %dma_start3A_147 = tpu.memref_slice %arg3[%run_scoped3A_144, %mul3A_11, %dma_start3A_146] : memref<2x2500x128xi32, #tpu.memory_space<hbm>> -> memref<1x80x128xi32, #tpu.memory_space<hbm>>
        %dma_start3A_148 = tpu.memref_squeeze %dma_start3A_147 : memref<1x80x128xi32, #tpu.memory_space<hbm>> -> memref<80x128xi32, #tpu.memory_space<hbm>>
        %dma_start3A_149 = arith.constant 0 : i32
        %dma_start3A_150 = tpu.memref_slice %arg3[%run_scoped3A_144, %mul3A_11, %dma_start3A_149] : memref<2x2500x128xi32, #tpu.memory_space<hbm>> -> memref<1x80x128xi32, #tpu.memory_space<hbm>>
        %dma_start3A_151 = tpu.memref_squeeze %dma_start3A_150 : memref<1x80x128xi32, #tpu.memory_space<hbm>> -> memref<80x128xi32, #tpu.memory_space<hbm>>
        tpu.enqueue_dma source(%dma_start3A_151 : memref<80x128xi32, #tpu.memory_space<hbm>>) target(%arg6 : memref<80x128xi32, #tpu.memory_space<vmem>>) target_semaphore(%run_scoped3A_145 : memref<!tpu.dma_semaphore, #tpu.memory_space<semaphore_mem>>)
        %dma_wait3A = arith.constant 0 : i32
        %dma_wait3A_152 = tpu.memref_slice %arg3[%run_scoped3A_144, %mul3A_11, %dma_wait3A] : memref<2x2500x128xi32, #tpu.memory_space<hbm>> -> memref<1x80x128xi32, #tpu.memory_space<hbm>>
        %dma_wait3A_153 = tpu.memref_squeeze %dma_wait3A_152 : memref<1x80x128xi32, #tpu.memory_space<hbm>> -> memref<80x128xi32, #tpu.memory_space<hbm>>
        %dma_wait3A_154 = arith.constant 0 : i32
        %dma_wait3A_155 = tpu.memref_slice %arg3[%run_scoped3A_144, %mul3A_11, %dma_wait3A_154] : memref<2x2500x128xi32, #tpu.memory_space<hbm>> -> memref<1x80x128xi32, #tpu.memory_space<hbm>>
        %dma_wait3A_156 = tpu.memref_squeeze %dma_wait3A_155 : memref<1x80x128xi32, #tpu.memory_space<hbm>> -> memref<80x128xi32, #tpu.memory_space<hbm>>
        tpu.wait_dma2 semaphore(%run_scoped3A_145 : memref<!tpu.dma_semaphore, #tpu.memory_space<semaphore_mem>>) src(%dma_wait3A_156 : memref<80x128xi32, #tpu.memory_space<hbm>>) dst(%arg6 : memref<80x128xi32, #tpu.memory_space<vmem>>)
        tpu.yield
      }) : () -> ()
    } else {
    }
    %ge3A = arith.constant 17 : i32
    %ge3A_18 = arith.cmpi sge, %add3A, %ge3A : i32
    %convert_element_type3A_19 = arith.extui %ge3A_18 : i1 to i32
    %cond3A_20 = arith.constant 0 : i32
    %cond3A_21 = arith.cmpi ne, %convert_element_type3A_19, %cond3A_20 : i32
    scf.if %cond3A_21 {
      %run_scoped3A_143 = arith.constant 0 : i32
      "tpu.region"() ({
        %run_scoped3A_145 = tpu.sem_alloc : memref<!tpu.dma_semaphore, #tpu.memory_space<semaphore_mem>>
        %dma_start3A_146 = arith.constant 0 : i32
        %dma_start3A_147 = arith.constant 0 : i32
        %dma_start3A_148 = tpu.memref_slice %arg5[%dma_start3A_146, %dma_start3A_147] : memref<80x128xi32, #tpu.memory_space<vmem>> -> memref<76x128xi32, #tpu.memory_space<vmem>>
        %dma_start3A_149 = arith.constant 0 : i32
        %dma_start3A_150 = tpu.memref_slice %arg3[%run_scoped3A_143, %mul3A_11, %dma_start3A_149] : memref<2x2500x128xi32, #tpu.memory_space<hbm>> -> memref<1x76x128xi32, #tpu.memory_space<hbm>>
        %dma_start3A_151 = tpu.memref_squeeze %dma_start3A_150 : memref<1x76x128xi32, #tpu.memory_space<hbm>> -> memref<76x128xi32, #tpu.memory_space<hbm>>
        %dma_start3A_152 = arith.constant 0 : i32
        %dma_start3A_153 = arith.constant 0 : i32
        %dma_start3A_154 = tpu.memref_slice %arg5[%dma_start3A_152, %dma_start3A_153] : memref<80x128xi32, #tpu.memory_space<vmem>> -> memref<76x128xi32, #tpu.memory_space<vmem>>
        %dma_start3A_155 = arith.constant 0 : i32
        %dma_start3A_156 = tpu.memref_slice %arg3[%run_scoped3A_143, %mul3A_11, %dma_start3A_155] : memref<2x2500x128xi32, #tpu.memory_space<hbm>> -> memref<1x76x128xi32, #tpu.memory_space<hbm>>
        %dma_start3A_157 = tpu.memref_squeeze %dma_start3A_156 : memref<1x76x128xi32, #tpu.memory_space<hbm>> -> memref<76x128xi32, #tpu.memory_space<hbm>>
        tpu.enqueue_dma source(%dma_start3A_157 : memref<76x128xi32, #tpu.memory_space<hbm>>) target(%dma_start3A_154 : memref<76x128xi32, #tpu.memory_space<vmem>>) target_semaphore(%run_scoped3A_145 : memref<!tpu.dma_semaphore, #tpu.memory_space<semaphore_mem>>)
        %dma_wait3A = arith.constant 0 : i32
        %dma_wait3A_158 = arith.constant 0 : i32
        %dma_wait3A_159 = tpu.memref_slice %arg5[%dma_wait3A, %dma_wait3A_158] : memref<80x128xi32, #tpu.memory_space<vmem>> -> memref<76x128xi32, #tpu.memory_space<vmem>>
        %dma_wait3A_160 = arith.constant 0 : i32
        %dma_wait3A_161 = tpu.memref_slice %arg3[%run_scoped3A_143, %mul3A_11, %dma_wait3A_160] : memref<2x2500x128xi32, #tpu.memory_space<hbm>> -> memref<1x76x128xi32, #tpu.memory_space<hbm>>
        %dma_wait3A_162 = tpu.memref_squeeze %dma_wait3A_161 : memref<1x76x128xi32, #tpu.memory_space<hbm>> -> memref<76x128xi32, #tpu.memory_space<hbm>>
        %dma_wait3A_163 = arith.constant 0 : i32
        %dma_wait3A_164 = arith.constant 0 : i32
        %dma_wait3A_165 = tpu.memref_slice %arg5[%dma_wait3A_163, %dma_wait3A_164] : memref<80x128xi32, #tpu.memory_space<vmem>> -> memref<76x128xi32, #tpu.memory_space<vmem>>
        %dma_wait3A_166 = arith.constant 0 : i32
        %dma_wait3A_167 = tpu.memref_slice %arg3[%run_scoped3A_143, %mul3A_11, %dma_wait3A_166] : memref<2x2500x128xi32, #tpu.memory_space<hbm>> -> memref<1x76x128xi32, #tpu.memory_space<hbm>>
        %dma_wait3A_168 = tpu.memref_squeeze %dma_wait3A_167 : memref<1x76x128xi32, #tpu.memory_space<hbm>> -> memref<76x128xi32, #tpu.memory_space<hbm>>
        tpu.wait_dma2 semaphore(%run_scoped3A_145 : memref<!tpu.dma_semaphore, #tpu.memory_space<semaphore_mem>>) src(%dma_wait3A_168 : memref<76x128xi32, #tpu.memory_space<hbm>>) dst(%dma_wait3A_165 : memref<76x128xi32, #tpu.memory_space<vmem>>)
        tpu.yield
      }) : () -> ()
      %run_scoped3A_144 = arith.constant 1 : i32
      "tpu.region"() ({
        %run_scoped3A_145 = tpu.sem_alloc : memref<!tpu.dma_semaphore, #tpu.memory_space<semaphore_mem>>
        %dma_start3A_146 = arith.constant 0 : i32
        %dma_start3A_147 = arith.constant 0 : i32
        %dma_start3A_148 = tpu.memref_slice %arg6[%dma_start3A_146, %dma_start3A_147] : memref<80x128xi32, #tpu.memory_space<vmem>> -> memref<76x128xi32, #tpu.memory_space<vmem>>
        %dma_start3A_149 = arith.constant 0 : i32
        %dma_start3A_150 = tpu.memref_slice %arg3[%run_scoped3A_144, %mul3A_11, %dma_start3A_149] : memref<2x2500x128xi32, #tpu.memory_space<hbm>> -> memref<1x76x128xi32, #tpu.memory_space<hbm>>
        %dma_start3A_151 = tpu.memref_squeeze %dma_start3A_150 : memref<1x76x128xi32, #tpu.memory_space<hbm>> -> memref<76x128xi32, #tpu.memory_space<hbm>>
        %dma_start3A_152 = arith.constant 0 : i32
        %dma_start3A_153 = arith.constant 0 : i32
        %dma_start3A_154 = tpu.memref_slice %arg6[%dma_start3A_152, %dma_start3A_153] : memref<80x128xi32, #tpu.memory_space<vmem>> -> memref<76x128xi32, #tpu.memory_space<vmem>>
        %dma_start3A_155 = arith.constant 0 : i32
        %dma_start3A_156 = tpu.memref_slice %arg3[%run_scoped3A_144, %mul3A_11, %dma_start3A_155] : memref<2x2500x128xi32, #tpu.memory_space<hbm>> -> memref<1x76x128xi32, #tpu.memory_space<hbm>>
        %dma_start3A_157 = tpu.memref_squeeze %dma_start3A_156 : memref<1x76x128xi32, #tpu.memory_space<hbm>> -> memref<76x128xi32, #tpu.memory_space<hbm>>
        tpu.enqueue_dma source(%dma_start3A_157 : memref<76x128xi32, #tpu.memory_space<hbm>>) target(%dma_start3A_154 : memref<76x128xi32, #tpu.memory_space<vmem>>) target_semaphore(%run_scoped3A_145 : memref<!tpu.dma_semaphore, #tpu.memory_space<semaphore_mem>>)
        %dma_wait3A = arith.constant 0 : i32
        %dma_wait3A_158 = arith.constant 0 : i32
        %dma_wait3A_159 = tpu.memref_slice %arg6[%dma_wait3A, %dma_wait3A_158] : memref<80x128xi32, #tpu.memory_space<vmem>> -> memref<76x128xi32, #tpu.memory_space<vmem>>
        %dma_wait3A_160 = arith.constant 0 : i32
        %dma_wait3A_161 = tpu.memref_slice %arg3[%run_scoped3A_144, %mul3A_11, %dma_wait3A_160] : memref<2x2500x128xi32, #tpu.memory_space<hbm>> -> memref<1x76x128xi32, #tpu.memory_space<hbm>>
        %dma_wait3A_162 = tpu.memref_squeeze %dma_wait3A_161 : memref<1x76x128xi32, #tpu.memory_space<hbm>> -> memref<76x128xi32, #tpu.memory_space<hbm>>
        %dma_wait3A_163 = arith.constant 0 : i32
        %dma_wait3A_164 = arith.constant 0 : i32
        %dma_wait3A_165 = tpu.memref_slice %arg6[%dma_wait3A_163, %dma_wait3A_164] : memref<80x128xi32, #tpu.memory_space<vmem>> -> memref<76x128xi32, #tpu.memory_space<vmem>>
        %dma_wait3A_166 = arith.constant 0 : i32
        %dma_wait3A_167 = tpu.memref_slice %arg3[%run_scoped3A_144, %mul3A_11, %dma_wait3A_166] : memref<2x2500x128xi32, #tpu.memory_space<hbm>> -> memref<1x76x128xi32, #tpu.memory_space<hbm>>
        %dma_wait3A_168 = tpu.memref_squeeze %dma_wait3A_167 : memref<1x76x128xi32, #tpu.memory_space<hbm>> -> memref<76x128xi32, #tpu.memory_space<hbm>>
        tpu.wait_dma2 semaphore(%run_scoped3A_145 : memref<!tpu.dma_semaphore, #tpu.memory_space<semaphore_mem>>) src(%dma_wait3A_168 : memref<76x128xi32, #tpu.memory_space<hbm>>) dst(%dma_wait3A_165 : memref<76x128xi32, #tpu.memory_space<vmem>>)
        tpu.yield
      }) : () -> ()
    } else {
    }
    %scan3A = arith.constant 0 : i32
    %scan3A_22 = arith.constant 0 : i32
    %scan3A_23 = arith.constant 128 : i32
    %scan3A_24 = arith.addi %scan3A_22, %scan3A_23 : i32
    %scan3A_25 = arith.constant 1 : i32
    scf.for %scan3A_143 = %scan3A_22 to %scan3A_24 step %scan3A_25  : i32 {
      %broadcast_in_dim3A = arith.constant 0.000000e+00 : f32
      %broadcast_in_dim3A_144 = vector.broadcast %broadcast_in_dim3A : f32 to vector<16xf32>
      %swap3A = arith.constant 0 : i32
      %swap3A_145 = arith.index_cast %swap3A : i32 to index
      %swap3A_146 = arith.index_cast %scan3A_143 : i32 to index
      %swap3A_147 = arith.constant 0 : index
      %swap3A_148 = tpu.vector_load %arg7[%swap3A_145, %swap3A_146, %swap3A_147] {strides = array<i32>} : memref<8x128x16xf32, #tpu.memory_space<vmem>>, vector<1x1x16xf32>,
      %swap3A_149 = vector.shape_cast %swap3A_148 : vector<1x1x16xf32> to vector<16xf32>
      %swap3A_150 = vector.shape_cast %broadcast_in_dim3A_144 : vector<16xf32> to vector<1x1x16xf32>
      tpu.vector_store %arg7[%swap3A_145, %swap3A_146, %swap3A_147], %swap3A_150 {strides = array<i32>} : memref<8x128x16xf32, #tpu.memory_space<vmem>>, vector<1x1x16xf32>,
    }
    %scan3A_26 = arith.constant 128 : i32
    %add3A_27 = arith.constant 0 : i32
    %add3A_28 = arith.addi %mul3A_13, %add3A_27 : i32
    %run_scoped3A = arith.constant 0 : i32
    "tpu.region"() ({
      %run_scoped3A_143 = tpu.sem_alloc : memref<!tpu.dma_semaphore, #tpu.memory_space<semaphore_mem>>
      %dma_start3A_144 = arith.constant 0 : i32
      %dma_start3A_145 = arith.constant 0 : i32
      %dma_start3A_146 = tpu.memref_slice %arg7[%run_scoped3A, %dma_start3A_144, %dma_start3A_145] : memref<8x128x16xf32, #tpu.memory_space<vmem>> -> memref<1x128x16xf32, #tpu.memory_space<vmem>>
      %dma_start3A_147 = tpu.memref_squeeze %dma_start3A_146 : memref<1x128x16xf32, #tpu.memory_space<vmem>> -> memref<128x16xf32, #tpu.memory_space<vmem>>
      %dma_start3A_148 = arith.constant 0 : i32
      %dma_start3A_149 = tpu.memref_slice %arg8[%add3A_28, %dma_start3A_148] : memref<10240x16xf32, #tpu.memory_space<vmem_shared>> -> memref<128x16xf32, #tpu.memory_space<vmem_shared>>
      %dma_start3A_150 = arith.constant 0 : i32
      %dma_start3A_151 = tpu.memref_slice %arg8[%add3A_28, %dma_start3A_150] : memref<10240x16xf32, #tpu.memory_space<vmem_shared>> -> memref<128x16xf32, #tpu.memory_space<vmem_shared>>
      %dma_start3A_152 = arith.constant 0 : i32
      %dma_start3A_153 = arith.constant 0 : i32
      %dma_start3A_154 = tpu.memref_slice %arg7[%run_scoped3A, %dma_start3A_152, %dma_start3A_153] : memref<8x128x16xf32, #tpu.memory_space<vmem>> -> memref<1x128x16xf32, #tpu.memory_space<vmem>>
      %dma_start3A_155 = tpu.memref_squeeze %dma_start3A_154 : memref<1x128x16xf32, #tpu.memory_space<vmem>> -> memref<128x16xf32, #tpu.memory_space<vmem>>
      tpu.enqueue_dma source(%dma_start3A_155 : memref<128x16xf32, #tpu.memory_space<vmem>>) target(%dma_start3A_151 : memref<128x16xf32, #tpu.memory_space<vmem_shared>>) target_semaphore(%run_scoped3A_143 : memref<!tpu.dma_semaphore, #tpu.memory_space<semaphore_mem>>)
      %dma_wait3A = arith.constant 0 : i32
      %dma_wait3A_156 = arith.constant 0 : i32
      %dma_wait3A_157 = tpu.memref_slice %arg7[%run_scoped3A, %dma_wait3A, %dma_wait3A_156] : memref<8x128x16xf32, #tpu.memory_space<vmem>> -> memref<1x128x16xf32, #tpu.memory_space<vmem>>
      %dma_wait3A_158 = tpu.memref_squeeze %dma_wait3A_157 : memref<1x128x16xf32, #tpu.memory_space<vmem>> -> memref<128x16xf32, #tpu.memory_space<vmem>>
      %dma_wait3A_159 = arith.constant 0 : i32
      %dma_wait3A_160 = tpu.memref_slice %arg8[%add3A_28, %dma_wait3A_159] : memref<10240x16xf32, #tpu.memory_space<vmem_shared>> -> memref<128x16xf32, #tpu.memory_space<vmem_shared>>
      %dma_wait3A_161 = arith.constant 0 : i32
      %dma_wait3A_162 = tpu.memref_slice %arg8[%add3A_28, %dma_wait3A_161] : memref<10240x16xf32, #tpu.memory_space<vmem_shared>> -> memref<128x16xf32, #tpu.memory_space<vmem_shared>>
      %dma_wait3A_163 = arith.constant 0 : i32
      %dma_wait3A_164 = arith.constant 0 : i32
      %dma_wait3A_165 = tpu.memref_slice %arg7[%run_scoped3A, %dma_wait3A_163, %dma_wait3A_164] : memref<8x128x16xf32, #tpu.memory_space<vmem>> -> memref<1x128x16xf32, #tpu.memory_space<vmem>>
      %dma_wait3A_166 = tpu.memref_squeeze %dma_wait3A_165 : memref<1x128x16xf32, #tpu.memory_space<vmem>> -> memref<128x16xf32, #tpu.memory_space<vmem>>
      tpu.wait_dma2 semaphore(%run_scoped3A_143 : memref<!tpu.dma_semaphore, #tpu.memory_space<semaphore_mem>>) src(%dma_wait3A_166 : memref<128x16xf32, #tpu.memory_space<vmem>>) dst(%dma_wait3A_162 : memref<128x16xf32, #tpu.memory_space<vmem_shared>>)
      tpu.yield
    }) : () -> ()
    %add3A_29 = arith.constant 128 : i32
    %add3A_30 = arith.addi %mul3A_13, %add3A_29 : i32
    %run_scoped3A_31 = arith.constant 0 : i32
    "tpu.region"() ({
      %run_scoped3A_143 = tpu.sem_alloc : memref<!tpu.dma_semaphore, #tpu.memory_space<semaphore_mem>>
      %dma_start3A_144 = arith.constant 0 : i32
      %dma_start3A_145 = arith.constant 0 : i32
      %dma_start3A_146 = tpu.memref_slice %arg7[%run_scoped3A_31, %dma_start3A_144, %dma_start3A_145] : memref<8x128x16xf32, #tpu.memory_space<vmem>> -> memref<1x128x16xf32, #tpu.memory_space<vmem>>
      %dma_start3A_147 = tpu.memref_squeeze %dma_start3A_146 : memref<1x128x16xf32, #tpu.memory_space<vmem>> -> memref<128x16xf32, #tpu.memory_space<vmem>>
      %dma_start3A_148 = arith.constant 0 : i32
      %dma_start3A_149 = tpu.memref_slice %arg8[%add3A_30, %dma_start3A_148] : memref<10240x16xf32, #tpu.memory_space<vmem_shared>> -> memref<128x16xf32, #tpu.memory_space<vmem_shared>>
      %dma_start3A_150 = arith.constant 0 : i32
      %dma_start3A_151 = tpu.memref_slice %arg8[%add3A_30, %dma_start3A_150] : memref<10240x16xf32, #tpu.memory_space<vmem_shared>> -> memref<128x16xf32, #tpu.memory_space<vmem_shared>>
      %dma_start3A_152 = arith.constant 0 : i32
      %dma_start3A_153 = arith.constant 0 : i32
      %dma_start3A_154 = tpu.memref_slice %arg7[%run_scoped3A_31, %dma_start3A_152, %dma_start3A_153] : memref<8x128x16xf32, #tpu.memory_space<vmem>> -> memref<1x128x16xf32, #tpu.memory_space<vmem>>
      %dma_start3A_155 = tpu.memref_squeeze %dma_start3A_154 : memref<1x128x16xf32, #tpu.memory_space<vmem>> -> memref<128x16xf32, #tpu.memory_space<vmem>>
      tpu.enqueue_dma source(%dma_start3A_155 : memref<128x16xf32, #tpu.memory_space<vmem>>) target(%dma_start3A_151 : memref<128x16xf32, #tpu.memory_space<vmem_shared>>) target_semaphore(%run_scoped3A_143 : memref<!tpu.dma_semaphore, #tpu.memory_space<semaphore_mem>>)
      %dma_wait3A = arith.constant 0 : i32
      %dma_wait3A_156 = arith.constant 0 : i32
      %dma_wait3A_157 = tpu.memref_slice %arg7[%run_scoped3A_31, %dma_wait3A, %dma_wait3A_156] : memref<8x128x16xf32, #tpu.memory_space<vmem>> -> memref<1x128x16xf32, #tpu.memory_space<vmem>>
      %dma_wait3A_158 = tpu.memref_squeeze %dma_wait3A_157 : memref<1x128x16xf32, #tpu.memory_space<vmem>> -> memref<128x16xf32, #tpu.memory_space<vmem>>
      %dma_wait3A_159 = arith.constant 0 : i32
      %dma_wait3A_160 = tpu.memref_slice %arg8[%add3A_30, %dma_wait3A_159] : memref<10240x16xf32, #tpu.memory_space<vmem_shared>> -> memref<128x16xf32, #tpu.memory_space<vmem_shared>>
      %dma_wait3A_161 = arith.constant 0 : i32
      %dma_wait3A_162 = tpu.memref_slice %arg8[%add3A_30, %dma_wait3A_161] : memref<10240x16xf32, #tpu.memory_space<vmem_shared>> -> memref<128x16xf32, #tpu.memory_space<vmem_shared>>
      %dma_wait3A_163 = arith.constant 0 : i32
      %dma_wait3A_164 = arith.constant 0 : i32
      %dma_wait3A_165 = tpu.memref_slice %arg7[%run_scoped3A_31, %dma_wait3A_163, %dma_wait3A_164] : memref<8x128x16xf32, #tpu.memory_space<vmem>> -> memref<1x128x16xf32, #tpu.memory_space<vmem>>
      %dma_wait3A_166 = tpu.memref_squeeze %dma_wait3A_165 : memref<1x128x16xf32, #tpu.memory_space<vmem>> -> memref<128x16xf32, #tpu.memory_space<vmem>>
      tpu.wait_dma2 semaphore(%run_scoped3A_143 : memref<!tpu.dma_semaphore, #tpu.memory_space<semaphore_mem>>) src(%dma_wait3A_166 : memref<128x16xf32, #tpu.memory_space<vmem>>) dst(%dma_wait3A_162 : memref<128x16xf32, #tpu.memory_space<vmem_shared>>)
      tpu.yield
    }) : () -> ()
    %add3A_32 = arith.constant 256 : i32
    %add3A_33 = arith.addi %mul3A_13, %add3A_32 : i32
    %run_scoped3A_34 = arith.constant 0 : i32
    "tpu.region"() ({
      %run_scoped3A_143 = tpu.sem_alloc : memref<!tpu.dma_semaphore, #tpu.memory_space<semaphore_mem>>
      %dma_start3A_144 = arith.constant 0 : i32
      %dma_start3A_145 = arith.constant 0 : i32
      %dma_start3A_146 = tpu.memref_slice %arg7[%run_scoped3A_34, %dma_start3A_144, %dma_start3A_145] : memref<8x128x16xf32, #tpu.memory_space<vmem>> -> memref<1x128x16xf32, #tpu.memory_space<vmem>>
      %dma_start3A_147 = tpu.memref_squeeze %dma_start3A_146 : memref<1x128x16xf32, #tpu.memory_space<vmem>> -> memref<128x16xf32, #tpu.memory_space<vmem>>
      %dma_start3A_148 = arith.constant 0 : i32
      %dma_start3A_149 = tpu.memref_slice %arg8[%add3A_33, %dma_start3A_148] : memref<10240x16xf32, #tpu.memory_space<vmem_shared>> -> memref<128x16xf32, #tpu.memory_space<vmem_shared>>
      %dma_start3A_150 = arith.constant 0 : i32
      %dma_start3A_151 = tpu.memref_slice %arg8[%add3A_33, %dma_start3A_150] : memref<10240x16xf32, #tpu.memory_space<vmem_shared>> -> memref<128x16xf32, #tpu.memory_space<vmem_shared>>
      %dma_start3A_152 = arith.constant 0 : i32
      %dma_start3A_153 = arith.constant 0 : i32
      %dma_start3A_154 = tpu.memref_slice %arg7[%run_scoped3A_34, %dma_start3A_152, %dma_start3A_153] : memref<8x128x16xf32, #tpu.memory_space<vmem>> -> memref<1x128x16xf32, #tpu.memory_space<vmem>>
      %dma_start3A_155 = tpu.memref_squeeze %dma_start3A_154 : memref<1x128x16xf32, #tpu.memory_space<vmem>> -> memref<128x16xf32, #tpu.memory_space<vmem>>
      tpu.enqueue_dma source(%dma_start3A_155 : memref<128x16xf32, #tpu.memory_space<vmem>>) target(%dma_start3A_151 : memref<128x16xf32, #tpu.memory_space<vmem_shared>>) target_semaphore(%run_scoped3A_143 : memref<!tpu.dma_semaphore, #tpu.memory_space<semaphore_mem>>)
      %dma_wait3A = arith.constant 0 : i32
      %dma_wait3A_156 = arith.constant 0 : i32
      %dma_wait3A_157 = tpu.memref_slice %arg7[%run_scoped3A_34, %dma_wait3A, %dma_wait3A_156] : memref<8x128x16xf32, #tpu.memory_space<vmem>> -> memref<1x128x16xf32, #tpu.memory_space<vmem>>
      %dma_wait3A_158 = tpu.memref_squeeze %dma_wait3A_157 : memref<1x128x16xf32, #tpu.memory_space<vmem>> -> memref<128x16xf32, #tpu.memory_space<vmem>>
      %dma_wait3A_159 = arith.constant 0 : i32
      %dma_wait3A_160 = tpu.memref_slice %arg8[%add3A_33, %dma_wait3A_159] : memref<10240x16xf32, #tpu.memory_space<vmem_shared>> -> memref<128x16xf32, #tpu.memory_space<vmem_shared>>
      %dma_wait3A_161 = arith.constant 0 : i32
      %dma_wait3A_162 = tpu.memref_slice %arg8[%add3A_33, %dma_wait3A_161] : memref<10240x16xf32, #tpu.memory_space<vmem_shared>> -> memref<128x16xf32, #tpu.memory_space<vmem_shared>>
      %dma_wait3A_163 = arith.constant 0 : i32
      %dma_wait3A_164 = arith.constant 0 : i32
      %dma_wait3A_165 = tpu.memref_slice %arg7[%run_scoped3A_34, %dma_wait3A_163, %dma_wait3A_164] : memref<8x128x16xf32, #tpu.memory_space<vmem>> -> memref<1x128x16xf32, #tpu.memory_space<vmem>>
      %dma_wait3A_166 = tpu.memref_squeeze %dma_wait3A_165 : memref<1x128x16xf32, #tpu.memory_space<vmem>> -> memref<128x16xf32, #tpu.memory_space<vmem>>
      tpu.wait_dma2 semaphore(%run_scoped3A_143 : memref<!tpu.dma_semaphore, #tpu.memory_space<semaphore_mem>>) src(%dma_wait3A_166 : memref<128x16xf32, #tpu.memory_space<vmem>>) dst(%dma_wait3A_162 : memref<128x16xf32, #tpu.memory_space<vmem_shared>>)
      tpu.yield
    }) : () -> ()
    %add3A_35 = arith.constant 384 : i32
    %add3A_36 = arith.addi %mul3A_13, %add3A_35 : i32
    %run_scoped3A_37 = arith.constant 0 : i32
    "tpu.region"() ({
      %run_scoped3A_143 = tpu.sem_alloc : memref<!tpu.dma_semaphore, #tpu.memory_space<semaphore_mem>>
      %dma_start3A_144 = arith.constant 0 : i32
      %dma_start3A_145 = arith.constant 0 : i32
      %dma_start3A_146 = tpu.memref_slice %arg7[%run_scoped3A_37, %dma_start3A_144, %dma_start3A_145] : memref<8x128x16xf32, #tpu.memory_space<vmem>> -> memref<1x128x16xf32, #tpu.memory_space<vmem>>
      %dma_start3A_147 = tpu.memref_squeeze %dma_start3A_146 : memref<1x128x16xf32, #tpu.memory_space<vmem>> -> memref<128x16xf32, #tpu.memory_space<vmem>>
      %dma_start3A_148 = arith.constant 0 : i32
      %dma_start3A_149 = tpu.memref_slice %arg8[%add3A_36, %dma_start3A_148] : memref<10240x16xf32, #tpu.memory_space<vmem_shared>> -> memref<128x16xf32, #tpu.memory_space<vmem_shared>>
      %dma_start3A_150 = arith.constant 0 : i32
      %dma_start3A_151 = tpu.memref_slice %arg8[%add3A_36, %dma_start3A_150] : memref<10240x16xf32, #tpu.memory_space<vmem_shared>> -> memref<128x16xf32, #tpu.memory_space<vmem_shared>>
      %dma_start3A_152 = arith.constant 0 : i32
      %dma_start3A_153 = arith.constant 0 : i32
      %dma_start3A_154 = tpu.memref_slice %arg7[%run_scoped3A_37, %dma_start3A_152, %dma_start3A_153] : memref<8x128x16xf32, #tpu.memory_space<vmem>> -> memref<1x128x16xf32, #tpu.memory_space<vmem>>
      %dma_start3A_155 = tpu.memref_squeeze %dma_start3A_154 : memref<1x128x16xf32, #tpu.memory_space<vmem>> -> memref<128x16xf32, #tpu.memory_space<vmem>>
      tpu.enqueue_dma source(%dma_start3A_155 : memref<128x16xf32, #tpu.memory_space<vmem>>) target(%dma_start3A_151 : memref<128x16xf32, #tpu.memory_space<vmem_shared>>) target_semaphore(%run_scoped3A_143 : memref<!tpu.dma_semaphore, #tpu.memory_space<semaphore_mem>>)
      %dma_wait3A = arith.constant 0 : i32
      %dma_wait3A_156 = arith.constant 0 : i32
      %dma_wait3A_157 = tpu.memref_slice %arg7[%run_scoped3A_37, %dma_wait3A, %dma_wait3A_156] : memref<8x128x16xf32, #tpu.memory_space<vmem>> -> memref<1x128x16xf32, #tpu.memory_space<vmem>>
      %dma_wait3A_158 = tpu.memref_squeeze %dma_wait3A_157 : memref<1x128x16xf32, #tpu.memory_space<vmem>> -> memref<128x16xf32, #tpu.memory_space<vmem>>
      %dma_wait3A_159 = arith.constant 0 : i32
      %dma_wait3A_160 = tpu.memref_slice %arg8[%add3A_36, %dma_wait3A_159] : memref<10240x16xf32, #tpu.memory_space<vmem_shared>> -> memref<128x16xf32, #tpu.memory_space<vmem_shared>>
      %dma_wait3A_161 = arith.constant 0 : i32
      %dma_wait3A_162 = tpu.memref_slice %arg8[%add3A_36, %dma_wait3A_161] : memref<10240x16xf32, #tpu.memory_space<vmem_shared>> -> memref<128x16xf32, #tpu.memory_space<vmem_shared>>
      %dma_wait3A_163 = arith.constant 0 : i32
      %dma_wait3A_164 = arith.constant 0 : i32
      %dma_wait3A_165 = tpu.memref_slice %arg7[%run_scoped3A_37, %dma_wait3A_163, %dma_wait3A_164] : memref<8x128x16xf32, #tpu.memory_space<vmem>> -> memref<1x128x16xf32, #tpu.memory_space<vmem>>
      %dma_wait3A_166 = tpu.memref_squeeze %dma_wait3A_165 : memref<1x128x16xf32, #tpu.memory_space<vmem>> -> memref<128x16xf32, #tpu.memory_space<vmem>>
      tpu.wait_dma2 semaphore(%run_scoped3A_143 : memref<!tpu.dma_semaphore, #tpu.memory_space<semaphore_mem>>) src(%dma_wait3A_166 : memref<128x16xf32, #tpu.memory_space<vmem>>) dst(%dma_wait3A_162 : memref<128x16xf32, #tpu.memory_space<vmem_shared>>)
      tpu.yield
    }) : () -> ()
    %add3A_38 = arith.constant 512 : i32
    %add3A_39 = arith.addi %mul3A_13, %add3A_38 : i32
    %run_scoped3A_40 = arith.constant 0 : i32
    "tpu.region"() ({
      %run_scoped3A_143 = tpu.sem_alloc : memref<!tpu.dma_semaphore, #tpu.memory_space<semaphore_mem>>
      %dma_start3A_144 = arith.constant 0 : i32
      %dma_start3A_145 = arith.constant 0 : i32
      %dma_start3A_146 = tpu.memref_slice %arg7[%run_scoped3A_40, %dma_start3A_144, %dma_start3A_145] : memref<8x128x16xf32, #tpu.memory_space<vmem>> -> memref<1x128x16xf32, #tpu.memory_space<vmem>>
      %dma_start3A_147 = tpu.memref_squeeze %dma_start3A_146 : memref<1x128x16xf32, #tpu.memory_space<vmem>> -> memref<128x16xf32, #tpu.memory_space<vmem>>
      %dma_start3A_148 = arith.constant 0 : i32
      %dma_start3A_149 = tpu.memref_slice %arg8[%add3A_39, %dma_start3A_148] : memref<10240x16xf32, #tpu.memory_space<vmem_shared>> -> memref<128x16xf32, #tpu.memory_space<vmem_shared>>
      %dma_start3A_150 = arith.constant 0 : i32
      %dma_start3A_151 = tpu.memref_slice %arg8[%add3A_39, %dma_start3A_150] : memref<10240x16xf32, #tpu.memory_space<vmem_shared>> -> memref<128x16xf32, #tpu.memory_space<vmem_shared>>
      %dma_start3A_152 = arith.constant 0 : i32
      %dma_start3A_153 = arith.constant 0 : i32
      %dma_start3A_154 = tpu.memref_slice %arg7[%run_scoped3A_40, %dma_start3A_152, %dma_start3A_153] : memref<8x128x16xf32, #tpu.memory_space<vmem>> -> memref<1x128x16xf32, #tpu.memory_space<vmem>>
      %dma_start3A_155 = tpu.memref_squeeze %dma_start3A_154 : memref<1x128x16xf32, #tpu.memory_space<vmem>> -> memref<128x16xf32, #tpu.memory_space<vmem>>
      tpu.enqueue_dma source(%dma_start3A_155 : memref<128x16xf32, #tpu.memory_space<vmem>>) target(%dma_start3A_151 : memref<128x16xf32, #tpu.memory_space<vmem_shared>>) target_semaphore(%run_scoped3A_143 : memref<!tpu.dma_semaphore, #tpu.memory_space<semaphore_mem>>)
      %dma_wait3A = arith.constant 0 : i32
      %dma_wait3A_156 = arith.constant 0 : i32
      %dma_wait3A_157 = tpu.memref_slice %arg7[%run_scoped3A_40, %dma_wait3A, %dma_wait3A_156] : memref<8x128x16xf32, #tpu.memory_space<vmem>> -> memref<1x128x16xf32, #tpu.memory_space<vmem>>
      %dma_wait3A_158 = tpu.memref_squeeze %dma_wait3A_157 : memref<1x128x16xf32, #tpu.memory_space<vmem>> -> memref<128x16xf32, #tpu.memory_space<vmem>>
      %dma_wait3A_159 = arith.constant 0 : i32
      %dma_wait3A_160 = tpu.memref_slice %arg8[%add3A_39, %dma_wait3A_159] : memref<10240x16xf32, #tpu.memory_space<vmem_shared>> -> memref<128x16xf32, #tpu.memory_space<vmem_shared>>
      %dma_wait3A_161 = arith.constant 0 : i32
      %dma_wait3A_162 = tpu.memref_slice %arg8[%add3A_39, %dma_wait3A_161] : memref<10240x16xf32, #tpu.memory_space<vmem_shared>> -> memref<128x16xf32, #tpu.memory_space<vmem_shared>>
      %dma_wait3A_163 = arith.constant 0 : i32
      %dma_wait3A_164 = arith.constant 0 : i32
      %dma_wait3A_165 = tpu.memref_slice %arg7[%run_scoped3A_40, %dma_wait3A_163, %dma_wait3A_164] : memref<8x128x16xf32, #tpu.memory_space<vmem>> -> memref<1x128x16xf32, #tpu.memory_space<vmem>>
      %dma_wait3A_166 = tpu.memref_squeeze %dma_wait3A_165 : memref<1x128x16xf32, #tpu.memory_space<vmem>> -> memref<128x16xf32, #tpu.memory_space<vmem>>
      tpu.wait_dma2 semaphore(%run_scoped3A_143 : memref<!tpu.dma_semaphore, #tpu.memory_space<semaphore_mem>>) src(%dma_wait3A_166 : memref<128x16xf32, #tpu.memory_space<vmem>>) dst(%dma_wait3A_162 : memref<128x16xf32, #tpu.memory_space<vmem_shared>>)
      tpu.yield
    }) : () -> ()
    "tpu.region"() ({
      %run_scoped3A_143 = tpu.sem_alloc : memref<!tpu.dma_semaphore, #tpu.memory_space<semaphore_mem>>
      %dma_start3A_144 = arith.constant 0 : i32
      %dma_start3A_145 = tpu.memref_slice %arg9[%mul3A_13, %dma_start3A_144] : memref<10240x16xf32, #tpu.memory_space<vmem_shared>> -> memref<640x16xf32, #tpu.memory_space<vmem_shared>>
      %dma_start3A_146 = arith.constant 0 : i32
      %dma_start3A_147 = tpu.memref_slice %arg2[%mul3A_13, %dma_start3A_146] : memref<10240x16xf32, #tpu.memory_space<hbm>> -> memref<640x16xf32, #tpu.memory_space<hbm>>
      tpu.enqueue_dma source(%dma_start3A_147 : memref<640x16xf32, #tpu.memory_space<hbm>>) target(%dma_start3A_145 : memref<640x16xf32, #tpu.memory_space<vmem_shared>>) target_semaphore(%run_scoped3A_143 : memref<!tpu.dma_semaphore, #tpu.memory_space<semaphore_mem>>)
      %dma_wait3A = arith.constant 0 : i32
      %dma_wait3A_148 = tpu.memref_slice %arg9[%mul3A_13, %dma_wait3A] : memref<10240x16xf32, #tpu.memory_space<vmem_shared>> -> memref<640x16xf32, #tpu.memory_space<vmem_shared>>
      %dma_wait3A_149 = arith.constant 0 : i32
      %dma_wait3A_150 = tpu.memref_slice %arg2[%mul3A_13, %dma_wait3A_149] : memref<10240x16xf32, #tpu.memory_space<hbm>> -> memref<640x16xf32, #tpu.memory_space<hbm>>
      tpu.wait_dma2 semaphore(%run_scoped3A_143 : memref<!tpu.dma_semaphore, #tpu.memory_space<semaphore_mem>>) src(%dma_wait3A_150 : memref<640x16xf32, #tpu.memory_space<hbm>>) dst(%dma_wait3A_148 : memref<640x16xf32, #tpu.memory_space<vmem_shared>>)
      tpu.yield
    }) : () -> ()
    %barrier3A = arith.constant 0 : index
    tpu.barrier barrier_id(%barrier3A)
    %dma_start3A = arith.constant 0 : i32
    %dma_start3A_41 = arith.constant 0 : i32
    %dma_start3A_42 = arith.constant 0 : i32
    %dma_start3A_43 = arith.constant 0 : i32
    %dma_start3A_44 = tpu.memref_slice %arg7[%dma_start3A_41, %dma_start3A_42, %dma_start3A_43] : memref<8x128x16xf32, #tpu.memory_space<vmem>> -> memref<1x128x16xf32, #tpu.memory_space<vmem>>
    %dma_start3A_45 = tpu.memref_squeeze %dma_start3A_44 : memref<1x128x16xf32, #tpu.memory_space<vmem>> -> memref<128x16xf32, #tpu.memory_space<vmem>>
    %dma_start3A_46 = arith.constant 0 : i32
    %dma_start3A_47 = tpu.memref_slice %arg5[%dma_start3A, %dma_start3A_46] : memref<80x128xi32, #tpu.memory_space<vmem>> -> memref<1x128xi32, #tpu.memory_space<vmem>>
    %dma_start3A_48 = tpu.memref_squeeze %dma_start3A_47 : memref<1x128xi32, #tpu.memory_space<vmem>> -> memref<128xi32, #tpu.memory_space<vmem>>
    %dma_start3A_49 = arith.constant 0 : i32
    %dma_start3A_50 = arith.constant 0 : i32
    %dma_start3A_51 = tpu.memref_slice %arg9[%dma_start3A_49, %dma_start3A_50] : memref<10240x16xf32, #tpu.memory_space<vmem_shared>> -> memref<10240x16xf32, #tpu.memory_space<vmem_shared>>
    tpu.enqueue_indirect_dma source(%dma_start3A_51 : memref<10240x16xf32, #tpu.memory_space<vmem_shared>>) target(%dma_start3A_45 : memref<128x16xf32, #tpu.memory_space<vmem>>) offsets(%dma_start3A_48 : memref<128xi32, #tpu.memory_space<vmem>>) semaphore(%arg10 : memref<!tpu.dma_semaphore, #tpu.memory_space<semaphore_mem>>)
    %dma_start3A_52 = arith.constant 1 : i32
    %dma_start3A_53 = arith.constant 1 : i32
    %dma_start3A_54 = arith.constant 0 : i32
    %dma_start3A_55 = arith.constant 0 : i32
    %dma_start3A_56 = tpu.memref_slice %arg7[%dma_start3A_53, %dma_start3A_54, %dma_start3A_55] : memref<8x128x16xf32, #tpu.memory_space<vmem>> -> memref<1x128x16xf32, #tpu.memory_space<vmem>>
    %dma_start3A_57 = tpu.memref_squeeze %dma_start3A_56 : memref<1x128x16xf32, #tpu.memory_space<vmem>> -> memref<128x16xf32, #tpu.memory_space<vmem>>
    %dma_start3A_58 = arith.constant 0 : i32
    %dma_start3A_59 = tpu.memref_slice %arg5[%dma_start3A_52, %dma_start3A_58] : memref<80x128xi32, #tpu.memory_space<vmem>> -> memref<1x128xi32, #tpu.memory_space<vmem>>
    %dma_start3A_60 = tpu.memref_squeeze %dma_start3A_59 : memref<1x128xi32, #tpu.memory_space<vmem>> -> memref<128xi32, #tpu.memory_space<vmem>>
    %dma_start3A_61 = arith.constant 0 : i32
    %dma_start3A_62 = arith.constant 0 : i32
    %dma_start3A_63 = tpu.memref_slice %arg9[%dma_start3A_61, %dma_start3A_62] : memref<10240x16xf32, #tpu.memory_space<vmem_shared>> -> memref<10240x16xf32, #tpu.memory_space<vmem_shared>>
    tpu.enqueue_indirect_dma source(%dma_start3A_63 : memref<10240x16xf32, #tpu.memory_space<vmem_shared>>) target(%dma_start3A_57 : memref<128x16xf32, #tpu.memory_space<vmem>>) offsets(%dma_start3A_60 : memref<128xi32, #tpu.memory_space<vmem>>) semaphore(%arg11 : memref<!tpu.dma_semaphore, #tpu.memory_space<semaphore_mem>>)
    %dma_start3A_64 = arith.constant 2 : i32
    %dma_start3A_65 = arith.constant 2 : i32
    %dma_start3A_66 = arith.constant 0 : i32
    %dma_start3A_67 = arith.constant 0 : i32
    %dma_start3A_68 = tpu.memref_slice %arg7[%dma_start3A_65, %dma_start3A_66, %dma_start3A_67] : memref<8x128x16xf32, #tpu.memory_space<vmem>> -> memref<1x128x16xf32, #tpu.memory_space<vmem>>
    %dma_start3A_69 = tpu.memref_squeeze %dma_start3A_68 : memref<1x128x16xf32, #tpu.memory_space<vmem>> -> memref<128x16xf32, #tpu.memory_space<vmem>>
    %dma_start3A_70 = arith.constant 0 : i32
    %dma_start3A_71 = tpu.memref_slice %arg5[%dma_start3A_64, %dma_start3A_70] : memref<80x128xi32, #tpu.memory_space<vmem>> -> memref<1x128xi32, #tpu.memory_space<vmem>>
    %dma_start3A_72 = tpu.memref_squeeze %dma_start3A_71 : memref<1x128xi32, #tpu.memory_space<vmem>> -> memref<128xi32, #tpu.memory_space<vmem>>
    %dma_start3A_73 = arith.constant 0 : i32
    %dma_start3A_74 = arith.constant 0 : i32
    %dma_start3A_75 = tpu.memref_slice %arg9[%dma_start3A_73, %dma_start3A_74] : memref<10240x16xf32, #tpu.memory_space<vmem_shared>> -> memref<10240x16xf32, #tpu.memory_space<vmem_shared>>
    tpu.enqueue_indirect_dma source(%dma_start3A_75 : memref<10240x16xf32, #tpu.memory_space<vmem_shared>>) target(%dma_start3A_69 : memref<128x16xf32, #tpu.memory_space<vmem>>) offsets(%dma_start3A_72 : memref<128xi32, #tpu.memory_space<vmem>>) semaphore(%arg12 : memref<!tpu.dma_semaphore, #tpu.memory_space<semaphore_mem>>)
    %dma_start3A_76 = arith.constant 3 : i32
    %dma_start3A_77 = arith.constant 3 : i32
    %dma_start3A_78 = arith.constant 0 : i32
    %dma_start3A_79 = arith.constant 0 : i32
    %dma_start3A_80 = tpu.memref_slice %arg7[%dma_start3A_77, %dma_start3A_78, %dma_start3A_79] : memref<8x128x16xf32, #tpu.memory_space<vmem>> -> memref<1x128x16xf32, #tpu.memory_space<vmem>>
    %dma_start3A_81 = tpu.memref_squeeze %dma_start3A_80 : memref<1x128x16xf32, #tpu.memory_space<vmem>> -> memref<128x16xf32, #tpu.memory_space<vmem>>
    %dma_start3A_82 = arith.constant 0 : i32
    %dma_start3A_83 = tpu.memref_slice %arg5[%dma_start3A_76, %dma_start3A_82] : memref<80x128xi32, #tpu.memory_space<vmem>> -> memref<1x128xi32, #tpu.memory_space<vmem>>
    %dma_start3A_84 = tpu.memref_squeeze %dma_start3A_83 : memref<1x128xi32, #tpu.memory_space<vmem>> -> memref<128xi32, #tpu.memory_space<vmem>>
    %dma_start3A_85 = arith.constant 0 : i32
    %dma_start3A_86 = arith.constant 0 : i32
    %dma_start3A_87 = tpu.memref_slice %arg9[%dma_start3A_85, %dma_start3A_86] : memref<10240x16xf32, #tpu.memory_space<vmem_shared>> -> memref<10240x16xf32, #tpu.memory_space<vmem_shared>>
    tpu.enqueue_indirect_dma source(%dma_start3A_87 : memref<10240x16xf32, #tpu.memory_space<vmem_shared>>) target(%dma_start3A_81 : memref<128x16xf32, #tpu.memory_space<vmem>>) offsets(%dma_start3A_84 : memref<128xi32, #tpu.memory_space<vmem>>) semaphore(%arg13 : memref<!tpu.dma_semaphore, #tpu.memory_space<semaphore_mem>>)
    %dma_start3A_88 = arith.constant 4 : i32
    %dma_start3A_89 = arith.constant 4 : i32
    %dma_start3A_90 = arith.constant 0 : i32
    %dma_start3A_91 = arith.constant 0 : i32
    %dma_start3A_92 = tpu.memref_slice %arg7[%dma_start3A_89, %dma_start3A_90, %dma_start3A_91] : memref<8x128x16xf32, #tpu.memory_space<vmem>> -> memref<1x128x16xf32, #tpu.memory_space<vmem>>
    %dma_start3A_93 = tpu.memref_squeeze %dma_start3A_92 : memref<1x128x16xf32, #tpu.memory_space<vmem>> -> memref<128x16xf32, #tpu.memory_space<vmem>>
    %dma_start3A_94 = arith.constant 0 : i32
    %dma_start3A_95 = tpu.memref_slice %arg5[%dma_start3A_88, %dma_start3A_94] : memref<80x128xi32, #tpu.memory_space<vmem>> -> memref<1x128xi32, #tpu.memory_space<vmem>>
    %dma_start3A_96 = tpu.memref_squeeze %dma_start3A_95 : memref<1x128xi32, #tpu.memory_space<vmem>> -> memref<128xi32, #tpu.memory_space<vmem>>
    %dma_start3A_97 = arith.constant 0 : i32
    %dma_start3A_98 = arith.constant 0 : i32
    %dma_start3A_99 = tpu.memref_slice %arg9[%dma_start3A_97, %dma_start3A_98] : memref<10240x16xf32, #tpu.memory_space<vmem_shared>> -> memref<10240x16xf32, #tpu.memory_space<vmem_shared>>
    tpu.enqueue_indirect_dma source(%dma_start3A_99 : memref<10240x16xf32, #tpu.memory_space<vmem_shared>>) target(%dma_start3A_93 : memref<128x16xf32, #tpu.memory_space<vmem>>) offsets(%dma_start3A_96 : memref<128xi32, #tpu.memory_space<vmem>>) semaphore(%arg14 : memref<!tpu.dma_semaphore, #tpu.memory_space<semaphore_mem>>)
    %dma_start3A_100 = arith.constant 5 : i32
    %dma_start3A_101 = arith.constant 5 : i32
    %dma_start3A_102 = arith.constant 0 : i32
    %dma_start3A_103 = arith.constant 0 : i32
    %dma_start3A_104 = tpu.memref_slice %arg7[%dma_start3A_101, %dma_start3A_102, %dma_start3A_103] : memref<8x128x16xf32, #tpu.memory_space<vmem>> -> memref<1x128x16xf32, #tpu.memory_space<vmem>>
    %dma_start3A_105 = tpu.memref_squeeze %dma_start3A_104 : memref<1x128x16xf32, #tpu.memory_space<vmem>> -> memref<128x16xf32, #tpu.memory_space<vmem>>
    %dma_start3A_106 = arith.constant 0 : i32
    %dma_start3A_107 = tpu.memref_slice %arg5[%dma_start3A_100, %dma_start3A_106] : memref<80x128xi32, #tpu.memory_space<vmem>> -> memref<1x128xi32, #tpu.memory_space<vmem>>
    %dma_start3A_108 = tpu.memref_squeeze %dma_start3A_107 : memref<1x128xi32, #tpu.memory_space<vmem>> -> memref<128xi32, #tpu.memory_space<vmem>>
    %dma_start3A_109 = arith.constant 0 : i32
    %dma_start3A_110 = arith.constant 0 : i32
    %dma_start3A_111 = tpu.memref_slice %arg9[%dma_start3A_109, %dma_start3A_110] : memref<10240x16xf32, #tpu.memory_space<vmem_shared>> -> memref<10240x16xf32, #tpu.memory_space<vmem_shared>>
    tpu.enqueue_indirect_dma source(%dma_start3A_111 : memref<10240x16xf32, #tpu.memory_space<vmem_shared>>) target(%dma_start3A_105 : memref<128x16xf32, #tpu.memory_space<vmem>>) offsets(%dma_start3A_108 : memref<128xi32, #tpu.memory_space<vmem>>) semaphore(%arg15 : memref<!tpu.dma_semaphore, #tpu.memory_space<semaphore_mem>>)
    %dma_start3A_112 = arith.constant 6 : i32
    %dma_start3A_113 = arith.constant 6 : i32
    %dma_start3A_114 = arith.constant 0 : i32
    %dma_start3A_115 = arith.constant 0 : i32
    %dma_start3A_116 = tpu.memref_slice %arg7[%dma_start3A_113, %dma_start3A_114, %dma_start3A_115] : memref<8x128x16xf32, #tpu.memory_space<vmem>> -> memref<1x128x16xf32, #tpu.memory_space<vmem>>
    %dma_start3A_117 = tpu.memref_squeeze %dma_start3A_116 : memref<1x128x16xf32, #tpu.memory_space<vmem>> -> memref<128x16xf32, #tpu.memory_space<vmem>>
    %dma_start3A_118 = arith.constant 0 : i32
    %dma_start3A_119 = tpu.memref_slice %arg5[%dma_start3A_112, %dma_start3A_118] : memref<80x128xi32, #tpu.memory_space<vmem>> -> memref<1x128xi32, #tpu.memory_space<vmem>>
    %dma_start3A_120 = tpu.memref_squeeze %dma_start3A_119 : memref<1x128xi32, #tpu.memory_space<vmem>> -> memref<128xi32, #tpu.memory_space<vmem>>
    %dma_start3A_121 = arith.constant 0 : i32
    %dma_start3A_122 = arith.constant 0 : i32
    %dma_start3A_123 = tpu.memref_slice %arg9[%dma_start3A_121, %dma_start3A_122] : memref<10240x16xf32, #tpu.memory_space<vmem_shared>> -> memref<10240x16xf32, #tpu.memory_space<vmem_shared>>
    tpu.enqueue_indirect_dma source(%dma_start3A_123 : memref<10240x16xf32, #tpu.memory_space<vmem_shared>>) target(%dma_start3A_117 : memref<128x16xf32, #tpu.memory_space<vmem>>) offsets(%dma_start3A_120 : memref<128xi32, #tpu.memory_space<vmem>>) semaphore(%arg16 : memref<!tpu.dma_semaphore, #tpu.memory_space<semaphore_mem>>)
    %dma_start3A_124 = arith.constant 7 : i32
    %dma_start3A_125 = arith.constant 7 : i32
    %dma_start3A_126 = arith.constant 0 : i32
    %dma_start3A_127 = arith.constant 0 : i32
    %dma_start3A_128 = tpu.memref_slice %arg7[%dma_start3A_125, %dma_start3A_126, %dma_start3A_127] : memref<8x128x16xf32, #tpu.memory_space<vmem>> -> memref<1x128x16xf32, #tpu.memory_space<vmem>>
    %dma_start3A_129 = tpu.memref_squeeze %dma_start3A_128 : memref<1x128x16xf32, #tpu.memory_space<vmem>> -> memref<128x16xf32, #tpu.memory_space<vmem>>
    %dma_start3A_130 = arith.constant 0 : i32
    %dma_start3A_131 = tpu.memref_slice %arg5[%dma_start3A_124, %dma_start3A_130] : memref<80x128xi32, #tpu.memory_space<vmem>> -> memref<1x128xi32, #tpu.memory_space<vmem>>
    %dma_start3A_132 = tpu.memref_squeeze %dma_start3A_131 : memref<1x128xi32, #tpu.memory_space<vmem>> -> memref<128xi32, #tpu.memory_space<vmem>>
    %dma_start3A_133 = arith.constant 0 : i32
    %dma_start3A_134 = arith.constant 0 : i32
    %dma_start3A_135 = tpu.memref_slice %arg9[%dma_start3A_133, %dma_start3A_134] : memref<10240x16xf32, #tpu.memory_space<vmem_shared>> -> memref<10240x16xf32, #tpu.memory_space<vmem_shared>>
    tpu.enqueue_indirect_dma source(%dma_start3A_135 : memref<10240x16xf32, #tpu.memory_space<vmem_shared>>) target(%dma_start3A_129 : memref<128x16xf32, #tpu.memory_space<vmem>>) offsets(%dma_start3A_132 : memref<128xi32, #tpu.memory_space<vmem>>) semaphore(%arg17 : memref<!tpu.dma_semaphore, #tpu.memory_space<semaphore_mem>>)
    %scan3A_136 = arith.constant 0 : i32
    %scan3A_137 = arith.constant 0 : i32
    %scan3A_138 = arith.constant 10 : i32
    %scan3A_139 = arith.addi %scan3A_137, %scan3A_138 : i32
    %scan3A_140 = arith.constant 1 : i32
    scf.for %scan3A_143 = %scan3A_137 to %scan3A_139 step %scan3A_140  : i32 {
      %mul3A_144 = arith.constant 8 : i32
      %mul3A_145 = arith.muli %scan3A_143, %mul3A_144 : i32
      %add3A_146 = arith.constant 0 : i32
      %add3A_147 = arith.addi %mul3A_145, %add3A_146 : i32
      %lt3A_148 = arith.cmpi slt, %add3A_147, %mul3A_5 : i32
      %convert_element_type3A_149 = arith.extui %lt3A_148 : i1 to i32
      %cond3A_150 = arith.constant 0 : i32
      %cond3A_151 = arith.cmpi ne, %convert_element_type3A_149, %cond3A_150 : i32
      scf.if %cond3A_151 {
        %dma_wait3A = arith.constant 0 : i32
        %dma_wait3A_272 = arith.constant 0 : i32
        %dma_wait3A_273 = arith.constant 0 : i32
        %dma_wait3A_274 = tpu.memref_slice %arg7[%dma_wait3A, %dma_wait3A_272, %dma_wait3A_273] : memref<8x128x16xf32, #tpu.memory_space<vmem>> -> memref<1x128x16xf32, #tpu.memory_space<vmem>>
        %dma_wait3A_275 = tpu.memref_squeeze %dma_wait3A_274 : memref<1x128x16xf32, #tpu.memory_space<vmem>> -> memref<128x16xf32, #tpu.memory_space<vmem>>
        %dma_wait3A_276 = arith.constant 0 : i32
        %dma_wait3A_277 = tpu.memref_slice %arg5[%add3A_147, %dma_wait3A_276] : memref<80x128xi32, #tpu.memory_space<vmem>> -> memref<1x128xi32, #tpu.memory_space<vmem>>
        %dma_wait3A_278 = tpu.memref_squeeze %dma_wait3A_277 : memref<1x128xi32, #tpu.memory_space<vmem>> -> memref<128xi32, #tpu.memory_space<vmem>>
        %dma_wait3A_279 = arith.constant 0 : i32
        %dma_wait3A_280 = arith.constant 0 : i32
        %dma_wait3A_281 = tpu.memref_slice %arg9[%dma_wait3A_279, %dma_wait3A_280] : memref<10240x16xf32, #tpu.memory_space<vmem_shared>> -> memref<10240x16xf32, #tpu.memory_space<vmem_shared>>
        tpu.wait_indirect_dma semaphore(%arg10 : memref<!tpu.dma_semaphore, #tpu.memory_space<semaphore_mem>>) src(%dma_wait3A_281 : memref<10240x16xf32, #tpu.memory_space<vmem_shared>>) dst(%dma_wait3A_275 : memref<128x16xf32, #tpu.memory_space<vmem>>)
        %dma_start3A_282 = arith.constant 0 : i32
        %dma_start3A_283 = arith.constant 0 : i32
        %dma_start3A_284 = arith.constant 0 : i32
        %dma_start3A_285 = tpu.memref_slice %arg7[%dma_start3A_282, %dma_start3A_283, %dma_start3A_284] : memref<8x128x16xf32, #tpu.memory_space<vmem>> -> memref<1x128x16xf32, #tpu.memory_space<vmem>>
        %dma_start3A_286 = tpu.memref_squeeze %dma_start3A_285 : memref<1x128x16xf32, #tpu.memory_space<vmem>> -> memref<128x16xf32, #tpu.memory_space<vmem>>
        %dma_start3A_287 = arith.constant 0 : i32
        %dma_start3A_288 = tpu.memref_slice %arg6[%add3A_147, %dma_start3A_287] : memref<80x128xi32, #tpu.memory_space<vmem>> -> memref<1x128xi32, #tpu.memory_space<vmem>>
        %dma_start3A_289 = tpu.memref_squeeze %dma_start3A_288 : memref<1x128xi32, #tpu.memory_space<vmem>> -> memref<128xi32, #tpu.memory_space<vmem>>
        %dma_start3A_290 = arith.constant 0 : i32
        %dma_start3A_291 = arith.constant 0 : i32
        %dma_start3A_292 = tpu.memref_slice %arg8[%dma_start3A_290, %dma_start3A_291] : memref<10240x16xf32, #tpu.memory_space<vmem_shared>> -> memref<10240x16xf32, #tpu.memory_space<vmem_shared>>
        tpu.enqueue_indirect_dma source(%dma_start3A_286 : memref<128x16xf32, #tpu.memory_space<vmem>>) target(%dma_start3A_292 : memref<10240x16xf32, #tpu.memory_space<vmem_shared>>) offsets(%dma_start3A_289 : memref<128xi32, #tpu.memory_space<vmem>>) semaphore(%arg18 : memref<!tpu.dma_semaphore, #tpu.memory_space<semaphore_mem>>) {add = true}
      } else {
      }
      %mul3A_152 = arith.constant 8 : i32
      %mul3A_153 = arith.muli %scan3A_143, %mul3A_152 : i32
      %add3A_154 = arith.constant 1 : i32
      %add3A_155 = arith.addi %mul3A_153, %add3A_154 : i32
      %lt3A_156 = arith.cmpi slt, %add3A_155, %mul3A_5 : i32
      %convert_element_type3A_157 = arith.extui %lt3A_156 : i1 to i32
      %cond3A_158 = arith.constant 0 : i32
      %cond3A_159 = arith.cmpi ne, %convert_element_type3A_157, %cond3A_158 : i32
      scf.if %cond3A_159 {
        %dma_wait3A = arith.constant 1 : i32
        %dma_wait3A_272 = arith.constant 0 : i32
        %dma_wait3A_273 = arith.constant 0 : i32
        %dma_wait3A_274 = tpu.memref_slice %arg7[%dma_wait3A, %dma_wait3A_272, %dma_wait3A_273] : memref<8x128x16xf32, #tpu.memory_space<vmem>> -> memref<1x128x16xf32, #tpu.memory_space<vmem>>
        %dma_wait3A_275 = tpu.memref_squeeze %dma_wait3A_274 : memref<1x128x16xf32, #tpu.memory_space<vmem>> -> memref<128x16xf32, #tpu.memory_space<vmem>>
        %dma_wait3A_276 = arith.constant 0 : i32
        %dma_wait3A_277 = tpu.memref_slice %arg5[%add3A_155, %dma_wait3A_276] : memref<80x128xi32, #tpu.memory_space<vmem>> -> memref<1x128xi32, #tpu.memory_space<vmem>>
        %dma_wait3A_278 = tpu.memref_squeeze %dma_wait3A_277 : memref<1x128xi32, #tpu.memory_space<vmem>> -> memref<128xi32, #tpu.memory_space<vmem>>
        %dma_wait3A_279 = arith.constant 0 : i32
        %dma_wait3A_280 = arith.constant 0 : i32
        %dma_wait3A_281 = tpu.memref_slice %arg9[%dma_wait3A_279, %dma_wait3A_280] : memref<10240x16xf32, #tpu.memory_space<vmem_shared>> -> memref<10240x16xf32, #tpu.memory_space<vmem_shared>>
        tpu.wait_indirect_dma semaphore(%arg11 : memref<!tpu.dma_semaphore, #tpu.memory_space<semaphore_mem>>) src(%dma_wait3A_281 : memref<10240x16xf32, #tpu.memory_space<vmem_shared>>) dst(%dma_wait3A_275 : memref<128x16xf32, #tpu.memory_space<vmem>>)
        %dma_start3A_282 = arith.constant 1 : i32
        %dma_start3A_283 = arith.constant 0 : i32
        %dma_start3A_284 = arith.constant 0 : i32
        %dma_start3A_285 = tpu.memref_slice %arg7[%dma_start3A_282, %dma_start3A_283, %dma_start3A_284] : memref<8x128x16xf32, #tpu.memory_space<vmem>> -> memref<1x128x16xf32, #tpu.memory_space<vmem>>
        %dma_start3A_286 = tpu.memref_squeeze %dma_start3A_285 : memref<1x128x16xf32, #tpu.memory_space<vmem>> -> memref<128x16xf32, #tpu.memory_space<vmem>>
        %dma_start3A_287 = arith.constant 0 : i32
        %dma_start3A_288 = tpu.memref_slice %arg6[%add3A_155, %dma_start3A_287] : memref<80x128xi32, #tpu.memory_space<vmem>> -> memref<1x128xi32, #tpu.memory_space<vmem>>
        %dma_start3A_289 = tpu.memref_squeeze %dma_start3A_288 : memref<1x128xi32, #tpu.memory_space<vmem>> -> memref<128xi32, #tpu.memory_space<vmem>>
        %dma_start3A_290 = arith.constant 0 : i32
        %dma_start3A_291 = arith.constant 0 : i32
        %dma_start3A_292 = tpu.memref_slice %arg8[%dma_start3A_290, %dma_start3A_291] : memref<10240x16xf32, #tpu.memory_space<vmem_shared>> -> memref<10240x16xf32, #tpu.memory_space<vmem_shared>>
        tpu.enqueue_indirect_dma source(%dma_start3A_286 : memref<128x16xf32, #tpu.memory_space<vmem>>) target(%dma_start3A_292 : memref<10240x16xf32, #tpu.memory_space<vmem_shared>>) offsets(%dma_start3A_289 : memref<128xi32, #tpu.memory_space<vmem>>) semaphore(%arg19 : memref<!tpu.dma_semaphore, #tpu.memory_space<semaphore_mem>>) {add = true}
      } else {
      }
      %mul3A_160 = arith.constant 8 : i32
      %mul3A_161 = arith.muli %scan3A_143, %mul3A_160 : i32
      %add3A_162 = arith.constant 2 : i32
      %add3A_163 = arith.addi %mul3A_161, %add3A_162 : i32
      %lt3A_164 = arith.cmpi slt, %add3A_163, %mul3A_5 : i32
      %convert_element_type3A_165 = arith.extui %lt3A_164 : i1 to i32
      %cond3A_166 = arith.constant 0 : i32
      %cond3A_167 = arith.cmpi ne, %convert_element_type3A_165, %cond3A_166 : i32
      scf.if %cond3A_167 {
        %dma_wait3A = arith.constant 2 : i32
        %dma_wait3A_272 = arith.constant 0 : i32
        %dma_wait3A_273 = arith.constant 0 : i32
        %dma_wait3A_274 = tpu.memref_slice %arg7[%dma_wait3A, %dma_wait3A_272, %dma_wait3A_273] : memref<8x128x16xf32, #tpu.memory_space<vmem>> -> memref<1x128x16xf32, #tpu.memory_space<vmem>>
        %dma_wait3A_275 = tpu.memref_squeeze %dma_wait3A_274 : memref<1x128x16xf32, #tpu.memory_space<vmem>> -> memref<128x16xf32, #tpu.memory_space<vmem>>
        %dma_wait3A_276 = arith.constant 0 : i32
        %dma_wait3A_277 = tpu.memref_slice %arg5[%add3A_163, %dma_wait3A_276] : memref<80x128xi32, #tpu.memory_space<vmem>> -> memref<1x128xi32, #tpu.memory_space<vmem>>
        %dma_wait3A_278 = tpu.memref_squeeze %dma_wait3A_277 : memref<1x128xi32, #tpu.memory_space<vmem>> -> memref<128xi32, #tpu.memory_space<vmem>>
        %dma_wait3A_279 = arith.constant 0 : i32
        %dma_wait3A_280 = arith.constant 0 : i32
        %dma_wait3A_281 = tpu.memref_slice %arg9[%dma_wait3A_279, %dma_wait3A_280] : memref<10240x16xf32, #tpu.memory_space<vmem_shared>> -> memref<10240x16xf32, #tpu.memory_space<vmem_shared>>
        tpu.wait_indirect_dma semaphore(%arg12 : memref<!tpu.dma_semaphore, #tpu.memory_space<semaphore_mem>>) src(%dma_wait3A_281 : memref<10240x16xf32, #tpu.memory_space<vmem_shared>>) dst(%dma_wait3A_275 : memref<128x16xf32, #tpu.memory_space<vmem>>)
        %dma_start3A_282 = arith.constant 2 : i32
        %dma_start3A_283 = arith.constant 0 : i32
        %dma_start3A_284 = arith.constant 0 : i32
        %dma_start3A_285 = tpu.memref_slice %arg7[%dma_start3A_282, %dma_start3A_283, %dma_start3A_284] : memref<8x128x16xf32, #tpu.memory_space<vmem>> -> memref<1x128x16xf32, #tpu.memory_space<vmem>>
        %dma_start3A_286 = tpu.memref_squeeze %dma_start3A_285 : memref<1x128x16xf32, #tpu.memory_space<vmem>> -> memref<128x16xf32, #tpu.memory_space<vmem>>
        %dma_start3A_287 = arith.constant 0 : i32
        %dma_start3A_288 = tpu.memref_slice %arg6[%add3A_163, %dma_start3A_287] : memref<80x128xi32, #tpu.memory_space<vmem>> -> memref<1x128xi32, #tpu.memory_space<vmem>>
        %dma_start3A_289 = tpu.memref_squeeze %dma_start3A_288 : memref<1x128xi32, #tpu.memory_space<vmem>> -> memref<128xi32, #tpu.memory_space<vmem>>
        %dma_start3A_290 = arith.constant 0 : i32
        %dma_start3A_291 = arith.constant 0 : i32
        %dma_start3A_292 = tpu.memref_slice %arg8[%dma_start3A_290, %dma_start3A_291] : memref<10240x16xf32, #tpu.memory_space<vmem_shared>> -> memref<10240x16xf32, #tpu.memory_space<vmem_shared>>
        tpu.enqueue_indirect_dma source(%dma_start3A_286 : memref<128x16xf32, #tpu.memory_space<vmem>>) target(%dma_start3A_292 : memref<10240x16xf32, #tpu.memory_space<vmem_shared>>) offsets(%dma_start3A_289 : memref<128xi32, #tpu.memory_space<vmem>>) semaphore(%arg20 : memref<!tpu.dma_semaphore, #tpu.memory_space<semaphore_mem>>) {add = true}
      } else {
      }
      %mul3A_168 = arith.constant 8 : i32
      %mul3A_169 = arith.muli %scan3A_143, %mul3A_168 : i32
      %add3A_170 = arith.constant 3 : i32
      %add3A_171 = arith.addi %mul3A_169, %add3A_170 : i32
      %lt3A_172 = arith.cmpi slt, %add3A_171, %mul3A_5 : i32
      %convert_element_type3A_173 = arith.extui %lt3A_172 : i1 to i32
      %cond3A_174 = arith.constant 0 : i32
      %cond3A_175 = arith.cmpi ne, %convert_element_type3A_173, %cond3A_174 : i32
      scf.if %cond3A_175 {
        %dma_wait3A = arith.constant 3 : i32
        %dma_wait3A_272 = arith.constant 0 : i32
        %dma_wait3A_273 = arith.constant 0 : i32
        %dma_wait3A_274 = tpu.memref_slice %arg7[%dma_wait3A, %dma_wait3A_272, %dma_wait3A_273] : memref<8x128x16xf32, #tpu.memory_space<vmem>> -> memref<1x128x16xf32, #tpu.memory_space<vmem>>
        %dma_wait3A_275 = tpu.memref_squeeze %dma_wait3A_274 : memref<1x128x16xf32, #tpu.memory_space<vmem>> -> memref<128x16xf32, #tpu.memory_space<vmem>>
        %dma_wait3A_276 = arith.constant 0 : i32
        %dma_wait3A_277 = tpu.memref_slice %arg5[%add3A_171, %dma_wait3A_276] : memref<80x128xi32, #tpu.memory_space<vmem>> -> memref<1x128xi32, #tpu.memory_space<vmem>>
        %dma_wait3A_278 = tpu.memref_squeeze %dma_wait3A_277 : memref<1x128xi32, #tpu.memory_space<vmem>> -> memref<128xi32, #tpu.memory_space<vmem>>
        %dma_wait3A_279 = arith.constant 0 : i32
        %dma_wait3A_280 = arith.constant 0 : i32
        %dma_wait3A_281 = tpu.memref_slice %arg9[%dma_wait3A_279, %dma_wait3A_280] : memref<10240x16xf32, #tpu.memory_space<vmem_shared>> -> memref<10240x16xf32, #tpu.memory_space<vmem_shared>>
        tpu.wait_indirect_dma semaphore(%arg13 : memref<!tpu.dma_semaphore, #tpu.memory_space<semaphore_mem>>) src(%dma_wait3A_281 : memref<10240x16xf32, #tpu.memory_space<vmem_shared>>) dst(%dma_wait3A_275 : memref<128x16xf32, #tpu.memory_space<vmem>>)
        %dma_start3A_282 = arith.constant 3 : i32
        %dma_start3A_283 = arith.constant 0 : i32
        %dma_start3A_284 = arith.constant 0 : i32
        %dma_start3A_285 = tpu.memref_slice %arg7[%dma_start3A_282, %dma_start3A_283, %dma_start3A_284] : memref<8x128x16xf32, #tpu.memory_space<vmem>> -> memref<1x128x16xf32, #tpu.memory_space<vmem>>
        %dma_start3A_286 = tpu.memref_squeeze %dma_start3A_285 : memref<1x128x16xf32, #tpu.memory_space<vmem>> -> memref<128x16xf32, #tpu.memory_space<vmem>>
        %dma_start3A_287 = arith.constant 0 : i32
        %dma_start3A_288 = tpu.memref_slice %arg6[%add3A_171, %dma_start3A_287] : memref<80x128xi32, #tpu.memory_space<vmem>> -> memref<1x128xi32, #tpu.memory_space<vmem>>
        %dma_start3A_289 = tpu.memref_squeeze %dma_start3A_288 : memref<1x128xi32, #tpu.memory_space<vmem>> -> memref<128xi32, #tpu.memory_space<vmem>>
        %dma_start3A_290 = arith.constant 0 : i32
        %dma_start3A_291 = arith.constant 0 : i32
        %dma_start3A_292 = tpu.memref_slice %arg8[%dma_start3A_290, %dma_start3A_291] : memref<10240x16xf32, #tpu.memory_space<vmem_shared>> -> memref<10240x16xf32, #tpu.memory_space<vmem_shared>>
        tpu.enqueue_indirect_dma source(%dma_start3A_286 : memref<128x16xf32, #tpu.memory_space<vmem>>) target(%dma_start3A_292 : memref<10240x16xf32, #tpu.memory_space<vmem_shared>>) offsets(%dma_start3A_289 : memref<128xi32, #tpu.memory_space<vmem>>) semaphore(%arg21 : memref<!tpu.dma_semaphore, #tpu.memory_space<semaphore_mem>>) {add = true}
      } else {
      }
      %mul3A_176 = arith.constant 8 : i32
      %mul3A_177 = arith.muli %scan3A_143, %mul3A_176 : i32
      %add3A_178 = arith.constant 4 : i32
      %add3A_179 = arith.addi %mul3A_177, %add3A_178 : i32
      %lt3A_180 = arith.cmpi slt, %add3A_179, %mul3A_5 : i32
      %convert_element_type3A_181 = arith.extui %lt3A_180 : i1 to i32
      %cond3A_182 = arith.constant 0 : i32
      %cond3A_183 = arith.cmpi ne, %convert_element_type3A_181, %cond3A_182 : i32
      scf.if %cond3A_183 {
        %dma_wait3A = arith.constant 4 : i32
        %dma_wait3A_272 = arith.constant 0 : i32
        %dma_wait3A_273 = arith.constant 0 : i32
        %dma_wait3A_274 = tpu.memref_slice %arg7[%dma_wait3A, %dma_wait3A_272, %dma_wait3A_273] : memref<8x128x16xf32, #tpu.memory_space<vmem>> -> memref<1x128x16xf32, #tpu.memory_space<vmem>>
        %dma_wait3A_275 = tpu.memref_squeeze %dma_wait3A_274 : memref<1x128x16xf32, #tpu.memory_space<vmem>> -> memref<128x16xf32, #tpu.memory_space<vmem>>
        %dma_wait3A_276 = arith.constant 0 : i32
        %dma_wait3A_277 = tpu.memref_slice %arg5[%add3A_179, %dma_wait3A_276] : memref<80x128xi32, #tpu.memory_space<vmem>> -> memref<1x128xi32, #tpu.memory_space<vmem>>
        %dma_wait3A_278 = tpu.memref_squeeze %dma_wait3A_277 : memref<1x128xi32, #tpu.memory_space<vmem>> -> memref<128xi32, #tpu.memory_space<vmem>>
        %dma_wait3A_279 = arith.constant 0 : i32
        %dma_wait3A_280 = arith.constant 0 : i32
        %dma_wait3A_281 = tpu.memref_slice %arg9[%dma_wait3A_279, %dma_wait3A_280] : memref<10240x16xf32, #tpu.memory_space<vmem_shared>> -> memref<10240x16xf32, #tpu.memory_space<vmem_shared>>
        tpu.wait_indirect_dma semaphore(%arg14 : memref<!tpu.dma_semaphore, #tpu.memory_space<semaphore_mem>>) src(%dma_wait3A_281 : memref<10240x16xf32, #tpu.memory_space<vmem_shared>>) dst(%dma_wait3A_275 : memref<128x16xf32, #tpu.memory_space<vmem>>)
        %dma_start3A_282 = arith.constant 4 : i32
        %dma_start3A_283 = arith.constant 0 : i32
        %dma_start3A_284 = arith.constant 0 : i32
        %dma_start3A_285 = tpu.memref_slice %arg7[%dma_start3A_282, %dma_start3A_283, %dma_start3A_284] : memref<8x128x16xf32, #tpu.memory_space<vmem>> -> memref<1x128x16xf32, #tpu.memory_space<vmem>>
        %dma_start3A_286 = tpu.memref_squeeze %dma_start3A_285 : memref<1x128x16xf32, #tpu.memory_space<vmem>> -> memref<128x16xf32, #tpu.memory_space<vmem>>
        %dma_start3A_287 = arith.constant 0 : i32
        %dma_start3A_288 = tpu.memref_slice %arg6[%add3A_179, %dma_start3A_287] : memref<80x128xi32, #tpu.memory_space<vmem>> -> memref<1x128xi32, #tpu.memory_space<vmem>>
        %dma_start3A_289 = tpu.memref_squeeze %dma_start3A_288 : memref<1x128xi32, #tpu.memory_space<vmem>> -> memref<128xi32, #tpu.memory_space<vmem>>
        %dma_start3A_290 = arith.constant 0 : i32
        %dma_start3A_291 = arith.constant 0 : i32
        %dma_start3A_292 = tpu.memref_slice %arg8[%dma_start3A_290, %dma_start3A_291] : memref<10240x16xf32, #tpu.memory_space<vmem_shared>> -> memref<10240x16xf32, #tpu.memory_space<vmem_shared>>
        tpu.enqueue_indirect_dma source(%dma_start3A_286 : memref<128x16xf32, #tpu.memory_space<vmem>>) target(%dma_start3A_292 : memref<10240x16xf32, #tpu.memory_space<vmem_shared>>) offsets(%dma_start3A_289 : memref<128xi32, #tpu.memory_space<vmem>>) semaphore(%arg22 : memref<!tpu.dma_semaphore, #tpu.memory_space<semaphore_mem>>) {add = true}
      } else {
      }
      %mul3A_184 = arith.constant 8 : i32
      %mul3A_185 = arith.muli %scan3A_143, %mul3A_184 : i32
      %add3A_186 = arith.constant 5 : i32
      %add3A_187 = arith.addi %mul3A_185, %add3A_186 : i32
      %lt3A_188 = arith.cmpi slt, %add3A_187, %mul3A_5 : i32
      %convert_element_type3A_189 = arith.extui %lt3A_188 : i1 to i32
      %cond3A_190 = arith.constant 0 : i32
      %cond3A_191 = arith.cmpi ne, %convert_element_type3A_189, %cond3A_190 : i32
      scf.if %cond3A_191 {
        %dma_wait3A = arith.constant 5 : i32
        %dma_wait3A_272 = arith.constant 0 : i32
        %dma_wait3A_273 = arith.constant 0 : i32
        %dma_wait3A_274 = tpu.memref_slice %arg7[%dma_wait3A, %dma_wait3A_272, %dma_wait3A_273] : memref<8x128x16xf32, #tpu.memory_space<vmem>> -> memref<1x128x16xf32, #tpu.memory_space<vmem>>
        %dma_wait3A_275 = tpu.memref_squeeze %dma_wait3A_274 : memref<1x128x16xf32, #tpu.memory_space<vmem>> -> memref<128x16xf32, #tpu.memory_space<vmem>>
        %dma_wait3A_276 = arith.constant 0 : i32
        %dma_wait3A_277 = tpu.memref_slice %arg5[%add3A_187, %dma_wait3A_276] : memref<80x128xi32, #tpu.memory_space<vmem>> -> memref<1x128xi32, #tpu.memory_space<vmem>>
        %dma_wait3A_278 = tpu.memref_squeeze %dma_wait3A_277 : memref<1x128xi32, #tpu.memory_space<vmem>> -> memref<128xi32, #tpu.memory_space<vmem>>
        %dma_wait3A_279 = arith.constant 0 : i32
        %dma_wait3A_280 = arith.constant 0 : i32
        %dma_wait3A_281 = tpu.memref_slice %arg9[%dma_wait3A_279, %dma_wait3A_280] : memref<10240x16xf32, #tpu.memory_space<vmem_shared>> -> memref<10240x16xf32, #tpu.memory_space<vmem_shared>>
        tpu.wait_indirect_dma semaphore(%arg15 : memref<!tpu.dma_semaphore, #tpu.memory_space<semaphore_mem>>) src(%dma_wait3A_281 : memref<10240x16xf32, #tpu.memory_space<vmem_shared>>) dst(%dma_wait3A_275 : memref<128x16xf32, #tpu.memory_space<vmem>>)
        %dma_start3A_282 = arith.constant 5 : i32
        %dma_start3A_283 = arith.constant 0 : i32
        %dma_start3A_284 = arith.constant 0 : i32
        %dma_start3A_285 = tpu.memref_slice %arg7[%dma_start3A_282, %dma_start3A_283, %dma_start3A_284] : memref<8x128x16xf32, #tpu.memory_space<vmem>> -> memref<1x128x16xf32, #tpu.memory_space<vmem>>
        %dma_start3A_286 = tpu.memref_squeeze %dma_start3A_285 : memref<1x128x16xf32, #tpu.memory_space<vmem>> -> memref<128x16xf32, #tpu.memory_space<vmem>>
        %dma_start3A_287 = arith.constant 0 : i32
        %dma_start3A_288 = tpu.memref_slice %arg6[%add3A_187, %dma_start3A_287] : memref<80x128xi32, #tpu.memory_space<vmem>> -> memref<1x128xi32, #tpu.memory_space<vmem>>
        %dma_start3A_289 = tpu.memref_squeeze %dma_start3A_288 : memref<1x128xi32, #tpu.memory_space<vmem>> -> memref<128xi32, #tpu.memory_space<vmem>>
        %dma_start3A_290 = arith.constant 0 : i32
        %dma_start3A_291 = arith.constant 0 : i32
        %dma_start3A_292 = tpu.memref_slice %arg8[%dma_start3A_290, %dma_start3A_291] : memref<10240x16xf32, #tpu.memory_space<vmem_shared>> -> memref<10240x16xf32, #tpu.memory_space<vmem_shared>>
        tpu.enqueue_indirect_dma source(%dma_start3A_286 : memref<128x16xf32, #tpu.memory_space<vmem>>) target(%dma_start3A_292 : memref<10240x16xf32, #tpu.memory_space<vmem_shared>>) offsets(%dma_start3A_289 : memref<128xi32, #tpu.memory_space<vmem>>) semaphore(%arg23 : memref<!tpu.dma_semaphore, #tpu.memory_space<semaphore_mem>>) {add = true}
      } else {
      }
      %mul3A_192 = arith.constant 8 : i32
      %mul3A_193 = arith.muli %scan3A_143, %mul3A_192 : i32
      %add3A_194 = arith.constant 6 : i32
      %add3A_195 = arith.addi %mul3A_193, %add3A_194 : i32
      %lt3A_196 = arith.cmpi slt, %add3A_195, %mul3A_5 : i32
      %convert_element_type3A_197 = arith.extui %lt3A_196 : i1 to i32
      %cond3A_198 = arith.constant 0 : i32
      %cond3A_199 = arith.cmpi ne, %convert_element_type3A_197, %cond3A_198 : i32
      scf.if %cond3A_199 {
        %dma_wait3A = arith.constant 6 : i32
        %dma_wait3A_272 = arith.constant 0 : i32
        %dma_wait3A_273 = arith.constant 0 : i32
        %dma_wait3A_274 = tpu.memref_slice %arg7[%dma_wait3A, %dma_wait3A_272, %dma_wait3A_273] : memref<8x128x16xf32, #tpu.memory_space<vmem>> -> memref<1x128x16xf32, #tpu.memory_space<vmem>>
        %dma_wait3A_275 = tpu.memref_squeeze %dma_wait3A_274 : memref<1x128x16xf32, #tpu.memory_space<vmem>> -> memref<128x16xf32, #tpu.memory_space<vmem>>
        %dma_wait3A_276 = arith.constant 0 : i32
        %dma_wait3A_277 = tpu.memref_slice %arg5[%add3A_195, %dma_wait3A_276] : memref<80x128xi32, #tpu.memory_space<vmem>> -> memref<1x128xi32, #tpu.memory_space<vmem>>
        %dma_wait3A_278 = tpu.memref_squeeze %dma_wait3A_277 : memref<1x128xi32, #tpu.memory_space<vmem>> -> memref<128xi32, #tpu.memory_space<vmem>>
        %dma_wait3A_279 = arith.constant 0 : i32
        %dma_wait3A_280 = arith.constant 0 : i32
        %dma_wait3A_281 = tpu.memref_slice %arg9[%dma_wait3A_279, %dma_wait3A_280] : memref<10240x16xf32, #tpu.memory_space<vmem_shared>> -> memref<10240x16xf32, #tpu.memory_space<vmem_shared>>
        tpu.wait_indirect_dma semaphore(%arg16 : memref<!tpu.dma_semaphore, #tpu.memory_space<semaphore_mem>>) src(%dma_wait3A_281 : memref<10240x16xf32, #tpu.memory_space<vmem_shared>>) dst(%dma_wait3A_275 : memref<128x16xf32, #tpu.memory_space<vmem>>)
        %dma_start3A_282 = arith.constant 6 : i32
        %dma_start3A_283 = arith.constant 0 : i32
        %dma_start3A_284 = arith.constant 0 : i32
        %dma_start3A_285 = tpu.memref_slice %arg7[%dma_start3A_282, %dma_start3A_283, %dma_start3A_284] : memref<8x128x16xf32, #tpu.memory_space<vmem>> -> memref<1x128x16xf32, #tpu.memory_space<vmem>>
        %dma_start3A_286 = tpu.memref_squeeze %dma_start3A_285 : memref<1x128x16xf32, #tpu.memory_space<vmem>> -> memref<128x16xf32, #tpu.memory_space<vmem>>
        %dma_start3A_287 = arith.constant 0 : i32
        %dma_start3A_288 = tpu.memref_slice %arg6[%add3A_195, %dma_start3A_287] : memref<80x128xi32, #tpu.memory_space<vmem>> -> memref<1x128xi32, #tpu.memory_space<vmem>>
        %dma_start3A_289 = tpu.memref_squeeze %dma_start3A_288 : memref<1x128xi32, #tpu.memory_space<vmem>> -> memref<128xi32, #tpu.memory_space<vmem>>
        %dma_start3A_290 = arith.constant 0 : i32
        %dma_start3A_291 = arith.constant 0 : i32
        %dma_start3A_292 = tpu.memref_slice %arg8[%dma_start3A_290, %dma_start3A_291] : memref<10240x16xf32, #tpu.memory_space<vmem_shared>> -> memref<10240x16xf32, #tpu.memory_space<vmem_shared>>
        tpu.enqueue_indirect_dma source(%dma_start3A_286 : memref<128x16xf32, #tpu.memory_space<vmem>>) target(%dma_start3A_292 : memref<10240x16xf32, #tpu.memory_space<vmem_shared>>) offsets(%dma_start3A_289 : memref<128xi32, #tpu.memory_space<vmem>>) semaphore(%arg24 : memref<!tpu.dma_semaphore, #tpu.memory_space<semaphore_mem>>) {add = true}
      } else {
      }
      %mul3A_200 = arith.constant 8 : i32
      %mul3A_201 = arith.muli %scan3A_143, %mul3A_200 : i32
      %add3A_202 = arith.constant 7 : i32
      %add3A_203 = arith.addi %mul3A_201, %add3A_202 : i32
      %lt3A_204 = arith.cmpi slt, %add3A_203, %mul3A_5 : i32
      %convert_element_type3A_205 = arith.extui %lt3A_204 : i1 to i32
      %cond3A_206 = arith.constant 0 : i32
      %cond3A_207 = arith.cmpi ne, %convert_element_type3A_205, %cond3A_206 : i32
      scf.if %cond3A_207 {
        %dma_wait3A = arith.constant 7 : i32
        %dma_wait3A_272 = arith.constant 0 : i32
        %dma_wait3A_273 = arith.constant 0 : i32
        %dma_wait3A_274 = tpu.memref_slice %arg7[%dma_wait3A, %dma_wait3A_272, %dma_wait3A_273] : memref<8x128x16xf32, #tpu.memory_space<vmem>> -> memref<1x128x16xf32, #tpu.memory_space<vmem>>
        %dma_wait3A_275 = tpu.memref_squeeze %dma_wait3A_274 : memref<1x128x16xf32, #tpu.memory_space<vmem>> -> memref<128x16xf32, #tpu.memory_space<vmem>>
        %dma_wait3A_276 = arith.constant 0 : i32
        %dma_wait3A_277 = tpu.memref_slice %arg5[%add3A_203, %dma_wait3A_276] : memref<80x128xi32, #tpu.memory_space<vmem>> -> memref<1x128xi32, #tpu.memory_space<vmem>>
        %dma_wait3A_278 = tpu.memref_squeeze %dma_wait3A_277 : memref<1x128xi32, #tpu.memory_space<vmem>> -> memref<128xi32, #tpu.memory_space<vmem>>
        %dma_wait3A_279 = arith.constant 0 : i32
        %dma_wait3A_280 = arith.constant 0 : i32
        %dma_wait3A_281 = tpu.memref_slice %arg9[%dma_wait3A_279, %dma_wait3A_280] : memref<10240x16xf32, #tpu.memory_space<vmem_shared>> -> memref<10240x16xf32, #tpu.memory_space<vmem_shared>>
        tpu.wait_indirect_dma semaphore(%arg17 : memref<!tpu.dma_semaphore, #tpu.memory_space<semaphore_mem>>) src(%dma_wait3A_281 : memref<10240x16xf32, #tpu.memory_space<vmem_shared>>) dst(%dma_wait3A_275 : memref<128x16xf32, #tpu.memory_space<vmem>>)
        %dma_start3A_282 = arith.constant 7 : i32
        %dma_start3A_283 = arith.constant 0 : i32
        %dma_start3A_284 = arith.constant 0 : i32
        %dma_start3A_285 = tpu.memref_slice %arg7[%dma_start3A_282, %dma_start3A_283, %dma_start3A_284] : memref<8x128x16xf32, #tpu.memory_space<vmem>> -> memref<1x128x16xf32, #tpu.memory_space<vmem>>
        %dma_start3A_286 = tpu.memref_squeeze %dma_start3A_285 : memref<1x128x16xf32, #tpu.memory_space<vmem>> -> memref<128x16xf32, #tpu.memory_space<vmem>>
        %dma_start3A_287 = arith.constant 0 : i32
        %dma_start3A_288 = tpu.memref_slice %arg6[%add3A_203, %dma_start3A_287] : memref<80x128xi32, #tpu.memory_space<vmem>> -> memref<1x128xi32, #tpu.memory_space<vmem>>
        %dma_start3A_289 = tpu.memref_squeeze %dma_start3A_288 : memref<1x128xi32, #tpu.memory_space<vmem>> -> memref<128xi32, #tpu.memory_space<vmem>>
        %dma_start3A_290 = arith.constant 0 : i32
        %dma_start3A_291 = arith.constant 0 : i32
        %dma_start3A_292 = tpu.memref_slice %arg8[%dma_start3A_290, %dma_start3A_291] : memref<10240x16xf32, #tpu.memory_space<vmem_shared>> -> memref<10240x16xf32, #tpu.memory_space<vmem_shared>>
        tpu.enqueue_indirect_dma source(%dma_start3A_286 : memref<128x16xf32, #tpu.memory_space<vmem>>) target(%dma_start3A_292 : memref<10240x16xf32, #tpu.memory_space<vmem_shared>>) offsets(%dma_start3A_289 : memref<128xi32, #tpu.memory_space<vmem>>) semaphore(%arg25 : memref<!tpu.dma_semaphore, #tpu.memory_space<semaphore_mem>>) {add = true}
      } else {
      }
      %mul3A_208 = arith.constant 8 : i32
      %mul3A_209 = arith.muli %scan3A_143, %mul3A_208 : i32
      %add3A_210 = arith.constant 0 : i32
      %add3A_211 = arith.addi %mul3A_209, %add3A_210 : i32
      %lt3A_212 = arith.cmpi slt, %add3A_211, %mul3A_5 : i32
      %convert_element_type3A_213 = arith.extui %lt3A_212 : i1 to i32
      %cond3A_214 = arith.constant 0 : i32
      %cond3A_215 = arith.cmpi ne, %convert_element_type3A_213, %cond3A_214 : i32
      scf.if %cond3A_215 {
        %dma_wait3A = arith.constant 0 : i32
        %dma_wait3A_272 = arith.constant 0 : i32
        %dma_wait3A_273 = arith.constant 0 : i32
        %dma_wait3A_274 = tpu.memref_slice %arg7[%dma_wait3A, %dma_wait3A_272, %dma_wait3A_273] : memref<8x128x16xf32, #tpu.memory_space<vmem>> -> memref<1x128x16xf32, #tpu.memory_space<vmem>>
        %dma_wait3A_275 = tpu.memref_squeeze %dma_wait3A_274 : memref<1x128x16xf32, #tpu.memory_space<vmem>> -> memref<128x16xf32, #tpu.memory_space<vmem>>
        %dma_wait3A_276 = arith.constant 0 : i32
        %dma_wait3A_277 = tpu.memref_slice %arg6[%add3A_211, %dma_wait3A_276] : memref<80x128xi32, #tpu.memory_space<vmem>> -> memref<1x128xi32, #tpu.memory_space<vmem>>
        %dma_wait3A_278 = tpu.memref_squeeze %dma_wait3A_277 : memref<1x128xi32, #tpu.memory_space<vmem>> -> memref<128xi32, #tpu.memory_space<vmem>>
        %dma_wait3A_279 = arith.constant 0 : i32
        %dma_wait3A_280 = arith.constant 0 : i32
        %dma_wait3A_281 = tpu.memref_slice %arg8[%dma_wait3A_279, %dma_wait3A_280] : memref<10240x16xf32, #tpu.memory_space<vmem_shared>> -> memref<10240x16xf32, #tpu.memory_space<vmem_shared>>
        tpu.wait_indirect_dma semaphore(%arg18 : memref<!tpu.dma_semaphore, #tpu.memory_space<semaphore_mem>>) src(%dma_wait3A_275 : memref<128x16xf32, #tpu.memory_space<vmem>>) dst(%dma_wait3A_281 : memref<10240x16xf32, #tpu.memory_space<vmem_shared>>)
        %add3A_282 = arith.constant 8 : i32
        %add3A_283 = arith.addi %add3A_211, %add3A_282 : i32
        %lt3A_284 = arith.cmpi slt, %add3A_283, %mul3A_5 : i32
        %convert_element_type3A_285 = arith.extui %lt3A_284 : i1 to i32
        %cond3A_286 = arith.constant 0 : i32
        %cond3A_287 = arith.cmpi ne, %convert_element_type3A_285, %cond3A_286 : i32
        scf.if %cond3A_287 {
          %add3A_288 = arith.constant 8 : i32
          %add3A_289 = arith.addi %add3A_211, %add3A_288 : i32
          %dma_start3A_290 = arith.constant 0 : i32
          %dma_start3A_291 = arith.constant 0 : i32
          %dma_start3A_292 = arith.constant 0 : i32
          %dma_start3A_293 = tpu.memref_slice %arg7[%dma_start3A_290, %dma_start3A_291, %dma_start3A_292] : memref<8x128x16xf32, #tpu.memory_space<vmem>> -> memref<1x128x16xf32, #tpu.memory_space<vmem>>
          %dma_start3A_294 = tpu.memref_squeeze %dma_start3A_293 : memref<1x128x16xf32, #tpu.memory_space<vmem>> -> memref<128x16xf32, #tpu.memory_space<vmem>>
          %dma_start3A_295 = arith.constant 0 : i32
          %dma_start3A_296 = tpu.memref_slice %arg5[%add3A_289, %dma_start3A_295] : memref<80x128xi32, #tpu.memory_space<vmem>> -> memref<1x128xi32, #tpu.memory_space<vmem>>
          %dma_start3A_297 = tpu.memref_squeeze %dma_start3A_296 : memref<1x128xi32, #tpu.memory_space<vmem>> -> memref<128xi32, #tpu.memory_space<vmem>>
          %dma_start3A_298 = arith.constant 0 : i32
          %dma_start3A_299 = arith.constant 0 : i32
          %dma_start3A_300 = tpu.memref_slice %arg9[%dma_start3A_298, %dma_start3A_299] : memref<10240x16xf32, #tpu.memory_space<vmem_shared>> -> memref<10240x16xf32, #tpu.memory_space<vmem_shared>>
          tpu.enqueue_indirect_dma source(%dma_start3A_300 : memref<10240x16xf32, #tpu.memory_space<vmem_shared>>) target(%dma_start3A_294 : memref<128x16xf32, #tpu.memory_space<vmem>>) offsets(%dma_start3A_297 : memref<128xi32, #tpu.memory_space<vmem>>) semaphore(%arg10 : memref<!tpu.dma_semaphore, #tpu.memory_space<semaphore_mem>>)
        } else {
        }
      } else {
      }
      %mul3A_216 = arith.constant 8 : i32
      %mul3A_217 = arith.muli %scan3A_143, %mul3A_216 : i32
      %add3A_218 = arith.constant 1 : i32
      %add3A_219 = arith.addi %mul3A_217, %add3A_218 : i32
      %lt3A_220 = arith.cmpi slt, %add3A_219, %mul3A_5 : i32
      %convert_element_type3A_221 = arith.extui %lt3A_220 : i1 to i32
      %cond3A_222 = arith.constant 0 : i32
      %cond3A_223 = arith.cmpi ne, %convert_element_type3A_221, %cond3A_222 : i32
      scf.if %cond3A_223 {
        %dma_wait3A = arith.constant 1 : i32
        %dma_wait3A_272 = arith.constant 0 : i32
        %dma_wait3A_273 = arith.constant 0 : i32
        %dma_wait3A_274 = tpu.memref_slice %arg7[%dma_wait3A, %dma_wait3A_272, %dma_wait3A_273] : memref<8x128x16xf32, #tpu.memory_space<vmem>> -> memref<1x128x16xf32, #tpu.memory_space<vmem>>
        %dma_wait3A_275 = tpu.memref_squeeze %dma_wait3A_274 : memref<1x128x16xf32, #tpu.memory_space<vmem>> -> memref<128x16xf32, #tpu.memory_space<vmem>>
        %dma_wait3A_276 = arith.constant 0 : i32
        %dma_wait3A_277 = tpu.memref_slice %arg6[%add3A_219, %dma_wait3A_276] : memref<80x128xi32, #tpu.memory_space<vmem>> -> memref<1x128xi32, #tpu.memory_space<vmem>>
        %dma_wait3A_278 = tpu.memref_squeeze %dma_wait3A_277 : memref<1x128xi32, #tpu.memory_space<vmem>> -> memref<128xi32, #tpu.memory_space<vmem>>
        %dma_wait3A_279 = arith.constant 0 : i32
        %dma_wait3A_280 = arith.constant 0 : i32
        %dma_wait3A_281 = tpu.memref_slice %arg8[%dma_wait3A_279, %dma_wait3A_280] : memref<10240x16xf32, #tpu.memory_space<vmem_shared>> -> memref<10240x16xf32, #tpu.memory_space<vmem_shared>>
        tpu.wait_indirect_dma semaphore(%arg19 : memref<!tpu.dma_semaphore, #tpu.memory_space<semaphore_mem>>) src(%dma_wait3A_275 : memref<128x16xf32, #tpu.memory_space<vmem>>) dst(%dma_wait3A_281 : memref<10240x16xf32, #tpu.memory_space<vmem_shared>>)
        %add3A_282 = arith.constant 8 : i32
        %add3A_283 = arith.addi %add3A_219, %add3A_282 : i32
        %lt3A_284 = arith.cmpi slt, %add3A_283, %mul3A_5 : i32
        %convert_element_type3A_285 = arith.extui %lt3A_284 : i1 to i32
        %cond3A_286 = arith.constant 0 : i32
        %cond3A_287 = arith.cmpi ne, %convert_element_type3A_285, %cond3A_286 : i32
        scf.if %cond3A_287 {
          %add3A_288 = arith.constant 8 : i32
          %add3A_289 = arith.addi %add3A_219, %add3A_288 : i32
          %dma_start3A_290 = arith.constant 1 : i32
          %dma_start3A_291 = arith.constant 0 : i32
          %dma_start3A_292 = arith.constant 0 : i32
          %dma_start3A_293 = tpu.memref_slice %arg7[%dma_start3A_290, %dma_start3A_291, %dma_start3A_292] : memref<8x128x16xf32, #tpu.memory_space<vmem>> -> memref<1x128x16xf32, #tpu.memory_space<vmem>>
          %dma_start3A_294 = tpu.memref_squeeze %dma_start3A_293 : memref<1x128x16xf32, #tpu.memory_space<vmem>> -> memref<128x16xf32, #tpu.memory_space<vmem>>
          %dma_start3A_295 = arith.constant 0 : i32
          %dma_start3A_296 = tpu.memref_slice %arg5[%add3A_289, %dma_start3A_295] : memref<80x128xi32, #tpu.memory_space<vmem>> -> memref<1x128xi32, #tpu.memory_space<vmem>>
          %dma_start3A_297 = tpu.memref_squeeze %dma_start3A_296 : memref<1x128xi32, #tpu.memory_space<vmem>> -> memref<128xi32, #tpu.memory_space<vmem>>
          %dma_start3A_298 = arith.constant 0 : i32
          %dma_start3A_299 = arith.constant 0 : i32
          %dma_start3A_300 = tpu.memref_slice %arg9[%dma_start3A_298, %dma_start3A_299] : memref<10240x16xf32, #tpu.memory_space<vmem_shared>> -> memref<10240x16xf32, #tpu.memory_space<vmem_shared>>
          tpu.enqueue_indirect_dma source(%dma_start3A_300 : memref<10240x16xf32, #tpu.memory_space<vmem_shared>>) target(%dma_start3A_294 : memref<128x16xf32, #tpu.memory_space<vmem>>) offsets(%dma_start3A_297 : memref<128xi32, #tpu.memory_space<vmem>>) semaphore(%arg11 : memref<!tpu.dma_semaphore, #tpu.memory_space<semaphore_mem>>)
        } else {
        }
      } else {
      }
      %mul3A_224 = arith.constant 8 : i32
      %mul3A_225 = arith.muli %scan3A_143, %mul3A_224 : i32
      %add3A_226 = arith.constant 2 : i32
      %add3A_227 = arith.addi %mul3A_225, %add3A_226 : i32
      %lt3A_228 = arith.cmpi slt, %add3A_227, %mul3A_5 : i32
      %convert_element_type3A_229 = arith.extui %lt3A_228 : i1 to i32
      %cond3A_230 = arith.constant 0 : i32
      %cond3A_231 = arith.cmpi ne, %convert_element_type3A_229, %cond3A_230 : i32
      scf.if %cond3A_231 {
        %dma_wait3A = arith.constant 2 : i32
        %dma_wait3A_272 = arith.constant 0 : i32
        %dma_wait3A_273 = arith.constant 0 : i32
        %dma_wait3A_274 = tpu.memref_slice %arg7[%dma_wait3A, %dma_wait3A_272, %dma_wait3A_273] : memref<8x128x16xf32, #tpu.memory_space<vmem>> -> memref<1x128x16xf32, #tpu.memory_space<vmem>>
        %dma_wait3A_275 = tpu.memref_squeeze %dma_wait3A_274 : memref<1x128x16xf32, #tpu.memory_space<vmem>> -> memref<128x16xf32, #tpu.memory_space<vmem>>
        %dma_wait3A_276 = arith.constant 0 : i32
        %dma_wait3A_277 = tpu.memref_slice %arg6[%add3A_227, %dma_wait3A_276] : memref<80x128xi32, #tpu.memory_space<vmem>> -> memref<1x128xi32, #tpu.memory_space<vmem>>
        %dma_wait3A_278 = tpu.memref_squeeze %dma_wait3A_277 : memref<1x128xi32, #tpu.memory_space<vmem>> -> memref<128xi32, #tpu.memory_space<vmem>>
        %dma_wait3A_279 = arith.constant 0 : i32
        %dma_wait3A_280 = arith.constant 0 : i32
        %dma_wait3A_281 = tpu.memref_slice %arg8[%dma_wait3A_279, %dma_wait3A_280] : memref<10240x16xf32, #tpu.memory_space<vmem_shared>> -> memref<10240x16xf32, #tpu.memory_space<vmem_shared>>
        tpu.wait_indirect_dma semaphore(%arg20 : memref<!tpu.dma_semaphore, #tpu.memory_space<semaphore_mem>>) src(%dma_wait3A_275 : memref<128x16xf32, #tpu.memory_space<vmem>>) dst(%dma_wait3A_281 : memref<10240x16xf32, #tpu.memory_space<vmem_shared>>)
        %add3A_282 = arith.constant 8 : i32
        %add3A_283 = arith.addi %add3A_227, %add3A_282 : i32
        %lt3A_284 = arith.cmpi slt, %add3A_283, %mul3A_5 : i32
        %convert_element_type3A_285 = arith.extui %lt3A_284 : i1 to i32
        %cond3A_286 = arith.constant 0 : i32
        %cond3A_287 = arith.cmpi ne, %convert_element_type3A_285, %cond3A_286 : i32
        scf.if %cond3A_287 {
          %add3A_288 = arith.constant 8 : i32
          %add3A_289 = arith.addi %add3A_227, %add3A_288 : i32
          %dma_start3A_290 = arith.constant 2 : i32
          %dma_start3A_291 = arith.constant 0 : i32
          %dma_start3A_292 = arith.constant 0 : i32
          %dma_start3A_293 = tpu.memref_slice %arg7[%dma_start3A_290, %dma_start3A_291, %dma_start3A_292] : memref<8x128x16xf32, #tpu.memory_space<vmem>> -> memref<1x128x16xf32, #tpu.memory_space<vmem>>
          %dma_start3A_294 = tpu.memref_squeeze %dma_start3A_293 : memref<1x128x16xf32, #tpu.memory_space<vmem>> -> memref<128x16xf32, #tpu.memory_space<vmem>>
          %dma_start3A_295 = arith.constant 0 : i32
          %dma_start3A_296 = tpu.memref_slice %arg5[%add3A_289, %dma_start3A_295] : memref<80x128xi32, #tpu.memory_space<vmem>> -> memref<1x128xi32, #tpu.memory_space<vmem>>
          %dma_start3A_297 = tpu.memref_squeeze %dma_start3A_296 : memref<1x128xi32, #tpu.memory_space<vmem>> -> memref<128xi32, #tpu.memory_space<vmem>>
          %dma_start3A_298 = arith.constant 0 : i32
          %dma_start3A_299 = arith.constant 0 : i32
          %dma_start3A_300 = tpu.memref_slice %arg9[%dma_start3A_298, %dma_start3A_299] : memref<10240x16xf32, #tpu.memory_space<vmem_shared>> -> memref<10240x16xf32, #tpu.memory_space<vmem_shared>>
          tpu.enqueue_indirect_dma source(%dma_start3A_300 : memref<10240x16xf32, #tpu.memory_space<vmem_shared>>) target(%dma_start3A_294 : memref<128x16xf32, #tpu.memory_space<vmem>>) offsets(%dma_start3A_297 : memref<128xi32, #tpu.memory_space<vmem>>) semaphore(%arg12 : memref<!tpu.dma_semaphore, #tpu.memory_space<semaphore_mem>>)
        } else {
        }
      } else {
      }
      %mul3A_232 = arith.constant 8 : i32
      %mul3A_233 = arith.muli %scan3A_143, %mul3A_232 : i32
      %add3A_234 = arith.constant 3 : i32
      %add3A_235 = arith.addi %mul3A_233, %add3A_234 : i32
      %lt3A_236 = arith.cmpi slt, %add3A_235, %mul3A_5 : i32
      %convert_element_type3A_237 = arith.extui %lt3A_236 : i1 to i32
      %cond3A_238 = arith.constant 0 : i32
      %cond3A_239 = arith.cmpi ne, %convert_element_type3A_237, %cond3A_238 : i32
      scf.if %cond3A_239 {
        %dma_wait3A = arith.constant 3 : i32
        %dma_wait3A_272 = arith.constant 0 : i32
        %dma_wait3A_273 = arith.constant 0 : i32
        %dma_wait3A_274 = tpu.memref_slice %arg7[%dma_wait3A, %dma_wait3A_272, %dma_wait3A_273] : memref<8x128x16xf32, #tpu.memory_space<vmem>> -> memref<1x128x16xf32, #tpu.memory_space<vmem>>
        %dma_wait3A_275 = tpu.memref_squeeze %dma_wait3A_274 : memref<1x128x16xf32, #tpu.memory_space<vmem>> -> memref<128x16xf32, #tpu.memory_space<vmem>>
        %dma_wait3A_276 = arith.constant 0 : i32
        %dma_wait3A_277 = tpu.memref_slice %arg6[%add3A_235, %dma_wait3A_276] : memref<80x128xi32, #tpu.memory_space<vmem>> -> memref<1x128xi32, #tpu.memory_space<vmem>>
        %dma_wait3A_278 = tpu.memref_squeeze %dma_wait3A_277 : memref<1x128xi32, #tpu.memory_space<vmem>> -> memref<128xi32, #tpu.memory_space<vmem>>
        %dma_wait3A_279 = arith.constant 0 : i32
        %dma_wait3A_280 = arith.constant 0 : i32
        %dma_wait3A_281 = tpu.memref_slice %arg8[%dma_wait3A_279, %dma_wait3A_280] : memref<10240x16xf32, #tpu.memory_space<vmem_shared>> -> memref<10240x16xf32, #tpu.memory_space<vmem_shared>>
        tpu.wait_indirect_dma semaphore(%arg21 : memref<!tpu.dma_semaphore, #tpu.memory_space<semaphore_mem>>) src(%dma_wait3A_275 : memref<128x16xf32, #tpu.memory_space<vmem>>) dst(%dma_wait3A_281 : memref<10240x16xf32, #tpu.memory_space<vmem_shared>>)
        %add3A_282 = arith.constant 8 : i32
        %add3A_283 = arith.addi %add3A_235, %add3A_282 : i32
        %lt3A_284 = arith.cmpi slt, %add3A_283, %mul3A_5 : i32
        %convert_element_type3A_285 = arith.extui %lt3A_284 : i1 to i32
        %cond3A_286 = arith.constant 0 : i32
        %cond3A_287 = arith.cmpi ne, %convert_element_type3A_285, %cond3A_286 : i32
        scf.if %cond3A_287 {
          %add3A_288 = arith.constant 8 : i32
          %add3A_289 = arith.addi %add3A_235, %add3A_288 : i32
          %dma_start3A_290 = arith.constant 3 : i32
          %dma_start3A_291 = arith.constant 0 : i32
          %dma_start3A_292 = arith.constant 0 : i32
          %dma_start3A_293 = tpu.memref_slice %arg7[%dma_start3A_290, %dma_start3A_291, %dma_start3A_292] : memref<8x128x16xf32, #tpu.memory_space<vmem>> -> memref<1x128x16xf32, #tpu.memory_space<vmem>>
          %dma_start3A_294 = tpu.memref_squeeze %dma_start3A_293 : memref<1x128x16xf32, #tpu.memory_space<vmem>> -> memref<128x16xf32, #tpu.memory_space<vmem>>
          %dma_start3A_295 = arith.constant 0 : i32
          %dma_start3A_296 = tpu.memref_slice %arg5[%add3A_289, %dma_start3A_295] : memref<80x128xi32, #tpu.memory_space<vmem>> -> memref<1x128xi32, #tpu.memory_space<vmem>>
          %dma_start3A_297 = tpu.memref_squeeze %dma_start3A_296 : memref<1x128xi32, #tpu.memory_space<vmem>> -> memref<128xi32, #tpu.memory_space<vmem>>
          %dma_start3A_298 = arith.constant 0 : i32
          %dma_start3A_299 = arith.constant 0 : i32
          %dma_start3A_300 = tpu.memref_slice %arg9[%dma_start3A_298, %dma_start3A_299] : memref<10240x16xf32, #tpu.memory_space<vmem_shared>> -> memref<10240x16xf32, #tpu.memory_space<vmem_shared>>
          tpu.enqueue_indirect_dma source(%dma_start3A_300 : memref<10240x16xf32, #tpu.memory_space<vmem_shared>>) target(%dma_start3A_294 : memref<128x16xf32, #tpu.memory_space<vmem>>) offsets(%dma_start3A_297 : memref<128xi32, #tpu.memory_space<vmem>>) semaphore(%arg13 : memref<!tpu.dma_semaphore, #tpu.memory_space<semaphore_mem>>)
        } else {
        }
      } else {
      }
      %mul3A_240 = arith.constant 8 : i32
      %mul3A_241 = arith.muli %scan3A_143, %mul3A_240 : i32
      %add3A_242 = arith.constant 4 : i32
      %add3A_243 = arith.addi %mul3A_241, %add3A_242 : i32
      %lt3A_244 = arith.cmpi slt, %add3A_243, %mul3A_5 : i32
      %convert_element_type3A_245 = arith.extui %lt3A_244 : i1 to i32
      %cond3A_246 = arith.constant 0 : i32
      %cond3A_247 = arith.cmpi ne, %convert_element_type3A_245, %cond3A_246 : i32
      scf.if %cond3A_247 {
        %dma_wait3A = arith.constant 4 : i32
        %dma_wait3A_272 = arith.constant 0 : i32
        %dma_wait3A_273 = arith.constant 0 : i32
        %dma_wait3A_274 = tpu.memref_slice %arg7[%dma_wait3A, %dma_wait3A_272, %dma_wait3A_273] : memref<8x128x16xf32, #tpu.memory_space<vmem>> -> memref<1x128x16xf32, #tpu.memory_space<vmem>>
        %dma_wait3A_275 = tpu.memref_squeeze %dma_wait3A_274 : memref<1x128x16xf32, #tpu.memory_space<vmem>> -> memref<128x16xf32, #tpu.memory_space<vmem>>
        %dma_wait3A_276 = arith.constant 0 : i32
        %dma_wait3A_277 = tpu.memref_slice %arg6[%add3A_243, %dma_wait3A_276] : memref<80x128xi32, #tpu.memory_space<vmem>> -> memref<1x128xi32, #tpu.memory_space<vmem>>
        %dma_wait3A_278 = tpu.memref_squeeze %dma_wait3A_277 : memref<1x128xi32, #tpu.memory_space<vmem>> -> memref<128xi32, #tpu.memory_space<vmem>>
        %dma_wait3A_279 = arith.constant 0 : i32
        %dma_wait3A_280 = arith.constant 0 : i32
        %dma_wait3A_281 = tpu.memref_slice %arg8[%dma_wait3A_279, %dma_wait3A_280] : memref<10240x16xf32, #tpu.memory_space<vmem_shared>> -> memref<10240x16xf32, #tpu.memory_space<vmem_shared>>
        tpu.wait_indirect_dma semaphore(%arg22 : memref<!tpu.dma_semaphore, #tpu.memory_space<semaphore_mem>>) src(%dma_wait3A_275 : memref<128x16xf32, #tpu.memory_space<vmem>>) dst(%dma_wait3A_281 : memref<10240x16xf32, #tpu.memory_space<vmem_shared>>)
        %add3A_282 = arith.constant 8 : i32
        %add3A_283 = arith.addi %add3A_243, %add3A_282 : i32
        %lt3A_284 = arith.cmpi slt, %add3A_283, %mul3A_5 : i32
        %convert_element_type3A_285 = arith.extui %lt3A_284 : i1 to i32
        %cond3A_286 = arith.constant 0 : i32
        %cond3A_287 = arith.cmpi ne, %convert_element_type3A_285, %cond3A_286 : i32
        scf.if %cond3A_287 {
          %add3A_288 = arith.constant 8 : i32
          %add3A_289 = arith.addi %add3A_243, %add3A_288 : i32
          %dma_start3A_290 = arith.constant 4 : i32
          %dma_start3A_291 = arith.constant 0 : i32
          %dma_start3A_292 = arith.constant 0 : i32
          %dma_start3A_293 = tpu.memref_slice %arg7[%dma_start3A_290, %dma_start3A_291, %dma_start3A_292] : memref<8x128x16xf32, #tpu.memory_space<vmem>> -> memref<1x128x16xf32, #tpu.memory_space<vmem>>
          %dma_start3A_294 = tpu.memref_squeeze %dma_start3A_293 : memref<1x128x16xf32, #tpu.memory_space<vmem>> -> memref<128x16xf32, #tpu.memory_space<vmem>>
          %dma_start3A_295 = arith.constant 0 : i32
          %dma_start3A_296 = tpu.memref_slice %arg5[%add3A_289, %dma_start3A_295] : memref<80x128xi32, #tpu.memory_space<vmem>> -> memref<1x128xi32, #tpu.memory_space<vmem>>
          %dma_start3A_297 = tpu.memref_squeeze %dma_start3A_296 : memref<1x128xi32, #tpu.memory_space<vmem>> -> memref<128xi32, #tpu.memory_space<vmem>>
          %dma_start3A_298 = arith.constant 0 : i32
          %dma_start3A_299 = arith.constant 0 : i32
          %dma_start3A_300 = tpu.memref_slice %arg9[%dma_start3A_298, %dma_start3A_299] : memref<10240x16xf32, #tpu.memory_space<vmem_shared>> -> memref<10240x16xf32, #tpu.memory_space<vmem_shared>>
          tpu.enqueue_indirect_dma source(%dma_start3A_300 : memref<10240x16xf32, #tpu.memory_space<vmem_shared>>) target(%dma_start3A_294 : memref<128x16xf32, #tpu.memory_space<vmem>>) offsets(%dma_start3A_297 : memref<128xi32, #tpu.memory_space<vmem>>) semaphore(%arg14 : memref<!tpu.dma_semaphore, #tpu.memory_space<semaphore_mem>>)
        } else {
        }
      } else {
      }
      %mul3A_248 = arith.constant 8 : i32
      %mul3A_249 = arith.muli %scan3A_143, %mul3A_248 : i32
      %add3A_250 = arith.constant 5 : i32
      %add3A_251 = arith.addi %mul3A_249, %add3A_250 : i32
      %lt3A_252 = arith.cmpi slt, %add3A_251, %mul3A_5 : i32
      %convert_element_type3A_253 = arith.extui %lt3A_252 : i1 to i32
      %cond3A_254 = arith.constant 0 : i32
      %cond3A_255 = arith.cmpi ne, %convert_element_type3A_253, %cond3A_254 : i32
      scf.if %cond3A_255 {
        %dma_wait3A = arith.constant 5 : i32
        %dma_wait3A_272 = arith.constant 0 : i32
        %dma_wait3A_273 = arith.constant 0 : i32
        %dma_wait3A_274 = tpu.memref_slice %arg7[%dma_wait3A, %dma_wait3A_272, %dma_wait3A_273] : memref<8x128x16xf32, #tpu.memory_space<vmem>> -> memref<1x128x16xf32, #tpu.memory_space<vmem>>
        %dma_wait3A_275 = tpu.memref_squeeze %dma_wait3A_274 : memref<1x128x16xf32, #tpu.memory_space<vmem>> -> memref<128x16xf32, #tpu.memory_space<vmem>>
        %dma_wait3A_276 = arith.constant 0 : i32
        %dma_wait3A_277 = tpu.memref_slice %arg6[%add3A_251, %dma_wait3A_276] : memref<80x128xi32, #tpu.memory_space<vmem>> -> memref<1x128xi32, #tpu.memory_space<vmem>>
        %dma_wait3A_278 = tpu.memref_squeeze %dma_wait3A_277 : memref<1x128xi32, #tpu.memory_space<vmem>> -> memref<128xi32, #tpu.memory_space<vmem>>
        %dma_wait3A_279 = arith.constant 0 : i32
        %dma_wait3A_280 = arith.constant 0 : i32
        %dma_wait3A_281 = tpu.memref_slice %arg8[%dma_wait3A_279, %dma_wait3A_280] : memref<10240x16xf32, #tpu.memory_space<vmem_shared>> -> memref<10240x16xf32, #tpu.memory_space<vmem_shared>>
        tpu.wait_indirect_dma semaphore(%arg23 : memref<!tpu.dma_semaphore, #tpu.memory_space<semaphore_mem>>) src(%dma_wait3A_275 : memref<128x16xf32, #tpu.memory_space<vmem>>) dst(%dma_wait3A_281 : memref<10240x16xf32, #tpu.memory_space<vmem_shared>>)
        %add3A_282 = arith.constant 8 : i32
        %add3A_283 = arith.addi %add3A_251, %add3A_282 : i32
        %lt3A_284 = arith.cmpi slt, %add3A_283, %mul3A_5 : i32
        %convert_element_type3A_285 = arith.extui %lt3A_284 : i1 to i32
        %cond3A_286 = arith.constant 0 : i32
        %cond3A_287 = arith.cmpi ne, %convert_element_type3A_285, %cond3A_286 : i32
        scf.if %cond3A_287 {
          %add3A_288 = arith.constant 8 : i32
          %add3A_289 = arith.addi %add3A_251, %add3A_288 : i32
          %dma_start3A_290 = arith.constant 5 : i32
          %dma_start3A_291 = arith.constant 0 : i32
          %dma_start3A_292 = arith.constant 0 : i32
          %dma_start3A_293 = tpu.memref_slice %arg7[%dma_start3A_290, %dma_start3A_291, %dma_start3A_292] : memref<8x128x16xf32, #tpu.memory_space<vmem>> -> memref<1x128x16xf32, #tpu.memory_space<vmem>>
          %dma_start3A_294 = tpu.memref_squeeze %dma_start3A_293 : memref<1x128x16xf32, #tpu.memory_space<vmem>> -> memref<128x16xf32, #tpu.memory_space<vmem>>
          %dma_start3A_295 = arith.constant 0 : i32
          %dma_start3A_296 = tpu.memref_slice %arg5[%add3A_289, %dma_start3A_295] : memref<80x128xi32, #tpu.memory_space<vmem>> -> memref<1x128xi32, #tpu.memory_space<vmem>>
          %dma_start3A_297 = tpu.memref_squeeze %dma_start3A_296 : memref<1x128xi32, #tpu.memory_space<vmem>> -> memref<128xi32, #tpu.memory_space<vmem>>
          %dma_start3A_298 = arith.constant 0 : i32
          %dma_start3A_299 = arith.constant 0 : i32
          %dma_start3A_300 = tpu.memref_slice %arg9[%dma_start3A_298, %dma_start3A_299] : memref<10240x16xf32, #tpu.memory_space<vmem_shared>> -> memref<10240x16xf32, #tpu.memory_space<vmem_shared>>
          tpu.enqueue_indirect_dma source(%dma_start3A_300 : memref<10240x16xf32, #tpu.memory_space<vmem_shared>>) target(%dma_start3A_294 : memref<128x16xf32, #tpu.memory_space<vmem>>) offsets(%dma_start3A_297 : memref<128xi32, #tpu.memory_space<vmem>>) semaphore(%arg15 : memref<!tpu.dma_semaphore, #tpu.memory_space<semaphore_mem>>)
        } else {
        }
      } else {
      }
      %mul3A_256 = arith.constant 8 : i32
      %mul3A_257 = arith.muli %scan3A_143, %mul3A_256 : i32
      %add3A_258 = arith.constant 6 : i32
      %add3A_259 = arith.addi %mul3A_257, %add3A_258 : i32
      %lt3A_260 = arith.cmpi slt, %add3A_259, %mul3A_5 : i32
      %convert_element_type3A_261 = arith.extui %lt3A_260 : i1 to i32
      %cond3A_262 = arith.constant 0 : i32
      %cond3A_263 = arith.cmpi ne, %convert_element_type3A_261, %cond3A_262 : i32
      scf.if %cond3A_263 {
        %dma_wait3A = arith.constant 6 : i32
        %dma_wait3A_272 = arith.constant 0 : i32
        %dma_wait3A_273 = arith.constant 0 : i32
        %dma_wait3A_274 = tpu.memref_slice %arg7[%dma_wait3A, %dma_wait3A_272, %dma_wait3A_273] : memref<8x128x16xf32, #tpu.memory_space<vmem>> -> memref<1x128x16xf32, #tpu.memory_space<vmem>>
        %dma_wait3A_275 = tpu.memref_squeeze %dma_wait3A_274 : memref<1x128x16xf32, #tpu.memory_space<vmem>> -> memref<128x16xf32, #tpu.memory_space<vmem>>
        %dma_wait3A_276 = arith.constant 0 : i32
        %dma_wait3A_277 = tpu.memref_slice %arg6[%add3A_259, %dma_wait3A_276] : memref<80x128xi32, #tpu.memory_space<vmem>> -> memref<1x128xi32, #tpu.memory_space<vmem>>
        %dma_wait3A_278 = tpu.memref_squeeze %dma_wait3A_277 : memref<1x128xi32, #tpu.memory_space<vmem>> -> memref<128xi32, #tpu.memory_space<vmem>>
        %dma_wait3A_279 = arith.constant 0 : i32
        %dma_wait3A_280 = arith.constant 0 : i32
        %dma_wait3A_281 = tpu.memref_slice %arg8[%dma_wait3A_279, %dma_wait3A_280] : memref<10240x16xf32, #tpu.memory_space<vmem_shared>> -> memref<10240x16xf32, #tpu.memory_space<vmem_shared>>
        tpu.wait_indirect_dma semaphore(%arg24 : memref<!tpu.dma_semaphore, #tpu.memory_space<semaphore_mem>>) src(%dma_wait3A_275 : memref<128x16xf32, #tpu.memory_space<vmem>>) dst(%dma_wait3A_281 : memref<10240x16xf32, #tpu.memory_space<vmem_shared>>)
        %add3A_282 = arith.constant 8 : i32
        %add3A_283 = arith.addi %add3A_259, %add3A_282 : i32
        %lt3A_284 = arith.cmpi slt, %add3A_283, %mul3A_5 : i32
        %convert_element_type3A_285 = arith.extui %lt3A_284 : i1 to i32
        %cond3A_286 = arith.constant 0 : i32
        %cond3A_287 = arith.cmpi ne, %convert_element_type3A_285, %cond3A_286 : i32
        scf.if %cond3A_287 {
          %add3A_288 = arith.constant 8 : i32
          %add3A_289 = arith.addi %add3A_259, %add3A_288 : i32
          %dma_start3A_290 = arith.constant 6 : i32
          %dma_start3A_291 = arith.constant 0 : i32
          %dma_start3A_292 = arith.constant 0 : i32
          %dma_start3A_293 = tpu.memref_slice %arg7[%dma_start3A_290, %dma_start3A_291, %dma_start3A_292] : memref<8x128x16xf32, #tpu.memory_space<vmem>> -> memref<1x128x16xf32, #tpu.memory_space<vmem>>
          %dma_start3A_294 = tpu.memref_squeeze %dma_start3A_293 : memref<1x128x16xf32, #tpu.memory_space<vmem>> -> memref<128x16xf32, #tpu.memory_space<vmem>>
          %dma_start3A_295 = arith.constant 0 : i32
          %dma_start3A_296 = tpu.memref_slice %arg5[%add3A_289, %dma_start3A_295] : memref<80x128xi32, #tpu.memory_space<vmem>> -> memref<1x128xi32, #tpu.memory_space<vmem>>
          %dma_start3A_297 = tpu.memref_squeeze %dma_start3A_296 : memref<1x128xi32, #tpu.memory_space<vmem>> -> memref<128xi32, #tpu.memory_space<vmem>>
          %dma_start3A_298 = arith.constant 0 : i32
          %dma_start3A_299 = arith.constant 0 : i32
          %dma_start3A_300 = tpu.memref_slice %arg9[%dma_start3A_298, %dma_start3A_299] : memref<10240x16xf32, #tpu.memory_space<vmem_shared>> -> memref<10240x16xf32, #tpu.memory_space<vmem_shared>>
          tpu.enqueue_indirect_dma source(%dma_start3A_300 : memref<10240x16xf32, #tpu.memory_space<vmem_shared>>) target(%dma_start3A_294 : memref<128x16xf32, #tpu.memory_space<vmem>>) offsets(%dma_start3A_297 : memref<128xi32, #tpu.memory_space<vmem>>) semaphore(%arg16 : memref<!tpu.dma_semaphore, #tpu.memory_space<semaphore_mem>>)
        } else {
        }
      } else {
      }
      %mul3A_264 = arith.constant 8 : i32
      %mul3A_265 = arith.muli %scan3A_143, %mul3A_264 : i32
      %add3A_266 = arith.constant 7 : i32
      %add3A_267 = arith.addi %mul3A_265, %add3A_266 : i32
      %lt3A_268 = arith.cmpi slt, %add3A_267, %mul3A_5 : i32
      %convert_element_type3A_269 = arith.extui %lt3A_268 : i1 to i32
      %cond3A_270 = arith.constant 0 : i32
      %cond3A_271 = arith.cmpi ne, %convert_element_type3A_269, %cond3A_270 : i32
      scf.if %cond3A_271 {
        %dma_wait3A = arith.constant 7 : i32
        %dma_wait3A_272 = arith.constant 0 : i32
        %dma_wait3A_273 = arith.constant 0 : i32
        %dma_wait3A_274 = tpu.memref_slice %arg7[%dma_wait3A, %dma_wait3A_272, %dma_wait3A_273] : memref<8x128x16xf32, #tpu.memory_space<vmem>> -> memref<1x128x16xf32, #tpu.memory_space<vmem>>
        %dma_wait3A_275 = tpu.memref_squeeze %dma_wait3A_274 : memref<1x128x16xf32, #tpu.memory_space<vmem>> -> memref<128x16xf32, #tpu.memory_space<vmem>>
        %dma_wait3A_276 = arith.constant 0 : i32
        %dma_wait3A_277 = tpu.memref_slice %arg6[%add3A_267, %dma_wait3A_276] : memref<80x128xi32, #tpu.memory_space<vmem>> -> memref<1x128xi32, #tpu.memory_space<vmem>>
        %dma_wait3A_278 = tpu.memref_squeeze %dma_wait3A_277 : memref<1x128xi32, #tpu.memory_space<vmem>> -> memref<128xi32, #tpu.memory_space<vmem>>
        %dma_wait3A_279 = arith.constant 0 : i32
        %dma_wait3A_280 = arith.constant 0 : i32
        %dma_wait3A_281 = tpu.memref_slice %arg8[%dma_wait3A_279, %dma_wait3A_280] : memref<10240x16xf32, #tpu.memory_space<vmem_shared>> -> memref<10240x16xf32, #tpu.memory_space<vmem_shared>>
        tpu.wait_indirect_dma semaphore(%arg25 : memref<!tpu.dma_semaphore, #tpu.memory_space<semaphore_mem>>) src(%dma_wait3A_275 : memref<128x16xf32, #tpu.memory_space<vmem>>) dst(%dma_wait3A_281 : memref<10240x16xf32, #tpu.memory_space<vmem_shared>>)
        %add3A_282 = arith.constant 8 : i32
        %add3A_283 = arith.addi %add3A_267, %add3A_282 : i32
        %lt3A_284 = arith.cmpi slt, %add3A_283, %mul3A_5 : i32
        %convert_element_type3A_285 = arith.extui %lt3A_284 : i1 to i32
        %cond3A_286 = arith.constant 0 : i32
        %cond3A_287 = arith.cmpi ne, %convert_element_type3A_285, %cond3A_286 : i32
        scf.if %cond3A_287 {
          %add3A_288 = arith.constant 8 : i32
          %add3A_289 = arith.addi %add3A_267, %add3A_288 : i32
          %dma_start3A_290 = arith.constant 7 : i32
          %dma_start3A_291 = arith.constant 0 : i32
          %dma_start3A_292 = arith.constant 0 : i32
          %dma_start3A_293 = tpu.memref_slice %arg7[%dma_start3A_290, %dma_start3A_291, %dma_start3A_292] : memref<8x128x16xf32, #tpu.memory_space<vmem>> -> memref<1x128x16xf32, #tpu.memory_space<vmem>>
          %dma_start3A_294 = tpu.memref_squeeze %dma_start3A_293 : memref<1x128x16xf32, #tpu.memory_space<vmem>> -> memref<128x16xf32, #tpu.memory_space<vmem>>
          %dma_start3A_295 = arith.constant 0 : i32
          %dma_start3A_296 = tpu.memref_slice %arg5[%add3A_289, %dma_start3A_295] : memref<80x128xi32, #tpu.memory_space<vmem>> -> memref<1x128xi32, #tpu.memory_space<vmem>>
          %dma_start3A_297 = tpu.memref_squeeze %dma_start3A_296 : memref<1x128xi32, #tpu.memory_space<vmem>> -> memref<128xi32, #tpu.memory_space<vmem>>
          %dma_start3A_298 = arith.constant 0 : i32
          %dma_start3A_299 = arith.constant 0 : i32
          %dma_start3A_300 = tpu.memref_slice %arg9[%dma_start3A_298, %dma_start3A_299] : memref<10240x16xf32, #tpu.memory_space<vmem_shared>> -> memref<10240x16xf32, #tpu.memory_space<vmem_shared>>
          tpu.enqueue_indirect_dma source(%dma_start3A_300 : memref<10240x16xf32, #tpu.memory_space<vmem_shared>>) target(%dma_start3A_294 : memref<128x16xf32, #tpu.memory_space<vmem>>) offsets(%dma_start3A_297 : memref<128xi32, #tpu.memory_space<vmem>>) semaphore(%arg17 : memref<!tpu.dma_semaphore, #tpu.memory_space<semaphore_mem>>)
        } else {
        }
      } else {
      }
    }
    %scan3A_141 = arith.constant 10 : i32
    %barrier3A_142 = arith.constant 0 : index
    tpu.barrier barrier_id(%barrier3A_142)
    "tpu.region"() ({
      %run_scoped3A_143 = tpu.sem_alloc : memref<!tpu.dma_semaphore, #tpu.memory_space<semaphore_mem>>
      %dma_start3A_144 = arith.constant 0 : i32
      %dma_start3A_145 = tpu.memref_slice %arg4[%arg0, %mul3A_13, %dma_start3A_144] : memref<2x10240x16xf32, #tpu.memory_space<hbm>> -> memref<1x640x16xf32, #tpu.memory_space<hbm>>
      %dma_start3A_146 = tpu.memref_squeeze %dma_start3A_145 : memref<1x640x16xf32, #tpu.memory_space<hbm>> -> memref<640x16xf32, #tpu.memory_space<hbm>>
      %dma_start3A_147 = arith.constant 0 : i32
      %dma_start3A_148 = tpu.memref_slice %arg8[%mul3A_13, %dma_start3A_147] : memref<10240x16xf32, #tpu.memory_space<vmem_shared>> -> memref<640x16xf32, #tpu.memory_space<vmem_shared>>
      tpu.enqueue_dma source(%dma_start3A_148 : memref<640x16xf32, #tpu.memory_space<vmem_shared>>) target(%dma_start3A_146 : memref<640x16xf32, #tpu.memory_space<hbm>>) target_semaphore(%run_scoped3A_143 : memref<!tpu.dma_semaphore, #tpu.memory_space<semaphore_mem>>)
      %dma_wait3A = arith.constant 0 : i32
      %dma_wait3A_149 = tpu.memref_slice %arg4[%arg0, %mul3A_13, %dma_wait3A] : memref<2x10240x16xf32, #tpu.memory_space<hbm>> -> memref<1x640x16xf32, #tpu.memory_space<hbm>>
      %dma_wait3A_150 = tpu.memref_squeeze %dma_wait3A_149 : memref<1x640x16xf32, #tpu.memory_space<hbm>> -> memref<640x16xf32, #tpu.memory_space<hbm>>
      %dma_wait3A_151 = arith.constant 0 : i32
      %dma_wait3A_152 = tpu.memref_slice %arg8[%mul3A_13, %dma_wait3A_151] : memref<10240x16xf32, #tpu.memory_space<vmem_shared>> -> memref<640x16xf32, #tpu.memory_space<vmem_shared>>
      tpu.wait_dma2 semaphore(%run_scoped3A_143 : memref<!tpu.dma_semaphore, #tpu.memory_space<semaphore_mem>>) src(%dma_wait3A_152 : memref<640x16xf32, #tpu.memory_space<vmem_shared>>) dst(%dma_wait3A_150 : memref<640x16xf32, #tpu.memory_space<hbm>>)
      tpu.yield
    }) : () -> ()
    return
  }
}

#map = affine_map<(d0, d1) -> (0, 0, 0)>
#map1 = affine_map<(d0, d1) -> (0, 0)>
module attributes {stable_mosaic.version = 14 : i64} {
  func.func @gcn_deg(%arg0: i32, %arg1: i32, %arg2: memref<2x2500x128xi32, #tpu.memory_space<hbm>>, %arg3: memref<2x10240xf32, #tpu.memory_space<hbm>>, %arg4: memref<80x128xi32, #tpu.memory_space<vmem>>, %arg5: memref<128xf32, #tpu.memory_space<vmem>>, %arg6: memref<128xf32, #tpu.memory_space<vmem>>, %arg7: memref<10240xf32, #tpu.memory_space<vmem_shared>>, %arg8: memref<!tpu.dma_semaphore, #tpu.memory_space<semaphore_mem>>, %arg9: memref<!tpu.dma_semaphore, #tpu.memory_space<semaphore_mem>>, %arg10: memref<!tpu.dma_semaphore, #tpu.memory_space<semaphore_mem>>, %arg11: memref<!tpu.dma_semaphore, #tpu.memory_space<semaphore_mem>>) attributes {dimension_semantics = [#tpu.dimension_semantics<core_parallel>, #tpu.dimension_semantics<subcore_parallel>], iteration_bounds = array<i64: 2, 16>, scalar_prefetch = 0 : i64, scratch_operands = 8 : i64, tpu.core_type = #tpu.core_type<sc_vector_subcore>, window_params = [{transform_indices = #map}, {transform_indices = #map1}]} {
    %mul3A = arith.constant 2 : i32
    %mul3A_0 = arith.muli %arg1, %mul3A : i32
    %add3A = arith.addi %mul3A_0, %arg0 : i32
    %lt3A = arith.constant 17 : i32
    %lt3A_1 = arith.cmpi slt, %add3A, %lt3A : i32
    %convert_element_type3A = arith.extui %lt3A_1 : i1 to i32
    %add3A_2 = arith.constant 19 : i32
    %add3A_3 = arith.addi %add3A_2, %convert_element_type3A : i32
    %mul3A_4 = arith.constant 4 : i32
    %mul3A_5 = arith.muli %add3A_3, %mul3A_4 : i32
    %mul3A_6 = arith.constant 19 : i32
    %mul3A_7 = arith.muli %mul3A_6, %add3A : i32
    %min3A = arith.constant 17 : i32
    %min3A_8 = arith.minsi %add3A, %min3A : i32
    %add3A_9 = arith.addi %mul3A_7, %min3A_8 : i32
    %mul3A_10 = arith.constant 4 : i32
    %mul3A_11 = arith.muli %add3A_9, %mul3A_10 : i32
    %broadcast_in_dim3A = arith.constant 1.000000e+00 : f32
    %broadcast_in_dim3A_12 = vector.broadcast %broadcast_in_dim3A : f32 to vector<16xf32>
    %swap3A = arith.constant 0 : index
    %swap3A_13 = tpu.vector_load %arg5[%swap3A] {strides = array<i32>} : memref<128xf32, #tpu.memory_space<vmem>>, vector<16xf32>,
    %swap3A_14 = vector.shape_cast %swap3A_13 : vector<16xf32> to vector<16xf32>
    %swap3A_15 = vector.shape_cast %broadcast_in_dim3A_12 : vector<16xf32> to vector<16xf32>
    tpu.vector_store %arg5[%swap3A], %swap3A_15 {strides = array<i32>} : memref<128xf32, #tpu.memory_space<vmem>>, vector<16xf32>,
    %broadcast_in_dim3A_16 = arith.constant 0.000000e+00 : f32
    %broadcast_in_dim3A_17 = vector.broadcast %broadcast_in_dim3A_16 : f32 to vector<16xf32>
    %swap3A_18 = arith.constant 0 : index
    %swap3A_19 = tpu.vector_load %arg6[%swap3A_18] {strides = array<i32>} : memref<128xf32, #tpu.memory_space<vmem>>, vector<16xf32>,
    %swap3A_20 = vector.shape_cast %swap3A_19 : vector<16xf32> to vector<16xf32>
    %swap3A_21 = vector.shape_cast %broadcast_in_dim3A_17 : vector<16xf32> to vector<16xf32>
    tpu.vector_store %arg6[%swap3A_18], %swap3A_21 {strides = array<i32>} : memref<128xf32, #tpu.memory_space<vmem>>, vector<16xf32>,
    %broadcast_in_dim3A_22 = arith.constant 1.000000e+00 : f32
    %broadcast_in_dim3A_23 = vector.broadcast %broadcast_in_dim3A_22 : f32 to vector<16xf32>
    %swap3A_24 = arith.constant 16 : index
    %swap3A_25 = tpu.vector_load %arg5[%swap3A_24] {strides = array<i32>} : memref<128xf32, #tpu.memory_space<vmem>>, vector<16xf32>,
    %swap3A_26 = vector.shape_cast %swap3A_25 : vector<16xf32> to vector<16xf32>
    %swap3A_27 = vector.shape_cast %broadcast_in_dim3A_23 : vector<16xf32> to vector<16xf32>
    tpu.vector_store %arg5[%swap3A_24], %swap3A_27 {strides = array<i32>} : memref<128xf32, #tpu.memory_space<vmem>>, vector<16xf32>,
    %broadcast_in_dim3A_28 = arith.constant 0.000000e+00 : f32
    %broadcast_in_dim3A_29 = vector.broadcast %broadcast_in_dim3A_28 : f32 to vector<16xf32>
    %swap3A_30 = arith.constant 16 : index
    %swap3A_31 = tpu.vector_load %arg6[%swap3A_30] {strides = array<i32>} : memref<128xf32, #tpu.memory_space<vmem>>, vector<16xf32>,
    %swap3A_32 = vector.shape_cast %swap3A_31 : vector<16xf32> to vector<16xf32>
    %swap3A_33 = vector.shape_cast %broadcast_in_dim3A_29 : vector<16xf32> to vector<16xf32>
    tpu.vector_store %arg6[%swap3A_30], %swap3A_33 {strides = array<i32>} : memref<128xf32, #tpu.memory_space<vmem>>, vector<16xf32>,
    %broadcast_in_dim3A_34 = arith.constant 1.000000e+00 : f32
    %broadcast_in_dim3A_35 = vector.broadcast %broadcast_in_dim3A_34 : f32 to vector<16xf32>
    %swap3A_36 = arith.constant 32 : index
    %swap3A_37 = tpu.vector_load %arg5[%swap3A_36] {strides = array<i32>} : memref<128xf32, #tpu.memory_space<vmem>>, vector<16xf32>,
    %swap3A_38 = vector.shape_cast %swap3A_37 : vector<16xf32> to vector<16xf32>
    %swap3A_39 = vector.shape_cast %broadcast_in_dim3A_35 : vector<16xf32> to vector<16xf32>
    tpu.vector_store %arg5[%swap3A_36], %swap3A_39 {strides = array<i32>} : memref<128xf32, #tpu.memory_space<vmem>>, vector<16xf32>,
    %broadcast_in_dim3A_40 = arith.constant 0.000000e+00 : f32
    %broadcast_in_dim3A_41 = vector.broadcast %broadcast_in_dim3A_40 : f32 to vector<16xf32>
    %swap3A_42 = arith.constant 32 : index
    %swap3A_43 = tpu.vector_load %arg6[%swap3A_42] {strides = array<i32>} : memref<128xf32, #tpu.memory_space<vmem>>, vector<16xf32>,
    %swap3A_44 = vector.shape_cast %swap3A_43 : vector<16xf32> to vector<16xf32>
    %swap3A_45 = vector.shape_cast %broadcast_in_dim3A_41 : vector<16xf32> to vector<16xf32>
    tpu.vector_store %arg6[%swap3A_42], %swap3A_45 {strides = array<i32>} : memref<128xf32, #tpu.memory_space<vmem>>, vector<16xf32>,
    %broadcast_in_dim3A_46 = arith.constant 1.000000e+00 : f32
    %broadcast_in_dim3A_47 = vector.broadcast %broadcast_in_dim3A_46 : f32 to vector<16xf32>
    %swap3A_48 = arith.constant 48 : index
    %swap3A_49 = tpu.vector_load %arg5[%swap3A_48] {strides = array<i32>} : memref<128xf32, #tpu.memory_space<vmem>>, vector<16xf32>,
    %swap3A_50 = vector.shape_cast %swap3A_49 : vector<16xf32> to vector<16xf32>
    %swap3A_51 = vector.shape_cast %broadcast_in_dim3A_47 : vector<16xf32> to vector<16xf32>
    tpu.vector_store %arg5[%swap3A_48], %swap3A_51 {strides = array<i32>} : memref<128xf32, #tpu.memory_space<vmem>>, vector<16xf32>,
    %broadcast_in_dim3A_52 = arith.constant 0.000000e+00 : f32
    %broadcast_in_dim3A_53 = vector.broadcast %broadcast_in_dim3A_52 : f32 to vector<16xf32>
    %swap3A_54 = arith.constant 48 : index
    %swap3A_55 = tpu.vector_load %arg6[%swap3A_54] {strides = array<i32>} : memref<128xf32, #tpu.memory_space<vmem>>, vector<16xf32>,
    %swap3A_56 = vector.shape_cast %swap3A_55 : vector<16xf32> to vector<16xf32>
    %swap3A_57 = vector.shape_cast %broadcast_in_dim3A_53 : vector<16xf32> to vector<16xf32>
    tpu.vector_store %arg6[%swap3A_54], %swap3A_57 {strides = array<i32>} : memref<128xf32, #tpu.memory_space<vmem>>, vector<16xf32>,
    %broadcast_in_dim3A_58 = arith.constant 1.000000e+00 : f32
    %broadcast_in_dim3A_59 = vector.broadcast %broadcast_in_dim3A_58 : f32 to vector<16xf32>
    %swap3A_60 = arith.constant 64 : index
    %swap3A_61 = tpu.vector_load %arg5[%swap3A_60] {strides = array<i32>} : memref<128xf32, #tpu.memory_space<vmem>>, vector<16xf32>,
    %swap3A_62 = vector.shape_cast %swap3A_61 : vector<16xf32> to vector<16xf32>
    %swap3A_63 = vector.shape_cast %broadcast_in_dim3A_59 : vector<16xf32> to vector<16xf32>
    tpu.vector_store %arg5[%swap3A_60], %swap3A_63 {strides = array<i32>} : memref<128xf32, #tpu.memory_space<vmem>>, vector<16xf32>,
    %broadcast_in_dim3A_64 = arith.constant 0.000000e+00 : f32
    %broadcast_in_dim3A_65 = vector.broadcast %broadcast_in_dim3A_64 : f32 to vector<16xf32>
    %swap3A_66 = arith.constant 64 : index
    %swap3A_67 = tpu.vector_load %arg6[%swap3A_66] {strides = array<i32>} : memref<128xf32, #tpu.memory_space<vmem>>, vector<16xf32>,
    %swap3A_68 = vector.shape_cast %swap3A_67 : vector<16xf32> to vector<16xf32>
    %swap3A_69 = vector.shape_cast %broadcast_in_dim3A_65 : vector<16xf32> to vector<16xf32>
    tpu.vector_store %arg6[%swap3A_66], %swap3A_69 {strides = array<i32>} : memref<128xf32, #tpu.memory_space<vmem>>, vector<16xf32>,
    %broadcast_in_dim3A_70 = arith.constant 1.000000e+00 : f32
    %broadcast_in_dim3A_71 = vector.broadcast %broadcast_in_dim3A_70 : f32 to vector<16xf32>
    %swap3A_72 = arith.constant 80 : index
    %swap3A_73 = tpu.vector_load %arg5[%swap3A_72] {strides = array<i32>} : memref<128xf32, #tpu.memory_space<vmem>>, vector<16xf32>,
    %swap3A_74 = vector.shape_cast %swap3A_73 : vector<16xf32> to vector<16xf32>
    %swap3A_75 = vector.shape_cast %broadcast_in_dim3A_71 : vector<16xf32> to vector<16xf32>
    tpu.vector_store %arg5[%swap3A_72], %swap3A_75 {strides = array<i32>} : memref<128xf32, #tpu.memory_space<vmem>>, vector<16xf32>,
    %broadcast_in_dim3A_76 = arith.constant 0.000000e+00 : f32
    %broadcast_in_dim3A_77 = vector.broadcast %broadcast_in_dim3A_76 : f32 to vector<16xf32>
    %swap3A_78 = arith.constant 80 : index
    %swap3A_79 = tpu.vector_load %arg6[%swap3A_78] {strides = array<i32>} : memref<128xf32, #tpu.memory_space<vmem>>, vector<16xf32>,
    %swap3A_80 = vector.shape_cast %swap3A_79 : vector<16xf32> to vector<16xf32>
    %swap3A_81 = vector.shape_cast %broadcast_in_dim3A_77 : vector<16xf32> to vector<16xf32>
    tpu.vector_store %arg6[%swap3A_78], %swap3A_81 {strides = array<i32>} : memref<128xf32, #tpu.memory_space<vmem>>, vector<16xf32>,
    %broadcast_in_dim3A_82 = arith.constant 1.000000e+00 : f32
    %broadcast_in_dim3A_83 = vector.broadcast %broadcast_in_dim3A_82 : f32 to vector<16xf32>
    %swap3A_84 = arith.constant 96 : index
    %swap3A_85 = tpu.vector_load %arg5[%swap3A_84] {strides = array<i32>} : memref<128xf32, #tpu.memory_space<vmem>>, vector<16xf32>,
    %swap3A_86 = vector.shape_cast %swap3A_85 : vector<16xf32> to vector<16xf32>
    %swap3A_87 = vector.shape_cast %broadcast_in_dim3A_83 : vector<16xf32> to vector<16xf32>
    tpu.vector_store %arg5[%swap3A_84], %swap3A_87 {strides = array<i32>} : memref<128xf32, #tpu.memory_space<vmem>>, vector<16xf32>,
    %broadcast_in_dim3A_88 = arith.constant 0.000000e+00 : f32
    %broadcast_in_dim3A_89 = vector.broadcast %broadcast_in_dim3A_88 : f32 to vector<16xf32>
    %swap3A_90 = arith.constant 96 : index
    %swap3A_91 = tpu.vector_load %arg6[%swap3A_90] {strides = array<i32>} : memref<128xf32, #tpu.memory_space<vmem>>, vector<16xf32>,
    %swap3A_92 = vector.shape_cast %swap3A_91 : vector<16xf32> to vector<16xf32>
    %swap3A_93 = vector.shape_cast %broadcast_in_dim3A_89 : vector<16xf32> to vector<16xf32>
    tpu.vector_store %arg6[%swap3A_90], %swap3A_93 {strides = array<i32>} : memref<128xf32, #tpu.memory_space<vmem>>, vector<16xf32>,
    %broadcast_in_dim3A_94 = arith.constant 1.000000e+00 : f32
    %broadcast_in_dim3A_95 = vector.broadcast %broadcast_in_dim3A_94 : f32 to vector<16xf32>
    %swap3A_96 = arith.constant 112 : index
    %swap3A_97 = tpu.vector_load %arg5[%swap3A_96] {strides = array<i32>} : memref<128xf32, #tpu.memory_space<vmem>>, vector<16xf32>,
    %swap3A_98 = vector.shape_cast %swap3A_97 : vector<16xf32> to vector<16xf32>
    %swap3A_99 = vector.shape_cast %broadcast_in_dim3A_95 : vector<16xf32> to vector<16xf32>
    tpu.vector_store %arg5[%swap3A_96], %swap3A_99 {strides = array<i32>} : memref<128xf32, #tpu.memory_space<vmem>>, vector<16xf32>,
    %broadcast_in_dim3A_100 = arith.constant 0.000000e+00 : f32
    %broadcast_in_dim3A_101 = vector.broadcast %broadcast_in_dim3A_100 : f32 to vector<16xf32>
    %swap3A_102 = arith.constant 112 : index
    %swap3A_103 = tpu.vector_load %arg6[%swap3A_102] {strides = array<i32>} : memref<128xf32, #tpu.memory_space<vmem>>, vector<16xf32>,
    %swap3A_104 = vector.shape_cast %swap3A_103 : vector<16xf32> to vector<16xf32>
    %swap3A_105 = vector.shape_cast %broadcast_in_dim3A_101 : vector<16xf32> to vector<16xf32>
    tpu.vector_store %arg6[%swap3A_102], %swap3A_105 {strides = array<i32>} : memref<128xf32, #tpu.memory_space<vmem>>, vector<16xf32>,
    %lt3A_106 = arith.constant 17 : i32
    %lt3A_107 = arith.cmpi slt, %add3A, %lt3A_106 : i32
    %convert_element_type3A_108 = arith.extui %lt3A_107 : i1 to i32
    %cond3A = arith.constant 0 : i32
    %cond3A_109 = arith.cmpi ne, %convert_element_type3A_108, %cond3A : i32
    scf.if %cond3A_109 {
      %run_scoped3A = arith.constant 1 : i32
      "tpu.region"() ({
        %run_scoped3A_175 = tpu.sem_alloc : memref<!tpu.dma_semaphore, #tpu.memory_space<semaphore_mem>>
        %dma_start3A_176 = arith.constant 0 : i32
        %dma_start3A_177 = tpu.memref_slice %arg2[%run_scoped3A, %mul3A_11, %dma_start3A_176] : memref<2x2500x128xi32, #tpu.memory_space<hbm>> -> memref<1x80x128xi32, #tpu.memory_space<hbm>>
        %dma_start3A_178 = tpu.memref_squeeze %dma_start3A_177 : memref<1x80x128xi32, #tpu.memory_space<hbm>> -> memref<80x128xi32, #tpu.memory_space<hbm>>
        %dma_start3A_179 = arith.constant 0 : i32
        %dma_start3A_180 = tpu.memref_slice %arg2[%run_scoped3A, %mul3A_11, %dma_start3A_179] : memref<2x2500x128xi32, #tpu.memory_space<hbm>> -> memref<1x80x128xi32, #tpu.memory_space<hbm>>
        %dma_start3A_181 = tpu.memref_squeeze %dma_start3A_180 : memref<1x80x128xi32, #tpu.memory_space<hbm>> -> memref<80x128xi32, #tpu.memory_space<hbm>>
        tpu.enqueue_dma source(%dma_start3A_181 : memref<80x128xi32, #tpu.memory_space<hbm>>) target(%arg4 : memref<80x128xi32, #tpu.memory_space<vmem>>) target_semaphore(%run_scoped3A_175 : memref<!tpu.dma_semaphore, #tpu.memory_space<semaphore_mem>>)
        %dma_wait3A = arith.constant 0 : i32
        %dma_wait3A_182 = tpu.memref_slice %arg2[%run_scoped3A, %mul3A_11, %dma_wait3A] : memref<2x2500x128xi32, #tpu.memory_space<hbm>> -> memref<1x80x128xi32, #tpu.memory_space<hbm>>
        %dma_wait3A_183 = tpu.memref_squeeze %dma_wait3A_182 : memref<1x80x128xi32, #tpu.memory_space<hbm>> -> memref<80x128xi32, #tpu.memory_space<hbm>>
        %dma_wait3A_184 = arith.constant 0 : i32
        %dma_wait3A_185 = tpu.memref_slice %arg2[%run_scoped3A, %mul3A_11, %dma_wait3A_184] : memref<2x2500x128xi32, #tpu.memory_space<hbm>> -> memref<1x80x128xi32, #tpu.memory_space<hbm>>
        %dma_wait3A_186 = tpu.memref_squeeze %dma_wait3A_185 : memref<1x80x128xi32, #tpu.memory_space<hbm>> -> memref<80x128xi32, #tpu.memory_space<hbm>>
        tpu.wait_dma2 semaphore(%run_scoped3A_175 : memref<!tpu.dma_semaphore, #tpu.memory_space<semaphore_mem>>) src(%dma_wait3A_186 : memref<80x128xi32, #tpu.memory_space<hbm>>) dst(%arg4 : memref<80x128xi32, #tpu.memory_space<vmem>>)
        tpu.yield
      }) : () -> ()
    } else {
    }
    %ge3A = arith.constant 17 : i32
    %ge3A_110 = arith.cmpi sge, %add3A, %ge3A : i32
    %convert_element_type3A_111 = arith.extui %ge3A_110 : i1 to i32
    %cond3A_112 = arith.constant 0 : i32
    %cond3A_113 = arith.cmpi ne, %convert_element_type3A_111, %cond3A_112 : i32
    scf.if %cond3A_113 {
      %run_scoped3A = arith.constant 1 : i32
      "tpu.region"() ({
        %run_scoped3A_175 = tpu.sem_alloc : memref<!tpu.dma_semaphore, #tpu.memory_space<semaphore_mem>>
        %dma_start3A_176 = arith.constant 0 : i32
        %dma_start3A_177 = arith.constant 0 : i32
        %dma_start3A_178 = tpu.memref_slice %arg4[%dma_start3A_176, %dma_start3A_177] : memref<80x128xi32, #tpu.memory_space<vmem>> -> memref<76x128xi32, #tpu.memory_space<vmem>>
        %dma_start3A_179 = arith.constant 0 : i32
        %dma_start3A_180 = tpu.memref_slice %arg2[%run_scoped3A, %mul3A_11, %dma_start3A_179] : memref<2x2500x128xi32, #tpu.memory_space<hbm>> -> memref<1x76x128xi32, #tpu.memory_space<hbm>>
        %dma_start3A_181 = tpu.memref_squeeze %dma_start3A_180 : memref<1x76x128xi32, #tpu.memory_space<hbm>> -> memref<76x128xi32, #tpu.memory_space<hbm>>
        %dma_start3A_182 = arith.constant 0 : i32
        %dma_start3A_183 = arith.constant 0 : i32
        %dma_start3A_184 = tpu.memref_slice %arg4[%dma_start3A_182, %dma_start3A_183] : memref<80x128xi32, #tpu.memory_space<vmem>> -> memref<76x128xi32, #tpu.memory_space<vmem>>
        %dma_start3A_185 = arith.constant 0 : i32
        %dma_start3A_186 = tpu.memref_slice %arg2[%run_scoped3A, %mul3A_11, %dma_start3A_185] : memref<2x2500x128xi32, #tpu.memory_space<hbm>> -> memref<1x76x128xi32, #tpu.memory_space<hbm>>
        %dma_start3A_187 = tpu.memref_squeeze %dma_start3A_186 : memref<1x76x128xi32, #tpu.memory_space<hbm>> -> memref<76x128xi32, #tpu.memory_space<hbm>>
        tpu.enqueue_dma source(%dma_start3A_187 : memref<76x128xi32, #tpu.memory_space<hbm>>) target(%dma_start3A_184 : memref<76x128xi32, #tpu.memory_space<vmem>>) target_semaphore(%run_scoped3A_175 : memref<!tpu.dma_semaphore, #tpu.memory_space<semaphore_mem>>)
        %dma_wait3A = arith.constant 0 : i32
        %dma_wait3A_188 = arith.constant 0 : i32
        %dma_wait3A_189 = tpu.memref_slice %arg4[%dma_wait3A, %dma_wait3A_188] : memref<80x128xi32, #tpu.memory_space<vmem>> -> memref<76x128xi32, #tpu.memory_space<vmem>>
        %dma_wait3A_190 = arith.constant 0 : i32
        %dma_wait3A_191 = tpu.memref_slice %arg2[%run_scoped3A, %mul3A_11, %dma_wait3A_190] : memref<2x2500x128xi32, #tpu.memory_space<hbm>> -> memref<1x76x128xi32, #tpu.memory_space<hbm>>
        %dma_wait3A_192 = tpu.memref_squeeze %dma_wait3A_191 : memref<1x76x128xi32, #tpu.memory_space<hbm>> -> memref<76x128xi32, #tpu.memory_space<hbm>>
        %dma_wait3A_193 = arith.constant 0 : i32
        %dma_wait3A_194 = arith.constant 0 : i32
        %dma_wait3A_195 = tpu.memref_slice %arg4[%dma_wait3A_193, %dma_wait3A_194] : memref<80x128xi32, #tpu.memory_space<vmem>> -> memref<76x128xi32, #tpu.memory_space<vmem>>
        %dma_wait3A_196 = arith.constant 0 : i32
        %dma_wait3A_197 = tpu.memref_slice %arg2[%run_scoped3A, %mul3A_11, %dma_wait3A_196] : memref<2x2500x128xi32, #tpu.memory_space<hbm>> -> memref<1x76x128xi32, #tpu.memory_space<hbm>>
        %dma_wait3A_198 = tpu.memref_squeeze %dma_wait3A_197 : memref<1x76x128xi32, #tpu.memory_space<hbm>> -> memref<76x128xi32, #tpu.memory_space<hbm>>
        tpu.wait_dma2 semaphore(%run_scoped3A_175 : memref<!tpu.dma_semaphore, #tpu.memory_space<semaphore_mem>>) src(%dma_wait3A_198 : memref<76x128xi32, #tpu.memory_space<hbm>>) dst(%dma_wait3A_195 : memref<76x128xi32, #tpu.memory_space<vmem>>)
        tpu.yield
      }) : () -> ()
    } else {
    }
    %mul3A_114 = arith.constant 640 : i32
    %mul3A_115 = arith.muli %arg1, %mul3A_114 : i32
    %add3A_116 = arith.constant 0 : i32
    %add3A_117 = arith.addi %mul3A_115, %add3A_116 : i32
    "tpu.region"() ({
      %run_scoped3A = tpu.sem_alloc : memref<!tpu.dma_semaphore, #tpu.memory_space<semaphore_mem>>
      %dma_start3A_175 = tpu.memref_slice %arg7[%add3A_117] : memref<10240xf32, #tpu.memory_space<vmem_shared>> -> memref<128xf32, #tpu.memory_space<vmem_shared>>
      %dma_start3A_176 = tpu.memref_slice %arg7[%add3A_117] : memref<10240xf32, #tpu.memory_space<vmem_shared>> -> memref<128xf32, #tpu.memory_space<vmem_shared>>
      tpu.enqueue_dma source(%arg6 : memref<128xf32, #tpu.memory_space<vmem>>) target(%dma_start3A_176 : memref<128xf32, #tpu.memory_space<vmem_shared>>) target_semaphore(%run_scoped3A : memref<!tpu.dma_semaphore, #tpu.memory_space<semaphore_mem>>)
      %dma_wait3A = tpu.memref_slice %arg7[%add3A_117] : memref<10240xf32, #tpu.memory_space<vmem_shared>> -> memref<128xf32, #tpu.memory_space<vmem_shared>>
      %dma_wait3A_177 = tpu.memref_slice %arg7[%add3A_117] : memref<10240xf32, #tpu.memory_space<vmem_shared>> -> memref<128xf32, #tpu.memory_space<vmem_shared>>
      tpu.wait_dma2 semaphore(%run_scoped3A : memref<!tpu.dma_semaphore, #tpu.memory_space<semaphore_mem>>) src(%arg6 : memref<128xf32, #tpu.memory_space<vmem>>) dst(%dma_wait3A_177 : memref<128xf32, #tpu.memory_space<vmem_shared>>)
      tpu.yield
    }) : () -> ()
    %add3A_118 = arith.constant 128 : i32
    %add3A_119 = arith.addi %mul3A_115, %add3A_118 : i32
    "tpu.region"() ({
      %run_scoped3A = tpu.sem_alloc : memref<!tpu.dma_semaphore, #tpu.memory_space<semaphore_mem>>
      %dma_start3A_175 = tpu.memref_slice %arg7[%add3A_119] : memref<10240xf32, #tpu.memory_space<vmem_shared>> -> memref<128xf32, #tpu.memory_space<vmem_shared>>
      %dma_start3A_176 = tpu.memref_slice %arg7[%add3A_119] : memref<10240xf32, #tpu.memory_space<vmem_shared>> -> memref<128xf32, #tpu.memory_space<vmem_shared>>
      tpu.enqueue_dma source(%arg6 : memref<128xf32, #tpu.memory_space<vmem>>) target(%dma_start3A_176 : memref<128xf32, #tpu.memory_space<vmem_shared>>) target_semaphore(%run_scoped3A : memref<!tpu.dma_semaphore, #tpu.memory_space<semaphore_mem>>)
      %dma_wait3A = tpu.memref_slice %arg7[%add3A_119] : memref<10240xf32, #tpu.memory_space<vmem_shared>> -> memref<128xf32, #tpu.memory_space<vmem_shared>>
      %dma_wait3A_177 = tpu.memref_slice %arg7[%add3A_119] : memref<10240xf32, #tpu.memory_space<vmem_shared>> -> memref<128xf32, #tpu.memory_space<vmem_shared>>
      tpu.wait_dma2 semaphore(%run_scoped3A : memref<!tpu.dma_semaphore, #tpu.memory_space<semaphore_mem>>) src(%arg6 : memref<128xf32, #tpu.memory_space<vmem>>) dst(%dma_wait3A_177 : memref<128xf32, #tpu.memory_space<vmem_shared>>)
      tpu.yield
    }) : () -> ()
    %add3A_120 = arith.constant 256 : i32
    %add3A_121 = arith.addi %mul3A_115, %add3A_120 : i32
    "tpu.region"() ({
      %run_scoped3A = tpu.sem_alloc : memref<!tpu.dma_semaphore, #tpu.memory_space<semaphore_mem>>
      %dma_start3A_175 = tpu.memref_slice %arg7[%add3A_121] : memref<10240xf32, #tpu.memory_space<vmem_shared>> -> memref<128xf32, #tpu.memory_space<vmem_shared>>
      %dma_start3A_176 = tpu.memref_slice %arg7[%add3A_121] : memref<10240xf32, #tpu.memory_space<vmem_shared>> -> memref<128xf32, #tpu.memory_space<vmem_shared>>
      tpu.enqueue_dma source(%arg6 : memref<128xf32, #tpu.memory_space<vmem>>) target(%dma_start3A_176 : memref<128xf32, #tpu.memory_space<vmem_shared>>) target_semaphore(%run_scoped3A : memref<!tpu.dma_semaphore, #tpu.memory_space<semaphore_mem>>)
      %dma_wait3A = tpu.memref_slice %arg7[%add3A_121] : memref<10240xf32, #tpu.memory_space<vmem_shared>> -> memref<128xf32, #tpu.memory_space<vmem_shared>>
      %dma_wait3A_177 = tpu.memref_slice %arg7[%add3A_121] : memref<10240xf32, #tpu.memory_space<vmem_shared>> -> memref<128xf32, #tpu.memory_space<vmem_shared>>
      tpu.wait_dma2 semaphore(%run_scoped3A : memref<!tpu.dma_semaphore, #tpu.memory_space<semaphore_mem>>) src(%arg6 : memref<128xf32, #tpu.memory_space<vmem>>) dst(%dma_wait3A_177 : memref<128xf32, #tpu.memory_space<vmem_shared>>)
      tpu.yield
    }) : () -> ()
    %add3A_122 = arith.constant 384 : i32
    %add3A_123 = arith.addi %mul3A_115, %add3A_122 : i32
    "tpu.region"() ({
      %run_scoped3A = tpu.sem_alloc : memref<!tpu.dma_semaphore, #tpu.memory_space<semaphore_mem>>
      %dma_start3A_175 = tpu.memref_slice %arg7[%add3A_123] : memref<10240xf32, #tpu.memory_space<vmem_shared>> -> memref<128xf32, #tpu.memory_space<vmem_shared>>
      %dma_start3A_176 = tpu.memref_slice %arg7[%add3A_123] : memref<10240xf32, #tpu.memory_space<vmem_shared>> -> memref<128xf32, #tpu.memory_space<vmem_shared>>
      tpu.enqueue_dma source(%arg6 : memref<128xf32, #tpu.memory_space<vmem>>) target(%dma_start3A_176 : memref<128xf32, #tpu.memory_space<vmem_shared>>) target_semaphore(%run_scoped3A : memref<!tpu.dma_semaphore, #tpu.memory_space<semaphore_mem>>)
      %dma_wait3A = tpu.memref_slice %arg7[%add3A_123] : memref<10240xf32, #tpu.memory_space<vmem_shared>> -> memref<128xf32, #tpu.memory_space<vmem_shared>>
      %dma_wait3A_177 = tpu.memref_slice %arg7[%add3A_123] : memref<10240xf32, #tpu.memory_space<vmem_shared>> -> memref<128xf32, #tpu.memory_space<vmem_shared>>
      tpu.wait_dma2 semaphore(%run_scoped3A : memref<!tpu.dma_semaphore, #tpu.memory_space<semaphore_mem>>) src(%arg6 : memref<128xf32, #tpu.memory_space<vmem>>) dst(%dma_wait3A_177 : memref<128xf32, #tpu.memory_space<vmem_shared>>)
      tpu.yield
    }) : () -> ()
    %add3A_124 = arith.constant 512 : i32
    %add3A_125 = arith.addi %mul3A_115, %add3A_124 : i32
    "tpu.region"() ({
      %run_scoped3A = tpu.sem_alloc : memref<!tpu.dma_semaphore, #tpu.memory_space<semaphore_mem>>
      %dma_start3A_175 = tpu.memref_slice %arg7[%add3A_125] : memref<10240xf32, #tpu.memory_space<vmem_shared>> -> memref<128xf32, #tpu.memory_space<vmem_shared>>
      %dma_start3A_176 = tpu.memref_slice %arg7[%add3A_125] : memref<10240xf32, #tpu.memory_space<vmem_shared>> -> memref<128xf32, #tpu.memory_space<vmem_shared>>
      tpu.enqueue_dma source(%arg6 : memref<128xf32, #tpu.memory_space<vmem>>) target(%dma_start3A_176 : memref<128xf32, #tpu.memory_space<vmem_shared>>) target_semaphore(%run_scoped3A : memref<!tpu.dma_semaphore, #tpu.memory_space<semaphore_mem>>)
      %dma_wait3A = tpu.memref_slice %arg7[%add3A_125] : memref<10240xf32, #tpu.memory_space<vmem_shared>> -> memref<128xf32, #tpu.memory_space<vmem_shared>>
      %dma_wait3A_177 = tpu.memref_slice %arg7[%add3A_125] : memref<10240xf32, #tpu.memory_space<vmem_shared>> -> memref<128xf32, #tpu.memory_space<vmem_shared>>
      tpu.wait_dma2 semaphore(%run_scoped3A : memref<!tpu.dma_semaphore, #tpu.memory_space<semaphore_mem>>) src(%arg6 : memref<128xf32, #tpu.memory_space<vmem>>) dst(%dma_wait3A_177 : memref<128xf32, #tpu.memory_space<vmem_shared>>)
      tpu.yield
    }) : () -> ()
    %barrier3A = arith.constant 0 : index
    tpu.barrier barrier_id(%barrier3A)
    %dma_start3A = arith.constant 0 : i32
    %dma_start3A_126 = arith.constant 0 : i32
    %dma_start3A_127 = tpu.memref_slice %arg4[%dma_start3A, %dma_start3A_126] : memref<80x128xi32, #tpu.memory_space<vmem>> -> memref<1x128xi32, #tpu.memory_space<vmem>>
    %dma_start3A_128 = tpu.memref_squeeze %dma_start3A_127 : memref<1x128xi32, #tpu.memory_space<vmem>> -> memref<128xi32, #tpu.memory_space<vmem>>
    %dma_start3A_129 = arith.constant 0 : i32
    %dma_start3A_130 = tpu.memref_slice %arg7[%dma_start3A_129] : memref<10240xf32, #tpu.memory_space<vmem_shared>> -> memref<10240xf32, #tpu.memory_space<vmem_shared>>
    tpu.enqueue_indirect_dma source(%arg5 : memref<128xf32, #tpu.memory_space<vmem>>) target(%dma_start3A_130 : memref<10240xf32, #tpu.memory_space<vmem_shared>>) offsets(%dma_start3A_128 : memref<128xi32, #tpu.memory_space<vmem>>) semaphore(%arg8 : memref<!tpu.dma_semaphore, #tpu.memory_space<semaphore_mem>>) {add = true}
    %dma_start3A_131 = arith.constant 1 : i32
    %dma_start3A_132 = arith.constant 0 : i32
    %dma_start3A_133 = tpu.memref_slice %arg4[%dma_start3A_131, %dma_start3A_132] : memref<80x128xi32, #tpu.memory_space<vmem>> -> memref<1x128xi32, #tpu.memory_space<vmem>>
    %dma_start3A_134 = tpu.memref_squeeze %dma_start3A_133 : memref<1x128xi32, #tpu.memory_space<vmem>> -> memref<128xi32, #tpu.memory_space<vmem>>
    %dma_start3A_135 = arith.constant 0 : i32
    %dma_start3A_136 = tpu.memref_slice %arg7[%dma_start3A_135] : memref<10240xf32, #tpu.memory_space<vmem_shared>> -> memref<10240xf32, #tpu.memory_space<vmem_shared>>
    tpu.enqueue_indirect_dma source(%arg5 : memref<128xf32, #tpu.memory_space<vmem>>) target(%dma_start3A_136 : memref<10240xf32, #tpu.memory_space<vmem_shared>>) offsets(%dma_start3A_134 : memref<128xi32, #tpu.memory_space<vmem>>) semaphore(%arg9 : memref<!tpu.dma_semaphore, #tpu.memory_space<semaphore_mem>>) {add = true}
    %dma_start3A_137 = arith.constant 2 : i32
    %dma_start3A_138 = arith.constant 0 : i32
    %dma_start3A_139 = tpu.memref_slice %arg4[%dma_start3A_137, %dma_start3A_138] : memref<80x128xi32, #tpu.memory_space<vmem>> -> memref<1x128xi32, #tpu.memory_space<vmem>>
    %dma_start3A_140 = tpu.memref_squeeze %dma_start3A_139 : memref<1x128xi32, #tpu.memory_space<vmem>> -> memref<128xi32, #tpu.memory_space<vmem>>
    %dma_start3A_141 = arith.constant 0 : i32
    %dma_start3A_142 = tpu.memref_slice %arg7[%dma_start3A_141] : memref<10240xf32, #tpu.memory_space<vmem_shared>> -> memref<10240xf32, #tpu.memory_space<vmem_shared>>
    tpu.enqueue_indirect_dma source(%arg5 : memref<128xf32, #tpu.memory_space<vmem>>) target(%dma_start3A_142 : memref<10240xf32, #tpu.memory_space<vmem_shared>>) offsets(%dma_start3A_140 : memref<128xi32, #tpu.memory_space<vmem>>) semaphore(%arg10 : memref<!tpu.dma_semaphore, #tpu.memory_space<semaphore_mem>>) {add = true}
    %dma_start3A_143 = arith.constant 3 : i32
    %dma_start3A_144 = arith.constant 0 : i32
    %dma_start3A_145 = tpu.memref_slice %arg4[%dma_start3A_143, %dma_start3A_144] : memref<80x128xi32, #tpu.memory_space<vmem>> -> memref<1x128xi32, #tpu.memory_space<vmem>>
    %dma_start3A_146 = tpu.memref_squeeze %dma_start3A_145 : memref<1x128xi32, #tpu.memory_space<vmem>> -> memref<128xi32, #tpu.memory_space<vmem>>
    %dma_start3A_147 = arith.constant 0 : i32
    %dma_start3A_148 = tpu.memref_slice %arg7[%dma_start3A_147] : memref<10240xf32, #tpu.memory_space<vmem_shared>> -> memref<10240xf32, #tpu.memory_space<vmem_shared>>
    tpu.enqueue_indirect_dma source(%arg5 : memref<128xf32, #tpu.memory_space<vmem>>) target(%dma_start3A_148 : memref<10240xf32, #tpu.memory_space<vmem_shared>>) offsets(%dma_start3A_146 : memref<128xi32, #tpu.memory_space<vmem>>) semaphore(%arg11 : memref<!tpu.dma_semaphore, #tpu.memory_space<semaphore_mem>>) {add = true}
    %jit3A = arith.constant 4 : i32
    %div3A = arith.divsi %mul3A_5, %jit3A : i32
    %sign3A = arith.constant 0 : i32
    %sign3A_149 = arith.cmpi sgt, %mul3A_5, %sign3A : i32
    %sign3A_150 = arith.extui %sign3A_149 : i1 to i32
    %sign3A_151 = arith.constant 0 : i32
    %sign3A_152 = arith.cmpi slt, %mul3A_5, %sign3A_151 : i32
    %sign3A_153 = arith.extui %sign3A_152 : i1 to i32
    %sign3A_154 = arith.subi %sign3A_150, %sign3A_153 : i32
    %sign3A_155 = arith.constant 0 : i32
    %sign3A_156 = arith.cmpi sgt, %jit3A, %sign3A_155 : i32
    %sign3A_157 = arith.extui %sign3A_156 : i1 to i32
    %sign3A_158 = arith.constant 0 : i32
    %sign3A_159 = arith.cmpi slt, %jit3A, %sign3A_158 : i32
    %sign3A_160 = arith.extui %sign3A_159 : i1 to i32
    %sign3A_161 = arith.subi %sign3A_157, %sign3A_160 : i32
    %ne3A = arith.cmpi ne, %sign3A_154, %sign3A_161 : i32
    %rem3A = arith.remsi %mul3A_5, %jit3A : i32
    %ne3A_162 = arith.constant 0 : i32
    %ne3A_163 = arith.cmpi ne, %rem3A, %ne3A_162 : i32
    %and3A = arith.andi %ne3A, %ne3A_163 : i1
    %sub3A = arith.constant 1 : i32
    %sub3A_164 = arith.subi %div3A, %sub3A : i32
    %select_n3A = arith.select %and3A, %sub3A_164, %div3A : i32
    %while3A = arith.constant 0 : i32
    %while3A_165 = arith.constant 0 : i32
    %while3A_166 = arith.subi %select_n3A, %while3A_165 : i32
    %while3A_167 = arith.addi %while3A_165, %while3A_166 : i32
    %while3A_168 = arith.constant 1 : i32
    %while3A_169 = arith.divsi %while3A_166, %while3A_168 : i32
    %while3A_170 = arith.muli %while3A_169, %while3A_168 : i32
    %while3A_171 = arith.addi %while3A_165, %while3A_170 : i32
    %while3A_172 = arith.constant 1 : i32
    scf.for %while3A_175 = %while3A_165 to %while3A_171 step %while3A_172  : i32 {
      %mul3A_176 = arith.constant 4 : i32
      %mul3A_177 = arith.muli %while3A_175, %mul3A_176 : i32
      %add3A_178 = arith.constant 0 : i32
      %add3A_179 = arith.addi %mul3A_177, %add3A_178 : i32
      %dma_wait3A = arith.constant 0 : i32
      %dma_wait3A_180 = tpu.memref_slice %arg4[%add3A_179, %dma_wait3A] : memref<80x128xi32, #tpu.memory_space<vmem>> -> memref<1x128xi32, #tpu.memory_space<vmem>>
      %dma_wait3A_181 = tpu.memref_squeeze %dma_wait3A_180 : memref<1x128xi32, #tpu.memory_space<vmem>> -> memref<128xi32, #tpu.memory_space<vmem>>
      %dma_wait3A_182 = arith.constant 0 : i32
      %dma_wait3A_183 = tpu.memref_slice %arg7[%dma_wait3A_182] : memref<10240xf32, #tpu.memory_space<vmem_shared>> -> memref<10240xf32, #tpu.memory_space<vmem_shared>>
      tpu.wait_indirect_dma semaphore(%arg8 : memref<!tpu.dma_semaphore, #tpu.memory_space<semaphore_mem>>) src(%arg5 : memref<128xf32, #tpu.memory_space<vmem>>) dst(%dma_wait3A_183 : memref<10240xf32, #tpu.memory_space<vmem_shared>>)
      %add3A_184 = arith.constant 4 : i32
      %add3A_185 = arith.addi %add3A_179, %add3A_184 : i32
      %lt3A_186 = arith.cmpi slt, %add3A_185, %mul3A_5 : i32
      %convert_element_type3A_187 = arith.extui %lt3A_186 : i1 to i32
      %cond3A_188 = arith.constant 0 : i32
      %cond3A_189 = arith.cmpi ne, %convert_element_type3A_187, %cond3A_188 : i32
      scf.if %cond3A_189 {
        %add3A_235 = arith.constant 4 : i32
        %add3A_236 = arith.addi %add3A_179, %add3A_235 : i32
        %dma_start3A_237 = arith.constant 0 : i32
        %dma_start3A_238 = tpu.memref_slice %arg4[%add3A_236, %dma_start3A_237] : memref<80x128xi32, #tpu.memory_space<vmem>> -> memref<1x128xi32, #tpu.memory_space<vmem>>
        %dma_start3A_239 = tpu.memref_squeeze %dma_start3A_238 : memref<1x128xi32, #tpu.memory_space<vmem>> -> memref<128xi32, #tpu.memory_space<vmem>>
        %dma_start3A_240 = arith.constant 0 : i32
        %dma_start3A_241 = tpu.memref_slice %arg7[%dma_start3A_240] : memref<10240xf32, #tpu.memory_space<vmem_shared>> -> memref<10240xf32, #tpu.memory_space<vmem_shared>>
        tpu.enqueue_indirect_dma source(%arg5 : memref<128xf32, #tpu.memory_space<vmem>>) target(%dma_start3A_241 : memref<10240xf32, #tpu.memory_space<vmem_shared>>) offsets(%dma_start3A_239 : memref<128xi32, #tpu.memory_space<vmem>>) semaphore(%arg8 : memref<!tpu.dma_semaphore, #tpu.memory_space<semaphore_mem>>) {add = true}
      } else {
      }
      %mul3A_190 = arith.constant 4 : i32
      %mul3A_191 = arith.muli %while3A_175, %mul3A_190 : i32
      %add3A_192 = arith.constant 1 : i32
      %add3A_193 = arith.addi %mul3A_191, %add3A_192 : i32
      %dma_wait3A_194 = arith.constant 0 : i32
      %dma_wait3A_195 = tpu.memref_slice %arg4[%add3A_193, %dma_wait3A_194] : memref<80x128xi32, #tpu.memory_space<vmem>> -> memref<1x128xi32, #tpu.memory_space<vmem>>
      %dma_wait3A_196 = tpu.memref_squeeze %dma_wait3A_195 : memref<1x128xi32, #tpu.memory_space<vmem>> -> memref<128xi32, #tpu.memory_space<vmem>>
      %dma_wait3A_197 = arith.constant 0 : i32
      %dma_wait3A_198 = tpu.memref_slice %arg7[%dma_wait3A_197] : memref<10240xf32, #tpu.memory_space<vmem_shared>> -> memref<10240xf32, #tpu.memory_space<vmem_shared>>
      tpu.wait_indirect_dma semaphore(%arg9 : memref<!tpu.dma_semaphore, #tpu.memory_space<semaphore_mem>>) src(%arg5 : memref<128xf32, #tpu.memory_space<vmem>>) dst(%dma_wait3A_198 : memref<10240xf32, #tpu.memory_space<vmem_shared>>)
      %add3A_199 = arith.constant 4 : i32
      %add3A_200 = arith.addi %add3A_193, %add3A_199 : i32
      %lt3A_201 = arith.cmpi slt, %add3A_200, %mul3A_5 : i32
      %convert_element_type3A_202 = arith.extui %lt3A_201 : i1 to i32
      %cond3A_203 = arith.constant 0 : i32
      %cond3A_204 = arith.cmpi ne, %convert_element_type3A_202, %cond3A_203 : i32
      scf.if %cond3A_204 {
        %add3A_235 = arith.constant 4 : i32
        %add3A_236 = arith.addi %add3A_193, %add3A_235 : i32
        %dma_start3A_237 = arith.constant 0 : i32
        %dma_start3A_238 = tpu.memref_slice %arg4[%add3A_236, %dma_start3A_237] : memref<80x128xi32, #tpu.memory_space<vmem>> -> memref<1x128xi32, #tpu.memory_space<vmem>>
        %dma_start3A_239 = tpu.memref_squeeze %dma_start3A_238 : memref<1x128xi32, #tpu.memory_space<vmem>> -> memref<128xi32, #tpu.memory_space<vmem>>
        %dma_start3A_240 = arith.constant 0 : i32
        %dma_start3A_241 = tpu.memref_slice %arg7[%dma_start3A_240] : memref<10240xf32, #tpu.memory_space<vmem_shared>> -> memref<10240xf32, #tpu.memory_space<vmem_shared>>
        tpu.enqueue_indirect_dma source(%arg5 : memref<128xf32, #tpu.memory_space<vmem>>) target(%dma_start3A_241 : memref<10240xf32, #tpu.memory_space<vmem_shared>>) offsets(%dma_start3A_239 : memref<128xi32, #tpu.memory_space<vmem>>) semaphore(%arg9 : memref<!tpu.dma_semaphore, #tpu.memory_space<semaphore_mem>>) {add = true}
      } else {
      }
      %mul3A_205 = arith.constant 4 : i32
      %mul3A_206 = arith.muli %while3A_175, %mul3A_205 : i32
      %add3A_207 = arith.constant 2 : i32
      %add3A_208 = arith.addi %mul3A_206, %add3A_207 : i32
      %dma_wait3A_209 = arith.constant 0 : i32
      %dma_wait3A_210 = tpu.memref_slice %arg4[%add3A_208, %dma_wait3A_209] : memref<80x128xi32, #tpu.memory_space<vmem>> -> memref<1x128xi32, #tpu.memory_space<vmem>>
      %dma_wait3A_211 = tpu.memref_squeeze %dma_wait3A_210 : memref<1x128xi32, #tpu.memory_space<vmem>> -> memref<128xi32, #tpu.memory_space<vmem>>
      %dma_wait3A_212 = arith.constant 0 : i32
      %dma_wait3A_213 = tpu.memref_slice %arg7[%dma_wait3A_212] : memref<10240xf32, #tpu.memory_space<vmem_shared>> -> memref<10240xf32, #tpu.memory_space<vmem_shared>>
      tpu.wait_indirect_dma semaphore(%arg10 : memref<!tpu.dma_semaphore, #tpu.memory_space<semaphore_mem>>) src(%arg5 : memref<128xf32, #tpu.memory_space<vmem>>) dst(%dma_wait3A_213 : memref<10240xf32, #tpu.memory_space<vmem_shared>>)
      %add3A_214 = arith.constant 4 : i32
      %add3A_215 = arith.addi %add3A_208, %add3A_214 : i32
      %lt3A_216 = arith.cmpi slt, %add3A_215, %mul3A_5 : i32
      %convert_element_type3A_217 = arith.extui %lt3A_216 : i1 to i32
      %cond3A_218 = arith.constant 0 : i32
      %cond3A_219 = arith.cmpi ne, %convert_element_type3A_217, %cond3A_218 : i32
      scf.if %cond3A_219 {
        %add3A_235 = arith.constant 4 : i32
        %add3A_236 = arith.addi %add3A_208, %add3A_235 : i32
        %dma_start3A_237 = arith.constant 0 : i32
        %dma_start3A_238 = tpu.memref_slice %arg4[%add3A_236, %dma_start3A_237] : memref<80x128xi32, #tpu.memory_space<vmem>> -> memref<1x128xi32, #tpu.memory_space<vmem>>
        %dma_start3A_239 = tpu.memref_squeeze %dma_start3A_238 : memref<1x128xi32, #tpu.memory_space<vmem>> -> memref<128xi32, #tpu.memory_space<vmem>>
        %dma_start3A_240 = arith.constant 0 : i32
        %dma_start3A_241 = tpu.memref_slice %arg7[%dma_start3A_240] : memref<10240xf32, #tpu.memory_space<vmem_shared>> -> memref<10240xf32, #tpu.memory_space<vmem_shared>>
        tpu.enqueue_indirect_dma source(%arg5 : memref<128xf32, #tpu.memory_space<vmem>>) target(%dma_start3A_241 : memref<10240xf32, #tpu.memory_space<vmem_shared>>) offsets(%dma_start3A_239 : memref<128xi32, #tpu.memory_space<vmem>>) semaphore(%arg10 : memref<!tpu.dma_semaphore, #tpu.memory_space<semaphore_mem>>) {add = true}
      } else {
      }
      %mul3A_220 = arith.constant 4 : i32
      %mul3A_221 = arith.muli %while3A_175, %mul3A_220 : i32
      %add3A_222 = arith.constant 3 : i32
      %add3A_223 = arith.addi %mul3A_221, %add3A_222 : i32
      %dma_wait3A_224 = arith.constant 0 : i32
      %dma_wait3A_225 = tpu.memref_slice %arg4[%add3A_223, %dma_wait3A_224] : memref<80x128xi32, #tpu.memory_space<vmem>> -> memref<1x128xi32, #tpu.memory_space<vmem>>
      %dma_wait3A_226 = tpu.memref_squeeze %dma_wait3A_225 : memref<1x128xi32, #tpu.memory_space<vmem>> -> memref<128xi32, #tpu.memory_space<vmem>>
      %dma_wait3A_227 = arith.constant 0 : i32
      %dma_wait3A_228 = tpu.memref_slice %arg7[%dma_wait3A_227] : memref<10240xf32, #tpu.memory_space<vmem_shared>> -> memref<10240xf32, #tpu.memory_space<vmem_shared>>
      tpu.wait_indirect_dma semaphore(%arg11 : memref<!tpu.dma_semaphore, #tpu.memory_space<semaphore_mem>>) src(%arg5 : memref<128xf32, #tpu.memory_space<vmem>>) dst(%dma_wait3A_228 : memref<10240xf32, #tpu.memory_space<vmem_shared>>)
      %add3A_229 = arith.constant 4 : i32
      %add3A_230 = arith.addi %add3A_223, %add3A_229 : i32
      %lt3A_231 = arith.cmpi slt, %add3A_230, %mul3A_5 : i32
      %convert_element_type3A_232 = arith.extui %lt3A_231 : i1 to i32
      %cond3A_233 = arith.constant 0 : i32
      %cond3A_234 = arith.cmpi ne, %convert_element_type3A_232, %cond3A_233 : i32
      scf.if %cond3A_234 {
        %add3A_235 = arith.constant 4 : i32
        %add3A_236 = arith.addi %add3A_223, %add3A_235 : i32
        %dma_start3A_237 = arith.constant 0 : i32
        %dma_start3A_238 = tpu.memref_slice %arg4[%add3A_236, %dma_start3A_237] : memref<80x128xi32, #tpu.memory_space<vmem>> -> memref<1x128xi32, #tpu.memory_space<vmem>>
        %dma_start3A_239 = tpu.memref_squeeze %dma_start3A_238 : memref<1x128xi32, #tpu.memory_space<vmem>> -> memref<128xi32, #tpu.memory_space<vmem>>
        %dma_start3A_240 = arith.constant 0 : i32
        %dma_start3A_241 = tpu.memref_slice %arg7[%dma_start3A_240] : memref<10240xf32, #tpu.memory_space<vmem_shared>> -> memref<10240xf32, #tpu.memory_space<vmem_shared>>
        tpu.enqueue_indirect_dma source(%arg5 : memref<128xf32, #tpu.memory_space<vmem>>) target(%dma_start3A_241 : memref<10240xf32, #tpu.memory_space<vmem_shared>>) offsets(%dma_start3A_239 : memref<128xi32, #tpu.memory_space<vmem>>) semaphore(%arg11 : memref<!tpu.dma_semaphore, #tpu.memory_space<semaphore_mem>>) {add = true}
      } else {
      }
    }
    %while3A_173 = arith.constant 1 : i32
    scf.for %while3A_175 = %while3A_171 to %while3A_167 step %while3A_173  : i32 {
      %mul3A_176 = arith.constant 4 : i32
      %mul3A_177 = arith.muli %while3A_175, %mul3A_176 : i32
      %add3A_178 = arith.constant 0 : i32
      %add3A_179 = arith.addi %mul3A_177, %add3A_178 : i32
      %dma_wait3A = arith.constant 0 : i32
      %dma_wait3A_180 = tpu.memref_slice %arg4[%add3A_179, %dma_wait3A] : memref<80x128xi32, #tpu.memory_space<vmem>> -> memref<1x128xi32, #tpu.memory_space<vmem>>
      %dma_wait3A_181 = tpu.memref_squeeze %dma_wait3A_180 : memref<1x128xi32, #tpu.memory_space<vmem>> -> memref<128xi32, #tpu.memory_space<vmem>>
      %dma_wait3A_182 = arith.constant 0 : i32
      %dma_wait3A_183 = tpu.memref_slice %arg7[%dma_wait3A_182] : memref<10240xf32, #tpu.memory_space<vmem_shared>> -> memref<10240xf32, #tpu.memory_space<vmem_shared>>
      tpu.wait_indirect_dma semaphore(%arg8 : memref<!tpu.dma_semaphore, #tpu.memory_space<semaphore_mem>>) src(%arg5 : memref<128xf32, #tpu.memory_space<vmem>>) dst(%dma_wait3A_183 : memref<10240xf32, #tpu.memory_space<vmem_shared>>)
      %add3A_184 = arith.constant 4 : i32
      %add3A_185 = arith.addi %add3A_179, %add3A_184 : i32
      %lt3A_186 = arith.cmpi slt, %add3A_185, %mul3A_5 : i32
      %convert_element_type3A_187 = arith.extui %lt3A_186 : i1 to i32
      %cond3A_188 = arith.constant 0 : i32
      %cond3A_189 = arith.cmpi ne, %convert_element_type3A_187, %cond3A_188 : i32
      scf.if %cond3A_189 {
        %add3A_235 = arith.constant 4 : i32
        %add3A_236 = arith.addi %add3A_179, %add3A_235 : i32
        %dma_start3A_237 = arith.constant 0 : i32
        %dma_start3A_238 = tpu.memref_slice %arg4[%add3A_236, %dma_start3A_237] : memref<80x128xi32, #tpu.memory_space<vmem>> -> memref<1x128xi32, #tpu.memory_space<vmem>>
        %dma_start3A_239 = tpu.memref_squeeze %dma_start3A_238 : memref<1x128xi32, #tpu.memory_space<vmem>> -> memref<128xi32, #tpu.memory_space<vmem>>
        %dma_start3A_240 = arith.constant 0 : i32
        %dma_start3A_241 = tpu.memref_slice %arg7[%dma_start3A_240] : memref<10240xf32, #tpu.memory_space<vmem_shared>> -> memref<10240xf32, #tpu.memory_space<vmem_shared>>
        tpu.enqueue_indirect_dma source(%arg5 : memref<128xf32, #tpu.memory_space<vmem>>) target(%dma_start3A_241 : memref<10240xf32, #tpu.memory_space<vmem_shared>>) offsets(%dma_start3A_239 : memref<128xi32, #tpu.memory_space<vmem>>) semaphore(%arg8 : memref<!tpu.dma_semaphore, #tpu.memory_space<semaphore_mem>>) {add = true}
      } else {
      }
      %mul3A_190 = arith.constant 4 : i32
      %mul3A_191 = arith.muli %while3A_175, %mul3A_190 : i32
      %add3A_192 = arith.constant 1 : i32
      %add3A_193 = arith.addi %mul3A_191, %add3A_192 : i32
      %dma_wait3A_194 = arith.constant 0 : i32
      %dma_wait3A_195 = tpu.memref_slice %arg4[%add3A_193, %dma_wait3A_194] : memref<80x128xi32, #tpu.memory_space<vmem>> -> memref<1x128xi32, #tpu.memory_space<vmem>>
      %dma_wait3A_196 = tpu.memref_squeeze %dma_wait3A_195 : memref<1x128xi32, #tpu.memory_space<vmem>> -> memref<128xi32, #tpu.memory_space<vmem>>
      %dma_wait3A_197 = arith.constant 0 : i32
      %dma_wait3A_198 = tpu.memref_slice %arg7[%dma_wait3A_197] : memref<10240xf32, #tpu.memory_space<vmem_shared>> -> memref<10240xf32, #tpu.memory_space<vmem_shared>>
      tpu.wait_indirect_dma semaphore(%arg9 : memref<!tpu.dma_semaphore, #tpu.memory_space<semaphore_mem>>) src(%arg5 : memref<128xf32, #tpu.memory_space<vmem>>) dst(%dma_wait3A_198 : memref<10240xf32, #tpu.memory_space<vmem_shared>>)
      %add3A_199 = arith.constant 4 : i32
      %add3A_200 = arith.addi %add3A_193, %add3A_199 : i32
      %lt3A_201 = arith.cmpi slt, %add3A_200, %mul3A_5 : i32
      %convert_element_type3A_202 = arith.extui %lt3A_201 : i1 to i32
      %cond3A_203 = arith.constant 0 : i32
      %cond3A_204 = arith.cmpi ne, %convert_element_type3A_202, %cond3A_203 : i32
      scf.if %cond3A_204 {
        %add3A_235 = arith.constant 4 : i32
        %add3A_236 = arith.addi %add3A_193, %add3A_235 : i32
        %dma_start3A_237 = arith.constant 0 : i32
        %dma_start3A_238 = tpu.memref_slice %arg4[%add3A_236, %dma_start3A_237] : memref<80x128xi32, #tpu.memory_space<vmem>> -> memref<1x128xi32, #tpu.memory_space<vmem>>
        %dma_start3A_239 = tpu.memref_squeeze %dma_start3A_238 : memref<1x128xi32, #tpu.memory_space<vmem>> -> memref<128xi32, #tpu.memory_space<vmem>>
        %dma_start3A_240 = arith.constant 0 : i32
        %dma_start3A_241 = tpu.memref_slice %arg7[%dma_start3A_240] : memref<10240xf32, #tpu.memory_space<vmem_shared>> -> memref<10240xf32, #tpu.memory_space<vmem_shared>>
        tpu.enqueue_indirect_dma source(%arg5 : memref<128xf32, #tpu.memory_space<vmem>>) target(%dma_start3A_241 : memref<10240xf32, #tpu.memory_space<vmem_shared>>) offsets(%dma_start3A_239 : memref<128xi32, #tpu.memory_space<vmem>>) semaphore(%arg9 : memref<!tpu.dma_semaphore, #tpu.memory_space<semaphore_mem>>) {add = true}
      } else {
      }
      %mul3A_205 = arith.constant 4 : i32
      %mul3A_206 = arith.muli %while3A_175, %mul3A_205 : i32
      %add3A_207 = arith.constant 2 : i32
      %add3A_208 = arith.addi %mul3A_206, %add3A_207 : i32
      %dma_wait3A_209 = arith.constant 0 : i32
      %dma_wait3A_210 = tpu.memref_slice %arg4[%add3A_208, %dma_wait3A_209] : memref<80x128xi32, #tpu.memory_space<vmem>> -> memref<1x128xi32, #tpu.memory_space<vmem>>
      %dma_wait3A_211 = tpu.memref_squeeze %dma_wait3A_210 : memref<1x128xi32, #tpu.memory_space<vmem>> -> memref<128xi32, #tpu.memory_space<vmem>>
      %dma_wait3A_212 = arith.constant 0 : i32
      %dma_wait3A_213 = tpu.memref_slice %arg7[%dma_wait3A_212] : memref<10240xf32, #tpu.memory_space<vmem_shared>> -> memref<10240xf32, #tpu.memory_space<vmem_shared>>
      tpu.wait_indirect_dma semaphore(%arg10 : memref<!tpu.dma_semaphore, #tpu.memory_space<semaphore_mem>>) src(%arg5 : memref<128xf32, #tpu.memory_space<vmem>>) dst(%dma_wait3A_213 : memref<10240xf32, #tpu.memory_space<vmem_shared>>)
      %add3A_214 = arith.constant 4 : i32
      %add3A_215 = arith.addi %add3A_208, %add3A_214 : i32
      %lt3A_216 = arith.cmpi slt, %add3A_215, %mul3A_5 : i32
      %convert_element_type3A_217 = arith.extui %lt3A_216 : i1 to i32
      %cond3A_218 = arith.constant 0 : i32
      %cond3A_219 = arith.cmpi ne, %convert_element_type3A_217, %cond3A_218 : i32
      scf.if %cond3A_219 {
        %add3A_235 = arith.constant 4 : i32
        %add3A_236 = arith.addi %add3A_208, %add3A_235 : i32
        %dma_start3A_237 = arith.constant 0 : i32
        %dma_start3A_238 = tpu.memref_slice %arg4[%add3A_236, %dma_start3A_237] : memref<80x128xi32, #tpu.memory_space<vmem>> -> memref<1x128xi32, #tpu.memory_space<vmem>>
        %dma_start3A_239 = tpu.memref_squeeze %dma_start3A_238 : memref<1x128xi32, #tpu.memory_space<vmem>> -> memref<128xi32, #tpu.memory_space<vmem>>
        %dma_start3A_240 = arith.constant 0 : i32
        %dma_start3A_241 = tpu.memref_slice %arg7[%dma_start3A_240] : memref<10240xf32, #tpu.memory_space<vmem_shared>> -> memref<10240xf32, #tpu.memory_space<vmem_shared>>
        tpu.enqueue_indirect_dma source(%arg5 : memref<128xf32, #tpu.memory_space<vmem>>) target(%dma_start3A_241 : memref<10240xf32, #tpu.memory_space<vmem_shared>>) offsets(%dma_start3A_239 : memref<128xi32, #tpu.memory_space<vmem>>) semaphore(%arg10 : memref<!tpu.dma_semaphore, #tpu.memory_space<semaphore_mem>>) {add = true}
      } else {
      }
      %mul3A_220 = arith.constant 4 : i32
      %mul3A_221 = arith.muli %while3A_175, %mul3A_220 : i32
      %add3A_222 = arith.constant 3 : i32
      %add3A_223 = arith.addi %mul3A_221, %add3A_222 : i32
      %dma_wait3A_224 = arith.constant 0 : i32
      %dma_wait3A_225 = tpu.memref_slice %arg4[%add3A_223, %dma_wait3A_224] : memref<80x128xi32, #tpu.memory_space<vmem>> -> memref<1x128xi32, #tpu.memory_space<vmem>>
      %dma_wait3A_226 = tpu.memref_squeeze %dma_wait3A_225 : memref<1x128xi32, #tpu.memory_space<vmem>> -> memref<128xi32, #tpu.memory_space<vmem>>
      %dma_wait3A_227 = arith.constant 0 : i32
      %dma_wait3A_228 = tpu.memref_slice %arg7[%dma_wait3A_227] : memref<10240xf32, #tpu.memory_space<vmem_shared>> -> memref<10240xf32, #tpu.memory_space<vmem_shared>>
      tpu.wait_indirect_dma semaphore(%arg11 : memref<!tpu.dma_semaphore, #tpu.memory_space<semaphore_mem>>) src(%arg5 : memref<128xf32, #tpu.memory_space<vmem>>) dst(%dma_wait3A_228 : memref<10240xf32, #tpu.memory_space<vmem_shared>>)
      %add3A_229 = arith.constant 4 : i32
      %add3A_230 = arith.addi %add3A_223, %add3A_229 : i32
      %lt3A_231 = arith.cmpi slt, %add3A_230, %mul3A_5 : i32
      %convert_element_type3A_232 = arith.extui %lt3A_231 : i1 to i32
      %cond3A_233 = arith.constant 0 : i32
      %cond3A_234 = arith.cmpi ne, %convert_element_type3A_232, %cond3A_233 : i32
      scf.if %cond3A_234 {
        %add3A_235 = arith.constant 4 : i32
        %add3A_236 = arith.addi %add3A_223, %add3A_235 : i32
        %dma_start3A_237 = arith.constant 0 : i32
        %dma_start3A_238 = tpu.memref_slice %arg4[%add3A_236, %dma_start3A_237] : memref<80x128xi32, #tpu.memory_space<vmem>> -> memref<1x128xi32, #tpu.memory_space<vmem>>
        %dma_start3A_239 = tpu.memref_squeeze %dma_start3A_238 : memref<1x128xi32, #tpu.memory_space<vmem>> -> memref<128xi32, #tpu.memory_space<vmem>>
        %dma_start3A_240 = arith.constant 0 : i32
        %dma_start3A_241 = tpu.memref_slice %arg7[%dma_start3A_240] : memref<10240xf32, #tpu.memory_space<vmem_shared>> -> memref<10240xf32, #tpu.memory_space<vmem_shared>>
        tpu.enqueue_indirect_dma source(%arg5 : memref<128xf32, #tpu.memory_space<vmem>>) target(%dma_start3A_241 : memref<10240xf32, #tpu.memory_space<vmem_shared>>) offsets(%dma_start3A_239 : memref<128xi32, #tpu.memory_space<vmem>>) semaphore(%arg11 : memref<!tpu.dma_semaphore, #tpu.memory_space<semaphore_mem>>) {add = true}
      } else {
      }
    }
    %barrier3A_174 = arith.constant 0 : index
    tpu.barrier barrier_id(%barrier3A_174)
    "tpu.region"() ({
      %run_scoped3A = tpu.sem_alloc : memref<!tpu.dma_semaphore, #tpu.memory_space<semaphore_mem>>
      %dma_start3A_175 = tpu.memref_slice %arg3[%arg0, %mul3A_115] : memref<2x10240xf32, #tpu.memory_space<hbm>> -> memref<1x640xf32, #tpu.memory_space<hbm>>
      %dma_start3A_176 = tpu.memref_squeeze %dma_start3A_175 : memref<1x640xf32, #tpu.memory_space<hbm>> -> memref<640xf32, #tpu.memory_space<hbm>>
      %dma_start3A_177 = tpu.memref_slice %arg7[%mul3A_115] : memref<10240xf32, #tpu.memory_space<vmem_shared>> -> memref<640xf32, #tpu.memory_space<vmem_shared>>
      tpu.enqueue_dma source(%dma_start3A_177 : memref<640xf32, #tpu.memory_space<vmem_shared>>) target(%dma_start3A_176 : memref<640xf32, #tpu.memory_space<hbm>>) target_semaphore(%run_scoped3A : memref<!tpu.dma_semaphore, #tpu.memory_space<semaphore_mem>>)
      %dma_wait3A = tpu.memref_slice %arg3[%arg0, %mul3A_115] : memref<2x10240xf32, #tpu.memory_space<hbm>> -> memref<1x640xf32, #tpu.memory_space<hbm>>
      %dma_wait3A_178 = tpu.memref_squeeze %dma_wait3A : memref<1x640xf32, #tpu.memory_space<hbm>> -> memref<640xf32, #tpu.memory_space<hbm>>
      %dma_wait3A_179 = tpu.memref_slice %arg7[%mul3A_115] : memref<10240xf32, #tpu.memory_space<vmem_shared>> -> memref<640xf32, #tpu.memory_space<vmem_shared>>
      tpu.wait_dma2 semaphore(%run_scoped3A : memref<!tpu.dma_semaphore, #tpu.memory_space<semaphore_mem>>) src(%dma_wait3A_179 : memref<640xf32, #tpu.memory_space<vmem_shared>>) dst(%dma_wait3A_178 : memref<640xf32, #tpu.memory_space<hbm>>)
      tpu.yield
    }) : () -> ()
    return
  }
}

#map = affine_map<(d0, d1) -> (0, 0)>
#map1 = affine_map<(d0, d1) -> (0, 0, 0)>
module attributes {stable_mosaic.version = 14 : i64} {
  func.func @gcn_row_agg(%arg0: i32, %arg1: i32, %arg2: memref<10240x16xf32, #tpu.memory_space<hbm>>, %arg3: memref<2x2500x128xi32, #tpu.memory_space<hbm>>, %arg4: memref<2x10240x16xf32, #tpu.memory_space<hbm>>, %arg5: memref<80x128xi32, #tpu.memory_space<vmem>>, %arg6: memref<80x128xi32, #tpu.memory_space<vmem>>, %arg7: memref<8x128x16xf32, #tpu.memory_space<vmem>>, %arg8: memref<10240x16xf32, #tpu.memory_space<vmem_shared>>, %arg9: memref<10240x16xf32, #tpu.memory_space<vmem_shared>>, %arg10: memref<!tpu.dma_semaphore, #tpu.memory_space<semaphore_mem>>, %arg11: memref<!tpu.dma_semaphore, #tpu.memory_space<semaphore_mem>>, %arg12: memref<!tpu.dma_semaphore, #tpu.memory_space<semaphore_mem>>, %arg13: memref<!tpu.dma_semaphore, #tpu.memory_space<semaphore_mem>>, %arg14: memref<!tpu.dma_semaphore, #tpu.memory_space<semaphore_mem>>, %arg15: memref<!tpu.dma_semaphore, #tpu.memory_space<semaphore_mem>>, %arg16: memref<!tpu.dma_semaphore, #tpu.memory_space<semaphore_mem>>, %arg17: memref<!tpu.dma_semaphore, #tpu.memory_space<semaphore_mem>>, %arg18: memref<!tpu.dma_semaphore, #tpu.memory_space<semaphore_mem>>, %arg19: memref<!tpu.dma_semaphore, #tpu.memory_space<semaphore_mem>>, %arg20: memref<!tpu.dma_semaphore, #tpu.memory_space<semaphore_mem>>, %arg21: memref<!tpu.dma_semaphore, #tpu.memory_space<semaphore_mem>>, %arg22: memref<!tpu.dma_semaphore, #tpu.memory_space<semaphore_mem>>, %arg23: memref<!tpu.dma_semaphore, #tpu.memory_space<semaphore_mem>>, %arg24: memref<!tpu.dma_semaphore, #tpu.memory_space<semaphore_mem>>, %arg25: memref<!tpu.dma_semaphore, #tpu.memory_space<semaphore_mem>>) attributes {dimension_semantics = [#tpu.dimension_semantics<core_parallel>, #tpu.dimension_semantics<subcore_parallel>], iteration_bounds = array<i64: 2, 16>, scalar_prefetch = 0 : i64, scratch_operands = 21 : i64, tpu.core_type = #tpu.core_type<sc_vector_subcore>, window_params = [{transform_indices = #map}, {transform_indices = #map1}, {transform_indices = #map1}]} {
    %mul3A = arith.constant 2 : i32
    %mul3A_0 = arith.muli %arg1, %mul3A : i32
    %add3A = arith.addi %mul3A_0, %arg0 : i32
    %lt3A = arith.constant 17 : i32
    %lt3A_1 = arith.cmpi slt, %add3A, %lt3A : i32
    %convert_element_type3A = arith.extui %lt3A_1 : i1 to i32
    %add3A_2 = arith.constant 19 : i32
    %add3A_3 = arith.addi %add3A_2, %convert_element_type3A : i32
    %mul3A_4 = arith.constant 4 : i32
    %mul3A_5 = arith.muli %add3A_3, %mul3A_4 : i32
    %mul3A_6 = arith.constant 19 : i32
    %mul3A_7 = arith.muli %mul3A_6, %add3A : i32
    %min3A = arith.constant 17 : i32
    %min3A_8 = arith.minsi %add3A, %min3A : i32
    %add3A_9 = arith.addi %mul3A_7, %min3A_8 : i32
    %mul3A_10 = arith.constant 4 : i32
    %mul3A_11 = arith.muli %add3A_9, %mul3A_10 : i32
    %mul3A_12 = arith.constant 640 : i32
    %mul3A_13 = arith.muli %arg1, %mul3A_12 : i32
    %lt3A_14 = arith.constant 17 : i32
    %lt3A_15 = arith.cmpi slt, %add3A, %lt3A_14 : i32
    %convert_element_type3A_16 = arith.extui %lt3A_15 : i1 to i32
    %cond3A = arith.constant 0 : i32
    %cond3A_17 = arith.cmpi ne, %convert_element_type3A_16, %cond3A : i32
    scf.if %cond3A_17 {
      %run_scoped3A_143 = arith.constant 0 : i32
      "tpu.region"() ({
        %run_scoped3A_145 = tpu.sem_alloc : memref<!tpu.dma_semaphore, #tpu.memory_space<semaphore_mem>>
        %dma_start3A_146 = arith.constant 0 : i32
        %dma_start3A_147 = tpu.memref_slice %arg3[%run_scoped3A_143, %mul3A_11, %dma_start3A_146] : memref<2x2500x128xi32, #tpu.memory_space<hbm>> -> memref<1x80x128xi32, #tpu.memory_space<hbm>>
        %dma_start3A_148 = tpu.memref_squeeze %dma_start3A_147 : memref<1x80x128xi32, #tpu.memory_space<hbm>> -> memref<80x128xi32, #tpu.memory_space<hbm>>
        %dma_start3A_149 = arith.constant 0 : i32
        %dma_start3A_150 = tpu.memref_slice %arg3[%run_scoped3A_143, %mul3A_11, %dma_start3A_149] : memref<2x2500x128xi32, #tpu.memory_space<hbm>> -> memref<1x80x128xi32, #tpu.memory_space<hbm>>
        %dma_start3A_151 = tpu.memref_squeeze %dma_start3A_150 : memref<1x80x128xi32, #tpu.memory_space<hbm>> -> memref<80x128xi32, #tpu.memory_space<hbm>>
        tpu.enqueue_dma source(%dma_start3A_151 : memref<80x128xi32, #tpu.memory_space<hbm>>) target(%arg5 : memref<80x128xi32, #tpu.memory_space<vmem>>) target_semaphore(%run_scoped3A_145 : memref<!tpu.dma_semaphore, #tpu.memory_space<semaphore_mem>>)
        %dma_wait3A = arith.constant 0 : i32
        %dma_wait3A_152 = tpu.memref_slice %arg3[%run_scoped3A_143, %mul3A_11, %dma_wait3A] : memref<2x2500x128xi32, #tpu.memory_space<hbm>> -> memref<1x80x128xi32, #tpu.memory_space<hbm>>
        %dma_wait3A_153 = tpu.memref_squeeze %dma_wait3A_152 : memref<1x80x128xi32, #tpu.memory_space<hbm>> -> memref<80x128xi32, #tpu.memory_space<hbm>>
        %dma_wait3A_154 = arith.constant 0 : i32
        %dma_wait3A_155 = tpu.memref_slice %arg3[%run_scoped3A_143, %mul3A_11, %dma_wait3A_154] : memref<2x2500x128xi32, #tpu.memory_space<hbm>> -> memref<1x80x128xi32, #tpu.memory_space<hbm>>
        %dma_wait3A_156 = tpu.memref_squeeze %dma_wait3A_155 : memref<1x80x128xi32, #tpu.memory_space<hbm>> -> memref<80x128xi32, #tpu.memory_space<hbm>>
        tpu.wait_dma2 semaphore(%run_scoped3A_145 : memref<!tpu.dma_semaphore, #tpu.memory_space<semaphore_mem>>) src(%dma_wait3A_156 : memref<80x128xi32, #tpu.memory_space<hbm>>) dst(%arg5 : memref<80x128xi32, #tpu.memory_space<vmem>>)
        tpu.yield
      }) : () -> ()
      %run_scoped3A_144 = arith.constant 1 : i32
      "tpu.region"() ({
        %run_scoped3A_145 = tpu.sem_alloc : memref<!tpu.dma_semaphore, #tpu.memory_space<semaphore_mem>>
        %dma_start3A_146 = arith.constant 0 : i32
        %dma_start3A_147 = tpu.memref_slice %arg3[%run_scoped3A_144, %mul3A_11, %dma_start3A_146] : memref<2x2500x128xi32, #tpu.memory_space<hbm>> -> memref<1x80x128xi32, #tpu.memory_space<hbm>>
        %dma_start3A_148 = tpu.memref_squeeze %dma_start3A_147 : memref<1x80x128xi32, #tpu.memory_space<hbm>> -> memref<80x128xi32, #tpu.memory_space<hbm>>
        %dma_start3A_149 = arith.constant 0 : i32
        %dma_start3A_150 = tpu.memref_slice %arg3[%run_scoped3A_144, %mul3A_11, %dma_start3A_149] : memref<2x2500x128xi32, #tpu.memory_space<hbm>> -> memref<1x80x128xi32, #tpu.memory_space<hbm>>
        %dma_start3A_151 = tpu.memref_squeeze %dma_start3A_150 : memref<1x80x128xi32, #tpu.memory_space<hbm>> -> memref<80x128xi32, #tpu.memory_space<hbm>>
        tpu.enqueue_dma source(%dma_start3A_151 : memref<80x128xi32, #tpu.memory_space<hbm>>) target(%arg6 : memref<80x128xi32, #tpu.memory_space<vmem>>) target_semaphore(%run_scoped3A_145 : memref<!tpu.dma_semaphore, #tpu.memory_space<semaphore_mem>>)
        %dma_wait3A = arith.constant 0 : i32
        %dma_wait3A_152 = tpu.memref_slice %arg3[%run_scoped3A_144, %mul3A_11, %dma_wait3A] : memref<2x2500x128xi32, #tpu.memory_space<hbm>> -> memref<1x80x128xi32, #tpu.memory_space<hbm>>
        %dma_wait3A_153 = tpu.memref_squeeze %dma_wait3A_152 : memref<1x80x128xi32, #tpu.memory_space<hbm>> -> memref<80x128xi32, #tpu.memory_space<hbm>>
        %dma_wait3A_154 = arith.constant 0 : i32
        %dma_wait3A_155 = tpu.memref_slice %arg3[%run_scoped3A_144, %mul3A_11, %dma_wait3A_154] : memref<2x2500x128xi32, #tpu.memory_space<hbm>> -> memref<1x80x128xi32, #tpu.memory_space<hbm>>
        %dma_wait3A_156 = tpu.memref_squeeze %dma_wait3A_155 : memref<1x80x128xi32, #tpu.memory_space<hbm>> -> memref<80x128xi32, #tpu.memory_space<hbm>>
        tpu.wait_dma2 semaphore(%run_scoped3A_145 : memref<!tpu.dma_semaphore, #tpu.memory_space<semaphore_mem>>) src(%dma_wait3A_156 : memref<80x128xi32, #tpu.memory_space<hbm>>) dst(%arg6 : memref<80x128xi32, #tpu.memory_space<vmem>>)
        tpu.yield
      }) : () -> ()
    } else {
    }
    %ge3A = arith.constant 17 : i32
    %ge3A_18 = arith.cmpi sge, %add3A, %ge3A : i32
    %convert_element_type3A_19 = arith.extui %ge3A_18 : i1 to i32
    %cond3A_20 = arith.constant 0 : i32
    %cond3A_21 = arith.cmpi ne, %convert_element_type3A_19, %cond3A_20 : i32
    scf.if %cond3A_21 {
      %run_scoped3A_143 = arith.constant 0 : i32
      "tpu.region"() ({
        %run_scoped3A_145 = tpu.sem_alloc : memref<!tpu.dma_semaphore, #tpu.memory_space<semaphore_mem>>
        %dma_start3A_146 = arith.constant 0 : i32
        %dma_start3A_147 = arith.constant 0 : i32
        %dma_start3A_148 = tpu.memref_slice %arg5[%dma_start3A_146, %dma_start3A_147] : memref<80x128xi32, #tpu.memory_space<vmem>> -> memref<76x128xi32, #tpu.memory_space<vmem>>
        %dma_start3A_149 = arith.constant 0 : i32
        %dma_start3A_150 = tpu.memref_slice %arg3[%run_scoped3A_143, %mul3A_11, %dma_start3A_149] : memref<2x2500x128xi32, #tpu.memory_space<hbm>> -> memref<1x76x128xi32, #tpu.memory_space<hbm>>
        %dma_start3A_151 = tpu.memref_squeeze %dma_start3A_150 : memref<1x76x128xi32, #tpu.memory_space<hbm>> -> memref<76x128xi32, #tpu.memory_space<hbm>>
        %dma_start3A_152 = arith.constant 0 : i32
        %dma_start3A_153 = arith.constant 0 : i32
        %dma_start3A_154 = tpu.memref_slice %arg5[%dma_start3A_152, %dma_start3A_153] : memref<80x128xi32, #tpu.memory_space<vmem>> -> memref<76x128xi32, #tpu.memory_space<vmem>>
        %dma_start3A_155 = arith.constant 0 : i32
        %dma_start3A_156 = tpu.memref_slice %arg3[%run_scoped3A_143, %mul3A_11, %dma_start3A_155] : memref<2x2500x128xi32, #tpu.memory_space<hbm>> -> memref<1x76x128xi32, #tpu.memory_space<hbm>>
        %dma_start3A_157 = tpu.memref_squeeze %dma_start3A_156 : memref<1x76x128xi32, #tpu.memory_space<hbm>> -> memref<76x128xi32, #tpu.memory_space<hbm>>
        tpu.enqueue_dma source(%dma_start3A_157 : memref<76x128xi32, #tpu.memory_space<hbm>>) target(%dma_start3A_154 : memref<76x128xi32, #tpu.memory_space<vmem>>) target_semaphore(%run_scoped3A_145 : memref<!tpu.dma_semaphore, #tpu.memory_space<semaphore_mem>>)
        %dma_wait3A = arith.constant 0 : i32
        %dma_wait3A_158 = arith.constant 0 : i32
        %dma_wait3A_159 = tpu.memref_slice %arg5[%dma_wait3A, %dma_wait3A_158] : memref<80x128xi32, #tpu.memory_space<vmem>> -> memref<76x128xi32, #tpu.memory_space<vmem>>
        %dma_wait3A_160 = arith.constant 0 : i32
        %dma_wait3A_161 = tpu.memref_slice %arg3[%run_scoped3A_143, %mul3A_11, %dma_wait3A_160] : memref<2x2500x128xi32, #tpu.memory_space<hbm>> -> memref<1x76x128xi32, #tpu.memory_space<hbm>>
        %dma_wait3A_162 = tpu.memref_squeeze %dma_wait3A_161 : memref<1x76x128xi32, #tpu.memory_space<hbm>> -> memref<76x128xi32, #tpu.memory_space<hbm>>
        %dma_wait3A_163 = arith.constant 0 : i32
        %dma_wait3A_164 = arith.constant 0 : i32
        %dma_wait3A_165 = tpu.memref_slice %arg5[%dma_wait3A_163, %dma_wait3A_164] : memref<80x128xi32, #tpu.memory_space<vmem>> -> memref<76x128xi32, #tpu.memory_space<vmem>>
        %dma_wait3A_166 = arith.constant 0 : i32
        %dma_wait3A_167 = tpu.memref_slice %arg3[%run_scoped3A_143, %mul3A_11, %dma_wait3A_166] : memref<2x2500x128xi32, #tpu.memory_space<hbm>> -> memref<1x76x128xi32, #tpu.memory_space<hbm>>
        %dma_wait3A_168 = tpu.memref_squeeze %dma_wait3A_167 : memref<1x76x128xi32, #tpu.memory_space<hbm>> -> memref<76x128xi32, #tpu.memory_space<hbm>>
        tpu.wait_dma2 semaphore(%run_scoped3A_145 : memref<!tpu.dma_semaphore, #tpu.memory_space<semaphore_mem>>) src(%dma_wait3A_168 : memref<76x128xi32, #tpu.memory_space<hbm>>) dst(%dma_wait3A_165 : memref<76x128xi32, #tpu.memory_space<vmem>>)
        tpu.yield
      }) : () -> ()
      %run_scoped3A_144 = arith.constant 1 : i32
      "tpu.region"() ({
        %run_scoped3A_145 = tpu.sem_alloc : memref<!tpu.dma_semaphore, #tpu.memory_space<semaphore_mem>>
        %dma_start3A_146 = arith.constant 0 : i32
        %dma_start3A_147 = arith.constant 0 : i32
        %dma_start3A_148 = tpu.memref_slice %arg6[%dma_start3A_146, %dma_start3A_147] : memref<80x128xi32, #tpu.memory_space<vmem>> -> memref<76x128xi32, #tpu.memory_space<vmem>>
        %dma_start3A_149 = arith.constant 0 : i32
        %dma_start3A_150 = tpu.memref_slice %arg3[%run_scoped3A_144, %mul3A_11, %dma_start3A_149] : memref<2x2500x128xi32, #tpu.memory_space<hbm>> -> memref<1x76x128xi32, #tpu.memory_space<hbm>>
        %dma_start3A_151 = tpu.memref_squeeze %dma_start3A_150 : memref<1x76x128xi32, #tpu.memory_space<hbm>> -> memref<76x128xi32, #tpu.memory_space<hbm>>
        %dma_start3A_152 = arith.constant 0 : i32
        %dma_start3A_153 = arith.constant 0 : i32
        %dma_start3A_154 = tpu.memref_slice %arg6[%dma_start3A_152, %dma_start3A_153] : memref<80x128xi32, #tpu.memory_space<vmem>> -> memref<76x128xi32, #tpu.memory_space<vmem>>
        %dma_start3A_155 = arith.constant 0 : i32
        %dma_start3A_156 = tpu.memref_slice %arg3[%run_scoped3A_144, %mul3A_11, %dma_start3A_155] : memref<2x2500x128xi32, #tpu.memory_space<hbm>> -> memref<1x76x128xi32, #tpu.memory_space<hbm>>
        %dma_start3A_157 = tpu.memref_squeeze %dma_start3A_156 : memref<1x76x128xi32, #tpu.memory_space<hbm>> -> memref<76x128xi32, #tpu.memory_space<hbm>>
        tpu.enqueue_dma source(%dma_start3A_157 : memref<76x128xi32, #tpu.memory_space<hbm>>) target(%dma_start3A_154 : memref<76x128xi32, #tpu.memory_space<vmem>>) target_semaphore(%run_scoped3A_145 : memref<!tpu.dma_semaphore, #tpu.memory_space<semaphore_mem>>)
        %dma_wait3A = arith.constant 0 : i32
        %dma_wait3A_158 = arith.constant 0 : i32
        %dma_wait3A_159 = tpu.memref_slice %arg6[%dma_wait3A, %dma_wait3A_158] : memref<80x128xi32, #tpu.memory_space<vmem>> -> memref<76x128xi32, #tpu.memory_space<vmem>>
        %dma_wait3A_160 = arith.constant 0 : i32
        %dma_wait3A_161 = tpu.memref_slice %arg3[%run_scoped3A_144, %mul3A_11, %dma_wait3A_160] : memref<2x2500x128xi32, #tpu.memory_space<hbm>> -> memref<1x76x128xi32, #tpu.memory_space<hbm>>
        %dma_wait3A_162 = tpu.memref_squeeze %dma_wait3A_161 : memref<1x76x128xi32, #tpu.memory_space<hbm>> -> memref<76x128xi32, #tpu.memory_space<hbm>>
        %dma_wait3A_163 = arith.constant 0 : i32
        %dma_wait3A_164 = arith.constant 0 : i32
        %dma_wait3A_165 = tpu.memref_slice %arg6[%dma_wait3A_163, %dma_wait3A_164] : memref<80x128xi32, #tpu.memory_space<vmem>> -> memref<76x128xi32, #tpu.memory_space<vmem>>
        %dma_wait3A_166 = arith.constant 0 : i32
        %dma_wait3A_167 = tpu.memref_slice %arg3[%run_scoped3A_144, %mul3A_11, %dma_wait3A_166] : memref<2x2500x128xi32, #tpu.memory_space<hbm>> -> memref<1x76x128xi32, #tpu.memory_space<hbm>>
        %dma_wait3A_168 = tpu.memref_squeeze %dma_wait3A_167 : memref<1x76x128xi32, #tpu.memory_space<hbm>> -> memref<76x128xi32, #tpu.memory_space<hbm>>
        tpu.wait_dma2 semaphore(%run_scoped3A_145 : memref<!tpu.dma_semaphore, #tpu.memory_space<semaphore_mem>>) src(%dma_wait3A_168 : memref<76x128xi32, #tpu.memory_space<hbm>>) dst(%dma_wait3A_165 : memref<76x128xi32, #tpu.memory_space<vmem>>)
        tpu.yield
      }) : () -> ()
    } else {
    }
    %scan3A = arith.constant 0 : i32
    %scan3A_22 = arith.constant 0 : i32
    %scan3A_23 = arith.constant 128 : i32
    %scan3A_24 = arith.addi %scan3A_22, %scan3A_23 : i32
    %scan3A_25 = arith.constant 1 : i32
    scf.for %scan3A_143 = %scan3A_22 to %scan3A_24 step %scan3A_25  : i32 {
      %broadcast_in_dim3A = arith.constant 0.000000e+00 : f32
      %broadcast_in_dim3A_144 = vector.broadcast %broadcast_in_dim3A : f32 to vector<16xf32>
      %swap3A = arith.constant 0 : i32
      %swap3A_145 = arith.index_cast %swap3A : i32 to index
      %swap3A_146 = arith.index_cast %scan3A_143 : i32 to index
      %swap3A_147 = arith.constant 0 : index
      %swap3A_148 = tpu.vector_load %arg7[%swap3A_145, %swap3A_146, %swap3A_147] {strides = array<i32>} : memref<8x128x16xf32, #tpu.memory_space<vmem>>, vector<1x1x16xf32>,
      %swap3A_149 = vector.shape_cast %swap3A_148 : vector<1x1x16xf32> to vector<16xf32>
      %swap3A_150 = vector.shape_cast %broadcast_in_dim3A_144 : vector<16xf32> to vector<1x1x16xf32>
      tpu.vector_store %arg7[%swap3A_145, %swap3A_146, %swap3A_147], %swap3A_150 {strides = array<i32>} : memref<8x128x16xf32, #tpu.memory_space<vmem>>, vector<1x1x16xf32>,
    }
    %scan3A_26 = arith.constant 128 : i32
    %add3A_27 = arith.constant 0 : i32
    %add3A_28 = arith.addi %mul3A_13, %add3A_27 : i32
    %run_scoped3A = arith.constant 0 : i32
    "tpu.region"() ({
      %run_scoped3A_143 = tpu.sem_alloc : memref<!tpu.dma_semaphore, #tpu.memory_space<semaphore_mem>>
      %dma_start3A_144 = arith.constant 0 : i32
      %dma_start3A_145 = arith.constant 0 : i32
      %dma_start3A_146 = tpu.memref_slice %arg7[%run_scoped3A, %dma_start3A_144, %dma_start3A_145] : memref<8x128x16xf32, #tpu.memory_space<vmem>> -> memref<1x128x16xf32, #tpu.memory_space<vmem>>
      %dma_start3A_147 = tpu.memref_squeeze %dma_start3A_146 : memref<1x128x16xf32, #tpu.memory_space<vmem>> -> memref<128x16xf32, #tpu.memory_space<vmem>>
      %dma_start3A_148 = arith.constant 0 : i32
      %dma_start3A_149 = tpu.memref_slice %arg8[%add3A_28, %dma_start3A_148] : memref<10240x16xf32, #tpu.memory_space<vmem_shared>> -> memref<128x16xf32, #tpu.memory_space<vmem_shared>>
      %dma_start3A_150 = arith.constant 0 : i32
      %dma_start3A_151 = tpu.memref_slice %arg8[%add3A_28, %dma_start3A_150] : memref<10240x16xf32, #tpu.memory_space<vmem_shared>> -> memref<128x16xf32, #tpu.memory_space<vmem_shared>>
      %dma_start3A_152 = arith.constant 0 : i32
      %dma_start3A_153 = arith.constant 0 : i32
      %dma_start3A_154 = tpu.memref_slice %arg7[%run_scoped3A, %dma_start3A_152, %dma_start3A_153] : memref<8x128x16xf32, #tpu.memory_space<vmem>> -> memref<1x128x16xf32, #tpu.memory_space<vmem>>
      %dma_start3A_155 = tpu.memref_squeeze %dma_start3A_154 : memref<1x128x16xf32, #tpu.memory_space<vmem>> -> memref<128x16xf32, #tpu.memory_space<vmem>>
      tpu.enqueue_dma source(%dma_start3A_155 : memref<128x16xf32, #tpu.memory_space<vmem>>) target(%dma_start3A_151 : memref<128x16xf32, #tpu.memory_space<vmem_shared>>) target_semaphore(%run_scoped3A_143 : memref<!tpu.dma_semaphore, #tpu.memory_space<semaphore_mem>>)
      %dma_wait3A = arith.constant 0 : i32
      %dma_wait3A_156 = arith.constant 0 : i32
      %dma_wait3A_157 = tpu.memref_slice %arg7[%run_scoped3A, %dma_wait3A, %dma_wait3A_156] : memref<8x128x16xf32, #tpu.memory_space<vmem>> -> memref<1x128x16xf32, #tpu.memory_space<vmem>>
      %dma_wait3A_158 = tpu.memref_squeeze %dma_wait3A_157 : memref<1x128x16xf32, #tpu.memory_space<vmem>> -> memref<128x16xf32, #tpu.memory_space<vmem>>
      %dma_wait3A_159 = arith.constant 0 : i32
      %dma_wait3A_160 = tpu.memref_slice %arg8[%add3A_28, %dma_wait3A_159] : memref<10240x16xf32, #tpu.memory_space<vmem_shared>> -> memref<128x16xf32, #tpu.memory_space<vmem_shared>>
      %dma_wait3A_161 = arith.constant 0 : i32
      %dma_wait3A_162 = tpu.memref_slice %arg8[%add3A_28, %dma_wait3A_161] : memref<10240x16xf32, #tpu.memory_space<vmem_shared>> -> memref<128x16xf32, #tpu.memory_space<vmem_shared>>
      %dma_wait3A_163 = arith.constant 0 : i32
      %dma_wait3A_164 = arith.constant 0 : i32
      %dma_wait3A_165 = tpu.memref_slice %arg7[%run_scoped3A, %dma_wait3A_163, %dma_wait3A_164] : memref<8x128x16xf32, #tpu.memory_space<vmem>> -> memref<1x128x16xf32, #tpu.memory_space<vmem>>
      %dma_wait3A_166 = tpu.memref_squeeze %dma_wait3A_165 : memref<1x128x16xf32, #tpu.memory_space<vmem>> -> memref<128x16xf32, #tpu.memory_space<vmem>>
      tpu.wait_dma2 semaphore(%run_scoped3A_143 : memref<!tpu.dma_semaphore, #tpu.memory_space<semaphore_mem>>) src(%dma_wait3A_166 : memref<128x16xf32, #tpu.memory_space<vmem>>) dst(%dma_wait3A_162 : memref<128x16xf32, #tpu.memory_space<vmem_shared>>)
      tpu.yield
    }) : () -> ()
    %add3A_29 = arith.constant 128 : i32
    %add3A_30 = arith.addi %mul3A_13, %add3A_29 : i32
    %run_scoped3A_31 = arith.constant 0 : i32
    "tpu.region"() ({
      %run_scoped3A_143 = tpu.sem_alloc : memref<!tpu.dma_semaphore, #tpu.memory_space<semaphore_mem>>
      %dma_start3A_144 = arith.constant 0 : i32
      %dma_start3A_145 = arith.constant 0 : i32
      %dma_start3A_146 = tpu.memref_slice %arg7[%run_scoped3A_31, %dma_start3A_144, %dma_start3A_145] : memref<8x128x16xf32, #tpu.memory_space<vmem>> -> memref<1x128x16xf32, #tpu.memory_space<vmem>>
      %dma_start3A_147 = tpu.memref_squeeze %dma_start3A_146 : memref<1x128x16xf32, #tpu.memory_space<vmem>> -> memref<128x16xf32, #tpu.memory_space<vmem>>
      %dma_start3A_148 = arith.constant 0 : i32
      %dma_start3A_149 = tpu.memref_slice %arg8[%add3A_30, %dma_start3A_148] : memref<10240x16xf32, #tpu.memory_space<vmem_shared>> -> memref<128x16xf32, #tpu.memory_space<vmem_shared>>
      %dma_start3A_150 = arith.constant 0 : i32
      %dma_start3A_151 = tpu.memref_slice %arg8[%add3A_30, %dma_start3A_150] : memref<10240x16xf32, #tpu.memory_space<vmem_shared>> -> memref<128x16xf32, #tpu.memory_space<vmem_shared>>
      %dma_start3A_152 = arith.constant 0 : i32
      %dma_start3A_153 = arith.constant 0 : i32
      %dma_start3A_154 = tpu.memref_slice %arg7[%run_scoped3A_31, %dma_start3A_152, %dma_start3A_153] : memref<8x128x16xf32, #tpu.memory_space<vmem>> -> memref<1x128x16xf32, #tpu.memory_space<vmem>>
      %dma_start3A_155 = tpu.memref_squeeze %dma_start3A_154 : memref<1x128x16xf32, #tpu.memory_space<vmem>> -> memref<128x16xf32, #tpu.memory_space<vmem>>
      tpu.enqueue_dma source(%dma_start3A_155 : memref<128x16xf32, #tpu.memory_space<vmem>>) target(%dma_start3A_151 : memref<128x16xf32, #tpu.memory_space<vmem_shared>>) target_semaphore(%run_scoped3A_143 : memref<!tpu.dma_semaphore, #tpu.memory_space<semaphore_mem>>)
      %dma_wait3A = arith.constant 0 : i32
      %dma_wait3A_156 = arith.constant 0 : i32
      %dma_wait3A_157 = tpu.memref_slice %arg7[%run_scoped3A_31, %dma_wait3A, %dma_wait3A_156] : memref<8x128x16xf32, #tpu.memory_space<vmem>> -> memref<1x128x16xf32, #tpu.memory_space<vmem>>
      %dma_wait3A_158 = tpu.memref_squeeze %dma_wait3A_157 : memref<1x128x16xf32, #tpu.memory_space<vmem>> -> memref<128x16xf32, #tpu.memory_space<vmem>>
      %dma_wait3A_159 = arith.constant 0 : i32
      %dma_wait3A_160 = tpu.memref_slice %arg8[%add3A_30, %dma_wait3A_159] : memref<10240x16xf32, #tpu.memory_space<vmem_shared>> -> memref<128x16xf32, #tpu.memory_space<vmem_shared>>
      %dma_wait3A_161 = arith.constant 0 : i32
      %dma_wait3A_162 = tpu.memref_slice %arg8[%add3A_30, %dma_wait3A_161] : memref<10240x16xf32, #tpu.memory_space<vmem_shared>> -> memref<128x16xf32, #tpu.memory_space<vmem_shared>>
      %dma_wait3A_163 = arith.constant 0 : i32
      %dma_wait3A_164 = arith.constant 0 : i32
      %dma_wait3A_165 = tpu.memref_slice %arg7[%run_scoped3A_31, %dma_wait3A_163, %dma_wait3A_164] : memref<8x128x16xf32, #tpu.memory_space<vmem>> -> memref<1x128x16xf32, #tpu.memory_space<vmem>>
      %dma_wait3A_166 = tpu.memref_squeeze %dma_wait3A_165 : memref<1x128x16xf32, #tpu.memory_space<vmem>> -> memref<128x16xf32, #tpu.memory_space<vmem>>
      tpu.wait_dma2 semaphore(%run_scoped3A_143 : memref<!tpu.dma_semaphore, #tpu.memory_space<semaphore_mem>>) src(%dma_wait3A_166 : memref<128x16xf32, #tpu.memory_space<vmem>>) dst(%dma_wait3A_162 : memref<128x16xf32, #tpu.memory_space<vmem_shared>>)
      tpu.yield
    }) : () -> ()
    %add3A_32 = arith.constant 256 : i32
    %add3A_33 = arith.addi %mul3A_13, %add3A_32 : i32
    %run_scoped3A_34 = arith.constant 0 : i32
    "tpu.region"() ({
      %run_scoped3A_143 = tpu.sem_alloc : memref<!tpu.dma_semaphore, #tpu.memory_space<semaphore_mem>>
      %dma_start3A_144 = arith.constant 0 : i32
      %dma_start3A_145 = arith.constant 0 : i32
      %dma_start3A_146 = tpu.memref_slice %arg7[%run_scoped3A_34, %dma_start3A_144, %dma_start3A_145] : memref<8x128x16xf32, #tpu.memory_space<vmem>> -> memref<1x128x16xf32, #tpu.memory_space<vmem>>
      %dma_start3A_147 = tpu.memref_squeeze %dma_start3A_146 : memref<1x128x16xf32, #tpu.memory_space<vmem>> -> memref<128x16xf32, #tpu.memory_space<vmem>>
      %dma_start3A_148 = arith.constant 0 : i32
      %dma_start3A_149 = tpu.memref_slice %arg8[%add3A_33, %dma_start3A_148] : memref<10240x16xf32, #tpu.memory_space<vmem_shared>> -> memref<128x16xf32, #tpu.memory_space<vmem_shared>>
      %dma_start3A_150 = arith.constant 0 : i32
      %dma_start3A_151 = tpu.memref_slice %arg8[%add3A_33, %dma_start3A_150] : memref<10240x16xf32, #tpu.memory_space<vmem_shared>> -> memref<128x16xf32, #tpu.memory_space<vmem_shared>>
      %dma_start3A_152 = arith.constant 0 : i32
      %dma_start3A_153 = arith.constant 0 : i32
      %dma_start3A_154 = tpu.memref_slice %arg7[%run_scoped3A_34, %dma_start3A_152, %dma_start3A_153] : memref<8x128x16xf32, #tpu.memory_space<vmem>> -> memref<1x128x16xf32, #tpu.memory_space<vmem>>
      %dma_start3A_155 = tpu.memref_squeeze %dma_start3A_154 : memref<1x128x16xf32, #tpu.memory_space<vmem>> -> memref<128x16xf32, #tpu.memory_space<vmem>>
      tpu.enqueue_dma source(%dma_start3A_155 : memref<128x16xf32, #tpu.memory_space<vmem>>) target(%dma_start3A_151 : memref<128x16xf32, #tpu.memory_space<vmem_shared>>) target_semaphore(%run_scoped3A_143 : memref<!tpu.dma_semaphore, #tpu.memory_space<semaphore_mem>>)
      %dma_wait3A = arith.constant 0 : i32
      %dma_wait3A_156 = arith.constant 0 : i32
      %dma_wait3A_157 = tpu.memref_slice %arg7[%run_scoped3A_34, %dma_wait3A, %dma_wait3A_156] : memref<8x128x16xf32, #tpu.memory_space<vmem>> -> memref<1x128x16xf32, #tpu.memory_space<vmem>>
      %dma_wait3A_158 = tpu.memref_squeeze %dma_wait3A_157 : memref<1x128x16xf32, #tpu.memory_space<vmem>> -> memref<128x16xf32, #tpu.memory_space<vmem>>
      %dma_wait3A_159 = arith.constant 0 : i32
      %dma_wait3A_160 = tpu.memref_slice %arg8[%add3A_33, %dma_wait3A_159] : memref<10240x16xf32, #tpu.memory_space<vmem_shared>> -> memref<128x16xf32, #tpu.memory_space<vmem_shared>>
      %dma_wait3A_161 = arith.constant 0 : i32
      %dma_wait3A_162 = tpu.memref_slice %arg8[%add3A_33, %dma_wait3A_161] : memref<10240x16xf32, #tpu.memory_space<vmem_shared>> -> memref<128x16xf32, #tpu.memory_space<vmem_shared>>
      %dma_wait3A_163 = arith.constant 0 : i32
      %dma_wait3A_164 = arith.constant 0 : i32
      %dma_wait3A_165 = tpu.memref_slice %arg7[%run_scoped3A_34, %dma_wait3A_163, %dma_wait3A_164] : memref<8x128x16xf32, #tpu.memory_space<vmem>> -> memref<1x128x16xf32, #tpu.memory_space<vmem>>
      %dma_wait3A_166 = tpu.memref_squeeze %dma_wait3A_165 : memref<1x128x16xf32, #tpu.memory_space<vmem>> -> memref<128x16xf32, #tpu.memory_space<vmem>>
      tpu.wait_dma2 semaphore(%run_scoped3A_143 : memref<!tpu.dma_semaphore, #tpu.memory_space<semaphore_mem>>) src(%dma_wait3A_166 : memref<128x16xf32, #tpu.memory_space<vmem>>) dst(%dma_wait3A_162 : memref<128x16xf32, #tpu.memory_space<vmem_shared>>)
      tpu.yield
    }) : () -> ()
    %add3A_35 = arith.constant 384 : i32
    %add3A_36 = arith.addi %mul3A_13, %add3A_35 : i32
    %run_scoped3A_37 = arith.constant 0 : i32
    "tpu.region"() ({
      %run_scoped3A_143 = tpu.sem_alloc : memref<!tpu.dma_semaphore, #tpu.memory_space<semaphore_mem>>
      %dma_start3A_144 = arith.constant 0 : i32
      %dma_start3A_145 = arith.constant 0 : i32
      %dma_start3A_146 = tpu.memref_slice %arg7[%run_scoped3A_37, %dma_start3A_144, %dma_start3A_145] : memref<8x128x16xf32, #tpu.memory_space<vmem>> -> memref<1x128x16xf32, #tpu.memory_space<vmem>>
      %dma_start3A_147 = tpu.memref_squeeze %dma_start3A_146 : memref<1x128x16xf32, #tpu.memory_space<vmem>> -> memref<128x16xf32, #tpu.memory_space<vmem>>
      %dma_start3A_148 = arith.constant 0 : i32
      %dma_start3A_149 = tpu.memref_slice %arg8[%add3A_36, %dma_start3A_148] : memref<10240x16xf32, #tpu.memory_space<vmem_shared>> -> memref<128x16xf32, #tpu.memory_space<vmem_shared>>
      %dma_start3A_150 = arith.constant 0 : i32
      %dma_start3A_151 = tpu.memref_slice %arg8[%add3A_36, %dma_start3A_150] : memref<10240x16xf32, #tpu.memory_space<vmem_shared>> -> memref<128x16xf32, #tpu.memory_space<vmem_shared>>
      %dma_start3A_152 = arith.constant 0 : i32
      %dma_start3A_153 = arith.constant 0 : i32
      %dma_start3A_154 = tpu.memref_slice %arg7[%run_scoped3A_37, %dma_start3A_152, %dma_start3A_153] : memref<8x128x16xf32, #tpu.memory_space<vmem>> -> memref<1x128x16xf32, #tpu.memory_space<vmem>>
      %dma_start3A_155 = tpu.memref_squeeze %dma_start3A_154 : memref<1x128x16xf32, #tpu.memory_space<vmem>> -> memref<128x16xf32, #tpu.memory_space<vmem>>
      tpu.enqueue_dma source(%dma_start3A_155 : memref<128x16xf32, #tpu.memory_space<vmem>>) target(%dma_start3A_151 : memref<128x16xf32, #tpu.memory_space<vmem_shared>>) target_semaphore(%run_scoped3A_143 : memref<!tpu.dma_semaphore, #tpu.memory_space<semaphore_mem>>)
      %dma_wait3A = arith.constant 0 : i32
      %dma_wait3A_156 = arith.constant 0 : i32
      %dma_wait3A_157 = tpu.memref_slice %arg7[%run_scoped3A_37, %dma_wait3A, %dma_wait3A_156] : memref<8x128x16xf32, #tpu.memory_space<vmem>> -> memref<1x128x16xf32, #tpu.memory_space<vmem>>
      %dma_wait3A_158 = tpu.memref_squeeze %dma_wait3A_157 : memref<1x128x16xf32, #tpu.memory_space<vmem>> -> memref<128x16xf32, #tpu.memory_space<vmem>>
      %dma_wait3A_159 = arith.constant 0 : i32
      %dma_wait3A_160 = tpu.memref_slice %arg8[%add3A_36, %dma_wait3A_159] : memref<10240x16xf32, #tpu.memory_space<vmem_shared>> -> memref<128x16xf32, #tpu.memory_space<vmem_shared>>
      %dma_wait3A_161 = arith.constant 0 : i32
      %dma_wait3A_162 = tpu.memref_slice %arg8[%add3A_36, %dma_wait3A_161] : memref<10240x16xf32, #tpu.memory_space<vmem_shared>> -> memref<128x16xf32, #tpu.memory_space<vmem_shared>>
      %dma_wait3A_163 = arith.constant 0 : i32
      %dma_wait3A_164 = arith.constant 0 : i32
      %dma_wait3A_165 = tpu.memref_slice %arg7[%run_scoped3A_37, %dma_wait3A_163, %dma_wait3A_164] : memref<8x128x16xf32, #tpu.memory_space<vmem>> -> memref<1x128x16xf32, #tpu.memory_space<vmem>>
      %dma_wait3A_166 = tpu.memref_squeeze %dma_wait3A_165 : memref<1x128x16xf32, #tpu.memory_space<vmem>> -> memref<128x16xf32, #tpu.memory_space<vmem>>
      tpu.wait_dma2 semaphore(%run_scoped3A_143 : memref<!tpu.dma_semaphore, #tpu.memory_space<semaphore_mem>>) src(%dma_wait3A_166 : memref<128x16xf32, #tpu.memory_space<vmem>>) dst(%dma_wait3A_162 : memref<128x16xf32, #tpu.memory_space<vmem_shared>>)
      tpu.yield
    }) : () -> ()
    %add3A_38 = arith.constant 512 : i32
    %add3A_39 = arith.addi %mul3A_13, %add3A_38 : i32
    %run_scoped3A_40 = arith.constant 0 : i32
    "tpu.region"() ({
      %run_scoped3A_143 = tpu.sem_alloc : memref<!tpu.dma_semaphore, #tpu.memory_space<semaphore_mem>>
      %dma_start3A_144 = arith.constant 0 : i32
      %dma_start3A_145 = arith.constant 0 : i32
      %dma_start3A_146 = tpu.memref_slice %arg7[%run_scoped3A_40, %dma_start3A_144, %dma_start3A_145] : memref<8x128x16xf32, #tpu.memory_space<vmem>> -> memref<1x128x16xf32, #tpu.memory_space<vmem>>
      %dma_start3A_147 = tpu.memref_squeeze %dma_start3A_146 : memref<1x128x16xf32, #tpu.memory_space<vmem>> -> memref<128x16xf32, #tpu.memory_space<vmem>>
      %dma_start3A_148 = arith.constant 0 : i32
      %dma_start3A_149 = tpu.memref_slice %arg8[%add3A_39, %dma_start3A_148] : memref<10240x16xf32, #tpu.memory_space<vmem_shared>> -> memref<128x16xf32, #tpu.memory_space<vmem_shared>>
      %dma_start3A_150 = arith.constant 0 : i32
      %dma_start3A_151 = tpu.memref_slice %arg8[%add3A_39, %dma_start3A_150] : memref<10240x16xf32, #tpu.memory_space<vmem_shared>> -> memref<128x16xf32, #tpu.memory_space<vmem_shared>>
      %dma_start3A_152 = arith.constant 0 : i32
      %dma_start3A_153 = arith.constant 0 : i32
      %dma_start3A_154 = tpu.memref_slice %arg7[%run_scoped3A_40, %dma_start3A_152, %dma_start3A_153] : memref<8x128x16xf32, #tpu.memory_space<vmem>> -> memref<1x128x16xf32, #tpu.memory_space<vmem>>
      %dma_start3A_155 = tpu.memref_squeeze %dma_start3A_154 : memref<1x128x16xf32, #tpu.memory_space<vmem>> -> memref<128x16xf32, #tpu.memory_space<vmem>>
      tpu.enqueue_dma source(%dma_start3A_155 : memref<128x16xf32, #tpu.memory_space<vmem>>) target(%dma_start3A_151 : memref<128x16xf32, #tpu.memory_space<vmem_shared>>) target_semaphore(%run_scoped3A_143 : memref<!tpu.dma_semaphore, #tpu.memory_space<semaphore_mem>>)
      %dma_wait3A = arith.constant 0 : i32
      %dma_wait3A_156 = arith.constant 0 : i32
      %dma_wait3A_157 = tpu.memref_slice %arg7[%run_scoped3A_40, %dma_wait3A, %dma_wait3A_156] : memref<8x128x16xf32, #tpu.memory_space<vmem>> -> memref<1x128x16xf32, #tpu.memory_space<vmem>>
      %dma_wait3A_158 = tpu.memref_squeeze %dma_wait3A_157 : memref<1x128x16xf32, #tpu.memory_space<vmem>> -> memref<128x16xf32, #tpu.memory_space<vmem>>
      %dma_wait3A_159 = arith.constant 0 : i32
      %dma_wait3A_160 = tpu.memref_slice %arg8[%add3A_39, %dma_wait3A_159] : memref<10240x16xf32, #tpu.memory_space<vmem_shared>> -> memref<128x16xf32, #tpu.memory_space<vmem_shared>>
      %dma_wait3A_161 = arith.constant 0 : i32
      %dma_wait3A_162 = tpu.memref_slice %arg8[%add3A_39, %dma_wait3A_161] : memref<10240x16xf32, #tpu.memory_space<vmem_shared>> -> memref<128x16xf32, #tpu.memory_space<vmem_shared>>
      %dma_wait3A_163 = arith.constant 0 : i32
      %dma_wait3A_164 = arith.constant 0 : i32
      %dma_wait3A_165 = tpu.memref_slice %arg7[%run_scoped3A_40, %dma_wait3A_163, %dma_wait3A_164] : memref<8x128x16xf32, #tpu.memory_space<vmem>> -> memref<1x128x16xf32, #tpu.memory_space<vmem>>
      %dma_wait3A_166 = tpu.memref_squeeze %dma_wait3A_165 : memref<1x128x16xf32, #tpu.memory_space<vmem>> -> memref<128x16xf32, #tpu.memory_space<vmem>>
      tpu.wait_dma2 semaphore(%run_scoped3A_143 : memref<!tpu.dma_semaphore, #tpu.memory_space<semaphore_mem>>) src(%dma_wait3A_166 : memref<128x16xf32, #tpu.memory_space<vmem>>) dst(%dma_wait3A_162 : memref<128x16xf32, #tpu.memory_space<vmem_shared>>)
      tpu.yield
    }) : () -> ()
    "tpu.region"() ({
      %run_scoped3A_143 = tpu.sem_alloc : memref<!tpu.dma_semaphore, #tpu.memory_space<semaphore_mem>>
      %dma_start3A_144 = arith.constant 0 : i32
      %dma_start3A_145 = tpu.memref_slice %arg9[%mul3A_13, %dma_start3A_144] : memref<10240x16xf32, #tpu.memory_space<vmem_shared>> -> memref<640x16xf32, #tpu.memory_space<vmem_shared>>
      %dma_start3A_146 = arith.constant 0 : i32
      %dma_start3A_147 = tpu.memref_slice %arg2[%mul3A_13, %dma_start3A_146] : memref<10240x16xf32, #tpu.memory_space<hbm>> -> memref<640x16xf32, #tpu.memory_space<hbm>>
      tpu.enqueue_dma source(%dma_start3A_147 : memref<640x16xf32, #tpu.memory_space<hbm>>) target(%dma_start3A_145 : memref<640x16xf32, #tpu.memory_space<vmem_shared>>) target_semaphore(%run_scoped3A_143 : memref<!tpu.dma_semaphore, #tpu.memory_space<semaphore_mem>>)
      %dma_wait3A = arith.constant 0 : i32
      %dma_wait3A_148 = tpu.memref_slice %arg9[%mul3A_13, %dma_wait3A] : memref<10240x16xf32, #tpu.memory_space<vmem_shared>> -> memref<640x16xf32, #tpu.memory_space<vmem_shared>>
      %dma_wait3A_149 = arith.constant 0 : i32
      %dma_wait3A_150 = tpu.memref_slice %arg2[%mul3A_13, %dma_wait3A_149] : memref<10240x16xf32, #tpu.memory_space<hbm>> -> memref<640x16xf32, #tpu.memory_space<hbm>>
      tpu.wait_dma2 semaphore(%run_scoped3A_143 : memref<!tpu.dma_semaphore, #tpu.memory_space<semaphore_mem>>) src(%dma_wait3A_150 : memref<640x16xf32, #tpu.memory_space<hbm>>) dst(%dma_wait3A_148 : memref<640x16xf32, #tpu.memory_space<vmem_shared>>)
      tpu.yield
    }) : () -> ()
    %barrier3A = arith.constant 0 : index
    tpu.barrier barrier_id(%barrier3A)
    %dma_start3A = arith.constant 0 : i32
    %dma_start3A_41 = arith.constant 0 : i32
    %dma_start3A_42 = arith.constant 0 : i32
    %dma_start3A_43 = arith.constant 0 : i32
    %dma_start3A_44 = tpu.memref_slice %arg7[%dma_start3A_41, %dma_start3A_42, %dma_start3A_43] : memref<8x128x16xf32, #tpu.memory_space<vmem>> -> memref<1x128x16xf32, #tpu.memory_space<vmem>>
    %dma_start3A_45 = tpu.memref_squeeze %dma_start3A_44 : memref<1x128x16xf32, #tpu.memory_space<vmem>> -> memref<128x16xf32, #tpu.memory_space<vmem>>
    %dma_start3A_46 = arith.constant 0 : i32
    %dma_start3A_47 = tpu.memref_slice %arg5[%dma_start3A, %dma_start3A_46] : memref<80x128xi32, #tpu.memory_space<vmem>> -> memref<1x128xi32, #tpu.memory_space<vmem>>
    %dma_start3A_48 = tpu.memref_squeeze %dma_start3A_47 : memref<1x128xi32, #tpu.memory_space<vmem>> -> memref<128xi32, #tpu.memory_space<vmem>>
    %dma_start3A_49 = arith.constant 0 : i32
    %dma_start3A_50 = arith.constant 0 : i32
    %dma_start3A_51 = tpu.memref_slice %arg9[%dma_start3A_49, %dma_start3A_50] : memref<10240x16xf32, #tpu.memory_space<vmem_shared>> -> memref<10240x16xf32, #tpu.memory_space<vmem_shared>>
    tpu.enqueue_indirect_dma source(%dma_start3A_51 : memref<10240x16xf32, #tpu.memory_space<vmem_shared>>) target(%dma_start3A_45 : memref<128x16xf32, #tpu.memory_space<vmem>>) offsets(%dma_start3A_48 : memref<128xi32, #tpu.memory_space<vmem>>) semaphore(%arg10 : memref<!tpu.dma_semaphore, #tpu.memory_space<semaphore_mem>>)
    %dma_start3A_52 = arith.constant 1 : i32
    %dma_start3A_53 = arith.constant 1 : i32
    %dma_start3A_54 = arith.constant 0 : i32
    %dma_start3A_55 = arith.constant 0 : i32
    %dma_start3A_56 = tpu.memref_slice %arg7[%dma_start3A_53, %dma_start3A_54, %dma_start3A_55] : memref<8x128x16xf32, #tpu.memory_space<vmem>> -> memref<1x128x16xf32, #tpu.memory_space<vmem>>
    %dma_start3A_57 = tpu.memref_squeeze %dma_start3A_56 : memref<1x128x16xf32, #tpu.memory_space<vmem>> -> memref<128x16xf32, #tpu.memory_space<vmem>>
    %dma_start3A_58 = arith.constant 0 : i32
    %dma_start3A_59 = tpu.memref_slice %arg5[%dma_start3A_52, %dma_start3A_58] : memref<80x128xi32, #tpu.memory_space<vmem>> -> memref<1x128xi32, #tpu.memory_space<vmem>>
    %dma_start3A_60 = tpu.memref_squeeze %dma_start3A_59 : memref<1x128xi32, #tpu.memory_space<vmem>> -> memref<128xi32, #tpu.memory_space<vmem>>
    %dma_start3A_61 = arith.constant 0 : i32
    %dma_start3A_62 = arith.constant 0 : i32
    %dma_start3A_63 = tpu.memref_slice %arg9[%dma_start3A_61, %dma_start3A_62] : memref<10240x16xf32, #tpu.memory_space<vmem_shared>> -> memref<10240x16xf32, #tpu.memory_space<vmem_shared>>
    tpu.enqueue_indirect_dma source(%dma_start3A_63 : memref<10240x16xf32, #tpu.memory_space<vmem_shared>>) target(%dma_start3A_57 : memref<128x16xf32, #tpu.memory_space<vmem>>) offsets(%dma_start3A_60 : memref<128xi32, #tpu.memory_space<vmem>>) semaphore(%arg11 : memref<!tpu.dma_semaphore, #tpu.memory_space<semaphore_mem>>)
    %dma_start3A_64 = arith.constant 2 : i32
    %dma_start3A_65 = arith.constant 2 : i32
    %dma_start3A_66 = arith.constant 0 : i32
    %dma_start3A_67 = arith.constant 0 : i32
    %dma_start3A_68 = tpu.memref_slice %arg7[%dma_start3A_65, %dma_start3A_66, %dma_start3A_67] : memref<8x128x16xf32, #tpu.memory_space<vmem>> -> memref<1x128x16xf32, #tpu.memory_space<vmem>>
    %dma_start3A_69 = tpu.memref_squeeze %dma_start3A_68 : memref<1x128x16xf32, #tpu.memory_space<vmem>> -> memref<128x16xf32, #tpu.memory_space<vmem>>
    %dma_start3A_70 = arith.constant 0 : i32
    %dma_start3A_71 = tpu.memref_slice %arg5[%dma_start3A_64, %dma_start3A_70] : memref<80x128xi32, #tpu.memory_space<vmem>> -> memref<1x128xi32, #tpu.memory_space<vmem>>
    %dma_start3A_72 = tpu.memref_squeeze %dma_start3A_71 : memref<1x128xi32, #tpu.memory_space<vmem>> -> memref<128xi32, #tpu.memory_space<vmem>>
    %dma_start3A_73 = arith.constant 0 : i32
    %dma_start3A_74 = arith.constant 0 : i32
    %dma_start3A_75 = tpu.memref_slice %arg9[%dma_start3A_73, %dma_start3A_74] : memref<10240x16xf32, #tpu.memory_space<vmem_shared>> -> memref<10240x16xf32, #tpu.memory_space<vmem_shared>>
    tpu.enqueue_indirect_dma source(%dma_start3A_75 : memref<10240x16xf32, #tpu.memory_space<vmem_shared>>) target(%dma_start3A_69 : memref<128x16xf32, #tpu.memory_space<vmem>>) offsets(%dma_start3A_72 : memref<128xi32, #tpu.memory_space<vmem>>) semaphore(%arg12 : memref<!tpu.dma_semaphore, #tpu.memory_space<semaphore_mem>>)
    %dma_start3A_76 = arith.constant 3 : i32
    %dma_start3A_77 = arith.constant 3 : i32
    %dma_start3A_78 = arith.constant 0 : i32
    %dma_start3A_79 = arith.constant 0 : i32
    %dma_start3A_80 = tpu.memref_slice %arg7[%dma_start3A_77, %dma_start3A_78, %dma_start3A_79] : memref<8x128x16xf32, #tpu.memory_space<vmem>> -> memref<1x128x16xf32, #tpu.memory_space<vmem>>
    %dma_start3A_81 = tpu.memref_squeeze %dma_start3A_80 : memref<1x128x16xf32, #tpu.memory_space<vmem>> -> memref<128x16xf32, #tpu.memory_space<vmem>>
    %dma_start3A_82 = arith.constant 0 : i32
    %dma_start3A_83 = tpu.memref_slice %arg5[%dma_start3A_76, %dma_start3A_82] : memref<80x128xi32, #tpu.memory_space<vmem>> -> memref<1x128xi32, #tpu.memory_space<vmem>>
    %dma_start3A_84 = tpu.memref_squeeze %dma_start3A_83 : memref<1x128xi32, #tpu.memory_space<vmem>> -> memref<128xi32, #tpu.memory_space<vmem>>
    %dma_start3A_85 = arith.constant 0 : i32
    %dma_start3A_86 = arith.constant 0 : i32
    %dma_start3A_87 = tpu.memref_slice %arg9[%dma_start3A_85, %dma_start3A_86] : memref<10240x16xf32, #tpu.memory_space<vmem_shared>> -> memref<10240x16xf32, #tpu.memory_space<vmem_shared>>
    tpu.enqueue_indirect_dma source(%dma_start3A_87 : memref<10240x16xf32, #tpu.memory_space<vmem_shared>>) target(%dma_start3A_81 : memref<128x16xf32, #tpu.memory_space<vmem>>) offsets(%dma_start3A_84 : memref<128xi32, #tpu.memory_space<vmem>>) semaphore(%arg13 : memref<!tpu.dma_semaphore, #tpu.memory_space<semaphore_mem>>)
    %dma_start3A_88 = arith.constant 4 : i32
    %dma_start3A_89 = arith.constant 4 : i32
    %dma_start3A_90 = arith.constant 0 : i32
    %dma_start3A_91 = arith.constant 0 : i32
    %dma_start3A_92 = tpu.memref_slice %arg7[%dma_start3A_89, %dma_start3A_90, %dma_start3A_91] : memref<8x128x16xf32, #tpu.memory_space<vmem>> -> memref<1x128x16xf32, #tpu.memory_space<vmem>>
    %dma_start3A_93 = tpu.memref_squeeze %dma_start3A_92 : memref<1x128x16xf32, #tpu.memory_space<vmem>> -> memref<128x16xf32, #tpu.memory_space<vmem>>
    %dma_start3A_94 = arith.constant 0 : i32
    %dma_start3A_95 = tpu.memref_slice %arg5[%dma_start3A_88, %dma_start3A_94] : memref<80x128xi32, #tpu.memory_space<vmem>> -> memref<1x128xi32, #tpu.memory_space<vmem>>
    %dma_start3A_96 = tpu.memref_squeeze %dma_start3A_95 : memref<1x128xi32, #tpu.memory_space<vmem>> -> memref<128xi32, #tpu.memory_space<vmem>>
    %dma_start3A_97 = arith.constant 0 : i32
    %dma_start3A_98 = arith.constant 0 : i32
    %dma_start3A_99 = tpu.memref_slice %arg9[%dma_start3A_97, %dma_start3A_98] : memref<10240x16xf32, #tpu.memory_space<vmem_shared>> -> memref<10240x16xf32, #tpu.memory_space<vmem_shared>>
    tpu.enqueue_indirect_dma source(%dma_start3A_99 : memref<10240x16xf32, #tpu.memory_space<vmem_shared>>) target(%dma_start3A_93 : memref<128x16xf32, #tpu.memory_space<vmem>>) offsets(%dma_start3A_96 : memref<128xi32, #tpu.memory_space<vmem>>) semaphore(%arg14 : memref<!tpu.dma_semaphore, #tpu.memory_space<semaphore_mem>>)
    %dma_start3A_100 = arith.constant 5 : i32
    %dma_start3A_101 = arith.constant 5 : i32
    %dma_start3A_102 = arith.constant 0 : i32
    %dma_start3A_103 = arith.constant 0 : i32
    %dma_start3A_104 = tpu.memref_slice %arg7[%dma_start3A_101, %dma_start3A_102, %dma_start3A_103] : memref<8x128x16xf32, #tpu.memory_space<vmem>> -> memref<1x128x16xf32, #tpu.memory_space<vmem>>
    %dma_start3A_105 = tpu.memref_squeeze %dma_start3A_104 : memref<1x128x16xf32, #tpu.memory_space<vmem>> -> memref<128x16xf32, #tpu.memory_space<vmem>>
    %dma_start3A_106 = arith.constant 0 : i32
    %dma_start3A_107 = tpu.memref_slice %arg5[%dma_start3A_100, %dma_start3A_106] : memref<80x128xi32, #tpu.memory_space<vmem>> -> memref<1x128xi32, #tpu.memory_space<vmem>>
    %dma_start3A_108 = tpu.memref_squeeze %dma_start3A_107 : memref<1x128xi32, #tpu.memory_space<vmem>> -> memref<128xi32, #tpu.memory_space<vmem>>
    %dma_start3A_109 = arith.constant 0 : i32
    %dma_start3A_110 = arith.constant 0 : i32
    %dma_start3A_111 = tpu.memref_slice %arg9[%dma_start3A_109, %dma_start3A_110] : memref<10240x16xf32, #tpu.memory_space<vmem_shared>> -> memref<10240x16xf32, #tpu.memory_space<vmem_shared>>
    tpu.enqueue_indirect_dma source(%dma_start3A_111 : memref<10240x16xf32, #tpu.memory_space<vmem_shared>>) target(%dma_start3A_105 : memref<128x16xf32, #tpu.memory_space<vmem>>) offsets(%dma_start3A_108 : memref<128xi32, #tpu.memory_space<vmem>>) semaphore(%arg15 : memref<!tpu.dma_semaphore, #tpu.memory_space<semaphore_mem>>)
    %dma_start3A_112 = arith.constant 6 : i32
    %dma_start3A_113 = arith.constant 6 : i32
    %dma_start3A_114 = arith.constant 0 : i32
    %dma_start3A_115 = arith.constant 0 : i32
    %dma_start3A_116 = tpu.memref_slice %arg7[%dma_start3A_113, %dma_start3A_114, %dma_start3A_115] : memref<8x128x16xf32, #tpu.memory_space<vmem>> -> memref<1x128x16xf32, #tpu.memory_space<vmem>>
    %dma_start3A_117 = tpu.memref_squeeze %dma_start3A_116 : memref<1x128x16xf32, #tpu.memory_space<vmem>> -> memref<128x16xf32, #tpu.memory_space<vmem>>
    %dma_start3A_118 = arith.constant 0 : i32
    %dma_start3A_119 = tpu.memref_slice %arg5[%dma_start3A_112, %dma_start3A_118] : memref<80x128xi32, #tpu.memory_space<vmem>> -> memref<1x128xi32, #tpu.memory_space<vmem>>
    %dma_start3A_120 = tpu.memref_squeeze %dma_start3A_119 : memref<1x128xi32, #tpu.memory_space<vmem>> -> memref<128xi32, #tpu.memory_space<vmem>>
    %dma_start3A_121 = arith.constant 0 : i32
    %dma_start3A_122 = arith.constant 0 : i32
    %dma_start3A_123 = tpu.memref_slice %arg9[%dma_start3A_121, %dma_start3A_122] : memref<10240x16xf32, #tpu.memory_space<vmem_shared>> -> memref<10240x16xf32, #tpu.memory_space<vmem_shared>>
    tpu.enqueue_indirect_dma source(%dma_start3A_123 : memref<10240x16xf32, #tpu.memory_space<vmem_shared>>) target(%dma_start3A_117 : memref<128x16xf32, #tpu.memory_space<vmem>>) offsets(%dma_start3A_120 : memref<128xi32, #tpu.memory_space<vmem>>) semaphore(%arg16 : memref<!tpu.dma_semaphore, #tpu.memory_space<semaphore_mem>>)
    %dma_start3A_124 = arith.constant 7 : i32
    %dma_start3A_125 = arith.constant 7 : i32
    %dma_start3A_126 = arith.constant 0 : i32
    %dma_start3A_127 = arith.constant 0 : i32
    %dma_start3A_128 = tpu.memref_slice %arg7[%dma_start3A_125, %dma_start3A_126, %dma_start3A_127] : memref<8x128x16xf32, #tpu.memory_space<vmem>> -> memref<1x128x16xf32, #tpu.memory_space<vmem>>
    %dma_start3A_129 = tpu.memref_squeeze %dma_start3A_128 : memref<1x128x16xf32, #tpu.memory_space<vmem>> -> memref<128x16xf32, #tpu.memory_space<vmem>>
    %dma_start3A_130 = arith.constant 0 : i32
    %dma_start3A_131 = tpu.memref_slice %arg5[%dma_start3A_124, %dma_start3A_130] : memref<80x128xi32, #tpu.memory_space<vmem>> -> memref<1x128xi32, #tpu.memory_space<vmem>>
    %dma_start3A_132 = tpu.memref_squeeze %dma_start3A_131 : memref<1x128xi32, #tpu.memory_space<vmem>> -> memref<128xi32, #tpu.memory_space<vmem>>
    %dma_start3A_133 = arith.constant 0 : i32
    %dma_start3A_134 = arith.constant 0 : i32
    %dma_start3A_135 = tpu.memref_slice %arg9[%dma_start3A_133, %dma_start3A_134] : memref<10240x16xf32, #tpu.memory_space<vmem_shared>> -> memref<10240x16xf32, #tpu.memory_space<vmem_shared>>
    tpu.enqueue_indirect_dma source(%dma_start3A_135 : memref<10240x16xf32, #tpu.memory_space<vmem_shared>>) target(%dma_start3A_129 : memref<128x16xf32, #tpu.memory_space<vmem>>) offsets(%dma_start3A_132 : memref<128xi32, #tpu.memory_space<vmem>>) semaphore(%arg17 : memref<!tpu.dma_semaphore, #tpu.memory_space<semaphore_mem>>)
    %scan3A_136 = arith.constant 0 : i32
    %scan3A_137 = arith.constant 0 : i32
    %scan3A_138 = arith.constant 10 : i32
    %scan3A_139 = arith.addi %scan3A_137, %scan3A_138 : i32
    %scan3A_140 = arith.constant 1 : i32
    scf.for %scan3A_143 = %scan3A_137 to %scan3A_139 step %scan3A_140  : i32 {
      %mul3A_144 = arith.constant 8 : i32
      %mul3A_145 = arith.muli %scan3A_143, %mul3A_144 : i32
      %add3A_146 = arith.constant 0 : i32
      %add3A_147 = arith.addi %mul3A_145, %add3A_146 : i32
      %lt3A_148 = arith.cmpi slt, %add3A_147, %mul3A_5 : i32
      %convert_element_type3A_149 = arith.extui %lt3A_148 : i1 to i32
      %cond3A_150 = arith.constant 0 : i32
      %cond3A_151 = arith.cmpi ne, %convert_element_type3A_149, %cond3A_150 : i32
      scf.if %cond3A_151 {
        %dma_wait3A = arith.constant 0 : i32
        %dma_wait3A_272 = arith.constant 0 : i32
        %dma_wait3A_273 = arith.constant 0 : i32
        %dma_wait3A_274 = tpu.memref_slice %arg7[%dma_wait3A, %dma_wait3A_272, %dma_wait3A_273] : memref<8x128x16xf32, #tpu.memory_space<vmem>> -> memref<1x128x16xf32, #tpu.memory_space<vmem>>
        %dma_wait3A_275 = tpu.memref_squeeze %dma_wait3A_274 : memref<1x128x16xf32, #tpu.memory_space<vmem>> -> memref<128x16xf32, #tpu.memory_space<vmem>>
        %dma_wait3A_276 = arith.constant 0 : i32
        %dma_wait3A_277 = tpu.memref_slice %arg5[%add3A_147, %dma_wait3A_276] : memref<80x128xi32, #tpu.memory_space<vmem>> -> memref<1x128xi32, #tpu.memory_space<vmem>>
        %dma_wait3A_278 = tpu.memref_squeeze %dma_wait3A_277 : memref<1x128xi32, #tpu.memory_space<vmem>> -> memref<128xi32, #tpu.memory_space<vmem>>
        %dma_wait3A_279 = arith.constant 0 : i32
        %dma_wait3A_280 = arith.constant 0 : i32
        %dma_wait3A_281 = tpu.memref_slice %arg9[%dma_wait3A_279, %dma_wait3A_280] : memref<10240x16xf32, #tpu.memory_space<vmem_shared>> -> memref<10240x16xf32, #tpu.memory_space<vmem_shared>>
        tpu.wait_indirect_dma semaphore(%arg10 : memref<!tpu.dma_semaphore, #tpu.memory_space<semaphore_mem>>) src(%dma_wait3A_281 : memref<10240x16xf32, #tpu.memory_space<vmem_shared>>) dst(%dma_wait3A_275 : memref<128x16xf32, #tpu.memory_space<vmem>>)
        %dma_start3A_282 = arith.constant 0 : i32
        %dma_start3A_283 = arith.constant 0 : i32
        %dma_start3A_284 = arith.constant 0 : i32
        %dma_start3A_285 = tpu.memref_slice %arg7[%dma_start3A_282, %dma_start3A_283, %dma_start3A_284] : memref<8x128x16xf32, #tpu.memory_space<vmem>> -> memref<1x128x16xf32, #tpu.memory_space<vmem>>
        %dma_start3A_286 = tpu.memref_squeeze %dma_start3A_285 : memref<1x128x16xf32, #tpu.memory_space<vmem>> -> memref<128x16xf32, #tpu.memory_space<vmem>>
        %dma_start3A_287 = arith.constant 0 : i32
        %dma_start3A_288 = tpu.memref_slice %arg6[%add3A_147, %dma_start3A_287] : memref<80x128xi32, #tpu.memory_space<vmem>> -> memref<1x128xi32, #tpu.memory_space<vmem>>
        %dma_start3A_289 = tpu.memref_squeeze %dma_start3A_288 : memref<1x128xi32, #tpu.memory_space<vmem>> -> memref<128xi32, #tpu.memory_space<vmem>>
        %dma_start3A_290 = arith.constant 0 : i32
        %dma_start3A_291 = arith.constant 0 : i32
        %dma_start3A_292 = tpu.memref_slice %arg8[%dma_start3A_290, %dma_start3A_291] : memref<10240x16xf32, #tpu.memory_space<vmem_shared>> -> memref<10240x16xf32, #tpu.memory_space<vmem_shared>>
        tpu.enqueue_indirect_dma source(%dma_start3A_286 : memref<128x16xf32, #tpu.memory_space<vmem>>) target(%dma_start3A_292 : memref<10240x16xf32, #tpu.memory_space<vmem_shared>>) offsets(%dma_start3A_289 : memref<128xi32, #tpu.memory_space<vmem>>) semaphore(%arg18 : memref<!tpu.dma_semaphore, #tpu.memory_space<semaphore_mem>>) {add = true}
      } else {
      }
      %mul3A_152 = arith.constant 8 : i32
      %mul3A_153 = arith.muli %scan3A_143, %mul3A_152 : i32
      %add3A_154 = arith.constant 1 : i32
      %add3A_155 = arith.addi %mul3A_153, %add3A_154 : i32
      %lt3A_156 = arith.cmpi slt, %add3A_155, %mul3A_5 : i32
      %convert_element_type3A_157 = arith.extui %lt3A_156 : i1 to i32
      %cond3A_158 = arith.constant 0 : i32
      %cond3A_159 = arith.cmpi ne, %convert_element_type3A_157, %cond3A_158 : i32
      scf.if %cond3A_159 {
        %dma_wait3A = arith.constant 1 : i32
        %dma_wait3A_272 = arith.constant 0 : i32
        %dma_wait3A_273 = arith.constant 0 : i32
        %dma_wait3A_274 = tpu.memref_slice %arg7[%dma_wait3A, %dma_wait3A_272, %dma_wait3A_273] : memref<8x128x16xf32, #tpu.memory_space<vmem>> -> memref<1x128x16xf32, #tpu.memory_space<vmem>>
        %dma_wait3A_275 = tpu.memref_squeeze %dma_wait3A_274 : memref<1x128x16xf32, #tpu.memory_space<vmem>> -> memref<128x16xf32, #tpu.memory_space<vmem>>
        %dma_wait3A_276 = arith.constant 0 : i32
        %dma_wait3A_277 = tpu.memref_slice %arg5[%add3A_155, %dma_wait3A_276] : memref<80x128xi32, #tpu.memory_space<vmem>> -> memref<1x128xi32, #tpu.memory_space<vmem>>
        %dma_wait3A_278 = tpu.memref_squeeze %dma_wait3A_277 : memref<1x128xi32, #tpu.memory_space<vmem>> -> memref<128xi32, #tpu.memory_space<vmem>>
        %dma_wait3A_279 = arith.constant 0 : i32
        %dma_wait3A_280 = arith.constant 0 : i32
        %dma_wait3A_281 = tpu.memref_slice %arg9[%dma_wait3A_279, %dma_wait3A_280] : memref<10240x16xf32, #tpu.memory_space<vmem_shared>> -> memref<10240x16xf32, #tpu.memory_space<vmem_shared>>
        tpu.wait_indirect_dma semaphore(%arg11 : memref<!tpu.dma_semaphore, #tpu.memory_space<semaphore_mem>>) src(%dma_wait3A_281 : memref<10240x16xf32, #tpu.memory_space<vmem_shared>>) dst(%dma_wait3A_275 : memref<128x16xf32, #tpu.memory_space<vmem>>)
        %dma_start3A_282 = arith.constant 1 : i32
        %dma_start3A_283 = arith.constant 0 : i32
        %dma_start3A_284 = arith.constant 0 : i32
        %dma_start3A_285 = tpu.memref_slice %arg7[%dma_start3A_282, %dma_start3A_283, %dma_start3A_284] : memref<8x128x16xf32, #tpu.memory_space<vmem>> -> memref<1x128x16xf32, #tpu.memory_space<vmem>>
        %dma_start3A_286 = tpu.memref_squeeze %dma_start3A_285 : memref<1x128x16xf32, #tpu.memory_space<vmem>> -> memref<128x16xf32, #tpu.memory_space<vmem>>
        %dma_start3A_287 = arith.constant 0 : i32
        %dma_start3A_288 = tpu.memref_slice %arg6[%add3A_155, %dma_start3A_287] : memref<80x128xi32, #tpu.memory_space<vmem>> -> memref<1x128xi32, #tpu.memory_space<vmem>>
        %dma_start3A_289 = tpu.memref_squeeze %dma_start3A_288 : memref<1x128xi32, #tpu.memory_space<vmem>> -> memref<128xi32, #tpu.memory_space<vmem>>
        %dma_start3A_290 = arith.constant 0 : i32
        %dma_start3A_291 = arith.constant 0 : i32
        %dma_start3A_292 = tpu.memref_slice %arg8[%dma_start3A_290, %dma_start3A_291] : memref<10240x16xf32, #tpu.memory_space<vmem_shared>> -> memref<10240x16xf32, #tpu.memory_space<vmem_shared>>
        tpu.enqueue_indirect_dma source(%dma_start3A_286 : memref<128x16xf32, #tpu.memory_space<vmem>>) target(%dma_start3A_292 : memref<10240x16xf32, #tpu.memory_space<vmem_shared>>) offsets(%dma_start3A_289 : memref<128xi32, #tpu.memory_space<vmem>>) semaphore(%arg19 : memref<!tpu.dma_semaphore, #tpu.memory_space<semaphore_mem>>) {add = true}
      } else {
      }
      %mul3A_160 = arith.constant 8 : i32
      %mul3A_161 = arith.muli %scan3A_143, %mul3A_160 : i32
      %add3A_162 = arith.constant 2 : i32
      %add3A_163 = arith.addi %mul3A_161, %add3A_162 : i32
      %lt3A_164 = arith.cmpi slt, %add3A_163, %mul3A_5 : i32
      %convert_element_type3A_165 = arith.extui %lt3A_164 : i1 to i32
      %cond3A_166 = arith.constant 0 : i32
      %cond3A_167 = arith.cmpi ne, %convert_element_type3A_165, %cond3A_166 : i32
      scf.if %cond3A_167 {
        %dma_wait3A = arith.constant 2 : i32
        %dma_wait3A_272 = arith.constant 0 : i32
        %dma_wait3A_273 = arith.constant 0 : i32
        %dma_wait3A_274 = tpu.memref_slice %arg7[%dma_wait3A, %dma_wait3A_272, %dma_wait3A_273] : memref<8x128x16xf32, #tpu.memory_space<vmem>> -> memref<1x128x16xf32, #tpu.memory_space<vmem>>
        %dma_wait3A_275 = tpu.memref_squeeze %dma_wait3A_274 : memref<1x128x16xf32, #tpu.memory_space<vmem>> -> memref<128x16xf32, #tpu.memory_space<vmem>>
        %dma_wait3A_276 = arith.constant 0 : i32
        %dma_wait3A_277 = tpu.memref_slice %arg5[%add3A_163, %dma_wait3A_276] : memref<80x128xi32, #tpu.memory_space<vmem>> -> memref<1x128xi32, #tpu.memory_space<vmem>>
        %dma_wait3A_278 = tpu.memref_squeeze %dma_wait3A_277 : memref<1x128xi32, #tpu.memory_space<vmem>> -> memref<128xi32, #tpu.memory_space<vmem>>
        %dma_wait3A_279 = arith.constant 0 : i32
        %dma_wait3A_280 = arith.constant 0 : i32
        %dma_wait3A_281 = tpu.memref_slice %arg9[%dma_wait3A_279, %dma_wait3A_280] : memref<10240x16xf32, #tpu.memory_space<vmem_shared>> -> memref<10240x16xf32, #tpu.memory_space<vmem_shared>>
        tpu.wait_indirect_dma semaphore(%arg12 : memref<!tpu.dma_semaphore, #tpu.memory_space<semaphore_mem>>) src(%dma_wait3A_281 : memref<10240x16xf32, #tpu.memory_space<vmem_shared>>) dst(%dma_wait3A_275 : memref<128x16xf32, #tpu.memory_space<vmem>>)
        %dma_start3A_282 = arith.constant 2 : i32
        %dma_start3A_283 = arith.constant 0 : i32
        %dma_start3A_284 = arith.constant 0 : i32
        %dma_start3A_285 = tpu.memref_slice %arg7[%dma_start3A_282, %dma_start3A_283, %dma_start3A_284] : memref<8x128x16xf32, #tpu.memory_space<vmem>> -> memref<1x128x16xf32, #tpu.memory_space<vmem>>
        %dma_start3A_286 = tpu.memref_squeeze %dma_start3A_285 : memref<1x128x16xf32, #tpu.memory_space<vmem>> -> memref<128x16xf32, #tpu.memory_space<vmem>>
        %dma_start3A_287 = arith.constant 0 : i32
        %dma_start3A_288 = tpu.memref_slice %arg6[%add3A_163, %dma_start3A_287] : memref<80x128xi32, #tpu.memory_space<vmem>> -> memref<1x128xi32, #tpu.memory_space<vmem>>
        %dma_start3A_289 = tpu.memref_squeeze %dma_start3A_288 : memref<1x128xi32, #tpu.memory_space<vmem>> -> memref<128xi32, #tpu.memory_space<vmem>>
        %dma_start3A_290 = arith.constant 0 : i32
        %dma_start3A_291 = arith.constant 0 : i32
        %dma_start3A_292 = tpu.memref_slice %arg8[%dma_start3A_290, %dma_start3A_291] : memref<10240x16xf32, #tpu.memory_space<vmem_shared>> -> memref<10240x16xf32, #tpu.memory_space<vmem_shared>>
        tpu.enqueue_indirect_dma source(%dma_start3A_286 : memref<128x16xf32, #tpu.memory_space<vmem>>) target(%dma_start3A_292 : memref<10240x16xf32, #tpu.memory_space<vmem_shared>>) offsets(%dma_start3A_289 : memref<128xi32, #tpu.memory_space<vmem>>) semaphore(%arg20 : memref<!tpu.dma_semaphore, #tpu.memory_space<semaphore_mem>>) {add = true}
      } else {
      }
      %mul3A_168 = arith.constant 8 : i32
      %mul3A_169 = arith.muli %scan3A_143, %mul3A_168 : i32
      %add3A_170 = arith.constant 3 : i32
      %add3A_171 = arith.addi %mul3A_169, %add3A_170 : i32
      %lt3A_172 = arith.cmpi slt, %add3A_171, %mul3A_5 : i32
      %convert_element_type3A_173 = arith.extui %lt3A_172 : i1 to i32
      %cond3A_174 = arith.constant 0 : i32
      %cond3A_175 = arith.cmpi ne, %convert_element_type3A_173, %cond3A_174 : i32
      scf.if %cond3A_175 {
        %dma_wait3A = arith.constant 3 : i32
        %dma_wait3A_272 = arith.constant 0 : i32
        %dma_wait3A_273 = arith.constant 0 : i32
        %dma_wait3A_274 = tpu.memref_slice %arg7[%dma_wait3A, %dma_wait3A_272, %dma_wait3A_273] : memref<8x128x16xf32, #tpu.memory_space<vmem>> -> memref<1x128x16xf32, #tpu.memory_space<vmem>>
        %dma_wait3A_275 = tpu.memref_squeeze %dma_wait3A_274 : memref<1x128x16xf32, #tpu.memory_space<vmem>> -> memref<128x16xf32, #tpu.memory_space<vmem>>
        %dma_wait3A_276 = arith.constant 0 : i32
        %dma_wait3A_277 = tpu.memref_slice %arg5[%add3A_171, %dma_wait3A_276] : memref<80x128xi32, #tpu.memory_space<vmem>> -> memref<1x128xi32, #tpu.memory_space<vmem>>
        %dma_wait3A_278 = tpu.memref_squeeze %dma_wait3A_277 : memref<1x128xi32, #tpu.memory_space<vmem>> -> memref<128xi32, #tpu.memory_space<vmem>>
        %dma_wait3A_279 = arith.constant 0 : i32
        %dma_wait3A_280 = arith.constant 0 : i32
        %dma_wait3A_281 = tpu.memref_slice %arg9[%dma_wait3A_279, %dma_wait3A_280] : memref<10240x16xf32, #tpu.memory_space<vmem_shared>> -> memref<10240x16xf32, #tpu.memory_space<vmem_shared>>
        tpu.wait_indirect_dma semaphore(%arg13 : memref<!tpu.dma_semaphore, #tpu.memory_space<semaphore_mem>>) src(%dma_wait3A_281 : memref<10240x16xf32, #tpu.memory_space<vmem_shared>>) dst(%dma_wait3A_275 : memref<128x16xf32, #tpu.memory_space<vmem>>)
        %dma_start3A_282 = arith.constant 3 : i32
        %dma_start3A_283 = arith.constant 0 : i32
        %dma_start3A_284 = arith.constant 0 : i32
        %dma_start3A_285 = tpu.memref_slice %arg7[%dma_start3A_282, %dma_start3A_283, %dma_start3A_284] : memref<8x128x16xf32, #tpu.memory_space<vmem>> -> memref<1x128x16xf32, #tpu.memory_space<vmem>>
        %dma_start3A_286 = tpu.memref_squeeze %dma_start3A_285 : memref<1x128x16xf32, #tpu.memory_space<vmem>> -> memref<128x16xf32, #tpu.memory_space<vmem>>
        %dma_start3A_287 = arith.constant 0 : i32
        %dma_start3A_288 = tpu.memref_slice %arg6[%add3A_171, %dma_start3A_287] : memref<80x128xi32, #tpu.memory_space<vmem>> -> memref<1x128xi32, #tpu.memory_space<vmem>>
        %dma_start3A_289 = tpu.memref_squeeze %dma_start3A_288 : memref<1x128xi32, #tpu.memory_space<vmem>> -> memref<128xi32, #tpu.memory_space<vmem>>
        %dma_start3A_290 = arith.constant 0 : i32
        %dma_start3A_291 = arith.constant 0 : i32
        %dma_start3A_292 = tpu.memref_slice %arg8[%dma_start3A_290, %dma_start3A_291] : memref<10240x16xf32, #tpu.memory_space<vmem_shared>> -> memref<10240x16xf32, #tpu.memory_space<vmem_shared>>
        tpu.enqueue_indirect_dma source(%dma_start3A_286 : memref<128x16xf32, #tpu.memory_space<vmem>>) target(%dma_start3A_292 : memref<10240x16xf32, #tpu.memory_space<vmem_shared>>) offsets(%dma_start3A_289 : memref<128xi32, #tpu.memory_space<vmem>>) semaphore(%arg21 : memref<!tpu.dma_semaphore, #tpu.memory_space<semaphore_mem>>) {add = true}
      } else {
      }
      %mul3A_176 = arith.constant 8 : i32
      %mul3A_177 = arith.muli %scan3A_143, %mul3A_176 : i32
      %add3A_178 = arith.constant 4 : i32
      %add3A_179 = arith.addi %mul3A_177, %add3A_178 : i32
      %lt3A_180 = arith.cmpi slt, %add3A_179, %mul3A_5 : i32
      %convert_element_type3A_181 = arith.extui %lt3A_180 : i1 to i32
      %cond3A_182 = arith.constant 0 : i32
      %cond3A_183 = arith.cmpi ne, %convert_element_type3A_181, %cond3A_182 : i32
      scf.if %cond3A_183 {
        %dma_wait3A = arith.constant 4 : i32
        %dma_wait3A_272 = arith.constant 0 : i32
        %dma_wait3A_273 = arith.constant 0 : i32
        %dma_wait3A_274 = tpu.memref_slice %arg7[%dma_wait3A, %dma_wait3A_272, %dma_wait3A_273] : memref<8x128x16xf32, #tpu.memory_space<vmem>> -> memref<1x128x16xf32, #tpu.memory_space<vmem>>
        %dma_wait3A_275 = tpu.memref_squeeze %dma_wait3A_274 : memref<1x128x16xf32, #tpu.memory_space<vmem>> -> memref<128x16xf32, #tpu.memory_space<vmem>>
        %dma_wait3A_276 = arith.constant 0 : i32
        %dma_wait3A_277 = tpu.memref_slice %arg5[%add3A_179, %dma_wait3A_276] : memref<80x128xi32, #tpu.memory_space<vmem>> -> memref<1x128xi32, #tpu.memory_space<vmem>>
        %dma_wait3A_278 = tpu.memref_squeeze %dma_wait3A_277 : memref<1x128xi32, #tpu.memory_space<vmem>> -> memref<128xi32, #tpu.memory_space<vmem>>
        %dma_wait3A_279 = arith.constant 0 : i32
        %dma_wait3A_280 = arith.constant 0 : i32
        %dma_wait3A_281 = tpu.memref_slice %arg9[%dma_wait3A_279, %dma_wait3A_280] : memref<10240x16xf32, #tpu.memory_space<vmem_shared>> -> memref<10240x16xf32, #tpu.memory_space<vmem_shared>>
        tpu.wait_indirect_dma semaphore(%arg14 : memref<!tpu.dma_semaphore, #tpu.memory_space<semaphore_mem>>) src(%dma_wait3A_281 : memref<10240x16xf32, #tpu.memory_space<vmem_shared>>) dst(%dma_wait3A_275 : memref<128x16xf32, #tpu.memory_space<vmem>>)
        %dma_start3A_282 = arith.constant 4 : i32
        %dma_start3A_283 = arith.constant 0 : i32
        %dma_start3A_284 = arith.constant 0 : i32
        %dma_start3A_285 = tpu.memref_slice %arg7[%dma_start3A_282, %dma_start3A_283, %dma_start3A_284] : memref<8x128x16xf32, #tpu.memory_space<vmem>> -> memref<1x128x16xf32, #tpu.memory_space<vmem>>
        %dma_start3A_286 = tpu.memref_squeeze %dma_start3A_285 : memref<1x128x16xf32, #tpu.memory_space<vmem>> -> memref<128x16xf32, #tpu.memory_space<vmem>>
        %dma_start3A_287 = arith.constant 0 : i32
        %dma_start3A_288 = tpu.memref_slice %arg6[%add3A_179, %dma_start3A_287] : memref<80x128xi32, #tpu.memory_space<vmem>> -> memref<1x128xi32, #tpu.memory_space<vmem>>
        %dma_start3A_289 = tpu.memref_squeeze %dma_start3A_288 : memref<1x128xi32, #tpu.memory_space<vmem>> -> memref<128xi32, #tpu.memory_space<vmem>>
        %dma_start3A_290 = arith.constant 0 : i32
        %dma_start3A_291 = arith.constant 0 : i32
        %dma_start3A_292 = tpu.memref_slice %arg8[%dma_start3A_290, %dma_start3A_291] : memref<10240x16xf32, #tpu.memory_space<vmem_shared>> -> memref<10240x16xf32, #tpu.memory_space<vmem_shared>>
        tpu.enqueue_indirect_dma source(%dma_start3A_286 : memref<128x16xf32, #tpu.memory_space<vmem>>) target(%dma_start3A_292 : memref<10240x16xf32, #tpu.memory_space<vmem_shared>>) offsets(%dma_start3A_289 : memref<128xi32, #tpu.memory_space<vmem>>) semaphore(%arg22 : memref<!tpu.dma_semaphore, #tpu.memory_space<semaphore_mem>>) {add = true}
      } else {
      }
      %mul3A_184 = arith.constant 8 : i32
      %mul3A_185 = arith.muli %scan3A_143, %mul3A_184 : i32
      %add3A_186 = arith.constant 5 : i32
      %add3A_187 = arith.addi %mul3A_185, %add3A_186 : i32
      %lt3A_188 = arith.cmpi slt, %add3A_187, %mul3A_5 : i32
      %convert_element_type3A_189 = arith.extui %lt3A_188 : i1 to i32
      %cond3A_190 = arith.constant 0 : i32
      %cond3A_191 = arith.cmpi ne, %convert_element_type3A_189, %cond3A_190 : i32
      scf.if %cond3A_191 {
        %dma_wait3A = arith.constant 5 : i32
        %dma_wait3A_272 = arith.constant 0 : i32
        %dma_wait3A_273 = arith.constant 0 : i32
        %dma_wait3A_274 = tpu.memref_slice %arg7[%dma_wait3A, %dma_wait3A_272, %dma_wait3A_273] : memref<8x128x16xf32, #tpu.memory_space<vmem>> -> memref<1x128x16xf32, #tpu.memory_space<vmem>>
        %dma_wait3A_275 = tpu.memref_squeeze %dma_wait3A_274 : memref<1x128x16xf32, #tpu.memory_space<vmem>> -> memref<128x16xf32, #tpu.memory_space<vmem>>
        %dma_wait3A_276 = arith.constant 0 : i32
        %dma_wait3A_277 = tpu.memref_slice %arg5[%add3A_187, %dma_wait3A_276] : memref<80x128xi32, #tpu.memory_space<vmem>> -> memref<1x128xi32, #tpu.memory_space<vmem>>
        %dma_wait3A_278 = tpu.memref_squeeze %dma_wait3A_277 : memref<1x128xi32, #tpu.memory_space<vmem>> -> memref<128xi32, #tpu.memory_space<vmem>>
        %dma_wait3A_279 = arith.constant 0 : i32
        %dma_wait3A_280 = arith.constant 0 : i32
        %dma_wait3A_281 = tpu.memref_slice %arg9[%dma_wait3A_279, %dma_wait3A_280] : memref<10240x16xf32, #tpu.memory_space<vmem_shared>> -> memref<10240x16xf32, #tpu.memory_space<vmem_shared>>
        tpu.wait_indirect_dma semaphore(%arg15 : memref<!tpu.dma_semaphore, #tpu.memory_space<semaphore_mem>>) src(%dma_wait3A_281 : memref<10240x16xf32, #tpu.memory_space<vmem_shared>>) dst(%dma_wait3A_275 : memref<128x16xf32, #tpu.memory_space<vmem>>)
        %dma_start3A_282 = arith.constant 5 : i32
        %dma_start3A_283 = arith.constant 0 : i32
        %dma_start3A_284 = arith.constant 0 : i32
        %dma_start3A_285 = tpu.memref_slice %arg7[%dma_start3A_282, %dma_start3A_283, %dma_start3A_284] : memref<8x128x16xf32, #tpu.memory_space<vmem>> -> memref<1x128x16xf32, #tpu.memory_space<vmem>>
        %dma_start3A_286 = tpu.memref_squeeze %dma_start3A_285 : memref<1x128x16xf32, #tpu.memory_space<vmem>> -> memref<128x16xf32, #tpu.memory_space<vmem>>
        %dma_start3A_287 = arith.constant 0 : i32
        %dma_start3A_288 = tpu.memref_slice %arg6[%add3A_187, %dma_start3A_287] : memref<80x128xi32, #tpu.memory_space<vmem>> -> memref<1x128xi32, #tpu.memory_space<vmem>>
        %dma_start3A_289 = tpu.memref_squeeze %dma_start3A_288 : memref<1x128xi32, #tpu.memory_space<vmem>> -> memref<128xi32, #tpu.memory_space<vmem>>
        %dma_start3A_290 = arith.constant 0 : i32
        %dma_start3A_291 = arith.constant 0 : i32
        %dma_start3A_292 = tpu.memref_slice %arg8[%dma_start3A_290, %dma_start3A_291] : memref<10240x16xf32, #tpu.memory_space<vmem_shared>> -> memref<10240x16xf32, #tpu.memory_space<vmem_shared>>
        tpu.enqueue_indirect_dma source(%dma_start3A_286 : memref<128x16xf32, #tpu.memory_space<vmem>>) target(%dma_start3A_292 : memref<10240x16xf32, #tpu.memory_space<vmem_shared>>) offsets(%dma_start3A_289 : memref<128xi32, #tpu.memory_space<vmem>>) semaphore(%arg23 : memref<!tpu.dma_semaphore, #tpu.memory_space<semaphore_mem>>) {add = true}
      } else {
      }
      %mul3A_192 = arith.constant 8 : i32
      %mul3A_193 = arith.muli %scan3A_143, %mul3A_192 : i32
      %add3A_194 = arith.constant 6 : i32
      %add3A_195 = arith.addi %mul3A_193, %add3A_194 : i32
      %lt3A_196 = arith.cmpi slt, %add3A_195, %mul3A_5 : i32
      %convert_element_type3A_197 = arith.extui %lt3A_196 : i1 to i32
      %cond3A_198 = arith.constant 0 : i32
      %cond3A_199 = arith.cmpi ne, %convert_element_type3A_197, %cond3A_198 : i32
      scf.if %cond3A_199 {
        %dma_wait3A = arith.constant 6 : i32
        %dma_wait3A_272 = arith.constant 0 : i32
        %dma_wait3A_273 = arith.constant 0 : i32
        %dma_wait3A_274 = tpu.memref_slice %arg7[%dma_wait3A, %dma_wait3A_272, %dma_wait3A_273] : memref<8x128x16xf32, #tpu.memory_space<vmem>> -> memref<1x128x16xf32, #tpu.memory_space<vmem>>
        %dma_wait3A_275 = tpu.memref_squeeze %dma_wait3A_274 : memref<1x128x16xf32, #tpu.memory_space<vmem>> -> memref<128x16xf32, #tpu.memory_space<vmem>>
        %dma_wait3A_276 = arith.constant 0 : i32
        %dma_wait3A_277 = tpu.memref_slice %arg5[%add3A_195, %dma_wait3A_276] : memref<80x128xi32, #tpu.memory_space<vmem>> -> memref<1x128xi32, #tpu.memory_space<vmem>>
        %dma_wait3A_278 = tpu.memref_squeeze %dma_wait3A_277 : memref<1x128xi32, #tpu.memory_space<vmem>> -> memref<128xi32, #tpu.memory_space<vmem>>
        %dma_wait3A_279 = arith.constant 0 : i32
        %dma_wait3A_280 = arith.constant 0 : i32
        %dma_wait3A_281 = tpu.memref_slice %arg9[%dma_wait3A_279, %dma_wait3A_280] : memref<10240x16xf32, #tpu.memory_space<vmem_shared>> -> memref<10240x16xf32, #tpu.memory_space<vmem_shared>>
        tpu.wait_indirect_dma semaphore(%arg16 : memref<!tpu.dma_semaphore, #tpu.memory_space<semaphore_mem>>) src(%dma_wait3A_281 : memref<10240x16xf32, #tpu.memory_space<vmem_shared>>) dst(%dma_wait3A_275 : memref<128x16xf32, #tpu.memory_space<vmem>>)
        %dma_start3A_282 = arith.constant 6 : i32
        %dma_start3A_283 = arith.constant 0 : i32
        %dma_start3A_284 = arith.constant 0 : i32
        %dma_start3A_285 = tpu.memref_slice %arg7[%dma_start3A_282, %dma_start3A_283, %dma_start3A_284] : memref<8x128x16xf32, #tpu.memory_space<vmem>> -> memref<1x128x16xf32, #tpu.memory_space<vmem>>
        %dma_start3A_286 = tpu.memref_squeeze %dma_start3A_285 : memref<1x128x16xf32, #tpu.memory_space<vmem>> -> memref<128x16xf32, #tpu.memory_space<vmem>>
        %dma_start3A_287 = arith.constant 0 : i32
        %dma_start3A_288 = tpu.memref_slice %arg6[%add3A_195, %dma_start3A_287] : memref<80x128xi32, #tpu.memory_space<vmem>> -> memref<1x128xi32, #tpu.memory_space<vmem>>
        %dma_start3A_289 = tpu.memref_squeeze %dma_start3A_288 : memref<1x128xi32, #tpu.memory_space<vmem>> -> memref<128xi32, #tpu.memory_space<vmem>>
        %dma_start3A_290 = arith.constant 0 : i32
        %dma_start3A_291 = arith.constant 0 : i32
        %dma_start3A_292 = tpu.memref_slice %arg8[%dma_start3A_290, %dma_start3A_291] : memref<10240x16xf32, #tpu.memory_space<vmem_shared>> -> memref<10240x16xf32, #tpu.memory_space<vmem_shared>>
        tpu.enqueue_indirect_dma source(%dma_start3A_286 : memref<128x16xf32, #tpu.memory_space<vmem>>) target(%dma_start3A_292 : memref<10240x16xf32, #tpu.memory_space<vmem_shared>>) offsets(%dma_start3A_289 : memref<128xi32, #tpu.memory_space<vmem>>) semaphore(%arg24 : memref<!tpu.dma_semaphore, #tpu.memory_space<semaphore_mem>>) {add = true}
      } else {
      }
      %mul3A_200 = arith.constant 8 : i32
      %mul3A_201 = arith.muli %scan3A_143, %mul3A_200 : i32
      %add3A_202 = arith.constant 7 : i32
      %add3A_203 = arith.addi %mul3A_201, %add3A_202 : i32
      %lt3A_204 = arith.cmpi slt, %add3A_203, %mul3A_5 : i32
      %convert_element_type3A_205 = arith.extui %lt3A_204 : i1 to i32
      %cond3A_206 = arith.constant 0 : i32
      %cond3A_207 = arith.cmpi ne, %convert_element_type3A_205, %cond3A_206 : i32
      scf.if %cond3A_207 {
        %dma_wait3A = arith.constant 7 : i32
        %dma_wait3A_272 = arith.constant 0 : i32
        %dma_wait3A_273 = arith.constant 0 : i32
        %dma_wait3A_274 = tpu.memref_slice %arg7[%dma_wait3A, %dma_wait3A_272, %dma_wait3A_273] : memref<8x128x16xf32, #tpu.memory_space<vmem>> -> memref<1x128x16xf32, #tpu.memory_space<vmem>>
        %dma_wait3A_275 = tpu.memref_squeeze %dma_wait3A_274 : memref<1x128x16xf32, #tpu.memory_space<vmem>> -> memref<128x16xf32, #tpu.memory_space<vmem>>
        %dma_wait3A_276 = arith.constant 0 : i32
        %dma_wait3A_277 = tpu.memref_slice %arg5[%add3A_203, %dma_wait3A_276] : memref<80x128xi32, #tpu.memory_space<vmem>> -> memref<1x128xi32, #tpu.memory_space<vmem>>
        %dma_wait3A_278 = tpu.memref_squeeze %dma_wait3A_277 : memref<1x128xi32, #tpu.memory_space<vmem>> -> memref<128xi32, #tpu.memory_space<vmem>>
        %dma_wait3A_279 = arith.constant 0 : i32
        %dma_wait3A_280 = arith.constant 0 : i32
        %dma_wait3A_281 = tpu.memref_slice %arg9[%dma_wait3A_279, %dma_wait3A_280] : memref<10240x16xf32, #tpu.memory_space<vmem_shared>> -> memref<10240x16xf32, #tpu.memory_space<vmem_shared>>
        tpu.wait_indirect_dma semaphore(%arg17 : memref<!tpu.dma_semaphore, #tpu.memory_space<semaphore_mem>>) src(%dma_wait3A_281 : memref<10240x16xf32, #tpu.memory_space<vmem_shared>>) dst(%dma_wait3A_275 : memref<128x16xf32, #tpu.memory_space<vmem>>)
        %dma_start3A_282 = arith.constant 7 : i32
        %dma_start3A_283 = arith.constant 0 : i32
        %dma_start3A_284 = arith.constant 0 : i32
        %dma_start3A_285 = tpu.memref_slice %arg7[%dma_start3A_282, %dma_start3A_283, %dma_start3A_284] : memref<8x128x16xf32, #tpu.memory_space<vmem>> -> memref<1x128x16xf32, #tpu.memory_space<vmem>>
        %dma_start3A_286 = tpu.memref_squeeze %dma_start3A_285 : memref<1x128x16xf32, #tpu.memory_space<vmem>> -> memref<128x16xf32, #tpu.memory_space<vmem>>
        %dma_start3A_287 = arith.constant 0 : i32
        %dma_start3A_288 = tpu.memref_slice %arg6[%add3A_203, %dma_start3A_287] : memref<80x128xi32, #tpu.memory_space<vmem>> -> memref<1x128xi32, #tpu.memory_space<vmem>>
        %dma_start3A_289 = tpu.memref_squeeze %dma_start3A_288 : memref<1x128xi32, #tpu.memory_space<vmem>> -> memref<128xi32, #tpu.memory_space<vmem>>
        %dma_start3A_290 = arith.constant 0 : i32
        %dma_start3A_291 = arith.constant 0 : i32
        %dma_start3A_292 = tpu.memref_slice %arg8[%dma_start3A_290, %dma_start3A_291] : memref<10240x16xf32, #tpu.memory_space<vmem_shared>> -> memref<10240x16xf32, #tpu.memory_space<vmem_shared>>
        tpu.enqueue_indirect_dma source(%dma_start3A_286 : memref<128x16xf32, #tpu.memory_space<vmem>>) target(%dma_start3A_292 : memref<10240x16xf32, #tpu.memory_space<vmem_shared>>) offsets(%dma_start3A_289 : memref<128xi32, #tpu.memory_space<vmem>>) semaphore(%arg25 : memref<!tpu.dma_semaphore, #tpu.memory_space<semaphore_mem>>) {add = true}
      } else {
      }
      %mul3A_208 = arith.constant 8 : i32
      %mul3A_209 = arith.muli %scan3A_143, %mul3A_208 : i32
      %add3A_210 = arith.constant 0 : i32
      %add3A_211 = arith.addi %mul3A_209, %add3A_210 : i32
      %lt3A_212 = arith.cmpi slt, %add3A_211, %mul3A_5 : i32
      %convert_element_type3A_213 = arith.extui %lt3A_212 : i1 to i32
      %cond3A_214 = arith.constant 0 : i32
      %cond3A_215 = arith.cmpi ne, %convert_element_type3A_213, %cond3A_214 : i32
      scf.if %cond3A_215 {
        %dma_wait3A = arith.constant 0 : i32
        %dma_wait3A_272 = arith.constant 0 : i32
        %dma_wait3A_273 = arith.constant 0 : i32
        %dma_wait3A_274 = tpu.memref_slice %arg7[%dma_wait3A, %dma_wait3A_272, %dma_wait3A_273] : memref<8x128x16xf32, #tpu.memory_space<vmem>> -> memref<1x128x16xf32, #tpu.memory_space<vmem>>
        %dma_wait3A_275 = tpu.memref_squeeze %dma_wait3A_274 : memref<1x128x16xf32, #tpu.memory_space<vmem>> -> memref<128x16xf32, #tpu.memory_space<vmem>>
        %dma_wait3A_276 = arith.constant 0 : i32
        %dma_wait3A_277 = tpu.memref_slice %arg6[%add3A_211, %dma_wait3A_276] : memref<80x128xi32, #tpu.memory_space<vmem>> -> memref<1x128xi32, #tpu.memory_space<vmem>>
        %dma_wait3A_278 = tpu.memref_squeeze %dma_wait3A_277 : memref<1x128xi32, #tpu.memory_space<vmem>> -> memref<128xi32, #tpu.memory_space<vmem>>
        %dma_wait3A_279 = arith.constant 0 : i32
        %dma_wait3A_280 = arith.constant 0 : i32
        %dma_wait3A_281 = tpu.memref_slice %arg8[%dma_wait3A_279, %dma_wait3A_280] : memref<10240x16xf32, #tpu.memory_space<vmem_shared>> -> memref<10240x16xf32, #tpu.memory_space<vmem_shared>>
        tpu.wait_indirect_dma semaphore(%arg18 : memref<!tpu.dma_semaphore, #tpu.memory_space<semaphore_mem>>) src(%dma_wait3A_275 : memref<128x16xf32, #tpu.memory_space<vmem>>) dst(%dma_wait3A_281 : memref<10240x16xf32, #tpu.memory_space<vmem_shared>>)
        %add3A_282 = arith.constant 8 : i32
        %add3A_283 = arith.addi %add3A_211, %add3A_282 : i32
        %lt3A_284 = arith.cmpi slt, %add3A_283, %mul3A_5 : i32
        %convert_element_type3A_285 = arith.extui %lt3A_284 : i1 to i32
        %cond3A_286 = arith.constant 0 : i32
        %cond3A_287 = arith.cmpi ne, %convert_element_type3A_285, %cond3A_286 : i32
        scf.if %cond3A_287 {
          %add3A_288 = arith.constant 8 : i32
          %add3A_289 = arith.addi %add3A_211, %add3A_288 : i32
          %dma_start3A_290 = arith.constant 0 : i32
          %dma_start3A_291 = arith.constant 0 : i32
          %dma_start3A_292 = arith.constant 0 : i32
          %dma_start3A_293 = tpu.memref_slice %arg7[%dma_start3A_290, %dma_start3A_291, %dma_start3A_292] : memref<8x128x16xf32, #tpu.memory_space<vmem>> -> memref<1x128x16xf32, #tpu.memory_space<vmem>>
          %dma_start3A_294 = tpu.memref_squeeze %dma_start3A_293 : memref<1x128x16xf32, #tpu.memory_space<vmem>> -> memref<128x16xf32, #tpu.memory_space<vmem>>
          %dma_start3A_295 = arith.constant 0 : i32
          %dma_start3A_296 = tpu.memref_slice %arg5[%add3A_289, %dma_start3A_295] : memref<80x128xi32, #tpu.memory_space<vmem>> -> memref<1x128xi32, #tpu.memory_space<vmem>>
          %dma_start3A_297 = tpu.memref_squeeze %dma_start3A_296 : memref<1x128xi32, #tpu.memory_space<vmem>> -> memref<128xi32, #tpu.memory_space<vmem>>
          %dma_start3A_298 = arith.constant 0 : i32
          %dma_start3A_299 = arith.constant 0 : i32
          %dma_start3A_300 = tpu.memref_slice %arg9[%dma_start3A_298, %dma_start3A_299] : memref<10240x16xf32, #tpu.memory_space<vmem_shared>> -> memref<10240x16xf32, #tpu.memory_space<vmem_shared>>
          tpu.enqueue_indirect_dma source(%dma_start3A_300 : memref<10240x16xf32, #tpu.memory_space<vmem_shared>>) target(%dma_start3A_294 : memref<128x16xf32, #tpu.memory_space<vmem>>) offsets(%dma_start3A_297 : memref<128xi32, #tpu.memory_space<vmem>>) semaphore(%arg10 : memref<!tpu.dma_semaphore, #tpu.memory_space<semaphore_mem>>)
        } else {
        }
      } else {
      }
      %mul3A_216 = arith.constant 8 : i32
      %mul3A_217 = arith.muli %scan3A_143, %mul3A_216 : i32
      %add3A_218 = arith.constant 1 : i32
      %add3A_219 = arith.addi %mul3A_217, %add3A_218 : i32
      %lt3A_220 = arith.cmpi slt, %add3A_219, %mul3A_5 : i32
      %convert_element_type3A_221 = arith.extui %lt3A_220 : i1 to i32
      %cond3A_222 = arith.constant 0 : i32
      %cond3A_223 = arith.cmpi ne, %convert_element_type3A_221, %cond3A_222 : i32
      scf.if %cond3A_223 {
        %dma_wait3A = arith.constant 1 : i32
        %dma_wait3A_272 = arith.constant 0 : i32
        %dma_wait3A_273 = arith.constant 0 : i32
        %dma_wait3A_274 = tpu.memref_slice %arg7[%dma_wait3A, %dma_wait3A_272, %dma_wait3A_273] : memref<8x128x16xf32, #tpu.memory_space<vmem>> -> memref<1x128x16xf32, #tpu.memory_space<vmem>>
        %dma_wait3A_275 = tpu.memref_squeeze %dma_wait3A_274 : memref<1x128x16xf32, #tpu.memory_space<vmem>> -> memref<128x16xf32, #tpu.memory_space<vmem>>
        %dma_wait3A_276 = arith.constant 0 : i32
        %dma_wait3A_277 = tpu.memref_slice %arg6[%add3A_219, %dma_wait3A_276] : memref<80x128xi32, #tpu.memory_space<vmem>> -> memref<1x128xi32, #tpu.memory_space<vmem>>
        %dma_wait3A_278 = tpu.memref_squeeze %dma_wait3A_277 : memref<1x128xi32, #tpu.memory_space<vmem>> -> memref<128xi32, #tpu.memory_space<vmem>>
        %dma_wait3A_279 = arith.constant 0 : i32
        %dma_wait3A_280 = arith.constant 0 : i32
        %dma_wait3A_281 = tpu.memref_slice %arg8[%dma_wait3A_279, %dma_wait3A_280] : memref<10240x16xf32, #tpu.memory_space<vmem_shared>> -> memref<10240x16xf32, #tpu.memory_space<vmem_shared>>
        tpu.wait_indirect_dma semaphore(%arg19 : memref<!tpu.dma_semaphore, #tpu.memory_space<semaphore_mem>>) src(%dma_wait3A_275 : memref<128x16xf32, #tpu.memory_space<vmem>>) dst(%dma_wait3A_281 : memref<10240x16xf32, #tpu.memory_space<vmem_shared>>)
        %add3A_282 = arith.constant 8 : i32
        %add3A_283 = arith.addi %add3A_219, %add3A_282 : i32
        %lt3A_284 = arith.cmpi slt, %add3A_283, %mul3A_5 : i32
        %convert_element_type3A_285 = arith.extui %lt3A_284 : i1 to i32
        %cond3A_286 = arith.constant 0 : i32
        %cond3A_287 = arith.cmpi ne, %convert_element_type3A_285, %cond3A_286 : i32
        scf.if %cond3A_287 {
          %add3A_288 = arith.constant 8 : i32
          %add3A_289 = arith.addi %add3A_219, %add3A_288 : i32
          %dma_start3A_290 = arith.constant 1 : i32
          %dma_start3A_291 = arith.constant 0 : i32
          %dma_start3A_292 = arith.constant 0 : i32
          %dma_start3A_293 = tpu.memref_slice %arg7[%dma_start3A_290, %dma_start3A_291, %dma_start3A_292] : memref<8x128x16xf32, #tpu.memory_space<vmem>> -> memref<1x128x16xf32, #tpu.memory_space<vmem>>
          %dma_start3A_294 = tpu.memref_squeeze %dma_start3A_293 : memref<1x128x16xf32, #tpu.memory_space<vmem>> -> memref<128x16xf32, #tpu.memory_space<vmem>>
          %dma_start3A_295 = arith.constant 0 : i32
          %dma_start3A_296 = tpu.memref_slice %arg5[%add3A_289, %dma_start3A_295] : memref<80x128xi32, #tpu.memory_space<vmem>> -> memref<1x128xi32, #tpu.memory_space<vmem>>
          %dma_start3A_297 = tpu.memref_squeeze %dma_start3A_296 : memref<1x128xi32, #tpu.memory_space<vmem>> -> memref<128xi32, #tpu.memory_space<vmem>>
          %dma_start3A_298 = arith.constant 0 : i32
          %dma_start3A_299 = arith.constant 0 : i32
          %dma_start3A_300 = tpu.memref_slice %arg9[%dma_start3A_298, %dma_start3A_299] : memref<10240x16xf32, #tpu.memory_space<vmem_shared>> -> memref<10240x16xf32, #tpu.memory_space<vmem_shared>>
          tpu.enqueue_indirect_dma source(%dma_start3A_300 : memref<10240x16xf32, #tpu.memory_space<vmem_shared>>) target(%dma_start3A_294 : memref<128x16xf32, #tpu.memory_space<vmem>>) offsets(%dma_start3A_297 : memref<128xi32, #tpu.memory_space<vmem>>) semaphore(%arg11 : memref<!tpu.dma_semaphore, #tpu.memory_space<semaphore_mem>>)
        } else {
        }
      } else {
      }
      %mul3A_224 = arith.constant 8 : i32
      %mul3A_225 = arith.muli %scan3A_143, %mul3A_224 : i32
      %add3A_226 = arith.constant 2 : i32
      %add3A_227 = arith.addi %mul3A_225, %add3A_226 : i32
      %lt3A_228 = arith.cmpi slt, %add3A_227, %mul3A_5 : i32
      %convert_element_type3A_229 = arith.extui %lt3A_228 : i1 to i32
      %cond3A_230 = arith.constant 0 : i32
      %cond3A_231 = arith.cmpi ne, %convert_element_type3A_229, %cond3A_230 : i32
      scf.if %cond3A_231 {
        %dma_wait3A = arith.constant 2 : i32
        %dma_wait3A_272 = arith.constant 0 : i32
        %dma_wait3A_273 = arith.constant 0 : i32
        %dma_wait3A_274 = tpu.memref_slice %arg7[%dma_wait3A, %dma_wait3A_272, %dma_wait3A_273] : memref<8x128x16xf32, #tpu.memory_space<vmem>> -> memref<1x128x16xf32, #tpu.memory_space<vmem>>
        %dma_wait3A_275 = tpu.memref_squeeze %dma_wait3A_274 : memref<1x128x16xf32, #tpu.memory_space<vmem>> -> memref<128x16xf32, #tpu.memory_space<vmem>>
        %dma_wait3A_276 = arith.constant 0 : i32
        %dma_wait3A_277 = tpu.memref_slice %arg6[%add3A_227, %dma_wait3A_276] : memref<80x128xi32, #tpu.memory_space<vmem>> -> memref<1x128xi32, #tpu.memory_space<vmem>>
        %dma_wait3A_278 = tpu.memref_squeeze %dma_wait3A_277 : memref<1x128xi32, #tpu.memory_space<vmem>> -> memref<128xi32, #tpu.memory_space<vmem>>
        %dma_wait3A_279 = arith.constant 0 : i32
        %dma_wait3A_280 = arith.constant 0 : i32
        %dma_wait3A_281 = tpu.memref_slice %arg8[%dma_wait3A_279, %dma_wait3A_280] : memref<10240x16xf32, #tpu.memory_space<vmem_shared>> -> memref<10240x16xf32, #tpu.memory_space<vmem_shared>>
        tpu.wait_indirect_dma semaphore(%arg20 : memref<!tpu.dma_semaphore, #tpu.memory_space<semaphore_mem>>) src(%dma_wait3A_275 : memref<128x16xf32, #tpu.memory_space<vmem>>) dst(%dma_wait3A_281 : memref<10240x16xf32, #tpu.memory_space<vmem_shared>>)
        %add3A_282 = arith.constant 8 : i32
        %add3A_283 = arith.addi %add3A_227, %add3A_282 : i32
        %lt3A_284 = arith.cmpi slt, %add3A_283, %mul3A_5 : i32
        %convert_element_type3A_285 = arith.extui %lt3A_284 : i1 to i32
        %cond3A_286 = arith.constant 0 : i32
        %cond3A_287 = arith.cmpi ne, %convert_element_type3A_285, %cond3A_286 : i32
        scf.if %cond3A_287 {
          %add3A_288 = arith.constant 8 : i32
          %add3A_289 = arith.addi %add3A_227, %add3A_288 : i32
          %dma_start3A_290 = arith.constant 2 : i32
          %dma_start3A_291 = arith.constant 0 : i32
          %dma_start3A_292 = arith.constant 0 : i32
          %dma_start3A_293 = tpu.memref_slice %arg7[%dma_start3A_290, %dma_start3A_291, %dma_start3A_292] : memref<8x128x16xf32, #tpu.memory_space<vmem>> -> memref<1x128x16xf32, #tpu.memory_space<vmem>>
          %dma_start3A_294 = tpu.memref_squeeze %dma_start3A_293 : memref<1x128x16xf32, #tpu.memory_space<vmem>> -> memref<128x16xf32, #tpu.memory_space<vmem>>
          %dma_start3A_295 = arith.constant 0 : i32
          %dma_start3A_296 = tpu.memref_slice %arg5[%add3A_289, %dma_start3A_295] : memref<80x128xi32, #tpu.memory_space<vmem>> -> memref<1x128xi32, #tpu.memory_space<vmem>>
          %dma_start3A_297 = tpu.memref_squeeze %dma_start3A_296 : memref<1x128xi32, #tpu.memory_space<vmem>> -> memref<128xi32, #tpu.memory_space<vmem>>
          %dma_start3A_298 = arith.constant 0 : i32
          %dma_start3A_299 = arith.constant 0 : i32
          %dma_start3A_300 = tpu.memref_slice %arg9[%dma_start3A_298, %dma_start3A_299] : memref<10240x16xf32, #tpu.memory_space<vmem_shared>> -> memref<10240x16xf32, #tpu.memory_space<vmem_shared>>
          tpu.enqueue_indirect_dma source(%dma_start3A_300 : memref<10240x16xf32, #tpu.memory_space<vmem_shared>>) target(%dma_start3A_294 : memref<128x16xf32, #tpu.memory_space<vmem>>) offsets(%dma_start3A_297 : memref<128xi32, #tpu.memory_space<vmem>>) semaphore(%arg12 : memref<!tpu.dma_semaphore, #tpu.memory_space<semaphore_mem>>)
        } else {
        }
      } else {
      }
      %mul3A_232 = arith.constant 8 : i32
      %mul3A_233 = arith.muli %scan3A_143, %mul3A_232 : i32
      %add3A_234 = arith.constant 3 : i32
      %add3A_235 = arith.addi %mul3A_233, %add3A_234 : i32
      %lt3A_236 = arith.cmpi slt, %add3A_235, %mul3A_5 : i32
      %convert_element_type3A_237 = arith.extui %lt3A_236 : i1 to i32
      %cond3A_238 = arith.constant 0 : i32
      %cond3A_239 = arith.cmpi ne, %convert_element_type3A_237, %cond3A_238 : i32
      scf.if %cond3A_239 {
        %dma_wait3A = arith.constant 3 : i32
        %dma_wait3A_272 = arith.constant 0 : i32
        %dma_wait3A_273 = arith.constant 0 : i32
        %dma_wait3A_274 = tpu.memref_slice %arg7[%dma_wait3A, %dma_wait3A_272, %dma_wait3A_273] : memref<8x128x16xf32, #tpu.memory_space<vmem>> -> memref<1x128x16xf32, #tpu.memory_space<vmem>>
        %dma_wait3A_275 = tpu.memref_squeeze %dma_wait3A_274 : memref<1x128x16xf32, #tpu.memory_space<vmem>> -> memref<128x16xf32, #tpu.memory_space<vmem>>
        %dma_wait3A_276 = arith.constant 0 : i32
        %dma_wait3A_277 = tpu.memref_slice %arg6[%add3A_235, %dma_wait3A_276] : memref<80x128xi32, #tpu.memory_space<vmem>> -> memref<1x128xi32, #tpu.memory_space<vmem>>
        %dma_wait3A_278 = tpu.memref_squeeze %dma_wait3A_277 : memref<1x128xi32, #tpu.memory_space<vmem>> -> memref<128xi32, #tpu.memory_space<vmem>>
        %dma_wait3A_279 = arith.constant 0 : i32
        %dma_wait3A_280 = arith.constant 0 : i32
        %dma_wait3A_281 = tpu.memref_slice %arg8[%dma_wait3A_279, %dma_wait3A_280] : memref<10240x16xf32, #tpu.memory_space<vmem_shared>> -> memref<10240x16xf32, #tpu.memory_space<vmem_shared>>
        tpu.wait_indirect_dma semaphore(%arg21 : memref<!tpu.dma_semaphore, #tpu.memory_space<semaphore_mem>>) src(%dma_wait3A_275 : memref<128x16xf32, #tpu.memory_space<vmem>>) dst(%dma_wait3A_281 : memref<10240x16xf32, #tpu.memory_space<vmem_shared>>)
        %add3A_282 = arith.constant 8 : i32
        %add3A_283 = arith.addi %add3A_235, %add3A_282 : i32
        %lt3A_284 = arith.cmpi slt, %add3A_283, %mul3A_5 : i32
        %convert_element_type3A_285 = arith.extui %lt3A_284 : i1 to i32
        %cond3A_286 = arith.constant 0 : i32
        %cond3A_287 = arith.cmpi ne, %convert_element_type3A_285, %cond3A_286 : i32
        scf.if %cond3A_287 {
          %add3A_288 = arith.constant 8 : i32
          %add3A_289 = arith.addi %add3A_235, %add3A_288 : i32
          %dma_start3A_290 = arith.constant 3 : i32
          %dma_start3A_291 = arith.constant 0 : i32
          %dma_start3A_292 = arith.constant 0 : i32
          %dma_start3A_293 = tpu.memref_slice %arg7[%dma_start3A_290, %dma_start3A_291, %dma_start3A_292] : memref<8x128x16xf32, #tpu.memory_space<vmem>> -> memref<1x128x16xf32, #tpu.memory_space<vmem>>
          %dma_start3A_294 = tpu.memref_squeeze %dma_start3A_293 : memref<1x128x16xf32, #tpu.memory_space<vmem>> -> memref<128x16xf32, #tpu.memory_space<vmem>>
          %dma_start3A_295 = arith.constant 0 : i32
          %dma_start3A_296 = tpu.memref_slice %arg5[%add3A_289, %dma_start3A_295] : memref<80x128xi32, #tpu.memory_space<vmem>> -> memref<1x128xi32, #tpu.memory_space<vmem>>
          %dma_start3A_297 = tpu.memref_squeeze %dma_start3A_296 : memref<1x128xi32, #tpu.memory_space<vmem>> -> memref<128xi32, #tpu.memory_space<vmem>>
          %dma_start3A_298 = arith.constant 0 : i32
          %dma_start3A_299 = arith.constant 0 : i32
          %dma_start3A_300 = tpu.memref_slice %arg9[%dma_start3A_298, %dma_start3A_299] : memref<10240x16xf32, #tpu.memory_space<vmem_shared>> -> memref<10240x16xf32, #tpu.memory_space<vmem_shared>>
          tpu.enqueue_indirect_dma source(%dma_start3A_300 : memref<10240x16xf32, #tpu.memory_space<vmem_shared>>) target(%dma_start3A_294 : memref<128x16xf32, #tpu.memory_space<vmem>>) offsets(%dma_start3A_297 : memref<128xi32, #tpu.memory_space<vmem>>) semaphore(%arg13 : memref<!tpu.dma_semaphore, #tpu.memory_space<semaphore_mem>>)
        } else {
        }
      } else {
      }
      %mul3A_240 = arith.constant 8 : i32
      %mul3A_241 = arith.muli %scan3A_143, %mul3A_240 : i32
      %add3A_242 = arith.constant 4 : i32
      %add3A_243 = arith.addi %mul3A_241, %add3A_242 : i32
      %lt3A_244 = arith.cmpi slt, %add3A_243, %mul3A_5 : i32
      %convert_element_type3A_245 = arith.extui %lt3A_244 : i1 to i32
      %cond3A_246 = arith.constant 0 : i32
      %cond3A_247 = arith.cmpi ne, %convert_element_type3A_245, %cond3A_246 : i32
      scf.if %cond3A_247 {
        %dma_wait3A = arith.constant 4 : i32
        %dma_wait3A_272 = arith.constant 0 : i32
        %dma_wait3A_273 = arith.constant 0 : i32
        %dma_wait3A_274 = tpu.memref_slice %arg7[%dma_wait3A, %dma_wait3A_272, %dma_wait3A_273] : memref<8x128x16xf32, #tpu.memory_space<vmem>> -> memref<1x128x16xf32, #tpu.memory_space<vmem>>
        %dma_wait3A_275 = tpu.memref_squeeze %dma_wait3A_274 : memref<1x128x16xf32, #tpu.memory_space<vmem>> -> memref<128x16xf32, #tpu.memory_space<vmem>>
        %dma_wait3A_276 = arith.constant 0 : i32
        %dma_wait3A_277 = tpu.memref_slice %arg6[%add3A_243, %dma_wait3A_276] : memref<80x128xi32, #tpu.memory_space<vmem>> -> memref<1x128xi32, #tpu.memory_space<vmem>>
        %dma_wait3A_278 = tpu.memref_squeeze %dma_wait3A_277 : memref<1x128xi32, #tpu.memory_space<vmem>> -> memref<128xi32, #tpu.memory_space<vmem>>
        %dma_wait3A_279 = arith.constant 0 : i32
        %dma_wait3A_280 = arith.constant 0 : i32
        %dma_wait3A_281 = tpu.memref_slice %arg8[%dma_wait3A_279, %dma_wait3A_280] : memref<10240x16xf32, #tpu.memory_space<vmem_shared>> -> memref<10240x16xf32, #tpu.memory_space<vmem_shared>>
        tpu.wait_indirect_dma semaphore(%arg22 : memref<!tpu.dma_semaphore, #tpu.memory_space<semaphore_mem>>) src(%dma_wait3A_275 : memref<128x16xf32, #tpu.memory_space<vmem>>) dst(%dma_wait3A_281 : memref<10240x16xf32, #tpu.memory_space<vmem_shared>>)
        %add3A_282 = arith.constant 8 : i32
        %add3A_283 = arith.addi %add3A_243, %add3A_282 : i32
        %lt3A_284 = arith.cmpi slt, %add3A_283, %mul3A_5 : i32
        %convert_element_type3A_285 = arith.extui %lt3A_284 : i1 to i32
        %cond3A_286 = arith.constant 0 : i32
        %cond3A_287 = arith.cmpi ne, %convert_element_type3A_285, %cond3A_286 : i32
        scf.if %cond3A_287 {
          %add3A_288 = arith.constant 8 : i32
          %add3A_289 = arith.addi %add3A_243, %add3A_288 : i32
          %dma_start3A_290 = arith.constant 4 : i32
          %dma_start3A_291 = arith.constant 0 : i32
          %dma_start3A_292 = arith.constant 0 : i32
          %dma_start3A_293 = tpu.memref_slice %arg7[%dma_start3A_290, %dma_start3A_291, %dma_start3A_292] : memref<8x128x16xf32, #tpu.memory_space<vmem>> -> memref<1x128x16xf32, #tpu.memory_space<vmem>>
          %dma_start3A_294 = tpu.memref_squeeze %dma_start3A_293 : memref<1x128x16xf32, #tpu.memory_space<vmem>> -> memref<128x16xf32, #tpu.memory_space<vmem>>
          %dma_start3A_295 = arith.constant 0 : i32
          %dma_start3A_296 = tpu.memref_slice %arg5[%add3A_289, %dma_start3A_295] : memref<80x128xi32, #tpu.memory_space<vmem>> -> memref<1x128xi32, #tpu.memory_space<vmem>>
          %dma_start3A_297 = tpu.memref_squeeze %dma_start3A_296 : memref<1x128xi32, #tpu.memory_space<vmem>> -> memref<128xi32, #tpu.memory_space<vmem>>
          %dma_start3A_298 = arith.constant 0 : i32
          %dma_start3A_299 = arith.constant 0 : i32
          %dma_start3A_300 = tpu.memref_slice %arg9[%dma_start3A_298, %dma_start3A_299] : memref<10240x16xf32, #tpu.memory_space<vmem_shared>> -> memref<10240x16xf32, #tpu.memory_space<vmem_shared>>
          tpu.enqueue_indirect_dma source(%dma_start3A_300 : memref<10240x16xf32, #tpu.memory_space<vmem_shared>>) target(%dma_start3A_294 : memref<128x16xf32, #tpu.memory_space<vmem>>) offsets(%dma_start3A_297 : memref<128xi32, #tpu.memory_space<vmem>>) semaphore(%arg14 : memref<!tpu.dma_semaphore, #tpu.memory_space<semaphore_mem>>)
        } else {
        }
      } else {
      }
      %mul3A_248 = arith.constant 8 : i32
      %mul3A_249 = arith.muli %scan3A_143, %mul3A_248 : i32
      %add3A_250 = arith.constant 5 : i32
      %add3A_251 = arith.addi %mul3A_249, %add3A_250 : i32
      %lt3A_252 = arith.cmpi slt, %add3A_251, %mul3A_5 : i32
      %convert_element_type3A_253 = arith.extui %lt3A_252 : i1 to i32
      %cond3A_254 = arith.constant 0 : i32
      %cond3A_255 = arith.cmpi ne, %convert_element_type3A_253, %cond3A_254 : i32
      scf.if %cond3A_255 {
        %dma_wait3A = arith.constant 5 : i32
        %dma_wait3A_272 = arith.constant 0 : i32
        %dma_wait3A_273 = arith.constant 0 : i32
        %dma_wait3A_274 = tpu.memref_slice %arg7[%dma_wait3A, %dma_wait3A_272, %dma_wait3A_273] : memref<8x128x16xf32, #tpu.memory_space<vmem>> -> memref<1x128x16xf32, #tpu.memory_space<vmem>>
        %dma_wait3A_275 = tpu.memref_squeeze %dma_wait3A_274 : memref<1x128x16xf32, #tpu.memory_space<vmem>> -> memref<128x16xf32, #tpu.memory_space<vmem>>
        %dma_wait3A_276 = arith.constant 0 : i32
        %dma_wait3A_277 = tpu.memref_slice %arg6[%add3A_251, %dma_wait3A_276] : memref<80x128xi32, #tpu.memory_space<vmem>> -> memref<1x128xi32, #tpu.memory_space<vmem>>
        %dma_wait3A_278 = tpu.memref_squeeze %dma_wait3A_277 : memref<1x128xi32, #tpu.memory_space<vmem>> -> memref<128xi32, #tpu.memory_space<vmem>>
        %dma_wait3A_279 = arith.constant 0 : i32
        %dma_wait3A_280 = arith.constant 0 : i32
        %dma_wait3A_281 = tpu.memref_slice %arg8[%dma_wait3A_279, %dma_wait3A_280] : memref<10240x16xf32, #tpu.memory_space<vmem_shared>> -> memref<10240x16xf32, #tpu.memory_space<vmem_shared>>
        tpu.wait_indirect_dma semaphore(%arg23 : memref<!tpu.dma_semaphore, #tpu.memory_space<semaphore_mem>>) src(%dma_wait3A_275 : memref<128x16xf32, #tpu.memory_space<vmem>>) dst(%dma_wait3A_281 : memref<10240x16xf32, #tpu.memory_space<vmem_shared>>)
        %add3A_282 = arith.constant 8 : i32
        %add3A_283 = arith.addi %add3A_251, %add3A_282 : i32
        %lt3A_284 = arith.cmpi slt, %add3A_283, %mul3A_5 : i32
        %convert_element_type3A_285 = arith.extui %lt3A_284 : i1 to i32
        %cond3A_286 = arith.constant 0 : i32
        %cond3A_287 = arith.cmpi ne, %convert_element_type3A_285, %cond3A_286 : i32
        scf.if %cond3A_287 {
          %add3A_288 = arith.constant 8 : i32
          %add3A_289 = arith.addi %add3A_251, %add3A_288 : i32
          %dma_start3A_290 = arith.constant 5 : i32
          %dma_start3A_291 = arith.constant 0 : i32
          %dma_start3A_292 = arith.constant 0 : i32
          %dma_start3A_293 = tpu.memref_slice %arg7[%dma_start3A_290, %dma_start3A_291, %dma_start3A_292] : memref<8x128x16xf32, #tpu.memory_space<vmem>> -> memref<1x128x16xf32, #tpu.memory_space<vmem>>
          %dma_start3A_294 = tpu.memref_squeeze %dma_start3A_293 : memref<1x128x16xf32, #tpu.memory_space<vmem>> -> memref<128x16xf32, #tpu.memory_space<vmem>>
          %dma_start3A_295 = arith.constant 0 : i32
          %dma_start3A_296 = tpu.memref_slice %arg5[%add3A_289, %dma_start3A_295] : memref<80x128xi32, #tpu.memory_space<vmem>> -> memref<1x128xi32, #tpu.memory_space<vmem>>
          %dma_start3A_297 = tpu.memref_squeeze %dma_start3A_296 : memref<1x128xi32, #tpu.memory_space<vmem>> -> memref<128xi32, #tpu.memory_space<vmem>>
          %dma_start3A_298 = arith.constant 0 : i32
          %dma_start3A_299 = arith.constant 0 : i32
          %dma_start3A_300 = tpu.memref_slice %arg9[%dma_start3A_298, %dma_start3A_299] : memref<10240x16xf32, #tpu.memory_space<vmem_shared>> -> memref<10240x16xf32, #tpu.memory_space<vmem_shared>>
          tpu.enqueue_indirect_dma source(%dma_start3A_300 : memref<10240x16xf32, #tpu.memory_space<vmem_shared>>) target(%dma_start3A_294 : memref<128x16xf32, #tpu.memory_space<vmem>>) offsets(%dma_start3A_297 : memref<128xi32, #tpu.memory_space<vmem>>) semaphore(%arg15 : memref<!tpu.dma_semaphore, #tpu.memory_space<semaphore_mem>>)
        } else {
        }
      } else {
      }
      %mul3A_256 = arith.constant 8 : i32
      %mul3A_257 = arith.muli %scan3A_143, %mul3A_256 : i32
      %add3A_258 = arith.constant 6 : i32
      %add3A_259 = arith.addi %mul3A_257, %add3A_258 : i32
      %lt3A_260 = arith.cmpi slt, %add3A_259, %mul3A_5 : i32
      %convert_element_type3A_261 = arith.extui %lt3A_260 : i1 to i32
      %cond3A_262 = arith.constant 0 : i32
      %cond3A_263 = arith.cmpi ne, %convert_element_type3A_261, %cond3A_262 : i32
      scf.if %cond3A_263 {
        %dma_wait3A = arith.constant 6 : i32
        %dma_wait3A_272 = arith.constant 0 : i32
        %dma_wait3A_273 = arith.constant 0 : i32
        %dma_wait3A_274 = tpu.memref_slice %arg7[%dma_wait3A, %dma_wait3A_272, %dma_wait3A_273] : memref<8x128x16xf32, #tpu.memory_space<vmem>> -> memref<1x128x16xf32, #tpu.memory_space<vmem>>
        %dma_wait3A_275 = tpu.memref_squeeze %dma_wait3A_274 : memref<1x128x16xf32, #tpu.memory_space<vmem>> -> memref<128x16xf32, #tpu.memory_space<vmem>>
        %dma_wait3A_276 = arith.constant 0 : i32
        %dma_wait3A_277 = tpu.memref_slice %arg6[%add3A_259, %dma_wait3A_276] : memref<80x128xi32, #tpu.memory_space<vmem>> -> memref<1x128xi32, #tpu.memory_space<vmem>>
        %dma_wait3A_278 = tpu.memref_squeeze %dma_wait3A_277 : memref<1x128xi32, #tpu.memory_space<vmem>> -> memref<128xi32, #tpu.memory_space<vmem>>
        %dma_wait3A_279 = arith.constant 0 : i32
        %dma_wait3A_280 = arith.constant 0 : i32
        %dma_wait3A_281 = tpu.memref_slice %arg8[%dma_wait3A_279, %dma_wait3A_280] : memref<10240x16xf32, #tpu.memory_space<vmem_shared>> -> memref<10240x16xf32, #tpu.memory_space<vmem_shared>>
        tpu.wait_indirect_dma semaphore(%arg24 : memref<!tpu.dma_semaphore, #tpu.memory_space<semaphore_mem>>) src(%dma_wait3A_275 : memref<128x16xf32, #tpu.memory_space<vmem>>) dst(%dma_wait3A_281 : memref<10240x16xf32, #tpu.memory_space<vmem_shared>>)
        %add3A_282 = arith.constant 8 : i32
        %add3A_283 = arith.addi %add3A_259, %add3A_282 : i32
        %lt3A_284 = arith.cmpi slt, %add3A_283, %mul3A_5 : i32
        %convert_element_type3A_285 = arith.extui %lt3A_284 : i1 to i32
        %cond3A_286 = arith.constant 0 : i32
        %cond3A_287 = arith.cmpi ne, %convert_element_type3A_285, %cond3A_286 : i32
        scf.if %cond3A_287 {
          %add3A_288 = arith.constant 8 : i32
          %add3A_289 = arith.addi %add3A_259, %add3A_288 : i32
          %dma_start3A_290 = arith.constant 6 : i32
          %dma_start3A_291 = arith.constant 0 : i32
          %dma_start3A_292 = arith.constant 0 : i32
          %dma_start3A_293 = tpu.memref_slice %arg7[%dma_start3A_290, %dma_start3A_291, %dma_start3A_292] : memref<8x128x16xf32, #tpu.memory_space<vmem>> -> memref<1x128x16xf32, #tpu.memory_space<vmem>>
          %dma_start3A_294 = tpu.memref_squeeze %dma_start3A_293 : memref<1x128x16xf32, #tpu.memory_space<vmem>> -> memref<128x16xf32, #tpu.memory_space<vmem>>
          %dma_start3A_295 = arith.constant 0 : i32
          %dma_start3A_296 = tpu.memref_slice %arg5[%add3A_289, %dma_start3A_295] : memref<80x128xi32, #tpu.memory_space<vmem>> -> memref<1x128xi32, #tpu.memory_space<vmem>>
          %dma_start3A_297 = tpu.memref_squeeze %dma_start3A_296 : memref<1x128xi32, #tpu.memory_space<vmem>> -> memref<128xi32, #tpu.memory_space<vmem>>
          %dma_start3A_298 = arith.constant 0 : i32
          %dma_start3A_299 = arith.constant 0 : i32
          %dma_start3A_300 = tpu.memref_slice %arg9[%dma_start3A_298, %dma_start3A_299] : memref<10240x16xf32, #tpu.memory_space<vmem_shared>> -> memref<10240x16xf32, #tpu.memory_space<vmem_shared>>
          tpu.enqueue_indirect_dma source(%dma_start3A_300 : memref<10240x16xf32, #tpu.memory_space<vmem_shared>>) target(%dma_start3A_294 : memref<128x16xf32, #tpu.memory_space<vmem>>) offsets(%dma_start3A_297 : memref<128xi32, #tpu.memory_space<vmem>>) semaphore(%arg16 : memref<!tpu.dma_semaphore, #tpu.memory_space<semaphore_mem>>)
        } else {
        }
      } else {
      }
      %mul3A_264 = arith.constant 8 : i32
      %mul3A_265 = arith.muli %scan3A_143, %mul3A_264 : i32
      %add3A_266 = arith.constant 7 : i32
      %add3A_267 = arith.addi %mul3A_265, %add3A_266 : i32
      %lt3A_268 = arith.cmpi slt, %add3A_267, %mul3A_5 : i32
      %convert_element_type3A_269 = arith.extui %lt3A_268 : i1 to i32
      %cond3A_270 = arith.constant 0 : i32
      %cond3A_271 = arith.cmpi ne, %convert_element_type3A_269, %cond3A_270 : i32
      scf.if %cond3A_271 {
        %dma_wait3A = arith.constant 7 : i32
        %dma_wait3A_272 = arith.constant 0 : i32
        %dma_wait3A_273 = arith.constant 0 : i32
        %dma_wait3A_274 = tpu.memref_slice %arg7[%dma_wait3A, %dma_wait3A_272, %dma_wait3A_273] : memref<8x128x16xf32, #tpu.memory_space<vmem>> -> memref<1x128x16xf32, #tpu.memory_space<vmem>>
        %dma_wait3A_275 = tpu.memref_squeeze %dma_wait3A_274 : memref<1x128x16xf32, #tpu.memory_space<vmem>> -> memref<128x16xf32, #tpu.memory_space<vmem>>
        %dma_wait3A_276 = arith.constant 0 : i32
        %dma_wait3A_277 = tpu.memref_slice %arg6[%add3A_267, %dma_wait3A_276] : memref<80x128xi32, #tpu.memory_space<vmem>> -> memref<1x128xi32, #tpu.memory_space<vmem>>
        %dma_wait3A_278 = tpu.memref_squeeze %dma_wait3A_277 : memref<1x128xi32, #tpu.memory_space<vmem>> -> memref<128xi32, #tpu.memory_space<vmem>>
        %dma_wait3A_279 = arith.constant 0 : i32
        %dma_wait3A_280 = arith.constant 0 : i32
        %dma_wait3A_281 = tpu.memref_slice %arg8[%dma_wait3A_279, %dma_wait3A_280] : memref<10240x16xf32, #tpu.memory_space<vmem_shared>> -> memref<10240x16xf32, #tpu.memory_space<vmem_shared>>
        tpu.wait_indirect_dma semaphore(%arg25 : memref<!tpu.dma_semaphore, #tpu.memory_space<semaphore_mem>>) src(%dma_wait3A_275 : memref<128x16xf32, #tpu.memory_space<vmem>>) dst(%dma_wait3A_281 : memref<10240x16xf32, #tpu.memory_space<vmem_shared>>)
        %add3A_282 = arith.constant 8 : i32
        %add3A_283 = arith.addi %add3A_267, %add3A_282 : i32
        %lt3A_284 = arith.cmpi slt, %add3A_283, %mul3A_5 : i32
        %convert_element_type3A_285 = arith.extui %lt3A_284 : i1 to i32
        %cond3A_286 = arith.constant 0 : i32
        %cond3A_287 = arith.cmpi ne, %convert_element_type3A_285, %cond3A_286 : i32
        scf.if %cond3A_287 {
          %add3A_288 = arith.constant 8 : i32
          %add3A_289 = arith.addi %add3A_267, %add3A_288 : i32
          %dma_start3A_290 = arith.constant 7 : i32
          %dma_start3A_291 = arith.constant 0 : i32
          %dma_start3A_292 = arith.constant 0 : i32
          %dma_start3A_293 = tpu.memref_slice %arg7[%dma_start3A_290, %dma_start3A_291, %dma_start3A_292] : memref<8x128x16xf32, #tpu.memory_space<vmem>> -> memref<1x128x16xf32, #tpu.memory_space<vmem>>
          %dma_start3A_294 = tpu.memref_squeeze %dma_start3A_293 : memref<1x128x16xf32, #tpu.memory_space<vmem>> -> memref<128x16xf32, #tpu.memory_space<vmem>>
          %dma_start3A_295 = arith.constant 0 : i32
          %dma_start3A_296 = tpu.memref_slice %arg5[%add3A_289, %dma_start3A_295] : memref<80x128xi32, #tpu.memory_space<vmem>> -> memref<1x128xi32, #tpu.memory_space<vmem>>
          %dma_start3A_297 = tpu.memref_squeeze %dma_start3A_296 : memref<1x128xi32, #tpu.memory_space<vmem>> -> memref<128xi32, #tpu.memory_space<vmem>>
          %dma_start3A_298 = arith.constant 0 : i32
          %dma_start3A_299 = arith.constant 0 : i32
          %dma_start3A_300 = tpu.memref_slice %arg9[%dma_start3A_298, %dma_start3A_299] : memref<10240x16xf32, #tpu.memory_space<vmem_shared>> -> memref<10240x16xf32, #tpu.memory_space<vmem_shared>>
          tpu.enqueue_indirect_dma source(%dma_start3A_300 : memref<10240x16xf32, #tpu.memory_space<vmem_shared>>) target(%dma_start3A_294 : memref<128x16xf32, #tpu.memory_space<vmem>>) offsets(%dma_start3A_297 : memref<128xi32, #tpu.memory_space<vmem>>) semaphore(%arg17 : memref<!tpu.dma_semaphore, #tpu.memory_space<semaphore_mem>>)
        } else {
        }
      } else {
      }
    }
    %scan3A_141 = arith.constant 10 : i32
    %barrier3A_142 = arith.constant 0 : index
    tpu.barrier barrier_id(%barrier3A_142)
    "tpu.region"() ({
      %run_scoped3A_143 = tpu.sem_alloc : memref<!tpu.dma_semaphore, #tpu.memory_space<semaphore_mem>>
      %dma_start3A_144 = arith.constant 0 : i32
      %dma_start3A_145 = tpu.memref_slice %arg4[%arg0, %mul3A_13, %dma_start3A_144] : memref<2x10240x16xf32, #tpu.memory_space<hbm>> -> memref<1x640x16xf32, #tpu.memory_space<hbm>>
      %dma_start3A_146 = tpu.memref_squeeze %dma_start3A_145 : memref<1x640x16xf32, #tpu.memory_space<hbm>> -> memref<640x16xf32, #tpu.memory_space<hbm>>
      %dma_start3A_147 = arith.constant 0 : i32
      %dma_start3A_148 = tpu.memref_slice %arg8[%mul3A_13, %dma_start3A_147] : memref<10240x16xf32, #tpu.memory_space<vmem_shared>> -> memref<640x16xf32, #tpu.memory_space<vmem_shared>>
      tpu.enqueue_dma source(%dma_start3A_148 : memref<640x16xf32, #tpu.memory_space<vmem_shared>>) target(%dma_start3A_146 : memref<640x16xf32, #tpu.memory_space<hbm>>) target_semaphore(%run_scoped3A_143 : memref<!tpu.dma_semaphore, #tpu.memory_space<semaphore_mem>>)
      %dma_wait3A = arith.constant 0 : i32
      %dma_wait3A_149 = tpu.memref_slice %arg4[%arg0, %mul3A_13, %dma_wait3A] : memref<2x10240x16xf32, #tpu.memory_space<hbm>> -> memref<1x640x16xf32, #tpu.memory_space<hbm>>
      %dma_wait3A_150 = tpu.memref_squeeze %dma_wait3A_149 : memref<1x640x16xf32, #tpu.memory_space<hbm>> -> memref<640x16xf32, #tpu.memory_space<hbm>>
      %dma_wait3A_151 = arith.constant 0 : i32
      %dma_wait3A_152 = tpu.memref_slice %arg8[%mul3A_13, %dma_wait3A_151] : memref<10240x16xf32, #tpu.memory_space<vmem_shared>> -> memref<640x16xf32, #tpu.memory_space<vmem_shared>>
      tpu.wait_dma2 semaphore(%run_scoped3A_143 : memref<!tpu.dma_semaphore, #tpu.memory_space<semaphore_mem>>) src(%dma_wait3A_152 : memref<640x16xf32, #tpu.memory_space<vmem_shared>>) dst(%dma_wait3A_150 : memref<640x16xf32, #tpu.memory_space<hbm>>)
      tpu.yield
    }) : () -> ()
    return
  }
}

module attributes {stable_mosaic.version = 14 : i64} {
  func.func @_tc_a_body(%arg0: i32, %arg1: memref<1024x128xf32, #tpu.memory_space<vmem>>, %arg2: memref<128x16xf32, #tpu.memory_space<vmem>>, %arg3: memref<2x128x8xf32, #tpu.memory_space<vmem>>, %arg4: memref<128x128xf32, #tpu.memory_space<vmem>>, %arg5: memref<128x128xf32, #tpu.memory_space<vmem>>) attributes {dimension_semantics = [#tpu.dimension_semantics<arbitrary>], iteration_bounds = array<i64: 10>, scalar_prefetch = 0 : i64, scratch_operands = 0 : i64, tpu.core_type = #tpu.core_type<tc>, window_params = [{transform_indices = @transform_0, window_bounds = array<i64: 1024, 128>}, {pipeline_mode = #tpu.pipeline_mode<synchronous>, transform_indices = @transform_1, window_bounds = array<i64: 128, 16>}, {transform_indices = @transform_2, window_bounds = array<i64: 2, 128, 8>}, {transform_indices = @transform_3, window_bounds = array<i64: 128, 128>}, {transform_indices = @transform_4, window_bounds = array<i64: 128, 128>}]} {
    %get3A = arith.constant 0 : index
    %get3A_0 = arith.constant 0 : index
    %get3A_1 = vector.load %arg1[%get3A, %get3A_0] : memref<1024x128xf32, #tpu.memory_space<vmem>>, vector<1024x128xf32>
    %get3A_2 = arith.constant 0 : index
    %get3A_3 = arith.constant 0 : index
    %get3A_4 = vector.load %arg2[%get3A_2, %get3A_3] : memref<128x16xf32, #tpu.memory_space<vmem>>, vector<128x16xf32>
    %dot_general3A = arith.constant dense<0.000000e+00> : vector<1024x16xf32>
    %dot_general3A_5 = tpu.matmul %get3A_1, %get3A_4, %dot_general3A {dimension_numbers = #tpu.dot_dimension_numbers<[1], [0], [0], [1], [0, 0, 1, 1], [], []>, transpose_lhs_hint = false} : vector<1024x128xf32>, vector<128x16xf32>, vector<1024x16xf32> -> vector<1024x16xf32>
    %get3A_6 = arith.constant 0 : index
    %get3A_7 = arith.constant 0 : index
    %get3A_8 = arith.constant 0 : index
    %get3A_9 = vector.load %arg3[%get3A_6, %get3A_7, %get3A_8] : memref<2x128x8xf32, #tpu.memory_space<vmem>>, vector<1x128x8xf32>
    %get3A_10 = vector.shape_cast %get3A_9 : vector<1x128x8xf32> to vector<128x8xf32>
    %add3A = arith.constant 1.000000e+00 : f32
    %add3A_11 = vector.broadcast %add3A : f32 to vector<128x8xf32>
    %add3A_12 = arith.addf %add3A_11, %get3A_10 : vector<128x8xf32>
    %get3A_13 = arith.constant 1 : index
    %get3A_14 = arith.constant 0 : index
    %get3A_15 = arith.constant 0 : index
    %get3A_16 = vector.load %arg3[%get3A_13, %get3A_14, %get3A_15] : memref<2x128x8xf32, #tpu.memory_space<vmem>>, vector<1x128x8xf32>
    %get3A_17 = vector.shape_cast %get3A_16 : vector<1x128x8xf32> to vector<128x8xf32>
    %add3A_18 = arith.addf %add3A_12, %get3A_17 : vector<128x8xf32>
    %sqrt3A = math.sqrt %add3A_18 : vector<128x8xf32>
    %div3A = arith.constant 1.000000e+00 : f32
    %div3A_19 = vector.broadcast %div3A : f32 to vector<128x8xf32>
    %div3A_20 = arith.divf %div3A_19, %sqrt3A : vector<128x8xf32>
    %slice3A = vector.extract_strided_slice %div3A_20 {offsets = [0, 0], sizes = [128, 1], strides = [1, 1]} : vector<128x8xf32> to vector<128x1xf32>
    %broadcast_in_dim3A = vector.shape_cast %slice3A : vector<128x1xf32> to vector<128x1xf32>
    %broadcast_in_dim3A_21 = vector.broadcast %broadcast_in_dim3A : vector<128x1xf32> to vector<128x16xf32>
    %slice3A_22 = vector.extract_strided_slice %div3A_20 {offsets = [0, 1], sizes = [128, 1], strides = [1, 1]} : vector<128x8xf32> to vector<128x1xf32>
    %broadcast_in_dim3A_23 = vector.shape_cast %slice3A_22 : vector<128x1xf32> to vector<128x1xf32>
    %broadcast_in_dim3A_24 = vector.broadcast %broadcast_in_dim3A_23 : vector<128x1xf32> to vector<128x16xf32>
    %slice3A_25 = vector.extract_strided_slice %div3A_20 {offsets = [0, 2], sizes = [128, 1], strides = [1, 1]} : vector<128x8xf32> to vector<128x1xf32>
    %broadcast_in_dim3A_26 = vector.shape_cast %slice3A_25 : vector<128x1xf32> to vector<128x1xf32>
    %broadcast_in_dim3A_27 = vector.broadcast %broadcast_in_dim3A_26 : vector<128x1xf32> to vector<128x16xf32>
    %slice3A_28 = vector.extract_strided_slice %div3A_20 {offsets = [0, 3], sizes = [128, 1], strides = [1, 1]} : vector<128x8xf32> to vector<128x1xf32>
    %broadcast_in_dim3A_29 = vector.shape_cast %slice3A_28 : vector<128x1xf32> to vector<128x1xf32>
    %broadcast_in_dim3A_30 = vector.broadcast %broadcast_in_dim3A_29 : vector<128x1xf32> to vector<128x16xf32>
    %slice3A_31 = vector.extract_strided_slice %div3A_20 {offsets = [0, 4], sizes = [128, 1], strides = [1, 1]} : vector<128x8xf32> to vector<128x1xf32>
    %broadcast_in_dim3A_32 = vector.shape_cast %slice3A_31 : vector<128x1xf32> to vector<128x1xf32>
    %broadcast_in_dim3A_33 = vector.broadcast %broadcast_in_dim3A_32 : vector<128x1xf32> to vector<128x16xf32>
    %slice3A_34 = vector.extract_strided_slice %div3A_20 {offsets = [0, 5], sizes = [128, 1], strides = [1, 1]} : vector<128x8xf32> to vector<128x1xf32>
    %broadcast_in_dim3A_35 = vector.shape_cast %slice3A_34 : vector<128x1xf32> to vector<128x1xf32>
    %broadcast_in_dim3A_36 = vector.broadcast %broadcast_in_dim3A_35 : vector<128x1xf32> to vector<128x16xf32>
    %slice3A_37 = vector.extract_strided_slice %div3A_20 {offsets = [0, 6], sizes = [128, 1], strides = [1, 1]} : vector<128x8xf32> to vector<128x1xf32>
    %broadcast_in_dim3A_38 = vector.shape_cast %slice3A_37 : vector<128x1xf32> to vector<128x1xf32>
    %broadcast_in_dim3A_39 = vector.broadcast %broadcast_in_dim3A_38 : vector<128x1xf32> to vector<128x16xf32>
    %slice3A_40 = vector.extract_strided_slice %div3A_20 {offsets = [0, 7], sizes = [128, 1], strides = [1, 1]} : vector<128x8xf32> to vector<128x1xf32>
    %broadcast_in_dim3A_41 = vector.shape_cast %slice3A_40 : vector<128x1xf32> to vector<128x1xf32>
    %broadcast_in_dim3A_42 = vector.broadcast %broadcast_in_dim3A_41 : vector<128x1xf32> to vector<128x16xf32>
    %concatenate3A = tpu.concatenate %broadcast_in_dim3A_21, %broadcast_in_dim3A_24, %broadcast_in_dim3A_27, %broadcast_in_dim3A_30, %broadcast_in_dim3A_33, %broadcast_in_dim3A_36, %broadcast_in_dim3A_39, %broadcast_in_dim3A_42 in 1 : vector<128x16xf32>, vector<128x16xf32>, vector<128x16xf32>, vector<128x16xf32>, vector<128x16xf32>, vector<128x16xf32>, vector<128x16xf32>, vector<128x16xf32> -> vector<128x128xf32>
    %swap3A = arith.constant 0 : index
    %swap3A_43 = arith.constant 0 : index
    %swap3A_44 = vector.load %arg5[%swap3A, %swap3A_43] : memref<128x128xf32, #tpu.memory_space<vmem>>, vector<128x128xf32>
    tpu.vector_store %arg5[%swap3A, %swap3A_43], %concatenate3A {strides = array<i32>} : memref<128x128xf32, #tpu.memory_space<vmem>>, vector<128x128xf32>,
    %reshape3A = vector.shape_cast %dot_general3A_5 : vector<1024x16xf32> to vector<128x8x16xf32>
    %slice3A_45 = vector.extract_strided_slice %reshape3A {offsets = [0, 0, 0], sizes = [128, 1, 16], strides = [1, 1, 1]} : vector<128x8x16xf32> to vector<128x1x16xf32>
    %squeeze3A = vector.shape_cast %slice3A_45 : vector<128x1x16xf32> to vector<128x16xf32>
    %slice3A_46 = vector.extract_strided_slice %reshape3A {offsets = [0, 1, 0], sizes = [128, 1, 16], strides = [1, 1, 1]} : vector<128x8x16xf32> to vector<128x1x16xf32>
    %squeeze3A_47 = vector.shape_cast %slice3A_46 : vector<128x1x16xf32> to vector<128x16xf32>
    %slice3A_48 = vector.extract_strided_slice %reshape3A {offsets = [0, 2, 0], sizes = [128, 1, 16], strides = [1, 1, 1]} : vector<128x8x16xf32> to vector<128x1x16xf32>
    %squeeze3A_49 = vector.shape_cast %slice3A_48 : vector<128x1x16xf32> to vector<128x16xf32>
    %slice3A_50 = vector.extract_strided_slice %reshape3A {offsets = [0, 3, 0], sizes = [128, 1, 16], strides = [1, 1, 1]} : vector<128x8x16xf32> to vector<128x1x16xf32>
    %squeeze3A_51 = vector.shape_cast %slice3A_50 : vector<128x1x16xf32> to vector<128x16xf32>
    %slice3A_52 = vector.extract_strided_slice %reshape3A {offsets = [0, 4, 0], sizes = [128, 1, 16], strides = [1, 1, 1]} : vector<128x8x16xf32> to vector<128x1x16xf32>
    %squeeze3A_53 = vector.shape_cast %slice3A_52 : vector<128x1x16xf32> to vector<128x16xf32>
    %slice3A_54 = vector.extract_strided_slice %reshape3A {offsets = [0, 5, 0], sizes = [128, 1, 16], strides = [1, 1, 1]} : vector<128x8x16xf32> to vector<128x1x16xf32>
    %squeeze3A_55 = vector.shape_cast %slice3A_54 : vector<128x1x16xf32> to vector<128x16xf32>
    %slice3A_56 = vector.extract_strided_slice %reshape3A {offsets = [0, 6, 0], sizes = [128, 1, 16], strides = [1, 1, 1]} : vector<128x8x16xf32> to vector<128x1x16xf32>
    %squeeze3A_57 = vector.shape_cast %slice3A_56 : vector<128x1x16xf32> to vector<128x16xf32>
    %slice3A_58 = vector.extract_strided_slice %reshape3A {offsets = [0, 7, 0], sizes = [128, 1, 16], strides = [1, 1, 1]} : vector<128x8x16xf32> to vector<128x1x16xf32>
    %squeeze3A_59 = vector.shape_cast %slice3A_58 : vector<128x1x16xf32> to vector<128x16xf32>
    %concatenate3A_60 = tpu.concatenate %squeeze3A, %squeeze3A_47, %squeeze3A_49, %squeeze3A_51, %squeeze3A_53, %squeeze3A_55, %squeeze3A_57, %squeeze3A_59 in 1 : vector<128x16xf32>, vector<128x16xf32>, vector<128x16xf32>, vector<128x16xf32>, vector<128x16xf32>, vector<128x16xf32>, vector<128x16xf32>, vector<128x16xf32> -> vector<128x128xf32>
    %mul3A = arith.mulf %concatenate3A_60, %concatenate3A : vector<128x128xf32>
    %swap3A_61 = arith.constant 0 : index
    %swap3A_62 = arith.constant 0 : index
    %swap3A_63 = vector.load %arg4[%swap3A_61, %swap3A_62] : memref<128x128xf32, #tpu.memory_space<vmem>>, vector<128x128xf32>
    tpu.vector_store %arg4[%swap3A_61, %swap3A_62], %mul3A {strides = array<i32>} : memref<128x128xf32, #tpu.memory_space<vmem>>, vector<128x128xf32>,
    return
  }
  func.func @transform_0(%arg0: i32) -> (i32, i32) {
    %c0_i32 = arith.constant 0 : i32
    %c0_i32_0 = arith.constant 0 : i32
    return %arg0, %c0_i32 : i32, i32
  }
  func.func @transform_1(%arg0: i32) -> (i32, i32) {
    %c0_i32 = arith.constant 0 : i32
    %c0_i32_0 = arith.constant 0 : i32
    %c0_i32_1 = arith.constant 0 : i32
    return %c0_i32, %c0_i32_0 : i32, i32
  }
  func.func @transform_2(%arg0: i32) -> (i32, i32, i32) {
    %c0_i32 = arith.constant 0 : i32
    %c0_i32_0 = arith.constant 0 : i32
    %c0_i32_1 = arith.constant 0 : i32
    return %c0_i32, %arg0, %c0_i32_0 : i32, i32, i32
  }
  func.func @transform_3(%arg0: i32) -> (i32, i32) {
    %c0_i32 = arith.constant 0 : i32
    %c0_i32_0 = arith.constant 0 : i32
    return %arg0, %c0_i32 : i32, i32
  }
  func.func @transform_4(%arg0: i32) -> (i32, i32) {
    %c0_i32 = arith.constant 0 : i32
    %c0_i32_0 = arith.constant 0 : i32
    return %arg0, %c0_i32 : i32, i32
  }
}

module attributes {stable_mosaic.version = 14 : i64} {
  func.func @_tc_b_body(%arg0: i32, %arg1: memref<2x128x128xf32, #tpu.memory_space<vmem>>, %arg2: memref<128x128xf32, #tpu.memory_space<vmem>>, %arg3: memref<128x128xf32, #tpu.memory_space<vmem>>, %arg4: memref<1x16xf32, #tpu.memory_space<vmem>>, %arg5: memref<128x128xf32, #tpu.memory_space<vmem>>) attributes {dimension_semantics = [#tpu.dimension_semantics<arbitrary>], iteration_bounds = array<i64: 10>, scalar_prefetch = 0 : i64, scratch_operands = 0 : i64, tpu.core_type = #tpu.core_type<tc>, window_params = [{transform_indices = @transform_0, window_bounds = array<i64: 2, 128, 128>}, {transform_indices = @transform_1, window_bounds = array<i64: 128, 128>}, {transform_indices = @transform_2, window_bounds = array<i64: 128, 128>}, {pipeline_mode = #tpu.pipeline_mode<synchronous>, transform_indices = @transform_3, window_bounds = array<i64: 1, 16>}, {transform_indices = @transform_4, window_bounds = array<i64: 128, 128>}]} {
    %get3A = arith.constant 0 : index
    %get3A_0 = arith.constant 0 : index
    %get3A_1 = arith.constant 0 : index
    %get3A_2 = vector.load %arg1[%get3A, %get3A_0, %get3A_1] : memref<2x128x128xf32, #tpu.memory_space<vmem>>, vector<1x128x128xf32>
    %get3A_3 = vector.shape_cast %get3A_2 : vector<1x128x128xf32> to vector<128x128xf32>
    %get3A_4 = arith.constant 1 : index
    %get3A_5 = arith.constant 0 : index
    %get3A_6 = arith.constant 0 : index
    %get3A_7 = vector.load %arg1[%get3A_4, %get3A_5, %get3A_6] : memref<2x128x128xf32, #tpu.memory_space<vmem>>, vector<1x128x128xf32>
    %get3A_8 = vector.shape_cast %get3A_7 : vector<1x128x128xf32> to vector<128x128xf32>
    %add3A = arith.addf %get3A_3, %get3A_8 : vector<128x128xf32>
    %get3A_9 = arith.constant 0 : index
    %get3A_10 = arith.constant 0 : index
    %get3A_11 = vector.load %arg2[%get3A_9, %get3A_10] : memref<128x128xf32, #tpu.memory_space<vmem>>, vector<128x128xf32>
    %add3A_12 = arith.addf %add3A, %get3A_11 : vector<128x128xf32>
    %get3A_13 = arith.constant 0 : index
    %get3A_14 = arith.constant 0 : index
    %get3A_15 = vector.load %arg3[%get3A_13, %get3A_14] : memref<128x128xf32, #tpu.memory_space<vmem>>, vector<128x128xf32>
    %get3A_16 = arith.constant 0 : index
    %get3A_17 = arith.constant 0 : index
    %get3A_18 = vector.load %arg4[%get3A_16, %get3A_17] : memref<1x16xf32, #tpu.memory_space<vmem>>, vector<1x16xf32>
    %concatenate3A = tpu.concatenate %get3A_18, %get3A_18, %get3A_18, %get3A_18, %get3A_18, %get3A_18, %get3A_18, %get3A_18 in 1 : vector<1x16xf32>, vector<1x16xf32>, vector<1x16xf32>, vector<1x16xf32>, vector<1x16xf32>, vector<1x16xf32>, vector<1x16xf32>, vector<1x16xf32> -> vector<1x128xf32>
    %mul3A = arith.mulf %get3A_15, %add3A_12 : vector<128x128xf32>
    %add3A_19 = vector.broadcast %concatenate3A : vector<1x128xf32> to vector<128x128xf32>
    %add3A_20 = arith.addf %mul3A, %add3A_19 : vector<128x128xf32>
    %max3A = arith.constant 0.000000e+00 : f32
    %max3A_21 = vector.broadcast %max3A : f32 to vector<128x128xf32>
    %max3A_22 = arith.maximumf %add3A_20, %max3A_21 : vector<128x128xf32>
    %mul3A_23 = arith.mulf %max3A_22, %get3A_15 : vector<128x128xf32>
    %swap3A = arith.constant 0 : index
    %swap3A_24 = arith.constant 0 : index
    %swap3A_25 = vector.load %arg5[%swap3A, %swap3A_24] : memref<128x128xf32, #tpu.memory_space<vmem>>, vector<128x128xf32>
    tpu.vector_store %arg5[%swap3A, %swap3A_24], %mul3A_23 {strides = array<i32>} : memref<128x128xf32, #tpu.memory_space<vmem>>, vector<128x128xf32>,
    return
  }
  func.func @transform_0(%arg0: i32) -> (i32, i32, i32) {
    %c0_i32 = arith.constant 0 : i32
    %c0_i32_0 = arith.constant 0 : i32
    %c0_i32_1 = arith.constant 0 : i32
    return %c0_i32, %arg0, %c0_i32_0 : i32, i32, i32
  }
  func.func @transform_1(%arg0: i32) -> (i32, i32) {
    %c0_i32 = arith.constant 0 : i32
    %c0_i32_0 = arith.constant 0 : i32
    return %arg0, %c0_i32 : i32, i32
  }
  func.func @transform_2(%arg0: i32) -> (i32, i32) {
    %c0_i32 = arith.constant 0 : i32
    %c0_i32_0 = arith.constant 0 : i32
    return %arg0, %c0_i32 : i32, i32
  }
  func.func @transform_3(%arg0: i32) -> (i32, i32) {
    %c0_i32 = arith.constant 0 : i32
    %c0_i32_0 = arith.constant 0 : i32
    %c0_i32_1 = arith.constant 0 : i32
    return %c0_i32, %c0_i32_0 : i32, i32
  }
  func.func @transform_4(%arg0: i32) -> (i32, i32) {
    %c0_i32 = arith.constant 0 : i32
    %c0_i32_0 = arith.constant 0 : i32
    return %arg0, %c0_i32 : i32, i32
  }
}

module attributes {stable_mosaic.version = 14 : i64} {
  func.func @_tc_c_body(%arg0: i32, %arg1: memref<2x128x128xf32, #tpu.memory_space<vmem>>, %arg2: memref<128x128xf32, #tpu.memory_space<vmem>>, %arg3: memref<128x128xf32, #tpu.memory_space<vmem>>, %arg4: memref<128x96xf32, #tpu.memory_space<vmem>>, %arg5: memref<96x96xf32, #tpu.memory_space<vmem>>, %arg6: memref<1x12xf32, #tpu.memory_space<vmem>>, %arg7: memref<1024x12xf32, #tpu.memory_space<vmem>>) attributes {dimension_semantics = [#tpu.dimension_semantics<arbitrary>], iteration_bounds = array<i64: 10>, scalar_prefetch = 0 : i64, scratch_operands = 0 : i64, tpu.core_type = #tpu.core_type<tc>, window_params = [{transform_indices = @transform_0, window_bounds = array<i64: 2, 128, 128>}, {transform_indices = @transform_1, window_bounds = array<i64: 128, 128>}, {transform_indices = @transform_2, window_bounds = array<i64: 128, 128>}, {pipeline_mode = #tpu.pipeline_mode<synchronous>, transform_indices = @transform_3, window_bounds = array<i64: 128, 96>}, {pipeline_mode = #tpu.pipeline_mode<synchronous>, transform_indices = @transform_4, window_bounds = array<i64: 96, 96>}, {pipeline_mode = #tpu.pipeline_mode<synchronous>, transform_indices = @transform_5, window_bounds = array<i64: 1, 12>}, {transform_indices = @transform_6, window_bounds = array<i64: 1024, 12>}]} {
    %get3A = arith.constant 0 : index
    %get3A_0 = arith.constant 0 : index
    %get3A_1 = arith.constant 0 : index
    %get3A_2 = vector.load %arg1[%get3A, %get3A_0, %get3A_1] : memref<2x128x128xf32, #tpu.memory_space<vmem>>, vector<1x128x128xf32>
    %get3A_3 = vector.shape_cast %get3A_2 : vector<1x128x128xf32> to vector<128x128xf32>
    %get3A_4 = arith.constant 1 : index
    %get3A_5 = arith.constant 0 : index
    %get3A_6 = arith.constant 0 : index
    %get3A_7 = vector.load %arg1[%get3A_4, %get3A_5, %get3A_6] : memref<2x128x128xf32, #tpu.memory_space<vmem>>, vector<1x128x128xf32>
    %get3A_8 = vector.shape_cast %get3A_7 : vector<1x128x128xf32> to vector<128x128xf32>
    %add3A = arith.addf %get3A_3, %get3A_8 : vector<128x128xf32>
    %get3A_9 = arith.constant 0 : index
    %get3A_10 = arith.constant 0 : index
    %get3A_11 = vector.load %arg2[%get3A_9, %get3A_10] : memref<128x128xf32, #tpu.memory_space<vmem>>, vector<128x128xf32>
    %add3A_12 = arith.addf %add3A, %get3A_11 : vector<128x128xf32>
    %get3A_13 = arith.constant 0 : index
    %get3A_14 = arith.constant 0 : index
    %get3A_15 = vector.load %arg3[%get3A_13, %get3A_14] : memref<128x128xf32, #tpu.memory_space<vmem>>, vector<128x128xf32>
    %mul3A = arith.mulf %get3A_15, %add3A_12 : vector<128x128xf32>
    %get3A_16 = arith.constant 0 : index
    %get3A_17 = arith.constant 0 : index
    %get3A_18 = vector.load %arg4[%get3A_16, %get3A_17] : memref<128x96xf32, #tpu.memory_space<vmem>>, vector<128x96xf32>
    %dot_general3A = arith.constant dense<0.000000e+00> : vector<128x96xf32>
    %dot_general3A_19 = tpu.matmul %mul3A, %get3A_18, %dot_general3A {dimension_numbers = #tpu.dot_dimension_numbers<[1], [0], [0], [1], [0, 0, 1, 1], [], []>, transpose_lhs_hint = false} : vector<128x128xf32>, vector<128x96xf32>, vector<128x96xf32> -> vector<128x96xf32>
    %get3A_20 = arith.constant 0 : index
    %get3A_21 = arith.constant 0 : index
    %get3A_22 = vector.load %arg6[%get3A_20, %get3A_21] : memref<1x12xf32, #tpu.memory_space<vmem>>, vector<1x12xf32>
    %concatenate3A = tpu.concatenate %get3A_22, %get3A_22, %get3A_22, %get3A_22, %get3A_22, %get3A_22, %get3A_22, %get3A_22 in 1 : vector<1x12xf32>, vector<1x12xf32>, vector<1x12xf32>, vector<1x12xf32>, vector<1x12xf32>, vector<1x12xf32>, vector<1x12xf32>, vector<1x12xf32> -> vector<1x96xf32>
    %add3A_23 = vector.broadcast %concatenate3A : vector<1x96xf32> to vector<128x96xf32>
    %add3A_24 = arith.addf %dot_general3A_19, %add3A_23 : vector<128x96xf32>
    %reduce_max3A = arith.constant dense<0xFF800000> : vector<128xf32>
    %reduce_max3A_25 = vector.multi_reduction <maximumf>, %add3A_24, %reduce_max3A [1] : vector<128x96xf32> to vector<128xf32>
    %broadcast_in_dim3A = vector.shape_cast %reduce_max3A_25 : vector<128xf32> to vector<128x1xf32>
    %sub3A = vector.broadcast %broadcast_in_dim3A : vector<128x1xf32> to vector<128x96xf32>
    %sub3A_26 = arith.subf %add3A_24, %sub3A : vector<128x96xf32>
    %exp3A = math.exp %sub3A_26 : vector<128x96xf32>
    %get3A_27 = arith.constant 0 : index
    %get3A_28 = arith.constant 0 : index
    %get3A_29 = vector.load %arg5[%get3A_27, %get3A_28] : memref<96x96xf32, #tpu.memory_space<vmem>>, vector<96x96xf32>
    %dot_general3A_30 = arith.constant dense<0.000000e+00> : vector<128x96xf32>
    %dot_general3A_31 = tpu.matmul %exp3A, %get3A_29, %dot_general3A_30 {dimension_numbers = #tpu.dot_dimension_numbers<[1], [0], [0], [1], [0, 0, 1, 1], [], []>, transpose_lhs_hint = false} : vector<128x96xf32>, vector<96x96xf32>, vector<128x96xf32> -> vector<128x96xf32>
    %sub3A_32 = vector.broadcast %broadcast_in_dim3A : vector<128x1xf32> to vector<128x96xf32>
    %sub3A_33 = arith.subf %add3A_24, %sub3A_32 : vector<128x96xf32>
    %log3A = math.log %dot_general3A_31 : vector<128x96xf32>
    %sub3A_34 = arith.subf %sub3A_33, %log3A : vector<128x96xf32>
    %slice3A = vector.extract_strided_slice %sub3A_34 {offsets = [0, 0], sizes = [128, 12], strides = [1, 1]} : vector<128x96xf32> to vector<128x12xf32>
    %reshape3A = vector.shape_cast %slice3A : vector<128x12xf32> to vector<128x1x12xf32>
    %slice3A_35 = vector.extract_strided_slice %sub3A_34 {offsets = [0, 12], sizes = [128, 12], strides = [1, 1]} : vector<128x96xf32> to vector<128x12xf32>
    %reshape3A_36 = vector.shape_cast %slice3A_35 : vector<128x12xf32> to vector<128x1x12xf32>
    %slice3A_37 = vector.extract_strided_slice %sub3A_34 {offsets = [0, 24], sizes = [128, 12], strides = [1, 1]} : vector<128x96xf32> to vector<128x12xf32>
    %reshape3A_38 = vector.shape_cast %slice3A_37 : vector<128x12xf32> to vector<128x1x12xf32>
    %slice3A_39 = vector.extract_strided_slice %sub3A_34 {offsets = [0, 36], sizes = [128, 12], strides = [1, 1]} : vector<128x96xf32> to vector<128x12xf32>
    %reshape3A_40 = vector.shape_cast %slice3A_39 : vector<128x12xf32> to vector<128x1x12xf32>
    %slice3A_41 = vector.extract_strided_slice %sub3A_34 {offsets = [0, 48], sizes = [128, 12], strides = [1, 1]} : vector<128x96xf32> to vector<128x12xf32>
    %reshape3A_42 = vector.shape_cast %slice3A_41 : vector<128x12xf32> to vector<128x1x12xf32>
    %slice3A_43 = vector.extract_strided_slice %sub3A_34 {offsets = [0, 60], sizes = [128, 12], strides = [1, 1]} : vector<128x96xf32> to vector<128x12xf32>
    %reshape3A_44 = vector.shape_cast %slice3A_43 : vector<128x12xf32> to vector<128x1x12xf32>
    %slice3A_45 = vector.extract_strided_slice %sub3A_34 {offsets = [0, 72], sizes = [128, 12], strides = [1, 1]} : vector<128x96xf32> to vector<128x12xf32>
    %reshape3A_46 = vector.shape_cast %slice3A_45 : vector<128x12xf32> to vector<128x1x12xf32>
    %slice3A_47 = vector.extract_strided_slice %sub3A_34 {offsets = [0, 84], sizes = [128, 12], strides = [1, 1]} : vector<128x96xf32> to vector<128x12xf32>
    %reshape3A_48 = vector.shape_cast %slice3A_47 : vector<128x12xf32> to vector<128x1x12xf32>
    %concatenate3A_49 = tpu.concatenate %reshape3A, %reshape3A_36, %reshape3A_38, %reshape3A_40, %reshape3A_42, %reshape3A_44, %reshape3A_46, %reshape3A_48 in 1 : vector<128x1x12xf32>, vector<128x1x12xf32>, vector<128x1x12xf32>, vector<128x1x12xf32>, vector<128x1x12xf32>, vector<128x1x12xf32>, vector<128x1x12xf32>, vector<128x1x12xf32> -> vector<128x8x12xf32>
    %reshape3A_50 = vector.shape_cast %concatenate3A_49 : vector<128x8x12xf32> to vector<1024x12xf32>
    %swap3A = arith.constant 0 : index
    %swap3A_51 = arith.constant 0 : index
    %swap3A_52 = vector.load %arg7[%swap3A, %swap3A_51] : memref<1024x12xf32, #tpu.memory_space<vmem>>, vector<1024x12xf32>
    tpu.vector_store %arg7[%swap3A, %swap3A_51], %reshape3A_50 {strides = array<i32>} : memref<1024x12xf32, #tpu.memory_space<vmem>>, vector<1024x12xf32>,
    return
  }
  func.func @transform_0(%arg0: i32) -> (i32, i32, i32) {
    %c0_i32 = arith.constant 0 : i32
    %c0_i32_0 = arith.constant 0 : i32
    %c0_i32_1 = arith.constant 0 : i32
    return %c0_i32, %arg0, %c0_i32_0 : i32, i32, i32
  }
  func.func @transform_1(%arg0: i32) -> (i32, i32) {
    %c0_i32 = arith.constant 0 : i32
    %c0_i32_0 = arith.constant 0 : i32
    return %arg0, %c0_i32 : i32, i32
  }
  func.func @transform_2(%arg0: i32) -> (i32, i32) {
    %c0_i32 = arith.constant 0 : i32
    %c0_i32_0 = arith.constant 0 : i32
    return %arg0, %c0_i32 : i32, i32
  }
  func.func @transform_3(%arg0: i32) -> (i32, i32) {
    %c0_i32 = arith.constant 0 : i32
    %c0_i32_0 = arith.constant 0 : i32
    %c0_i32_1 = arith.constant 0 : i32
    return %c0_i32, %c0_i32_0 : i32, i32
  }
  func.func @transform_4(%arg0: i32) -> (i32, i32) {
    %c0_i32 = arith.constant 0 : i32
    %c0_i32_0 = arith.constant 0 : i32
    %c0_i32_1 = arith.constant 0 : i32
    return %c0_i32, %c0_i32_0 : i32, i32
  }
  func.func @transform_5(%arg0: i32) -> (i32, i32) {
    %c0_i32 = arith.constant 0 : i32
    %c0_i32_0 = arith.constant 0 : i32
    %c0_i32_1 = arith.constant 0 : i32
    return %c0_i32, %c0_i32_0 : i32, i32
  }
  func.func @transform_6(%arg0: i32) -> (i32, i32) {
    %c0_i32 = arith.constant 0 : i32
    %c0_i32_0 = arith.constant 0 : i32
    return %arg0, %c0_i32 : i32, i32
  }
}

</mosaic_0001>

<sc_bundles>
// kernel: gcn_deg.3.cloned.1.call-start
scs
__scs_entry_jumppad:
0x0: {  	(pc) =	sbr.rel $0x88, $3  }
0x1: {  	(tag) =	ssettag $0x0;
	lr =	simm.s32 $0x1  }
0x2: {  	[smem:$0x3F9B] =	sst lr;
	_ =	strace $0xD0000000  }
0x3: {  	_ = 	snop  }
0x4: {  	_ = 	snop  }
0x5: {  	_ = 	snop  }
0x6: {  	_ = 	snop  }
0x7: {  	_ = 	snop  }
__scs_overlays_trampoline_lowered:
0x8: {  	[smem:$0x3FAA] =	sst s0  }
0x9: {  	[smem:$0x3FAB] =	sst s1  }
0xa: {  	[smem:$0x3FAC] =	sst s2  }
0xb: {  	[smem:$0x3FAD] =	sst s3  }
0xc: {  	[smem:$0x3FAE] =	sst s4  }
0xd: {  	[smem:$0x3FAF] =	sst s5  }
0xe: {  	[smem:$0x3FB0] =	sst s6  }
0xf: {  	[smem:$0x3FB1] =	sst s7  }
0x10: {  	[smem:$0x3FB2] =	sst s8  }
0x11: {  	[smem:$0x3FB3] =	sst s9;
	s0 =	simm.s32 @!p0 $0x0  }
0x12: {  	s1 =	sld [smem:$0x3F99];
	s0 =	simm.s32 @p0 $0x1  }
0x13: {  	[smem:$0x3FB4] =	sst s0;
	s0 =	simm.s32 @!p1 $0x0  }
0x14: {  	s2 =	sld [smem:$0x3F98];
	s0 =	simm.s32 @p1 $0x1  }
0x15: {  	[smem:$0x3FB5] =	sst s0;
	s0 =	simm.s32 @!p2 $0x0  }
0x16: {  	s3 =	sld [smem:$0x3FDB];
	s0 =	simm.s32 @p2 $0x1  }
0x17: {  	s4 =	simm.s32 $0x1BF5;
	[smem:$0x3FB7] =	sst s0  }
0x18: {  	s0 =	sld [smem:$0x3F9A];
	_ =	swait.ge [sflag:s4], $0x0  }
0x19: {  	s7 =	sld [smem:$0x3F9B]  }
0x1a: {  	s8 =	sadd.s32 $0xFFFFE003, lr  }
0x1b: {  	s9 =	sadd.s32 $0xFFFFFEF7, lr;
	s5 =	simm.s32 $0xFFFFFFFF;
	p2 =	slt.u32 s8, $0xFFFFF086  }
0x1c: {  	p1 =	slt.u32 s9, $0xF7A;
	s5 =	simm.s32 @!p2 $0x0  }
0x1d: {  	s5 =	simm.s32 @p1 $0x1;
	p0 =	seq.s32 s7, s2  }
0x1e: {  	s7 =	smul.u32 @!p0 $0xF7A, s2;
	p2 =	seq.s32 @!p0 s5, $0x0  }
0x1f: {  	s9 =	smul.u32 $0xF7A, s1;
	s8 =	simm.s32 @!p0 $0x1BF5;
	p2 =	por !p2, p0  }
0x20: {  	[sflag:s8] =	ssyncset.s32 @!p0 $0xFFFFF086;
	s6 =	sadd.s32 @!p0 s3, s7;
	s7 =	simm.s32 @!p0 $0x108  }
0x21: {  	s3 =	sadd.s32 s3, s9;
	s6 =	sadd.s32 @!p0 $0x88, s6;
	s7 =	simm.s32 @p2 $0x1082  }
0x22: {  	[simem:s7], [sflag:s8] =	dma.local @!p0 [hbm:s6], $0xF7A  }
0x23: {  	s9 =	sor.u32 $0xD0000000, s2;
	s6 =	simm.s32 $0x108;
	_ =	swait.ge @!p0 [sflag:s8], $0x0  }
0x24: {  	s3 =	sadd.s32 $0x88, s3;
	s6 =	simm.s32 @!p1 $0x1082;
	[sflag:s4] =	ssyncset.s32 $0xFFFFF086  }
0x25: {  	[simem:s6], [sflag:s4] =	dma.local [hbm:s3], $0xF7A  }
0x26: {  	[smem:$0x3F9B] =	sst s1;
	(tag) =	ssettag s2;
	_ =	strace s9  }
0x27: {  	s1 =	sld [smem:$0x3FAB]  }
0x28: {  	s2 =	sld [smem:$0x3FAC]  }
0x29: {  	s4 =	sld [smem:$0x3FAE]  }
0x2a: {  	p0 =	seq.s32 s5, $0x0;
	s5 =	sld [smem:$0x3FAF]  }
0x2b: {  	s6 =	sld [smem:$0x3FB0]  }
0x2c: {  	s7 =	sld [smem:$0x3FB1]  }
0x2d: {  	s3 =	simm.s32 $0x108;
	s8 =	sld [smem:$0x3FB2]  }
0x2e: {  	s3 =	simm.s32 @!p0 $0x1082;
	s9 =	sld [smem:$0x3FB3]  }
0x2f: {  	lr =	sadd.s32 s0, s3;
	s0 =	sld [smem:$0x3FAA]  }
0x30: {  	s3 =	sld [smem:$0x3FAD]  }
0x31: {  	[smem:$0x3FB6] =	sst s10  }
0x32: {  	s10 =	sld [smem:$0x3FB4];
	_ =	sdelay $0x3  }
0x33: {  	p0 =	seq.s32 s10, $0x1;
	s10 =	sld [smem:$0x3FB6];
	_ =	sdelay $0x3  }
0x34: {  	[smem:$0x3FB6] =	sst s10  }
0x35: {  	s10 =	sld [smem:$0x3FB5];
	_ =	sdelay $0x3  }
0x36: {  	p1 =	seq.s32 s10, $0x1;
	s10 =	sld [smem:$0x3FB6];
	_ =	sdelay $0x3  }
0x37: {  	[smem:$0x3FB6] =	sst s10  }
0x38: {  	s10 =	sld [smem:$0x3FB7]  }
0x39: {  	_ = 	snop;
	(pc) =	sbr.ind lr, $3  }
0x3a: {  	_ = 	snop  }
0x3b: {  	_ = 	snop  }
0x3c: {  	p2 =	seq.s32 s10, $0x1;
	s10 =	sld [smem:$0x3FB6]  }
0x3d: {  	_ =	shalt  }
0x3e: {  	_ =	shalt  }
0x3f: {  	_ =	shalt  }
0x40: {  	_ =	shalt  }
0x41: {  	_ =	shalt  }
0x42: {  	_ =	shalt  }
0x43: {  	_ =	shalt  }
0x44: {  	_ =	shalt  }
0x45: {  	_ =	shalt  }
0x46: {  	_ =	shalt  }
0x47: {  	_ =	shalt  }
0x48: {  	_ =	shalt  }
0x49: {  	_ =	shalt  }
0x4a: {  	_ =	shalt  }
0x4b: {  	_ =	shalt  }
0x4c: {  	_ =	shalt  }
0x4d: {  	_ =	shalt  }
0x4e: {  	_ =	shalt  }
0x4f: {  	_ =	shalt  }
0x50: {  	_ =	shalt  }
0x51: {  	_ =	shalt  }
0x52: {  	_ =	shalt  }
0x53: {  	_ =	shalt  }
0x54: {  	_ =	shalt  }
0x55: {  	_ =	shalt  }
0x56: {  	_ =	shalt  }
0x57: {  	_ =	shalt  }
0x58: {  	_ =	shalt  }
0x59: {  	_ =	shalt  }
0x5a: {  	_ =	shalt  }
0x5b: {  	_ =	shalt  }
0x5c: {  	_ =	shalt  }
0x5d: {  	_ =	shalt  }
0x5e: {  	_ =	shalt  }
0x5f: {  	_ =	shalt  }
0x60: {  	_ =	shalt  }
0x61: {  	_ =	shalt  }
0x62: {  	_ =	shalt  }
0x63: {  	_ =	shalt  }
0x64: {  	_ =	shalt  }
0x65: {  	_ =	shalt  }
0x66: {  	_ =	shalt  }
0x67: {  	_ =	shalt  }
0x68: {  	_ =	shalt  }
0x69: {  	_ =	shalt  }
0x6a: {  	_ =	shalt  }
0x6b: {  	_ =	shalt  }
0x6c: {  	_ =	shalt  }
0x6d: {  	_ =	shalt  }
0x6e: {  	_ =	shalt  }
0x6f: {  	_ =	shalt  }
0x70: {  	_ =	shalt  }
0x71: {  	_ =	shalt  }
0x72: {  	_ =	shalt  }
0x73: {  	_ =	shalt  }
0x74: {  	_ =	shalt  }
0x75: {  	_ =	shalt  }
0x76: {  	_ =	shalt  }
0x77: {  	_ =	shalt  }
0x78: {  	_ =	shalt  }
0x79: {  	_ =	shalt  }
0x7a: {  	_ =	shalt  }
0x7b: {  	_ =	shalt  }
0x7c: {  	_ =	shalt  }
0x7d: {  	_ =	shalt  }
0x7e: {  	_ =	shalt  }
0x7f: {  	_ =	shalt  }
0x80: {  	_ =	shalt  }
0x81: {  	_ =	shalt  }
0x82: {  	_ =	shalt  }
0x83: {  	_ =	shalt  }
0x84: {  	_ =	shalt  }
0x85: {  	_ =	shalt  }
0x86: {  	_ =	shalt  }
0x87: {  	_ =	shalt  }
.Lfunc_end0:
.L_simem_size_0:
called_computation_lowered:
.L_overlay_start_0:
0x88: {  	s2 =	sld [smem:$0x3FD9]  }
0x89: {  	s3 =	sld [smem:$0x3FFE];
	_ =	sdelay $0x1  }
0x8a: {  	s1 =	srdreg.scid  }
0x8b: {  	s0 =	sand.u32 $0x1, s1  }
0x8c: {  	s17 =	sshll.u32 s0, $0xA;
	s2 =	sadd.s32 s3, s2  }
0x8d: {  	s2 =	sadd.s32 s2, s17  }
0x8e: {  	[smem:$0x3FC2] =	sst s2  }
0x8f: {  	_ = 	snop  }
0x90: {  	s2 =	sld [smem:$0x3FD0];
	(tm) =	ssettm $0x1  }
0x91: {  	s18 =	sld [smem:$0x3FFB];
	_ =	sdelay $0x3  }
0x92: {  	_ =	strace s18  }
0x93: {  	s3 =	sld [smem:$0x3FFC];
	_ =	sdelay $0x3  }
0x94: {  	_ =	strace s3  }
0x95: {  	s3 =	sld [smem:$0x3FFD];
	_ =	sdelay $0x3  }
0x96: {  	_ =	strace s3  }
0x97: {  	_ =	strace $0x8FFFFFFF  }
0x98: {  	s19 =	sld [smem:$0x3FDB];
	_ =	sdelay $0x1  }
0x99: {  	s4 =	simm.s32 $_scs_section_size  }
0x9a: {  	s5 =	simm.s32 $_size__tile_overlayer_lowered;
	s6 =	simm.s32 $_tile_overlayer_lowered  }
0x9b: {  	s22 =	simm.s32 $0x1BFF;
	s21 =	sshll.u32 s6, $0x1;
	s3 =	sadd.s32 s4, s19  }
0x9c: {  	s7 =	simm.s32 $0x0;
	s20 =	sshll.u32 s5, $0x1;
	s5 =	sadd.s32 s21, s3  }
0x9d: {  	[timem:s7], [sflag:s22] =	dma.local [hbm:s5], s20  }
0x9e: {  	_ =	swait.ge [sflag:s22], s20  }
0x9f: {  	s4 =	ssub.s32 $0x0, s20;
	[sflag:s22] =	ssyncset.done $0x0  }
0xa0: {  	[sflag:s22] =	ssyncadd.s32 s4;
	_ =	sdelay $0x1  }
0xa1: {  	s23 =	simm.s32 $0x1B8B  }
0xa2: {  	_ =	swait.ge [sflag:s23], $0x1  }
0xa3: {  	[sflag:s23] =	ssyncset.done $0x0  }
0xa4: {  	s25 =	simm.s32 $0x1B8E;
	s24 =	sld [smem:$0x3FFE];
	[sflag:s23] =	ssyncadd.s32 $0xFFFFFFFF  }
0xa5: {  	s26 =	simm.s32 $execute0_lowered;
	[smem:$0x3FD2] =	sst s25  }
0xa6: {  	s5 =	sshll.u32 s26, $0x1;
	_ =	strace $0x80000046;
	[dreg:$0x1] =	wrdreg $0xFFFFFFFF  }
0xa7: {  	s28 =	simm.s32 $_size_execute0_lowered;
	s3 =	sadd.s32 s3, s5;
	[dreg:$0x0] =	wrdreg $0x0  }
0xa8: {  	s5 =	sshll.u32 s28, $0x1;
	[dreg:$0x2] =	wrdreg s3  }
0xa9: {  	[dreg:$0x3] =	wrdreg s5  }
0xaa: {  	[dreg:$0x4] =	wrdreg $0xC0  }
0xab: {  	_ =	task [dreg:s7], $0x5FFFF  }
0xac: {  	[dreg:$0x1] =	wrdreg $0xFFFFFFFF  }
0xad: {  	[dreg:$0x0] =	wrdreg $0x60  }
0xae: {  	[dreg:$0x2] =	wrdreg s24  }
0xaf: {  	[dreg:$0x3] =	wrdreg s2  }
0xb0: {  	[dreg:$0x4] =	wrdreg $0x29000  }
0xb1: {  	[dreg:$0x5] =	wrdreg $0x9  }
0xb2: {  	_ =	task.clear_ibuf [dreg:s7], $0x6FFFF;
	_ =	strace $0x90000046  }
0xb3: {  	s29 =	simm.s32 $0x9;
	_ =	strace $0x80000048  }
0xb4: {  	_ =	swait.ge [sflag:s29], $0x1  }
0xb5: {  	[sflag:s29] =	ssyncadd.s32 $0xFFFFFFFF  }
0xb6: {  	_ =	strace $0x90000048  }
0xb7: {  	_ =	sfence  }
0xb8: {  	s30 =	sld [smem:$0x0];
	_ =	sdelay $0x2  }
0xb9: {  	s31 =	sshll.u32 s1, $0xD;
	s1 =	sshrl.u32 s1, $0x2  }
0xba: {  	s3 =	sand.u32 $0x4000, s31;
	s1 =	sadd.s32 s1, s30  }
0xbb: {  	s0 =	sor.u32 s3, s0;
	s1 =	sshll.u32 s1, $0x11  }
0xbc: {  	s0 =	sor.u32 s1, s0  }
0xbd: {  	s0 =	sadd.s32 $0x8F2B, s0  }
0xbe: {  	[sflag:s0] =	ssyncadd.remote.s32 $0x1  }
0xbf: {  	_ =	sfence.sel $0xFFFF  }
0xc0: {  	[dreg:$0x0] =	wrdreg $0xFFFFFFFF;
	(pc) =	sbr.abs _section_cstart, $3  }
0xc1: {  	[dreg:$0x1] =	wrdreg $0xFFFFFFFF  }
0xc2: {  	_ =	task.clear_ibuf [dreg:s7], $0x2FFFF;
	_ =	strace $0x9FFFFFFF  }
0xc3: {  	(tm) =	ssettm $0x7FFFFFFF  }
tec
execute0_lowered:
.L_overlay_start_1:
0x0: {  	(tag) =	ssettag $0x1  }
0x1: {  	s1 =	srdreg.scid;
	s4 =	rddreg [dreg:$0x0]  }
0x2: {  	s0 =	stileid.u32;
	s11 =	rddreg [dreg:$0x1];
	s3 =	simm.s32 $0x0  }
0x3: {  	s16 =	simm.s32 $0x5;
	s17 =	simm.s32 $0x80;
	s18 =	simm.s32 $0x2800  }
0x4: {  	s21 =	simm.s32 $0x1;
	s22 =	simm.s32 $0x2;
	s23 =	simm.s32 $0x3  }
0x5: {  	s24 =	simm.s32 $0x4;
	s25 =	simm.s32 $0x0;
	s1 =	sand.u32 $0x1, s1  }
0x6: {  	s2 =	sshll.u32 s0, $0x1;
	[smem:$0x7FF] =	sst s3;
	s8 =	smul.u32 $0x280, s0  }
0x7: {  	s15 =	sor.u32 s1, s2;
	s30 =	ssub.s32 $0x2, s1;
	s1 =	smul.u32 $0x2800, s1  }
0x8: {  	s2 =	rddreg [dreg:$0x2];
	_ =	strace $0x80000047;
	s5 =	smul.u32 $0x13, s15  }
0x9: {  	s6 =	smin.u32 s15, $0x11;
	s31 =	sshrl.u32 s30, $0x1;
	p0 =	slt.u32 s15, $0x11  }
0xa: {  	s12 =	ssub.s32 s30, s31;
	s1 =	sadd.s32 s8, s1;
	s5 =	sadd.s32 s6, s5  }
0xb: {  	s1 =	sshrl.u32 s1, $0x3;
	s12 =	smax.u32 s12, $0x1;
	s5 =	sshll.u32 s5, $0x6  }
0xc: {  	s11 =	sadd.s32 s11, s1;
	s7 =	sadd.s32 s5, s4;
	s4 =	simm.s32 $0x50  }
0xd: {  	s5 =	sadd.s32 s8, s2;
	s4 =	simm.s32 @!p0 $0x4C;
	s6 =	sadd.s32 $0xC640, s7  }
0xe: {  	s7 =	sadd.s32 $0x80, s5;
	s8 =	sadd.s32 $0x100, s5;
	s9 =	sadd.s32 $0x180, s5  }
0xf: {  	s10 =	sadd.s32 $0x200, s5;
	p0 =	sgt.u32 s15, $0x10;
	s14 =	sshrl.u32 s4, $0x2  }
0x10: {  	v0 =	vimm.f32 $1.000000000e+00;
	v1 =	vimm.f32 $0.0e+00;
	s15 =	simm.s32 $0x2880;
	s13 =	sadd.s32 $0xFFFFFFF9, s4;
	s14 =	sadd.s32 $0xFFFFFFFF, s14  }
.LBB2_1:
0x11: {  	[tilespmem:$0x2800] =	vst v0  }
0x12: {  	[tilespmem:$0x2880] =	vst v1  }
0x13: {  	[tilespmem:$0x2810] =	vst v0  }
0x14: {  	[tilespmem:$0x2890] =	vst v1  }
0x15: {  	[tilespmem:$0x2820] =	vst v0  }
0x16: {  	[tilespmem:$0x28A0] =	vst v1  }
0x17: {  	[tilespmem:$0x2830] =	vst v0  }
0x18: {  	[tilespmem:$0x28B0] =	vst v1  }
0x19: {  	[tilespmem:$0x2840] =	vst v0  }
0x1a: {  	[tilespmem:$0x28C0] =	vst v1  }
0x1b: {  	[tilespmem:$0x2850] =	vst v0  }
0x1c: {  	[tilespmem:$0x28D0] =	vst v1  }
0x1d: {  	[tilespmem:$0x2860] =	vst v0  }
0x1e: {  	[tilespmem:$0x28E0] =	vst v1  }
0x1f: {  	[tilespmem:$0x2870] =	vst v0  }
0x20: {  	[tilespmem:$0x28F0] =	vst v1;
	s1 =	simm.s32 @p0 $0x0  }
0x21: {  	[tilespmem:s1], [sflag:$0x5] =	stream.linear.gather @p0 [hbm4b:s6+s1], $0x2600, $0x38;
	[tilespmem:$0x2B80] =	vst v63  }
0x22: {  	s1 =	simm.s32 @p0 $0x5  }
0x23: {  	_ =	swait.ge @p0 [sflag:s1], $0x2600  }
0x24: {  	[sflag:s1] =	ssyncset.done @p0 $0x0  }
0x25: {  	[sflag:s1] =	ssyncadd.s32 @p0 $0xFFFFDA00;
	s1 =	simm.s32 @!p0 $0x0  }
0x26: {  	[tilespmem:s1], [sflag:$0x5] =	stream.linear.gather @!p0 [hbm4b:s6+s1], $0x2800, $0x38;
	[tilespmem:$0x2B80] =	vst v63  }
0x27: {  	s1 =	simm.s32 @!p0 $0x5  }
0x28: {  	_ =	swait.ge @!p0 [sflag:s1], $0x2800  }
0x29: {  	[sflag:s1] =	ssyncset.done @!p0 $0x0  }
0x2a: {  	[sflag:s1] =	ssyncadd.s32 @!p0 $0xFFFFD800  }
0x2b: {  	[spmem:s5] =	stream.linear.scatter [tilespmem:s15], [sflag:$0x5], $0x80, $0x38;
	[tilespmem:$0x2B80] =	vst v63  }
0x2c: {  	_ =	swait.ge [sflag:s16], $0x80  }
0x2d: {  	[sflag:s16] =	ssyncset.done $0x0  }
0x2e: {  	[sflag:s16] =	ssyncadd.s32 $0xFFFFFF80  }
0x2f: {  	[spmem:s7] =	stream.linear.scatter [tilespmem:s15], [sflag:$0x5], $0x80, $0x38;
	[tilespmem:$0x2B80] =	vst v63  }
0x30: {  	_ =	swait.ge [sflag:s16], $0x80  }
0x31: {  	[sflag:s16] =	ssyncset.done $0x0  }
0x32: {  	[sflag:s16] =	ssyncadd.s32 $0xFFFFFF80  }
0x33: {  	[spmem:s8] =	stream.linear.scatter [tilespmem:s15], [sflag:$0x5], $0x80, $0x38;
	[tilespmem:$0x2B80] =	vst v63  }
0x34: {  	_ =	swait.ge [sflag:s16], $0x80  }
0x35: {  	[sflag:s16] =	ssyncset.done $0x0  }
0x36: {  	[sflag:s16] =	ssyncadd.s32 $0xFFFFFF80  }
0x37: {  	[spmem:s9] =	stream.linear.scatter [tilespmem:s15], [sflag:$0x5], $0x80, $0x38;
	[tilespmem:$0x2B80] =	vst v63  }
0x38: {  	_ =	swait.ge [sflag:s16], $0x80  }
0x39: {  	[sflag:s16] =	ssyncset.done $0x0  }
0x3a: {  	[sflag:s16] =	ssyncadd.s32 $0xFFFFFF80  }
0x3b: {  	[spmem:s10] =	stream.linear.scatter [tilespmem:s15], [sflag:$0x5], $0x80, $0x38;
	[tilespmem:$0x2B80] =	vst v63  }
0x3c: {  	_ =	swait.ge [sflag:s16], $0x80  }
0x3d: {  	[sflag:s16] =	ssyncset.done $0x0  }
0x3e: {  	[sflag:s16] =	ssyncadd.s32 $0xFFFFFF80  }
0x3f: {  	s0 =	simm.s32 $0x0;
	[bflag:$0x0] =	sbarrier.arrive $0xFFFF  }
0x40: {  	[spmem:s2] =	stream.indirect.scatter.add.f32 [tilespmem:s18], [sflag:$0x1], $0x1, s0, s17, $0xb8;
	[tilespmem:$0x2B80] =	vst v63  }
0x41: {  	_ = 	snop  }
0x42: {  	[spmem:s2] =	stream.indirect.scatter.add.f32 [tilespmem:s18], [sflag:$0x2], $0x1, s17, s17, $0xb8;
	[tilespmem:$0x2B80] =	vst v63  }
0x43: {  	s20 =	simm.s32 $0x100  }
0x44: {  	[spmem:s2] =	stream.indirect.scatter.add.f32 [tilespmem:s18], [sflag:$0x3], $0x1, s20, s17, $0xb8;
	[tilespmem:$0x2B80] =	vst v63  }
0x45: {  	s26 =	simm.s32 $0x180  }
0x46: {  	[spmem:s2] =	stream.indirect.scatter.add.f32 [tilespmem:s18], [sflag:$0x4], $0x1, s26, s17, $0xb8;
	[tilespmem:$0x2B80] =	vst v63  }
0x47: {  	p1 =	sle.u32 s4, $0x4;
	_ =	swait.ge [sflag:s21], $0x80  }
0x48: {  	s28 =	simm.s32 @!p1 $0x2800;
	[sflag:s21] =	ssyncset.done $0x0  }
0x49: {  	s1 =	simm.s32 @!p1 $0x80;
	s26 =	simm.s32 $0x200;
	[sflag:s21] =	ssyncadd.s32 $0xFFFFFF80  }
0x4a: {  	[spmem:s2] =	stream.indirect.scatter.add.f32 @!p1 [tilespmem:s28], [sflag:$0x1], $0x1, s26, s1, $0xb8;
	[tilespmem:$0x2B80] =	vst v63  }
0x4b: {  	s29 =	sadd.s32 $0xFFFFFFFF, s14;
	p1 =	sle.u32 s4, $0x5;
	_ =	swait.ge [sflag:s22], $0x80  }
0x4c: {  	p2 =	sle.u32 s4, $0x7;
	s1 =	simm.s32 @!p1 $0x280;
	[sflag:s22] =	ssyncset.done $0x0  }
0x4d: {  	s28 =	simm.s32 @!p1 $0x80;
	s30 =	simm.s32 @!p1 $0x2800;
	[sflag:s22] =	ssyncadd.s32 $0xFFFFFF80  }
0x4e: {  	[spmem:s2] =	stream.indirect.scatter.add.f32 @!p1 [tilespmem:s30], [sflag:$0x2], $0x1, s1, s28, $0xb8;
	[tilespmem:$0x2B80] =	vst v63  }
0x4f: {  	p3 =	sne.s32 s29, $0x0;
	p1 =	sle.u32 s4, $0x6;
	_ =	swait.ge [sflag:s23], $0x80  }
.Ltmp0:
0x50: {  	s1 =	simm.s32 @!p1 $0x300;
	[sflag:s23] =	ssyncset.done $0x0;
	(pc) =	sbr.rel @!p3 .LBB2_3-.Ltmp0, $4  }
0x51: {  	s30 =	simm.s32 @!p1 $0x2800;
	s31 =	simm.s32 @!p1 $0x80;
	[sflag:s23] =	ssyncadd.s32 $0xFFFFFF80  }
0x52: {  	[spmem:s2] =	stream.indirect.scatter.add.f32 @!p1 [tilespmem:s30], [sflag:$0x3], $0x1, s1, s31, $0xb8;
	[tilespmem:$0x2B80] =	vst v63  }
0x53: {  	s28 =	simm.s32 $0x4;
	s30 =	simm.s32 $0x400;
	_ =	swait.ge [sflag:s24], $0x80  }
0x54: {  	s31 =	simm.s32 @!p2 $0x380;
	s1 =	simm.s32 @!p2 $0x2800;
	[sflag:s24] =	ssyncset.done $0x0  }
.LBB2_2:
0x55: {  	s26 =	smov.u32 s30;
	s29 =	sadd.s32 $0xFFFFFFFF, s29;
	s3 =	simm.s32 @!p2 $0x80  }
0x56: {  	s0 =	smov.u32 s28;
	s19 =	smov.u32 s30;
	[sflag:s24] =	ssyncadd.s32 $0xFFFFFF80  }
0x57: {  	[spmem:s2] =	stream.indirect.scatter.add.f32 @!p2 [tilespmem:s1], [sflag:$0x4], $0x1, s31, s3, $0xb8;
	[tilespmem:$0x2B80] =	vst v63  }
0x58: {  	s28 =	sadd.s32 $0x4, s28;
	p1 =	sne.s32 s29, $0x0;
	_ =	swait.ge [sflag:s21], $0x80  }
0x59: {  	p2 =	sge.u32 s28, s4;
	[sflag:s21] =	ssyncset.done $0x0  }
0x5a: {  	s1 =	simm.s32 @!p2 $0x80;
	s3 =	simm.s32 @!p2 $0x2800;
	[sflag:s21] =	ssyncadd.s32 $0xFFFFFF80  }
0x5b: {  	[spmem:s2] =	stream.indirect.scatter.add.f32 @!p2 [tilespmem:s3], [sflag:$0x1], $0x1, s30, s1, $0xb8;
	[tilespmem:$0x2B80] =	vst v63  }
0x5c: {  	s1 =	sadd.s32 $0x5, s0;
	_ =	swait.ge [sflag:s22], $0x80  }
0x5d: {  	p2 =	sge.u32 s1, s4;
	[sflag:s22] =	ssyncset.done $0x0  }
0x5e: {  	s1 =	sadd.s32 @!p2 $0x80, s30;
	s3 =	simm.s32 @!p2 $0x80;
	[sflag:s22] =	ssyncadd.s32 $0xFFFFFF80  }
0x5f: {  	s20 =	sadd.s32 $0x6, s0;
	s31 =	simm.s32 @!p2 $0x2800  }
0x60: {  	[spmem:s2] =	stream.indirect.scatter.add.f32 @!p2 [tilespmem:s31], [sflag:$0x2], $0x1, s1, s3, $0xb8;
	[tilespmem:$0x2B80] =	vst v63  }
0x61: {  	p2 =	sge.u32 s20, s4  }
0x62: {  	_ =	swait.ge [sflag:s23], $0x80;
	s1 =	sadd.s32 @!p2 $0x100, s30  }
.Ltmp1:
0x63: {  	s3 =	simm.s32 @!p2 $0x2800;
	[sflag:s23] =	ssyncset.done $0x0;
	(pc) =	sbr.rel @p1 .LBB2_2-.Ltmp1, $4  }
0x64: {  	s0 =	sadd.s32 $0x7, s0;
	s20 =	simm.s32 @!p2 $0x80;
	[sflag:s23] =	ssyncadd.s32 $0xFFFFFF80  }
0x65: {  	[spmem:s2] =	stream.indirect.scatter.add.f32 @!p2 [tilespmem:s3], [sflag:$0x3], $0x1, s1, s20, $0xb8;
	[tilespmem:$0x2B80] =	vst v63  }
0x66: {  	s30 =	sadd.s32 $0x200, s30;
	p2 =	sge.u32 s0, s4;
	_ =	swait.ge [sflag:s24], $0x80  }
0x67: {  	s31 =	sadd.s32 @!p2 $0x180, s19;
	s1 =	simm.s32 @!p2 $0x2800;
	[sflag:s24] =	ssyncset.done $0x0  }
.LBB2_3:
0x68: {  	[sflag:s24] =	ssyncadd.s32 $0xFFFFFF80;
	s0 =	simm.s32 @!p2 $0x80  }
0x69: {  	[spmem:s2] =	stream.indirect.scatter.add.f32 @!p2 [tilespmem:s1], [sflag:$0x4], $0x1, s31, s0, $0xb8;
	[tilespmem:$0x2B80] =	vst v63  }
0x6a: {  	s19 =	sadd.s32 $0x4, s28;
	_ =	swait.ge [sflag:s21], $0x80  }
0x6b: {  	s20 =	sadd.s32 $0x5, s28;
	p1 =	sge.u32 s19, s4;
	[sflag:s21] =	ssyncset.done $0x0  }
0x6c: {  	s0 =	simm.s32 @!p1 $0x80;
	s1 =	simm.s32 @!p1 $0x2800;
	[sflag:s21] =	ssyncadd.s32 $0xFFFFFF80  }
0x6d: {  	[spmem:s2] =	stream.indirect.scatter.add.f32 @!p1 [tilespmem:s1], [sflag:$0x1], $0x1, s30, s0, $0xb8;
	[tilespmem:$0x2B80] =	vst v63  }
0x6e: {  	p1 =	sge.u32 s20, s4;
	_ =	swait.ge [sflag:s22], $0x80  }
0x6f: {  	s29 =	sadd.s32 $0x6, s28;
	s0 =	sadd.s32 @!p1 $0x280, s26;
	[sflag:s22] =	ssyncset.done $0x0  }
0x70: {  	s1 =	simm.s32 @!p1 $0x80;
	s3 =	simm.s32 @!p1 $0x2800;
	[sflag:s22] =	ssyncadd.s32 $0xFFFFFF80  }
0x71: {  	[spmem:s2] =	stream.indirect.scatter.add.f32 @!p1 [tilespmem:s3], [sflag:$0x2], $0x1, s0, s1, $0xb8;
	[tilespmem:$0x2B80] =	vst v63  }
0x72: {  	p1 =	sge.u32 s29, s4;
	_ =	swait.ge [sflag:s23], $0x80  }
0x73: {  	s0 =	sadd.s32 @!p1 $0x300, s26;
	[sflag:s23] =	ssyncset.done $0x0  }
0x74: {  	s1 =	simm.s32 @!p1 $0x80;
	s3 =	simm.s32 @!p1 $0x2800;
	[sflag:s23] =	ssyncadd.s32 $0xFFFFFF80  }
0x75: {  	[spmem:s2] =	stream.indirect.scatter.add.f32 @!p1 [tilespmem:s3], [sflag:$0x3], $0x1, s0, s1, $0xb8;
	[tilespmem:$0x2B80] =	vst v63  }
0x76: {  	s25 =	sadd.s32 $0x1, s25;
	p1 =	sge.u32 s28, s13;
	_ =	swait.ge [sflag:s24], $0x80  }
0x77: {  	s30 =	stileid.u32;
	s0 =	simm.s32 @!p1 $0x80;
	[sflag:s24] =	ssyncset.done $0x0  }
0x78: {  	s1 =	simm.s32 @!p1 $0x2780;
	s3 =	simm.s32 @!p1 $0x2800;
	[sflag:s24] =	ssyncadd.s32 $0xFFFFFF80  }
0x79: {  	[spmem:s2] =	stream.indirect.scatter.add.f32 @!p1 [tilespmem:s3], [sflag:$0x4], $0x1, s1, s0, $0xb8;
	[tilespmem:$0x2B80] =	vst v63  }
0x7a: {  	s31 =	sshrl.u32 s5, $0x3;
	s0 =	sshll.u32 s30, $0x6;
	p1 =	sne.s32 s25, s12  }
.Ltmp2:
0x7b: {  	[bflag:$0x0] =	sbarrier.arrive $0xFFFF;
	s0 =	sor.u32 $0x1C05, s0;
	(pc) =	sbr.rel @p1 .LBB2_1-.Ltmp2, $4  }
0x7c: {  	[hbm:s11], [sflag:s0] =	dma.local [spmem:s31], $0x50  }
0x7d: {  	_ =	swait.ge [sflag:s16], $0x50  }
0x7e: {  	[sflag:s16] =	ssyncset.done $0x0  }
0x7f: {  	[sflag:s16] =	ssyncadd.s32 $0xFFFFFFB0  }
0x80: {  	_ =	sfence.sel $0x180000  }
0x81: {  	[bflag:$0x0] =	sbarrier.arrive $0xFFFF  }
0x82: {  	_ =	strace $0x90000047  }
0x83: {  	s0 =	stileid.u32;
	[bflag:$0x2] =	sbarrier.arrive $0xFFFF  }
0x84: {  	p0 =	sne.s32 s0, $0x0;
	s0 =	rddreg [dreg:$0x3]  }
0x85: {  	s0 =	sadd.s32 @!p0 $0x100000, s0  }
0x86: {  	[sflag:s0] =	ssyncadd.tile.s32 @!p0 $0x1;
	_ =	shalt  }
.Lfunc_end2:
_tile_overlayer_lowered:
.L_overlay_start_2:
0x87: {  	(tag) =	ssettag $0x2  }
0x88: {  	s0 =	rddreg [dreg:$0x0];
	s2 =	stileid.u32  }
0x89: {  	s1 =	rddreg [dreg:$0x1];
	p0 =	sne.s32 s2, $0x0  }
0x8a: {  	s3 =	rddreg [dreg:$0x2];
	[bflag:$0x3] =	sbarrier.arrive $0xFFFF;
	s2 =	simm.s32 @!p0 $0x1C05  }
0x8b: {  	[timem:s3], [sflag:s2] =	dma.local @!p0 [hbm:s0], s1  }
0x8c: {  	s0 =	simm.s32 @!p0 $0x5  }
0x8d: {  	_ =	swait.ge @!p0 [sflag:s0], s1  }
0x8e: {  	s1 =	ssub.s32 @!p0 $0x0, s1;
	[sflag:s0] =	ssyncset.done @!p0 $0x0  }
0x8f: {  	[sflag:s0] =	ssyncadd.s32 @!p0 s1  }
0x90: {  	[bflag:$0x3] =	sbarrier.arrive $0xFFFF  }
0x91: {  	_ =	shalt  }

// kernel: gcn_row_agg.4.cloned.1.call-start
scs
__scs_entry_jumppad:
0x0: {  	(pc) =	sbr.rel $0x88, $3  }
0x1: {  	(tag) =	ssettag $0x0;
	lr =	simm.s32 $0x1  }
0x2: {  	[smem:$0x3F9B] =	sst lr;
	_ =	strace $0xD0000000  }
0x3: {  	_ = 	snop  }
0x4: {  	_ = 	snop  }
0x5: {  	_ = 	snop  }
0x6: {  	_ = 	snop  }
0x7: {  	_ = 	snop  }
__scs_overlays_trampoline_lowered:
0x8: {  	[smem:$0x3FAA] =	sst s0  }
0x9: {  	[smem:$0x3FAB] =	sst s1  }
0xa: {  	[smem:$0x3FAC] =	sst s2  }
0xb: {  	[smem:$0x3FAD] =	sst s3  }
0xc: {  	[smem:$0x3FAE] =	sst s4  }
0xd: {  	[smem:$0x3FAF] =	sst s5  }
0xe: {  	[smem:$0x3FB0] =	sst s6  }
0xf: {  	[smem:$0x3FB1] =	sst s7  }
0x10: {  	[smem:$0x3FB2] =	sst s8  }
0x11: {  	[smem:$0x3FB3] =	sst s9;
	s0 =	simm.s32 @!p0 $0x0  }
0x12: {  	s1 =	sld [smem:$0x3F99];
	s0 =	simm.s32 @p0 $0x1  }
0x13: {  	[smem:$0x3FB4] =	sst s0;
	s0 =	simm.s32 @!p1 $0x0  }
0x14: {  	s2 =	sld [smem:$0x3F98];
	s0 =	simm.s32 @p1 $0x1  }
0x15: {  	[smem:$0x3FB5] =	sst s0;
	s0 =	simm.s32 @!p2 $0x0  }
0x16: {  	s3 =	sld [smem:$0x3FDB];
	s0 =	simm.s32 @p2 $0x1  }
0x17: {  	s4 =	simm.s32 $0x1BF5;
	[smem:$0x3FB7] =	sst s0  }
0x18: {  	s0 =	sld [smem:$0x3F9A];
	_ =	swait.ge [sflag:s4], $0x0  }
0x19: {  	s7 =	sld [smem:$0x3F9B]  }
0x1a: {  	s8 =	sadd.s32 $0xFFFFE003, lr  }
0x1b: {  	s9 =	sadd.s32 $0xFFFFFEF7, lr;
	s5 =	simm.s32 $0xFFFFFFFF;
	p2 =	slt.u32 s8, $0xFFFFF086  }
0x1c: {  	p1 =	slt.u32 s9, $0xF7A;
	s5 =	simm.s32 @!p2 $0x0  }
0x1d: {  	s5 =	simm.s32 @p1 $0x1;
	p0 =	seq.s32 s7, s2  }
0x1e: {  	s7 =	smul.u32 @!p0 $0xF7A, s2;
	p2 =	seq.s32 @!p0 s5, $0x0  }
0x1f: {  	s9 =	smul.u32 $0xF7A, s1;
	s8 =	simm.s32 @!p0 $0x1BF5;
	p2 =	por !p2, p0  }
0x20: {  	[sflag:s8] =	ssyncset.s32 @!p0 $0xFFFFF086;
	s6 =	sadd.s32 @!p0 s3, s7;
	s7 =	simm.s32 @!p0 $0x108  }
0x21: {  	s3 =	sadd.s32 s3, s9;
	s6 =	sadd.s32 @!p0 $0x88, s6;
	s7 =	simm.s32 @p2 $0x1082  }
0x22: {  	[simem:s7], [sflag:s8] =	dma.local @!p0 [hbm:s6], $0xF7A  }
0x23: {  	s9 =	sor.u32 $0xD0000000, s2;
	s6 =	simm.s32 $0x108;
	_ =	swait.ge @!p0 [sflag:s8], $0x0  }
0x24: {  	s3 =	sadd.s32 $0x88, s3;
	s6 =	simm.s32 @!p1 $0x1082;
	[sflag:s4] =	ssyncset.s32 $0xFFFFF086  }
0x25: {  	[simem:s6], [sflag:s4] =	dma.local [hbm:s3], $0xF7A  }
0x26: {  	[smem:$0x3F9B] =	sst s1;
	(tag) =	ssettag s2;
	_ =	strace s9  }
0x27: {  	s1 =	sld [smem:$0x3FAB]  }
0x28: {  	s2 =	sld [smem:$0x3FAC]  }
0x29: {  	s4 =	sld [smem:$0x3FAE]  }
0x2a: {  	p0 =	seq.s32 s5, $0x0;
	s5 =	sld [smem:$0x3FAF]  }
0x2b: {  	s6 =	sld [smem:$0x3FB0]  }
0x2c: {  	s7 =	sld [smem:$0x3FB1]  }
0x2d: {  	s3 =	simm.s32 $0x108;
	s8 =	sld [smem:$0x3FB2]  }
0x2e: {  	s3 =	simm.s32 @!p0 $0x1082;
	s9 =	sld [smem:$0x3FB3]  }
0x2f: {  	lr =	sadd.s32 s0, s3;
	s0 =	sld [smem:$0x3FAA]  }
0x30: {  	s3 =	sld [smem:$0x3FAD]  }
0x31: {  	[smem:$0x3FB6] =	sst s10  }
0x32: {  	s10 =	sld [smem:$0x3FB4];
	_ =	sdelay $0x3  }
0x33: {  	p0 =	seq.s32 s10, $0x1;
	s10 =	sld [smem:$0x3FB6];
	_ =	sdelay $0x3  }
0x34: {  	[smem:$0x3FB6] =	sst s10  }
0x35: {  	s10 =	sld [smem:$0x3FB5];
	_ =	sdelay $0x3  }
0x36: {  	p1 =	seq.s32 s10, $0x1;
	s10 =	sld [smem:$0x3FB6];
	_ =	sdelay $0x3  }
0x37: {  	[smem:$0x3FB6] =	sst s10  }
0x38: {  	s10 =	sld [smem:$0x3FB7]  }
0x39: {  	_ = 	snop;
	(pc) =	sbr.ind lr, $3  }
0x3a: {  	_ = 	snop  }
0x3b: {  	_ = 	snop  }
0x3c: {  	p2 =	seq.s32 s10, $0x1;
	s10 =	sld [smem:$0x3FB6]  }
0x3d: {  	_ =	shalt  }
0x3e: {  	_ =	shalt  }
0x3f: {  	_ =	shalt  }
0x40: {  	_ =	shalt  }
0x41: {  	_ =	shalt  }
0x42: {  	_ =	shalt  }
0x43: {  	_ =	shalt  }
0x44: {  	_ =	shalt  }
0x45: {  	_ =	shalt  }
0x46: {  	_ =	shalt  }
0x47: {  	_ =	shalt  }
0x48: {  	_ =	shalt  }
0x49: {  	_ =	shalt  }
0x4a: {  	_ =	shalt  }
0x4b: {  	_ =	shalt  }
0x4c: {  	_ =	shalt  }
0x4d: {  	_ =	shalt  }
0x4e: {  	_ =	shalt  }
0x4f: {  	_ =	shalt  }
0x50: {  	_ =	shalt  }
0x51: {  	_ =	shalt  }
0x52: {  	_ =	shalt  }
0x53: {  	_ =	shalt  }
0x54: {  	_ =	shalt  }
0x55: {  	_ =	shalt  }
0x56: {  	_ =	shalt  }
0x57: {  	_ =	shalt  }
0x58: {  	_ =	shalt  }
0x59: {  	_ =	shalt  }
0x5a: {  	_ =	shalt  }
0x5b: {  	_ =	shalt  }
0x5c: {  	_ =	shalt  }
0x5d: {  	_ =	shalt  }
0x5e: {  	_ =	shalt  }
0x5f: {  	_ =	shalt  }
0x60: {  	_ =	shalt  }
0x61: {  	_ =	shalt  }
0x62: {  	_ =	shalt  }
0x63: {  	_ =	shalt  }
0x64: {  	_ =	shalt  }
0x65: {  	_ =	shalt  }
0x66: {  	_ =	shalt  }
0x67: {  	_ =	shalt  }
0x68: {  	_ =	shalt  }
0x69: {  	_ =	shalt  }
0x6a: {  	_ =	shalt  }
0x6b: {  	_ =	shalt  }
0x6c: {  	_ =	shalt  }
0x6d: {  	_ =	shalt  }
0x6e: {  	_ =	shalt  }
0x6f: {  	_ =	shalt  }
0x70: {  	_ =	shalt  }
0x71: {  	_ =	shalt  }
0x72: {  	_ =	shalt  }
0x73: {  	_ =	shalt  }
0x74: {  	_ =	shalt  }
0x75: {  	_ =	shalt  }
0x76: {  	_ =	shalt  }
0x77: {  	_ =	shalt  }
0x78: {  	_ =	shalt  }
0x79: {  	_ =	shalt  }
0x7a: {  	_ =	shalt  }
0x7b: {  	_ =	shalt  }
0x7c: {  	_ =	shalt  }
0x7d: {  	_ =	shalt  }
0x7e: {  	_ =	shalt  }
0x7f: {  	_ =	shalt  }
0x80: {  	_ =	shalt  }
0x81: {  	_ =	shalt  }
0x82: {  	_ =	shalt  }
0x83: {  	_ =	shalt  }
0x84: {  	_ =	shalt  }
0x85: {  	_ =	shalt  }
0x86: {  	_ =	shalt  }
0x87: {  	_ =	shalt  }
.Lfunc_end0:
.L_simem_size_0:
called_computation.1_lowered:
.L_overlay_start_0:
0x88: {  	s2 =	sld [smem:$0x3FD9]  }
0x89: {  	s3 =	sld [smem:$0x3FFE];
	_ =	sdelay $0x1  }
0x8a: {  	s1 =	srdreg.scid  }
0x8b: {  	s0 =	sand.u32 $0x1, s1  }
0x8c: {  	s16 =	sshll.u32 s0, $0xA;
	s2 =	sadd.s32 s3, s2  }
0x8d: {  	s2 =	sadd.s32 s2, s16  }
0x8e: {  	[smem:$0x3FC2] =	sst s2  }
0x8f: {  	_ = 	snop  }
0x90: {  	(tm) =	ssettm $0x1  }
0x91: {  	s17 =	sld [smem:$0x3FFB];
	_ =	sdelay $0x3  }
0x92: {  	_ =	strace s17  }
0x93: {  	s2 =	sld [smem:$0x3FFC];
	_ =	sdelay $0x3  }
0x94: {  	_ =	strace s2  }
0x95: {  	s2 =	sld [smem:$0x3FFD];
	_ =	sdelay $0x3  }
0x96: {  	_ =	strace s2  }
0x97: {  	_ =	strace $0x8FFFFFFF  }
0x98: {  	s18 =	sld [smem:$0x3FDB];
	_ =	sdelay $0x1  }
0x99: {  	s19 =	simm.s32 $_scs_section_size  }
0x9a: {  	s4 =	simm.s32 $_size__tile_overlayer_lowered;
	s5 =	simm.s32 $_tile_overlayer_lowered  }
0x9b: {  	s22 =	simm.s32 $0x1BFF;
	s21 =	sshll.u32 s5, $0x1;
	s2 =	sadd.s32 s19, s18  }
0x9c: {  	s6 =	simm.s32 $0x0;
	s20 =	sshll.u32 s4, $0x1;
	s4 =	sadd.s32 s21, s2  }
0x9d: {  	[timem:s6], [sflag:s22] =	dma.local [hbm:s4], s20  }
0x9e: {  	_ =	swait.ge [sflag:s22], s20  }
0x9f: {  	s3 =	ssub.s32 $0x0, s20;
	[sflag:s22] =	ssyncset.done $0x0  }
0xa0: {  	[sflag:s22] =	ssyncadd.s32 s3;
	_ =	sdelay $0x1  }
0xa1: {  	s23 =	simm.s32 $0x1B8B  }
0xa2: {  	_ =	swait.ge [sflag:s23], $0x1  }
0xa3: {  	[sflag:s23] =	ssyncset.done $0x0  }
0xa4: {  	s25 =	simm.s32 $0x1B8E;
	s24 =	sld [smem:$0x3FFE];
	[sflag:s23] =	ssyncadd.s32 $0xFFFFFFFF  }
0xa5: {  	s26 =	simm.s32 $execute0_lowered;
	[smem:$0x3FD2] =	sst s25  }
0xa6: {  	s4 =	sshll.u32 s26, $0x1;
	_ =	strace $0x80000049;
	[dreg:$0x1] =	wrdreg $0xFFFFFFFF  }
0xa7: {  	s28 =	simm.s32 $_size_execute0_lowered;
	s2 =	sadd.s32 s2, s4;
	[dreg:$0x0] =	wrdreg $0x0  }
0xa8: {  	s4 =	sshll.u32 s28, $0x1;
	[dreg:$0x2] =	wrdreg s2  }
0xa9: {  	[dreg:$0x3] =	wrdreg s4  }
0xaa: {  	[dreg:$0x4] =	wrdreg $0xC0  }
0xab: {  	_ =	task [dreg:s6], $0x5FFFF  }
0xac: {  	[dreg:$0x1] =	wrdreg $0xFFFFFFFF  }
0xad: {  	[dreg:$0x0] =	wrdreg $0x60  }
0xae: {  	[dreg:$0x2] =	wrdreg s24  }
0xaf: {  	[dreg:$0x3] =	wrdreg $0x90000  }
0xb0: {  	[dreg:$0x4] =	wrdreg $0xB8000  }
0xb1: {  	[dreg:$0x5] =	wrdreg $0x9  }
0xb2: {  	_ =	task.clear_ibuf [dreg:s6], $0x6FFFF;
	_ =	strace $0x90000049  }
0xb3: {  	s29 =	simm.s32 $0x9;
	_ =	strace $0x8000004B  }
0xb4: {  	_ =	swait.ge [sflag:s29], $0x1  }
0xb5: {  	[sflag:s29] =	ssyncadd.s32 $0xFFFFFFFF  }
0xb6: {  	_ =	strace $0x9000004B  }
0xb7: {  	_ =	sfence  }
0xb8: {  	s30 =	sld [smem:$0x0];
	_ =	sdelay $0x2  }
0xb9: {  	s31 =	sshll.u32 s1, $0xD;
	s1 =	sshrl.u32 s1, $0x2  }
0xba: {  	s3 =	sand.u32 $0x4000, s31;
	s1 =	sadd.s32 s1, s30  }
0xbb: {  	s0 =	sor.u32 s3, s0;
	s1 =	sshll.u32 s1, $0x11  }
0xbc: {  	s0 =	sor.u32 s1, s0  }
0xbd: {  	s0 =	sadd.s32 $0x8F2B, s0  }
0xbe: {  	[sflag:s0] =	ssyncadd.remote.s32 $0x1  }
0xbf: {  	_ =	sfence.sel $0xFFFF  }
0xc0: {  	[dreg:$0x0] =	wrdreg $0xFFFFFFFF;
	(pc) =	sbr.abs _section_cstart, $3  }
0xc1: {  	[dreg:$0x1] =	wrdreg $0xFFFFFFFF  }
0xc2: {  	_ =	task.clear_ibuf [dreg:s6], $0x2FFFF;
	_ =	strace $0x9FFFFFFF  }
0xc3: {  	(tm) =	ssettm $0x7FFFFFFF  }
tec
execute0_lowered:
.L_overlay_start_1:
0x0: {  	(tag) =	ssettag $0x1  }
0x1: {  	s0 =	rddreg [dreg:$0x0]  }
0x2: {  	s11 =	stileid.u32;
	s1 =	srdreg.scid  }
0x3: {  	s2 =	rddreg [dreg:$0x1];
	s6 =	smul.u32 $0x2800, s11  }
0x4: {  	s1 =	sand.u32 $0x1, s1;
	s4 =	sshll.u32 s11, $0x1;
	s21 =	smul.u32 $0xA000, s11  }
0x5: {  	s3 =	rddreg [dreg:$0x2];
	s7 =	sor.u32 s1, s4;
	s9 =	smul.u32 $0x28000, s1  }
0x6: {  	s4 =	simm.s32 $0x0;
	s1 =	ssub.s32 $0x2, s1;
	s5 =	smul.u32 $0x13, s7  }
0x7: {  	[smem:$0x7FF] =	sst s4;
	s8 =	smin.u32 s7, $0x11;
	s18 =	sshrl.u32 s6, $0x3  }
0x8: {  	s22 =	sshrl.u32 s1, $0x1;
	p0 =	slt.u32 s7, $0x11;
	s11 =	sadd.s32 s6, s2  }
0x9: {  	_ =	strace $0x8000004A;
	s9 =	sadd.s32 s6, s9;
	s10 =	sadd.s32 s18, s0  }
0xa: {  	s1 =	ssub.s32 s1, s22;
	s6 =	sadd.s32 s6, s3;
	[dreg:$0x7] =	wrdreg s11  }
0xb: {  	s5 =	sadd.s32 s8, s5;
	s20 =	sshrl.u32 s9, $0x3;
	s29 =	sadd.s32 $0x16400, s10  }
0xc: {  	s9 =	sshrl.u32 s21, $0x2;
	s30 =	smax.u32 s1, $0x1;
	[dreg:$0xc] =	wrdreg s29  }
0xd: {  	s31 =	sshrl.u32 s6, $0x3;
	s9 =	sadd.s32 s9, s2;
	[dreg:$0xe] =	wrdreg s30  }
0xe: {  	s5 =	sshll.u32 s5, $0x6;
	[dreg:$0xf] =	wrdreg s31;
	s24 =	sadd.s32 $0x800, s9  }
0xf: {  	s19 =	sadd.s32 s5, s0;
	s25 =	sadd.s32 $0x1000, s9;
	[dreg:$0x8] =	wrdreg s24  }
0x10: {  	s0 =	sadd.s32 s20, s0;
	s26 =	sadd.s32 $0x1800, s9;
	[dreg:$0x9] =	wrdreg s25  }
0x11: {  	s5 =	simm.s32 $0x50;
	s28 =	sadd.s32 $0x2000, s9;
	[dreg:$0xa] =	wrdreg s26  }
0x12: {  	s5 =	simm.s32 @!p0 $0x4C;
	s23 =	sadd.s32 $0x2A00, s19;
	[dreg:$0xb] =	wrdreg s28  }
0x13: {  	s0 =	sadd.s32 $0x1B400, s0;
	p0 =	sgt.u32 s7, $0x10;
	[dreg:$0x5] =	wrdreg s23  }
0x14: {  	s8 =	sadd.s32 $0xC640, s19;
	[dreg:$0xd] =	wrdreg s0;
	s0 =	simm.s32 @!p0 $0x0  }
0x15: {  	[dreg:$0x6] =	wrdreg s8;
	s0 =	simm.s32 @p0 $0x1  }
0x16: {  	s17 =	simm.s32 $0x11;
	v0 =	vimm.f32 $0.0e+00;
	[smem:$0x7FD] =	sst s0  }
.LBB2_1:
0x17: {  	s0 =	sld [smem:$0x7FD];
	_ =	sdelay $0x2  }
0x18: {  	p0 =	seq.s32 s0, $0x1  }
0x19: {  	s7 =	rddreg [dreg:$0x5];
	s0 =	simm.s32 @p0 $0x0;
	s1 =	simm.s32 @p0 $0x11  }
0x1a: {  	[tilespmem:s0], [sflag:$0x11] =	stream.linear.gather @p0 [hbm4b:s7+s0], $0x2600, $0x38;
	[tilespmem:$0xE000] =	vst v63  }
0x1b: {  	_ =	swait.ge @p0 [sflag:s1], $0x2600  }
0x1c: {  	[sflag:s1] =	ssyncset.done @p0 $0x0  }
0x1d: {  	s6 =	simm.s32 @p0 $0x2800;
	s8 =	rddreg [dreg:$0x6];
	[sflag:s1] =	ssyncadd.s32 @p0 $0xFFFFDA00  }
0x1e: {  	[tilespmem:s6], [sflag:$0x11] =	stream.linear.gather @p0 [hbm4b:s8+s0], $0x2600, $0x38;
	[tilespmem:$0xE000] =	vst v63  }
0x1f: {  	_ =	swait.ge @p0 [sflag:s1], $0x2600  }
0x20: {  	[sflag:s1] =	ssyncset.done @p0 $0x0  }
0x21: {  	s0 =	simm.s32 @!p0 $0x0;
	[sflag:s1] =	ssyncadd.s32 @p0 $0xFFFFDA00;
	s1 =	simm.s32 @!p0 $0x11  }
0x22: {  	[tilespmem:s0], [sflag:$0x11] =	stream.linear.gather @!p0 [hbm4b:s7+s0], $0x2800, $0x38;
	[tilespmem:$0xE000] =	vst v63  }
0x23: {  	_ =	swait.ge @!p0 [sflag:s1], $0x2800  }
0x24: {  	[sflag:s1] =	ssyncset.done @!p0 $0x0  }
0x25: {  	s6 =	simm.s32 @!p0 $0x2800;
	[sflag:s1] =	ssyncadd.s32 @!p0 $0xFFFFD800  }
0x26: {  	[tilespmem:s6], [sflag:$0x11] =	stream.linear.gather @!p0 [hbm4b:s8+s0], $0x2800, $0x38;
	[tilespmem:$0xE000] =	vst v63  }
0x27: {  	_ =	swait.ge @!p0 [sflag:s1], $0x2800  }
0x28: {  	[sflag:s1] =	ssyncset.done @!p0 $0x0  }
0x29: {  	s0 =	simm.s32 $0x40;
	[sflag:s1] =	ssyncadd.s32 @!p0 $0xFFFFD800;
	s1 =	simm.s32 $0x0  }
.LBB2_2:
0x2a: {  	p0 =	sne.s32 s0, $0x1FC0;
	[tilespmem:s1+$0x5000] =	vst v0;
	s1 =	smov.u32 s0;
	s0 =	sadd.s32 $0x40, s0  }
.Ltmp0:
0x2b: {  	(pc) =	sbr.rel @p0 .LBB2_2-.Ltmp0, $2  }
0x2c: {  	_ =	sdelay $0x2  }
0x2d: {  	s1 =	sshra.s32 s1, $0x2  }
0x2e: {  	[dreg:$0x4] =	wrdreg s4;
	[tilespmem:s1+$0x5000] =	vst v0;
	s28 =	simm.s32 $0x5000  }
0x2f: {  	[spmem:s11] =	stream.linear.scatter [tilespmem:s28], [sflag:$0x11], $0x800, $0x38;
	[tilespmem:$0xE000] =	vst v63  }
0x30: {  	_ =	swait.ge [sflag:s17], $0x800  }
0x31: {  	[sflag:s17] =	ssyncset.done $0x0  }
0x32: {  	s0 =	rddreg [dreg:$0x8];
	[sflag:s17] =	ssyncadd.s32 $0xFFFFF800  }
0x33: {  	[spmem:s0] =	stream.linear.scatter [tilespmem:s28], [sflag:$0x11], $0x800, $0x38;
	[tilespmem:$0xE000] =	vst v63  }
0x34: {  	_ =	swait.ge [sflag:s17], $0x800  }
0x35: {  	[sflag:s17] =	ssyncset.done $0x0  }
0x36: {  	s29 =	rddreg [dreg:$0x9];
	[sflag:s17] =	ssyncadd.s32 $0xFFFFF800  }
0x37: {  	[spmem:s29] =	stream.linear.scatter [tilespmem:s28], [sflag:$0x11], $0x800, $0x38;
	[tilespmem:$0xE000] =	vst v63  }
0x38: {  	_ =	swait.ge [sflag:s17], $0x800  }
0x39: {  	[sflag:s17] =	ssyncset.done $0x0  }
0x3a: {  	s4 =	rddreg [dreg:$0xa];
	[sflag:s17] =	ssyncadd.s32 $0xFFFFF800  }
0x3b: {  	[spmem:s4] =	stream.linear.scatter [tilespmem:s28], [sflag:$0x11], $0x800, $0x38;
	[tilespmem:$0xE000] =	vst v63  }
0x3c: {  	_ =	swait.ge [sflag:s17], $0x800  }
0x3d: {  	s7 =	stileid.u32;
	[sflag:s17] =	ssyncset.done $0x0  }
0x3e: {  	s0 =	sshll.u32 s7, $0x6;
	s6 =	rddreg [dreg:$0xb];
	[sflag:s17] =	ssyncadd.s32 $0xFFFFF800  }
0x3f: {  	[spmem:s6] =	stream.linear.scatter [tilespmem:s28], [sflag:$0x11], $0x800, $0x38;
	[tilespmem:$0xE000] =	vst v63  }
0x40: {  	s6 =	sor.u32 $0x1C11, s0  }
0x41: {  	_ =	swait.ge [sflag:s17], $0x800;
	[dreg:$0x10] =	wrdreg s6  }
0x42: {  	[sflag:s17] =	ssyncset.done $0x0;
	s8 =	rddreg [dreg:$0xc]  }
0x43: {  	s9 =	rddreg [dreg:$0xf];
	[sflag:s17] =	ssyncadd.s32 $0xFFFFF800  }
0x44: {  	[spmem:s9], [sflag:s6] =	dma.local [hbm:s8], $0x500  }
0x45: {  	_ =	swait.ge [sflag:s17], $0x500  }
0x46: {  	[sflag:s17] =	ssyncset.done $0x0  }
0x47: {  	[sflag:s17] =	ssyncadd.s32 $0xFFFFFB00  }
0x48: {  	s22 =	simm.s32 $0x0;
	s10 =	simm.s32 $0x80;
	[bflag:$0x0] =	sbarrier.arrive $0xFFFF  }
0x49: {  	[tilespmem:s28], [sflag:$0x1] =	stream.indirect.gather [spmem:s3], $0x10, s22, s10, $0xb8;
	[tilespmem:$0xE000] =	vst v63  }
0x4a: {  	s11 =	simm.s32 $0x5800  }
0x4b: {  	[tilespmem:s11], [sflag:$0x2] =	stream.indirect.gather [spmem:s3], $0x10, s10, s10, $0xb8;
	[tilespmem:$0xE000] =	vst v63  }
0x4c: {  	s12 =	simm.s32 $0x100;
	s13 =	simm.s32 $0x6000  }
0x4d: {  	[tilespmem:s13], [sflag:$0x3] =	stream.indirect.gather [spmem:s3], $0x10, s12, s10, $0xb8;
	[tilespmem:$0xE000] =	vst v63  }
0x4e: {  	s14 =	simm.s32 $0x180;
	s15 =	simm.s32 $0x6800  }
0x4f: {  	[tilespmem:s15], [sflag:$0x4] =	stream.indirect.gather [spmem:s3], $0x10, s14, s10, $0xb8;
	[tilespmem:$0xE000] =	vst v63  }
0x50: {  	s16 =	simm.s32 $0x200;
	s18 =	simm.s32 $0x7000  }
0x51: {  	[tilespmem:s18], [sflag:$0x5] =	stream.indirect.gather [spmem:s3], $0x10, s16, s10, $0xb8;
	[tilespmem:$0xE000] =	vst v63  }
0x52: {  	s19 =	simm.s32 $0x280;
	s20 =	simm.s32 $0x7800  }
0x53: {  	[tilespmem:s20], [sflag:$0x6] =	stream.indirect.gather [spmem:s3], $0x10, s19, s10, $0xb8;
	[tilespmem:$0xE000] =	vst v63  }
0x54: {  	s21 =	simm.s32 $0x300;
	s23 =	simm.s32 $0x8000;
	p2 =	sle.u32 s5, $0x0  }
0x55: {  	[tilespmem:s23], [sflag:$0x7] =	stream.indirect.gather [spmem:s3], $0x10, s21, s10, $0xb8;
	[tilespmem:$0xE000] =	vst v63  }
0x56: {  	s24 =	simm.s32 $0x380;
	s25 =	simm.s32 $0x8800;
	s0 =	simm.s32 @!p2 $0x1  }
0x57: {  	[tilespmem:s25], [sflag:$0x8] =	stream.indirect.gather [spmem:s3], $0x10, s24, s10, $0xb8;
	[tilespmem:$0xE000] =	vst v63  }
0x58: {  	p1 =	sle.u32 s5, $0x1;
	_ =	swait.ge @!p2 [sflag:s0], $0x800  }
0x59: {  	s1 =	simm.s32 @!p2 $0x2800;
	s7 =	simm.s32 @!p2 $0x80;
	[sflag:s0] =	ssyncset.done @!p2 $0x0  }
0x5a: {  	s6 =	simm.s32 @!p2 $0x5000;
	s9 =	simm.s32 @!p1 $0x2;
	[sflag:s0] =	ssyncadd.s32 @!p2 $0xFFFFF800  }
0x5b: {  	[spmem:s2] =	stream.indirect.scatter.add.f32 @!p2 [tilespmem:s6], [sflag:$0x9], $0x10, s1, s7, $0xb8;
	[tilespmem:$0xE000] =	vst v63  }
0x5c: {  	p0 =	sle.u32 s5, $0x2;
	_ =	swait.ge @!p1 [sflag:s9], $0x800  }
0x5d: {  	s0 =	simm.s32 @!p1 $0x2880;
	s1 =	simm.s32 @!p1 $0x5800;
	[sflag:s9] =	ssyncset.done @!p1 $0x0  }
0x5e: {  	s6 =	simm.s32 @!p0 $0x3;
	s7 =	simm.s32 @!p1 $0x80;
	[sflag:s9] =	ssyncadd.s32 @!p1 $0xFFFFF800  }
0x5f: {  	[spmem:s2] =	stream.indirect.scatter.add.f32 @!p1 [tilespmem:s1], [sflag:$0xA], $0x10, s0, s7, $0xb8;
	[tilespmem:$0xE000] =	vst v63  }
0x60: {  	_ =	swait.ge @!p0 [sflag:s6], $0x800  }
0x61: {  	p3 =	sle.u32 s5, $0x4;
	s0 =	simm.s32 @!p0 $0x80;
	[sflag:s6] =	ssyncset.done @!p0 $0x0  }
0x62: {  	s1 =	simm.s32 @!p0 $0x2900;
	s7 =	simm.s32 @!p0 $0x6000;
	[sflag:s6] =	ssyncadd.s32 @!p0 $0xFFFFF800  }
0x63: {  	[spmem:s2] =	stream.indirect.scatter.add.f32 @!p0 [tilespmem:s7], [sflag:$0xB], $0x10, s1, s0, $0xb8;
	[tilespmem:$0xE000] =	vst v63  }
0x64: {  	s0 =	simm.s32 @!p3 $0x0  }
0x65: {  	p5 =	sle.u32 s5, $0x3;
	s0 =	simm.s32 @p3 $0x1  }
0x66: {  	s9 =	simm.s32 @!p5 $0x4;
	[smem:$0x7F6] =	sst s0  }
0x67: {  	_ =	swait.ge @!p5 [sflag:s9], $0x800  }
0x68: {  	s6 =	simm.s32 @!p5 $0x80;
	s1 =	simm.s32 @!p5 $0x6800;
	[sflag:s9] =	ssyncset.done @!p5 $0x0  }
0x69: {  	s7 =	simm.s32 @!p3 $0x5;
	s0 =	simm.s32 @!p5 $0x2980;
	[sflag:s9] =	ssyncadd.s32 @!p5 $0xFFFFF800  }
0x6a: {  	[spmem:s2] =	stream.indirect.scatter.add.f32 @!p5 [tilespmem:s1], [sflag:$0xC], $0x10, s0, s6, $0xb8;
	[tilespmem:$0xE000] =	vst v63  }
0x6b: {  	_ =	swait.ge @!p3 [sflag:s7], $0x800  }
0x6c: {  	p4 =	sle.u32 s5, $0x5;
	s0 =	simm.s32 @!p3 $0x2A00;
	[sflag:s7] =	ssyncset.done @!p3 $0x0  }
0x6d: {  	s1 =	simm.s32 @!p3 $0x7000;
	s6 =	simm.s32 @!p3 $0x80;
	[sflag:s7] =	ssyncadd.s32 @!p3 $0xFFFFF800  }
0x6e: {  	[spmem:s2] =	stream.indirect.scatter.add.f32 @!p3 [tilespmem:s1], [sflag:$0xD], $0x10, s0, s6, $0xb8;
	[tilespmem:$0xE000] =	vst v63  }
0x6f: {  	s0 =	simm.s32 @!p4 $0x0  }
0x70: {  	s0 =	simm.s32 @p4 $0x1  }
0x71: {  	s9 =	simm.s32 @!p4 $0x6;
	[smem:$0x7F7] =	sst s0  }
0x72: {  	p3 =	por p4, p4;
	_ =	swait.ge @!p4 [sflag:s9], $0x800  }
0x73: {  	s1 =	simm.s32 @!p3 $0x7800;
	[sflag:s9] =	ssyncset.done @!p3 $0x0  }
0x74: {  	s6 =	simm.s32 @!p3 $0x80;
	s0 =	simm.s32 @!p3 $0x2A80;
	[sflag:s9] =	ssyncadd.s32 @!p3 $0xFFFFF800  }
0x75: {  	[spmem:s2] =	stream.indirect.scatter.add.f32 @!p3 [tilespmem:s1], [sflag:$0xE], $0x10, s0, s6, $0xb8;
	[tilespmem:$0xE000] =	vst v63  }
0x76: {  	p4 =	sle.u32 s5, $0x6;
	p3 =	sle.u32 s5, $0x7  }
0x77: {  	s7 =	simm.s32 @!p4 $0x8000;
	s0 =	simm.s32 @!p4 $0x7;
	p6 =	por p3, p3  }
0x78: {  	s9 =	simm.s32 @!p4 $0x80;
	_ =	swait.ge @!p4 [sflag:s0], $0x800;
	s1 =	simm.s32 @!p6 $0x0  }
0x79: {  	s6 =	simm.s32 @!p6 $0x8;
	[sflag:s0] =	ssyncset.done @!p4 $0x0;
	s1 =	simm.s32 @p6 $0x1  }
0x7a: {  	[sflag:s0] =	ssyncadd.s32 @!p4 $0xFFFFF800;
	[smem:$0x7FB] =	sst s1;
	s1 =	simm.s32 @!p4 $0x2B00  }
0x7b: {  	[spmem:s2] =	stream.indirect.scatter.add.f32 @!p4 [tilespmem:s7], [sflag:$0xF], $0x10, s1, s9, $0xb8;
	[tilespmem:$0xE000] =	vst v63  }
0x7c: {  	s0 =	simm.s32 @!p3 $0x80;
	_ =	swait.ge @!p6 [sflag:s6], $0x800  }
0x7d: {  	p3 =	sle.u32 @!p2 s5, $0x8;
	s1 =	simm.s32 @!p2 $0x9;
	[sflag:s6] =	ssyncset.done @!p6 $0x0  }
0x7e: {  	s7 =	simm.s32 @!p6 $0x2B80;
	s9 =	simm.s32 @!p6 $0x8800;
	[sflag:s6] =	ssyncadd.s32 @!p6 $0xFFFFF800  }
0x7f: {  	[spmem:s2] =	stream.indirect.scatter.add.f32 @!p6 [tilespmem:s9], [sflag:$0x10], $0x10, s7, s0, $0xb8;
	[tilespmem:$0xE000] =	vst v63  }
0x80: {  	p3 =	por p3, p2;
	_ =	swait.ge @!p2 [sflag:s1], $0x800  }
0x81: {  	s6 =	simm.s32 @!p3 $0x80;
	s0 =	simm.s32 @!p3 $0x5000;
	[sflag:s1] =	ssyncset.done @!p2 $0x0  }
0x82: {  	[sflag:s1] =	ssyncadd.s32 @!p2 $0xFFFFF800;
	s1 =	simm.s32 @!p3 $0x400;
	p2 =	sle.u32 @!p1 s5, $0x9  }
0x83: {  	[tilespmem:s0], [sflag:$0x1] =	stream.indirect.gather @!p3 [spmem:s3], $0x10, s1, s6, $0xb8;
	[tilespmem:$0xE000] =	vst v63  }
0x84: {  	s0 =	simm.s32 @!p1 $0xA;
	p2 =	por p2, p1  }
0x85: {  	_ =	swait.ge @!p1 [sflag:s0], $0x800;
	s1 =	simm.s32 @!p2 $0x5800;
	s6 =	simm.s32 @!p2 $0x480  }
0x86: {  	s7 =	simm.s32 @!p2 $0x80;
	[sflag:s0] =	ssyncset.done @!p1 $0x0;
	s26 =	sld [smem:$0x7F6]  }
0x87: {  	[sflag:s0] =	ssyncadd.s32 @!p1 $0xFFFFF800;
	s0 =	simm.s32 @!p0 $0xB;
	p1 =	sle.u32 @!p0 s5, $0xA  }
0x88: {  	[tilespmem:s1], [sflag:$0x2] =	stream.indirect.gather @!p2 [spmem:s3], $0x10, s6, s7, $0xb8;
	[tilespmem:$0xE000] =	vst v63  }
0x89: {  	s23 =	simm.s32 $0x8;
	p1 =	por p1, p0;
	_ =	swait.ge @!p0 [sflag:s0], $0x800  }
0x8a: {  	p2 =	seq.s32 s26, $0x1;
	s1 =	simm.s32 @!p1 $0x6000;
	s28 =	sld [smem:$0x7F7]  }
0x8b: {  	s6 =	simm.s32 @!p1 $0x80;
	[sflag:s0] =	ssyncset.done @!p0 $0x0;
	s29 =	sld [smem:$0x7FB]  }
0x8c: {  	[sflag:s0] =	ssyncadd.s32 @!p0 $0xFFFFF800;
	p0 =	sle.u32 @!p5 s5, $0xB;
	s0 =	simm.s32 @!p1 $0x500  }
0x8d: {  	[tilespmem:s1], [sflag:$0x3] =	stream.indirect.gather @!p1 [spmem:s3], $0x10, s0, s6, $0xb8;
	[tilespmem:$0xE000] =	vst v63  }
0x8e: {  	p6 =	por p0, p5;
	p0 =	sle.u32 @!p2 s5, $0xC;
	s0 =	simm.s32 @!p4 $0x0  }
0x8f: {  	p1 =	seq.s32 s28, $0x1;
	s1 =	simm.s32 @!p6 $0x580;
	p3 =	por p0, p2  }
0x90: {  	p0 =	sle.u32 @!p4 s5, $0xE;
	s0 =	simm.s32 @p4 $0x1;
	s7 =	simm.s32 @!p6 $0x80  }
0x91: {  	s9 =	simm.s32 @!p6 $0x6800;
	s31 =	simm.s32 @!p3 $0x600;
	[smem:$0x7F8] =	sst s0  }
0x92: {  	p0 =	por p0, p4;
	s10 =	simm.s32 @!p3 $0x80;
	s4 =	simm.s32 @!p3 $0x0  }
0x93: {  	s11 =	simm.s32 @!p3 $0x7000;
	s0 =	simm.s32 @!p0 $0x0;
	s30 =	simm.s32 @!p0 $0x700  }
0x94: {  	s4 =	simm.s32 @p3 $0x1;
	p3 =	seq.s32 s29, $0x1;
	s0 =	simm.s32 @p0 $0x1  }
0x95: {  	p0 =	sle.u32 @!p1 s5, $0xD;
	[smem:$0x7F9] =	sst s0;
	s0 =	simm.s32 @!p2 $0xD  }
0x96: {  	p2 =	por p6, p6;
	p6 =	por p0, p1;
	p0 =	sle.u32 @!p3 s5, $0xF  }
0x97: {  	s6 =	simm.s32 @!p5 $0xC;
	[smem:$0x7FA] =	sst s4;
	s4 =	simm.s32 @!p0 $0x0  }
0x98: {  	s24 =	simm.s32 $0x1000;
	_ =	swait.ge @!p5 [sflag:s6], $0x800;
	s4 =	simm.s32 @p0 $0x1  }
0x99: {  	p4 =	por p5, p5;
	s20 =	simm.s32 @!p3 $0x10;
	[smem:$0x7FC] =	sst s4  }
.LBB2_4:
0x9a: {  	[sflag:s6] =	ssyncset.done @!p4 $0x0;
	s16 =	sld [smem:$0x7F6]  }
0x9b: {  	[sflag:s6] =	ssyncadd.s32 @!p4 $0xFFFFF800  }
0x9c: {  	[tilespmem:s9], [sflag:$0x4] =	stream.indirect.gather @!p2 [spmem:s3], $0x10, s1, s7, $0xb8;
	[tilespmem:$0xE000] =	vst v63  }
0x9d: {  	s13 =	sadd.s32 $0x3, s23;
	p2 =	seq.s32 s16, $0x1  }
0x9e: {  	s25 =	smov.u32 s23;
	s4 =	sld [smem:$0x7F8];
	_ =	swait.ge @!p2 [sflag:s0], $0x800  }
0x9f: {  	s23 =	sadd.s32 $0x8, s23;
	s8 =	sadd.s32 $0x2, s25;
	s19 =	sld [smem:$0x7F9]  }
0xa0: {  	s12 =	sadd.s32 $0x6, s25;
	s26 =	sadd.s32 $0x7, s25;
	s7 =	simm.s32 @!p6 $0x7800  }
0xa1: {  	s9 =	sshra.s32 @!p6 s22, $0x2;
	p4 =	seq.s32 s4, $0x1;
	s16 =	sadd.s32 $0x4, s25  }
0xa2: {  	s18 =	simm.s32 @!p4 $0xF;
	s21 =	sld [smem:$0x7FC];
	p0 =	seq.s32 s19, $0x1  }
0xa3: {  	[sflag:s0] =	ssyncset.done @!p2 $0x0;
	s29 =	sld [smem:$0x7FA];
	s1 =	simm.s32 @!p0 $0x0  }
0xa4: {  	[sflag:s0] =	ssyncadd.s32 @!p2 $0xFFFFF800;
	p2 =	sge.u32 s26, s5;
	s1 =	simm.s32 @p0 $0x1  }
0xa5: {  	s28 =	simm.s32 @!p0 $0x80;
	[smem:$0x7F9] =	sst s1;
	s1 =	simm.s32 @!p3 $0x0  }
0xa6: {  	p0 =	por p3, p3;
	s1 =	simm.s32 @p3 $0x1;
	p3 =	sge.u32 s25, s5  }
0xa7: {  	p5 =	seq.s32 s21, $0x1;
	s21 =	simm.s32 @!p1 $0xE;
	s0 =	sshra.s32 @!p3 s24, $0x2  }
0xa8: {  	[smem:$0x7FB] =	sst s1;
	s1 =	sadd.s32 @!p3 $0x2800, s0;
	s0 =	simm.s32 @!p2 $0x0  }
0xa9: {  	p5 =	por p5, p0;
	p0 =	sge.u32 s13, s5;
	s0 =	simm.s32 @p2 $0x1  }
0xaa: {  	s19 =	simm.s32 @!p6 $0x80;
	[smem:$0x7EA] =	sst s0;
	s0 =	simm.s32 @!p0 $0x0  }
0xab: {  	s13 =	sadd.s32 $0x1, s25;
	s6 =	sshra.s32 @!p5 s22, $0x2;
	s0 =	simm.s32 @p0 $0x1  }
0xac: {  	s14 =	simm.s32 @!p5 $0x80;
	p0 =	seq.s32 s29, $0x1;
	[smem:$0x7F4] =	sst s0  }
0xad: {  	[tilespmem:s11], [sflag:$0x5] =	stream.indirect.gather @!p0 [spmem:s3], $0x10, s31, s10, $0xb8;
	[tilespmem:$0xE000] =	vst v63  }
0xae: {  	s15 =	simm.s32 @!p5 $0x8800;
	s22 =	sadd.s32 @!p6 $0x680, s9;
	_ =	swait.ge @!p1 [sflag:s21], $0x800  }
0xaf: {  	s26 =	simm.s32 @!p3 $0x9;
	s9 =	simm.s32 @!p3 $0x5000;
	[sflag:s21] =	ssyncset.done @!p1 $0x0  }
0xb0: {  	s4 =	sadd.s32 @!p5 $0x780, s6;
	s6 =	simm.s32 @!p3 $0x80;
	[sflag:s21] =	ssyncadd.s32 @!p1 $0xFFFFF800  }
0xb1: {  	[tilespmem:s7], [sflag:$0x6] =	stream.indirect.gather @!p6 [spmem:s3], $0x10, s22, s19, $0xb8;
	[tilespmem:$0xE000] =	vst v63  }
0xb2: {  	s29 =	simm.s32 @!p2 $0x80;
	p0 =	sge.u32 s8, s5;
	_ =	swait.ge @!p4 [sflag:s18], $0x800  }
0xb3: {  	s10 =	sshra.s32 @!p0 s24, $0x2;
	p6 =	sge.u32 s16, s5;
	s21 =	sld [smem:$0x7F9]  }
0xb4: {  	s31 =	simm.s32 @!p0 $0x80;
	s10 =	sadd.s32 @!p0 $0x2900, s10;
	s16 =	simm.s32 @!p6 $0x0  }
0xb5: {  	p1 =	por p0, p0;
	[sflag:s18] =	ssyncset.done @!p4 $0x0;
	s16 =	simm.s32 @p6 $0x1  }
0xb6: {  	s22 =	sld [smem:$0x7FB];
	[sflag:s18] =	ssyncadd.s32 @!p4 $0xFFFFF800;
	p0 =	seq.s32 s21, $0x1  }
0xb7: {  	[smem:$0x7F6] =	sst s16;
	s16 =	sadd.s32 @!p3 $0x8, s25;
	s18 =	simm.s32 @!p0 $0x8000  }
0xb8: {  	[tilespmem:s18], [sflag:$0x7] =	stream.indirect.gather @!p0 [spmem:s3], $0x10, s30, s28, $0xb8;
	[tilespmem:$0xE000] =	vst v63  }
0xb9: {  	s0 =	sshra.s32 @!p2 s24, $0x2;
	p4 =	seq.s32 s22, $0x1;
	p0 =	sge.u32 @!p3 s16, s5  }
0xba: {  	s18 =	sshra.s32 @!p6 s24, $0x2;
	_ =	swait.ge @!p4 [sflag:s20], $0x800;
	s16 =	simm.s32 @!p0 $0x0  }
0xbb: {  	s16 =	simm.s32 @p0 $0x1;
	[sflag:s20] =	ssyncset.done @!p4 $0x0;
	p0 =	por p4, p4  }
0xbc: {  	[smem:$0x7ED] =	sst s16;
	s16 =	sadd.s32 @!p1 $0xA, s25;
	[sflag:s20] =	ssyncadd.s32 @!p0 $0xFFFFF800  }
0xbd: {  	[tilespmem:s15], [sflag:$0x8] =	stream.indirect.gather @!p5 [spmem:s3], $0x10, s4, s14, $0xb8;
	[tilespmem:$0xE000] =	vst v63  }
0xbe: {  	s19 =	simm.s32 @!p3 $0x1;
	s30 =	sadd.s32 @!p6 $0x2A00, s18;
	p0 =	sge.u32 @!p1 s16, s5  }
0xbf: {  	p4 =	sge.u32 s12, s5;
	_ =	swait.ge @!p3 [sflag:s19], $0x800;
	s12 =	simm.s32 @!p0 $0x0  }
0xc0: {  	s18 =	sld [smem:$0x7F4];
	s12 =	simm.s32 @p0 $0x1;
	[sflag:s19] =	ssyncset.done @!p3 $0x0  }
0xc1: {  	[smem:$0x7EB] =	sst s12;
	[sflag:s19] =	ssyncadd.s32 @!p3 $0xFFFFF800;
	s12 =	simm.s32 @!p3 $0x0  }
0xc2: {  	s19 =	sld [smem:$0x7EA];
	s12 =	simm.s32 @p3 $0x1;
	p3 =	sne.s32 s23, $0x50  }
0xc3: {  	p2 =	sge.u32 s13, s5;
	[smem:$0x7EE] =	sst s12;
	s12 =	simm.s32 @!p3 $0x0  }
0xc4: {  	s8 =	sshra.s32 @!p2 s24, $0x2;
	p5 =	seq.s32 s18, $0x1;
	s12 =	simm.s32 @p3 $0x1  }
0xc5: {  	s14 =	sadd.s32 @!p5 $0xB, s25;
	p0 =	seq.s32 s19, $0x1;
	s21 =	sld [smem:$0x7EE]  }
0xc6: {  	[smem:$0x7F5] =	sst s12;
	s12 =	simm.s32 @!p1 $0x0;
	p3 =	por p0, p0  }
0xc7: {  	p0 =	sge.u32 @!p5 s14, s5;
	s12 =	simm.s32 @p1 $0x1;
	s15 =	simm.s32 @!p3 $0x0  }
0xc8: {  	s14 =	simm.s32 @!p0 $0x0;
	[smem:$0x7F3] =	sst s12;
	s15 =	simm.s32 @p3 $0x1  }
0xc9: {  	s13 =	sadd.s32 @!p2 $0x2880, s8;
	s14 =	simm.s32 @p0 $0x1;
	[smem:$0x7FB] =	sst s15  }
0xca: {  	s8 =	simm.s32 @!p2 $0x2;
	p0 =	seq.s32 s21, $0x1;
	[smem:$0x7EC] =	sst s14  }
0xcb: {  	[spmem:s2] =	stream.indirect.scatter.add.f32 @!p0 [tilespmem:s9], [sflag:$0x9], $0x10, s1, s6, $0xb8;
	[tilespmem:$0xE000] =	vst v63  }
0xcc: {  	_ =	swait.ge @!p2 [sflag:s8], $0x800  }
0xcd: {  	s7 =	simm.s32 @!p2 $0x5800;
	[sflag:s8] =	ssyncset.done @!p2 $0x0  }
0xce: {  	s12 =	simm.s32 @!p1 $0x3;
	s14 =	simm.s32 @!p2 $0x80;
	[sflag:s8] =	ssyncadd.s32 @!p2 $0xFFFFF800  }
0xcf: {  	[spmem:s2] =	stream.indirect.scatter.add.f32 @!p2 [tilespmem:s7], [sflag:$0xA], $0x10, s13, s14, $0xb8;
	[tilespmem:$0xE000] =	vst v63  }
0xd0: {  	_ =	swait.ge @!p1 [sflag:s12], $0x800  }
0xd1: {  	s13 =	sld [smem:$0x7EB];
	[sflag:s12] =	ssyncset.done @!p1 $0x0  }
0xd2: {  	s16 =	simm.s32 @!p1 $0x6000;
	[sflag:s12] =	ssyncadd.s32 @!p1 $0xFFFFF800  }
0xd3: {  	[spmem:s2] =	stream.indirect.scatter.add.f32 @!p1 [tilespmem:s16], [sflag:$0xB], $0x10, s10, s31, $0xb8;
	[tilespmem:$0xE000] =	vst v63  }
0xd4: {  	p0 =	seq.s32 s13, $0x1  }
0xd5: {  	s11 =	sadd.s32 $0x5, s25;
	p0 =	por p0, p1  }
0xd6: {  	p3 =	sge.u32 s11, s5;
	s6 =	simm.s32 @!p0 $0x0  }
0xd7: {  	s1 =	sshra.s32 @!p3 s24, $0x2;
	s6 =	simm.s32 @p0 $0x1  }
0xd8: {  	s21 =	sadd.s32 @!p3 $0x2A80, s1;
	s1 =	simm.s32 @!p5 $0x4;
	[smem:$0x7F1] =	sst s6  }
0xd9: {  	s28 =	simm.s32 @!p1 $0xB;
	s4 =	sshra.s32 @!p5 s24, $0x2;
	_ =	swait.ge @!p5 [sflag:s1], $0x800  }
0xda: {  	s18 =	simm.s32 @!p5 $0x6800;
	s15 =	sshra.s32 @!p4 s24, $0x2;
	s14 =	sld [smem:$0x7FB]  }
0xdb: {  	s11 =	sadd.s32 @!p4 $0x2B00, s15;
	s15 =	sld [smem:$0x7EC];
	[sflag:s1] =	ssyncset.done @!p5 $0x0  }
0xdc: {  	s19 =	simm.s32 @!p5 $0x80;
	s4 =	sadd.s32 @!p5 $0x2980, s4;
	[sflag:s1] =	ssyncadd.s32 @!p5 $0xFFFFF800  }
0xdd: {  	[spmem:s2] =	stream.indirect.scatter.add.f32 @!p5 [tilespmem:s18], [sflag:$0xC], $0x10, s4, s19, $0xb8;
	[tilespmem:$0xE000] =	vst v63  }
0xde: {  	s9 =	sshra.s32 @!p0 s24, $0x2;
	p0 =	seq.s32 s14, $0x1;
	p1 =	seq.s32 s15, $0x1  }
0xdf: {  	s6 =	simm.s32 @!p0 $0x8;
	p0 =	por p1, p5  }
0xe0: {  	s10 =	simm.s32 @!p0 $0x0  }
0xe1: {  	s10 =	simm.s32 @p0 $0x1  }
0xe2: {  	s12 =	simm.s32 @!p6 $0x5;
	[smem:$0x7F2] =	sst s10  }
0xe3: {  	s8 =	simm.s32 @!p6 $0x80;
	_ =	swait.ge @!p6 [sflag:s12], $0x800  }
0xe4: {  	s7 =	simm.s32 @!p6 $0x7000;
	s13 =	simm.s32 @!p3 $0x7800;
	s16 =	sld [smem:$0x7EE]  }
0xe5: {  	s15 =	simm.s32 @!p3 $0x6;
	s18 =	sld [smem:$0x7ED];
	[sflag:s12] =	ssyncset.done @!p6 $0x0  }
0xe6: {  	p1 =	por p3, p3;
	s14 =	sshra.s32 @!p0 s24, $0x2;
	[sflag:s12] =	ssyncadd.s32 @!p6 $0xFFFFF800  }
0xe7: {  	[spmem:s2] =	stream.indirect.scatter.add.f32 @!p6 [tilespmem:s7], [sflag:$0xD], $0x10, s30, s8, $0xb8;
	[tilespmem:$0xE000] =	vst v63  }
0xe8: {  	s1 =	sadd.s32 @!p0 $0x580, s14;
	p0 =	seq.s32 s16, $0x1;
	p3 =	seq.s32 s18, $0x1  }
0xe9: {  	p0 =	por p3, p0  }
0xea: {  	s4 =	simm.s32 @!p0 $0x0  }
0xeb: {  	s20 =	simm.s32 @!p4 $0x7;
	s10 =	simm.s32 @!p4 $0x8000;
	s4 =	simm.s32 @p0 $0x1  }
0xec: {  	s7 =	simm.s32 @!p1 $0x0;
	[smem:$0x7F0] =	sst s4;
	s4 =	sadd.s32 @!p6 $0xC, s25  }
0xed: {  	s7 =	simm.s32 @p1 $0x1;
	s14 =	sshra.s32 @!p0 s24, $0x2;
	p3 =	sge.u32 @!p6 s4, s5  }
0xee: {  	s4 =	simm.s32 @!p1 $0x80;
	_ =	swait.ge @!p1 [sflag:s15], $0x800;
	p3 =	por p3, p6  }
0xef: {  	[smem:$0x7F7] =	sst s7;
	[sflag:s15] =	ssyncset.done @!p1 $0x0;
	s7 =	simm.s32 @!p3 $0x0  }
0xf0: {  	s19 =	sld [smem:$0x7FB];
	[sflag:s15] =	ssyncadd.s32 @!p1 $0xFFFFF800;
	s7 =	simm.s32 @p3 $0x1  }
0xf1: {  	[spmem:s2] =	stream.indirect.scatter.add.f32 @!p1 [tilespmem:s13], [sflag:$0xE], $0x10, s21, s4, $0xb8;
	[tilespmem:$0xE000] =	vst v63  }
0xf2: {  	s12 =	simm.s32 @!p0 $0x5000;
	s8 =	sshra.s32 @!p3 s24, $0x2;
	[smem:$0x7FA] =	sst s7  }
0xf3: {  	s15 =	simm.s32 @!p4 $0x80;
	s31 =	sadd.s32 @!p3 $0x600, s8;
	_ =	swait.ge @!p4 [sflag:s20], $0x800  }
0xf4: {  	p0 =	seq.s32 s19, $0x1;
	[sflag:s20] =	ssyncset.done @!p4 $0x0;
	s21 =	sld [smem:$0x7F0]  }
0xf5: {  	s7 =	sadd.s32 @!p2 $0x9, s25;
	s0 =	sadd.s32 @!p0 $0x2B80, s0;
	[sflag:s20] =	ssyncadd.s32 @!p4 $0xFFFFF800  }
0xf6: {  	[spmem:s2] =	stream.indirect.scatter.add.f32 @!p4 [tilespmem:s10], [sflag:$0xF], $0x10, s11, s15, $0xb8;
	[tilespmem:$0xE000] =	vst v63  }
0xf7: {  	p3 =	sge.u32 @!p2 s7, s5;
	s7 =	simm.s32 @!p0 $0x8800;
	p1 =	seq.s32 s21, $0x1  }
0xf8: {  	s10 =	sadd.s32 @!p4 $0xE, s25;
	_ =	swait.ge @!p0 [sflag:s6], $0x800;
	s8 =	sadd.s32 @!p1 $0x400, s14  }
0xf9: {  	s13 =	simm.s32 @!p1 $0x80;
	[sflag:s6] =	ssyncset.done @!p0 $0x0;
	p1 =	sge.u32 @!p4 s10, s5  }
0xfa: {  	s11 =	sadd.s32 @!p0 $0xF, s25;
	s10 =	simm.s32 @!p1 $0x0;
	[sflag:s6] =	ssyncadd.s32 @!p0 $0xFFFFF800  }
0xfb: {  	s6 =	sld [smem:$0x7EE];
	s10 =	simm.s32 @p1 $0x1;
	p1 =	sge.u32 @!p0 s11, s5  }
0xfc: {  	[spmem:s2] =	stream.indirect.scatter.add.f32 @!p0 [tilespmem:s7], [sflag:$0x10], $0x10, s0, s29, $0xb8;
	[tilespmem:$0xE000] =	vst v63  }
0xfd: {  	[smem:$0x7EF] =	sst s10;
	s10 =	simm.s32 @!p1 $0x0  }
0xfe: {  	s10 =	simm.s32 @p1 $0x1  }
0xff: {  	p0 =	seq.s32 s6, $0x1;
	[smem:$0x7FC] =	sst s10  }
0x100: {  	s4 =	simm.s32 @!p2 $0xA;
	_ =	swait.ge @!p0 [sflag:s26], $0x800  }
0x101: {  	p3 =	por p3, p2;
	s0 =	simm.s32 @!p4 $0x0;
	s7 =	sld [smem:$0x7F1]  }
0x102: {  	s11 =	simm.s32 @!p3 $0x5800;
	s0 =	simm.s32 @p4 $0x1;
	s16 =	sld [smem:$0x7F0]  }
0x103: {  	s10 =	sshra.s32 @!p3 s24, $0x2;
	[smem:$0x7F8] =	sst s0;
	[sflag:s26] =	ssyncset.done @!p0 $0x0  }
0x104: {  	s15 =	sld [smem:$0x7FB];
	[sflag:s26] =	ssyncadd.s32 @!p0 $0xFFFFF800;
	p1 =	seq.s32 s7, $0x1  }
0x105: {  	p0 =	seq.s32 s16, $0x1;
	s14 =	sadd.s32 @!p1 $0x500, s9;
	s9 =	sld [smem:$0x7EF]  }
0x106: {  	[tilespmem:s12], [sflag:$0x1] =	stream.indirect.gather @!p0 [spmem:s3], $0x10, s8, s13, $0xb8;
	[tilespmem:$0xE000] =	vst v63  }
0x107: {  	s6 =	simm.s32 @!p5 $0xC;
	s10 =	sadd.s32 @!p3 $0x480, s10;
	_ =	swait.ge @!p2 [sflag:s4], $0x800  }
0x108: {  	p5 =	seq.s32 s15, $0x1;
	s15 =	simm.s32 @!p3 $0x80;
	s18 =	sld [smem:$0x7F1]  }
0x109: {  	[sflag:s4] =	ssyncset.done @!p2 $0x0;
	s19 =	sld [smem:$0x7F2];
	p1 =	seq.s32 s9, $0x1  }
0x10a: {  	s20 =	sld [smem:$0x7F3];
	[sflag:s4] =	ssyncadd.s32 @!p2 $0xFFFFF800;
	p4 =	por p1, p4  }
0x10b: {  	[tilespmem:s11], [sflag:$0x2] =	stream.indirect.gather @!p3 [spmem:s3], $0x10, s10, s15, $0xb8;
	[tilespmem:$0xE000] =	vst v63  }
0x10c: {  	s0 =	sshra.s32 @!p4 s24, $0x2;
	p0 =	seq.s32 s18, $0x1;
	s7 =	simm.s32 @!p4 $0x0  }
0x10d: {  	s8 =	simm.s32 @!p0 $0x6000;
	s7 =	simm.s32 @p4 $0x1;
	s30 =	sadd.s32 @!p4 $0x700, s0  }
0x10e: {  	s12 =	simm.s32 @!p0 $0x80;
	p4 =	por p0, p0;
	p0 =	seq.s32 s19, $0x1  }
0x10f: {  	[smem:$0x7F9] =	sst s7;
	s7 =	simm.s32 @!p0 $0x80  }
0x110: {  	p2 =	por p0, p0;
	s9 =	simm.s32 @!p0 $0x6800;
	p0 =	seq.s32 s20, $0x1  }
0x111: {  	_ =	swait.ge @!p0 [sflag:s28], $0x800  }
0x112: {  	s21 =	sld [smem:$0x7F7];
	[sflag:s28] =	ssyncset.done @!p0 $0x0  }
0x113: {  	s26 =	sld [smem:$0x7FA];
	[sflag:s28] =	ssyncadd.s32 @!p0 $0xFFFFF800  }
0x114: {  	[tilespmem:s8], [sflag:$0x3] =	stream.indirect.gather @!p4 [spmem:s3], $0x10, s14, s12, $0xb8;
	[tilespmem:$0xE000] =	vst v63  }
0x115: {  	s28 =	sld [smem:$0x7F4];
	p3 =	seq.s32 s21, $0x1  }
0x116: {  	s20 =	simm.s32 @!p5 $0x10;
	p1 =	seq.s32 s26, $0x1;
	s4 =	sadd.s32 @!p3 $0xD, s25  }
0x117: {  	s10 =	simm.s32 @!p1 $0x80;
	s11 =	simm.s32 @!p1 $0x7000;
	p1 =	por p3, p3  }
0x118: {  	p0 =	sge.u32 @!p3 s4, s5;
	p3 =	por p5, p5;
	p5 =	seq.s32 s28, $0x1  }
0x119: {  	_ =	swait.ge @!p5 [sflag:s6], $0x800  }
0x11a: {  	s29 =	sld [smem:$0x7F5];
	_ =	sdelay $0x2  }
0x11b: {  	s0 =	simm.s32 @!p6 $0xD;
	p6 =	por p0, p1;
	p0 =	seq.s32 s29, $0x1  }
.Ltmp1:
0x11c: {  	_ = 	snop;
	(pc) =	sbr.rel @p0 .LBB2_4-.Ltmp1, $2  }
0x11d: {  	_ =	sdelay $0x2  }
0x11e: {  	s22 =	smov.u32 s24;
	s24 =	sadd.s32 $0x1000, s24;
	p4 =	por p5, p5  }
0x11f: {  	[sflag:s6] =	ssyncset.done @!p4 $0x0;
	s19 =	sld [smem:$0x7F6]  }
0x120: {  	[sflag:s6] =	ssyncadd.s32 @!p4 $0xFFFFF800  }
0x121: {  	[tilespmem:s9], [sflag:$0x4] =	stream.indirect.gather @!p2 [spmem:s3], $0x10, s1, s7, $0xb8;
	[tilespmem:$0xE000] =	vst v63  }
0x122: {  	p5 =	seq.s32 s19, $0x1  }
0x123: {  	_ =	swait.ge @!p5 [sflag:s0], $0x800  }
0x124: {  	s21 =	sld [smem:$0x7FA];
	_ =	sdelay $0x1  }
0x125: {  	[sflag:s0] =	ssyncset.done @!p5 $0x0  }
0x126: {  	[sflag:s0] =	ssyncadd.s32 @!p5 $0xFFFFF800;
	s0 =	simm.s32 @!p1 $0xE;
	p0 =	seq.s32 s21, $0x1  }
0x127: {  	[tilespmem:s11], [sflag:$0x5] =	stream.indirect.gather @!p0 [spmem:s3], $0x10, s31, s10, $0xb8;
	[tilespmem:$0xE000] =	vst v63  }
0x128: {  	_ =	swait.ge @!p1 [sflag:s0], $0x800  }
0x129: {  	[sflag:s0] =	ssyncset.done @!p1 $0x0  }
0x12a: {  	s23 =	sld [smem:$0x7F8];
	[sflag:s0] =	ssyncadd.s32 @!p1 $0xFFFFF800;
	s0 =	sshra.s32 @!p6 s22, $0x2  }
0x12b: {  	s4 =	simm.s32 @!p6 $0x80;
	s1 =	simm.s32 @!p6 $0x7800;
	s0 =	sadd.s32 @!p6 $0x680, s0  }
0x12c: {  	[tilespmem:s1], [sflag:$0x6] =	stream.indirect.gather @!p6 [spmem:s3], $0x10, s0, s4, $0xb8;
	[tilespmem:$0xE000] =	vst v63  }
0x12d: {  	p0 =	seq.s32 s23, $0x1  }
0x12e: {  	s0 =	simm.s32 @!p0 $0xF  }
0x12f: {  	_ =	swait.ge @!p0 [sflag:s0], $0x800  }
0x130: {  	s24 =	sld [smem:$0x7F9];
	_ =	sdelay $0x1  }
0x131: {  	[sflag:s0] =	ssyncset.done @!p0 $0x0  }
0x132: {  	[sflag:s0] =	ssyncadd.s32 @!p0 $0xFFFFF800;
	p0 =	seq.s32 s24, $0x1  }
0x133: {  	s0 =	simm.s32 @!p0 $0x80;
	s1 =	simm.s32 @!p0 $0x8000  }
0x134: {  	[tilespmem:s1], [sflag:$0x7] =	stream.indirect.gather @!p0 [spmem:s3], $0x10, s30, s0, $0xb8;
	[tilespmem:$0xE000] =	vst v63  }
0x135: {  	_ =	swait.ge @!p3 [sflag:s20], $0x800  }
0x136: {  	s25 =	sld [smem:$0x7FC];
	_ =	sdelay $0x2  }
0x137: {  	p6 =	seq.s32 s25, $0x1  }
0x138: {  	[sflag:s20] =	ssyncset.done @!p3 $0x0;
	p0 =	por p6, p3  }
0x139: {  	[sflag:s20] =	ssyncadd.s32 @!p3 $0xFFFFF800;
	s0 =	sshra.s32 @!p0 s22, $0x2  }
0x13a: {  	s1 =	simm.s32 @!p0 $0x80;
	s4 =	simm.s32 @!p0 $0x8800;
	s0 =	sadd.s32 @!p0 $0x780, s0  }
0x13b: {  	[tilespmem:s4], [sflag:$0x8] =	stream.indirect.gather @!p0 [spmem:s3], $0x10, s0, s1, $0xb8;
	[tilespmem:$0xE000] =	vst v63  }
0x13c: {  	[bflag:$0x0] =	sbarrier.arrive $0xFFFF  }
0x13d: {  	s11 =	rddreg [dreg:$0x7]  }
0x13e: {  	s28 =	rddreg [dreg:$0xd]  }
0x13f: {  	s29 =	rddreg [dreg:$0x10];
	s26 =	sshrl.u32 s11, $0x3  }
0x140: {  	[hbm:s28], [sflag:s29] =	dma.local [spmem:s26], $0x500  }
0x141: {  	_ =	swait.ge [sflag:s17], $0x500  }
0x142: {  	s30 =	rddreg [dreg:$0x4]  }
0x143: {  	s31 =	rddreg [dreg:$0xe];
	s4 =	sadd.s32 $0x1, s30  }
0x144: {  	p0 =	sne.s32 s4, s31  }
.Ltmp2:
0x145: {  	_ = 	snop;
	(pc) =	sbr.rel @p0 .LBB2_1-.Ltmp2, $3  }
0x146: {  	_ =	sdelay $0x1  }
0x147: {  	[sflag:s17] =	ssyncset.done $0x0  }
0x148: {  	[sflag:s17] =	ssyncadd.s32 $0xFFFFFB00  }
0x149: {  	_ =	sfence.sel $0x180000  }
0x14a: {  	[bflag:$0x0] =	sbarrier.arrive $0xFFFF  }
0x14b: {  	_ =	strace $0x9000004A  }
0x14c: {  	s0 =	stileid.u32;
	[bflag:$0x2] =	sbarrier.arrive $0xFFFF  }
0x14d: {  	p0 =	sne.s32 s0, $0x0;
	s0 =	rddreg [dreg:$0x3]  }
0x14e: {  	s0 =	sadd.s32 @!p0 $0x100000, s0  }
0x14f: {  	[sflag:s0] =	ssyncadd.tile.s32 @!p0 $0x1;
	_ =	shalt  }
.Lfunc_end2:
_tile_overlayer_lowered:
.L_overlay_start_2:
0x150: {  	(tag) =	ssettag $0x2  }
0x151: {  	s0 =	rddreg [dreg:$0x0];
	s2 =	stileid.u32  }
0x152: {  	s1 =	rddreg [dreg:$0x1];
	p0 =	sne.s32 s2, $0x0  }
0x153: {  	s3 =	rddreg [dreg:$0x2];
	[bflag:$0x3] =	sbarrier.arrive $0xFFFF;
	s2 =	simm.s32 @!p0 $0x1C11  }
0x154: {  	[timem:s3], [sflag:s2] =	dma.local @!p0 [hbm:s0], s1  }
0x155: {  	s0 =	simm.s32 @!p0 $0x11  }
0x156: {  	_ =	swait.ge @!p0 [sflag:s0], s1  }
0x157: {  	s1 =	ssub.s32 @!p0 $0x0, s1;
	[sflag:s0] =	ssyncset.done @!p0 $0x0  }
0x158: {  	[sflag:s0] =	ssyncadd.s32 @!p0 s1  }
0x159: {  	[bflag:$0x3] =	sbarrier.arrive $0xFFFF  }
0x15a: {  	_ =	shalt  }

// kernel: gcn_row_agg.7.cloned.1.call-start
scs
__scs_entry_jumppad:
0x0: {  	(pc) =	sbr.rel $0x88, $3  }
0x1: {  	(tag) =	ssettag $0x0;
	lr =	simm.s32 $0x1  }
0x2: {  	[smem:$0x3F9B] =	sst lr;
	_ =	strace $0xD0000000  }
0x3: {  	_ = 	snop  }
0x4: {  	_ = 	snop  }
0x5: {  	_ = 	snop  }
0x6: {  	_ = 	snop  }
0x7: {  	_ = 	snop  }
__scs_overlays_trampoline_lowered:
0x8: {  	[smem:$0x3FAA] =	sst s0  }
0x9: {  	[smem:$0x3FAB] =	sst s1  }
0xa: {  	[smem:$0x3FAC] =	sst s2  }
0xb: {  	[smem:$0x3FAD] =	sst s3  }
0xc: {  	[smem:$0x3FAE] =	sst s4  }
0xd: {  	[smem:$0x3FAF] =	sst s5  }
0xe: {  	[smem:$0x3FB0] =	sst s6  }
0xf: {  	[smem:$0x3FB1] =	sst s7  }
0x10: {  	[smem:$0x3FB2] =	sst s8  }
0x11: {  	[smem:$0x3FB3] =	sst s9;
	s0 =	simm.s32 @!p0 $0x0  }
0x12: {  	s1 =	sld [smem:$0x3F99];
	s0 =	simm.s32 @p0 $0x1  }
0x13: {  	[smem:$0x3FB4] =	sst s0;
	s0 =	simm.s32 @!p1 $0x0  }
0x14: {  	s2 =	sld [smem:$0x3F98];
	s0 =	simm.s32 @p1 $0x1  }
0x15: {  	[smem:$0x3FB5] =	sst s0;
	s0 =	simm.s32 @!p2 $0x0  }
0x16: {  	s3 =	sld [smem:$0x3FDB];
	s0 =	simm.s32 @p2 $0x1  }
0x17: {  	s4 =	simm.s32 $0x1BF5;
	[smem:$0x3FB7] =	sst s0  }
0x18: {  	s0 =	sld [smem:$0x3F9A];
	_ =	swait.ge [sflag:s4], $0x0  }
0x19: {  	s7 =	sld [smem:$0x3F9B]  }
0x1a: {  	s8 =	sadd.s32 $0xFFFFE003, lr  }
0x1b: {  	s9 =	sadd.s32 $0xFFFFFEF7, lr;
	s5 =	simm.s32 $0xFFFFFFFF;
	p2 =	slt.u32 s8, $0xFFFFF086  }
0x1c: {  	p1 =	slt.u32 s9, $0xF7A;
	s5 =	simm.s32 @!p2 $0x0  }
0x1d: {  	s5 =	simm.s32 @p1 $0x1;
	p0 =	seq.s32 s7, s2  }
0x1e: {  	s7 =	smul.u32 @!p0 $0xF7A, s2;
	p2 =	seq.s32 @!p0 s5, $0x0  }
0x1f: {  	s9 =	smul.u32 $0xF7A, s1;
	s8 =	simm.s32 @!p0 $0x1BF5;
	p2 =	por !p2, p0  }
0x20: {  	[sflag:s8] =	ssyncset.s32 @!p0 $0xFFFFF086;
	s6 =	sadd.s32 @!p0 s3, s7;
	s7 =	simm.s32 @!p0 $0x108  }
0x21: {  	s3 =	sadd.s32 s3, s9;
	s6 =	sadd.s32 @!p0 $0x88, s6;
	s7 =	simm.s32 @p2 $0x1082  }
0x22: {  	[simem:s7], [sflag:s8] =	dma.local @!p0 [hbm:s6], $0xF7A  }
0x23: {  	s9 =	sor.u32 $0xD0000000, s2;
	s6 =	simm.s32 $0x108;
	_ =	swait.ge @!p0 [sflag:s8], $0x0  }
0x24: {  	s3 =	sadd.s32 $0x88, s3;
	s6 =	simm.s32 @!p1 $0x1082;
	[sflag:s4] =	ssyncset.s32 $0xFFFFF086  }
0x25: {  	[simem:s6], [sflag:s4] =	dma.local [hbm:s3], $0xF7A  }
0x26: {  	[smem:$0x3F9B] =	sst s1;
	(tag) =	ssettag s2;
	_ =	strace s9  }
0x27: {  	s1 =	sld [smem:$0x3FAB]  }
0x28: {  	s2 =	sld [smem:$0x3FAC]  }
0x29: {  	s4 =	sld [smem:$0x3FAE]  }
0x2a: {  	p0 =	seq.s32 s5, $0x0;
	s5 =	sld [smem:$0x3FAF]  }
0x2b: {  	s6 =	sld [smem:$0x3FB0]  }
0x2c: {  	s7 =	sld [smem:$0x3FB1]  }
0x2d: {  	s3 =	simm.s32 $0x108;
	s8 =	sld [smem:$0x3FB2]  }
0x2e: {  	s3 =	simm.s32 @!p0 $0x1082;
	s9 =	sld [smem:$0x3FB3]  }
0x2f: {  	lr =	sadd.s32 s0, s3;
	s0 =	sld [smem:$0x3FAA]  }
0x30: {  	s3 =	sld [smem:$0x3FAD]  }
0x31: {  	[smem:$0x3FB6] =	sst s10  }
0x32: {  	s10 =	sld [smem:$0x3FB4];
	_ =	sdelay $0x3  }
0x33: {  	p0 =	seq.s32 s10, $0x1;
	s10 =	sld [smem:$0x3FB6];
	_ =	sdelay $0x3  }
0x34: {  	[smem:$0x3FB6] =	sst s10  }
0x35: {  	s10 =	sld [smem:$0x3FB5];
	_ =	sdelay $0x3  }
0x36: {  	p1 =	seq.s32 s10, $0x1;
	s10 =	sld [smem:$0x3FB6];
	_ =	sdelay $0x3  }
0x37: {  	[smem:$0x3FB6] =	sst s10  }
0x38: {  	s10 =	sld [smem:$0x3FB7]  }
0x39: {  	_ = 	snop;
	(pc) =	sbr.ind lr, $3  }
0x3a: {  	_ = 	snop  }
0x3b: {  	_ = 	snop  }
0x3c: {  	p2 =	seq.s32 s10, $0x1;
	s10 =	sld [smem:$0x3FB6]  }
0x3d: {  	_ =	shalt  }
0x3e: {  	_ =	shalt  }
0x3f: {  	_ =	shalt  }
0x40: {  	_ =	shalt  }
0x41: {  	_ =	shalt  }
0x42: {  	_ =	shalt  }
0x43: {  	_ =	shalt  }
0x44: {  	_ =	shalt  }
0x45: {  	_ =	shalt  }
0x46: {  	_ =	shalt  }
0x47: {  	_ =	shalt  }
0x48: {  	_ =	shalt  }
0x49: {  	_ =	shalt  }
0x4a: {  	_ =	shalt  }
0x4b: {  	_ =	shalt  }
0x4c: {  	_ =	shalt  }
0x4d: {  	_ =	shalt  }
0x4e: {  	_ =	shalt  }
0x4f: {  	_ =	shalt  }
0x50: {  	_ =	shalt  }
0x51: {  	_ =	shalt  }
0x52: {  	_ =	shalt  }
0x53: {  	_ =	shalt  }
0x54: {  	_ =	shalt  }
0x55: {  	_ =	shalt  }
0x56: {  	_ =	shalt  }
0x57: {  	_ =	shalt  }
0x58: {  	_ =	shalt  }
0x59: {  	_ =	shalt  }
0x5a: {  	_ =	shalt  }
0x5b: {  	_ =	shalt  }
0x5c: {  	_ =	shalt  }
0x5d: {  	_ =	shalt  }
0x5e: {  	_ =	shalt  }
0x5f: {  	_ =	shalt  }
0x60: {  	_ =	shalt  }
0x61: {  	_ =	shalt  }
0x62: {  	_ =	shalt  }
0x63: {  	_ =	shalt  }
0x64: {  	_ =	shalt  }
0x65: {  	_ =	shalt  }
0x66: {  	_ =	shalt  }
0x67: {  	_ =	shalt  }
0x68: {  	_ =	shalt  }
0x69: {  	_ =	shalt  }
0x6a: {  	_ =	shalt  }
0x6b: {  	_ =	shalt  }
0x6c: {  	_ =	shalt  }
0x6d: {  	_ =	shalt  }
0x6e: {  	_ =	shalt  }
0x6f: {  	_ =	shalt  }
0x70: {  	_ =	shalt  }
0x71: {  	_ =	shalt  }
0x72: {  	_ =	shalt  }
0x73: {  	_ =	shalt  }
0x74: {  	_ =	shalt  }
0x75: {  	_ =	shalt  }
0x76: {  	_ =	shalt  }
0x77: {  	_ =	shalt  }
0x78: {  	_ =	shalt  }
0x79: {  	_ =	shalt  }
0x7a: {  	_ =	shalt  }
0x7b: {  	_ =	shalt  }
0x7c: {  	_ =	shalt  }
0x7d: {  	_ =	shalt  }
0x7e: {  	_ =	shalt  }
0x7f: {  	_ =	shalt  }
0x80: {  	_ =	shalt  }
0x81: {  	_ =	shalt  }
0x82: {  	_ =	shalt  }
0x83: {  	_ =	shalt  }
0x84: {  	_ =	shalt  }
0x85: {  	_ =	shalt  }
0x86: {  	_ =	shalt  }
0x87: {  	_ =	shalt  }
.Lfunc_end0:
.L_simem_size_0:
called_computation.2_lowered:
.L_overlay_start_0:
0x88: {  	s2 =	sld [smem:$0x3FD9]  }
0x89: {  	s3 =	sld [smem:$0x3FFE];
	_ =	sdelay $0x1  }
0x8a: {  	s1 =	srdreg.scid  }
0x8b: {  	s0 =	sand.u32 $0x1, s1  }
0x8c: {  	s16 =	sshll.u32 s0, $0xA;
	s2 =	sadd.s32 s3, s2  }
0x8d: {  	s2 =	sadd.s32 s2, s16  }
0x8e: {  	[smem:$0x3FC2] =	sst s2  }
0x8f: {  	_ = 	snop  }
0x90: {  	(tm) =	ssettm $0x1  }
0x91: {  	s17 =	sld [smem:$0x3FFB];
	_ =	sdelay $0x3  }
0x92: {  	_ =	strace s17  }
0x93: {  	s2 =	sld [smem:$0x3FFC];
	_ =	sdelay $0x3  }
0x94: {  	_ =	strace s2  }
0x95: {  	s2 =	sld [smem:$0x3FFD];
	_ =	sdelay $0x3  }
0x96: {  	_ =	strace s2  }
0x97: {  	_ =	strace $0x8FFFFFFF  }
0x98: {  	s18 =	sld [smem:$0x3FDB];
	_ =	sdelay $0x1  }
0x99: {  	s19 =	simm.s32 $_scs_section_size  }
0x9a: {  	s4 =	simm.s32 $_size__tile_overlayer_lowered;
	s5 =	simm.s32 $_tile_overlayer_lowered  }
0x9b: {  	s22 =	simm.s32 $0x1BFF;
	s21 =	sshll.u32 s5, $0x1;
	s2 =	sadd.s32 s19, s18  }
0x9c: {  	s6 =	simm.s32 $0x0;
	s20 =	sshll.u32 s4, $0x1;
	s4 =	sadd.s32 s21, s2  }
0x9d: {  	[timem:s6], [sflag:s22] =	dma.local [hbm:s4], s20  }
0x9e: {  	_ =	swait.ge [sflag:s22], s20  }
0x9f: {  	s3 =	ssub.s32 $0x0, s20;
	[sflag:s22] =	ssyncset.done $0x0  }
0xa0: {  	[sflag:s22] =	ssyncadd.s32 s3;
	_ =	sdelay $0x1  }
0xa1: {  	s23 =	simm.s32 $0x1B8B  }
0xa2: {  	_ =	swait.ge [sflag:s23], $0x1  }
0xa3: {  	[sflag:s23] =	ssyncset.done $0x0  }
0xa4: {  	s25 =	simm.s32 $0x1B8E;
	s24 =	sld [smem:$0x3FFE];
	[sflag:s23] =	ssyncadd.s32 $0xFFFFFFFF  }
0xa5: {  	s26 =	simm.s32 $execute0_lowered;
	[smem:$0x3FD2] =	sst s25  }
0xa6: {  	s4 =	sshll.u32 s26, $0x1;
	_ =	strace $0x8000004C;
	[dreg:$0x1] =	wrdreg $0xFFFFFFFF  }
0xa7: {  	s28 =	simm.s32 $_size_execute0_lowered;
	s2 =	sadd.s32 s2, s4;
	[dreg:$0x0] =	wrdreg $0x0  }
0xa8: {  	s4 =	sshll.u32 s28, $0x1;
	[dreg:$0x2] =	wrdreg s2  }
0xa9: {  	[dreg:$0x3] =	wrdreg s4  }
0xaa: {  	[dreg:$0x4] =	wrdreg $0xC0  }
0xab: {  	_ =	task [dreg:s6], $0x5FFFF  }
0xac: {  	[dreg:$0x1] =	wrdreg $0xFFFFFFFF  }
0xad: {  	[dreg:$0x0] =	wrdreg $0x60  }
0xae: {  	[dreg:$0x2] =	wrdreg s24  }
0xaf: {  	[dreg:$0x3] =	wrdreg $0x90000  }
0xb0: {  	[dreg:$0x4] =	wrdreg $0xB8000  }
0xb1: {  	[dreg:$0x5] =	wrdreg $0x9  }
0xb2: {  	_ =	task.clear_ibuf [dreg:s6], $0x6FFFF;
	_ =	strace $0x9000004C  }
0xb3: {  	s29 =	simm.s32 $0x9;
	_ =	strace $0x8000004E  }
0xb4: {  	_ =	swait.ge [sflag:s29], $0x1  }
0xb5: {  	[sflag:s29] =	ssyncadd.s32 $0xFFFFFFFF  }
0xb6: {  	_ =	strace $0x9000004E  }
0xb7: {  	_ =	sfence  }
0xb8: {  	s30 =	sld [smem:$0x0];
	_ =	sdelay $0x2  }
0xb9: {  	s31 =	sshll.u32 s1, $0xD;
	s1 =	sshrl.u32 s1, $0x2  }
0xba: {  	s3 =	sand.u32 $0x4000, s31;
	s1 =	sadd.s32 s1, s30  }
0xbb: {  	s0 =	sor.u32 s3, s0;
	s1 =	sshll.u32 s1, $0x11  }
0xbc: {  	s0 =	sor.u32 s1, s0  }
0xbd: {  	s0 =	sadd.s32 $0x8F2B, s0  }
0xbe: {  	[sflag:s0] =	ssyncadd.remote.s32 $0x1  }
0xbf: {  	_ =	sfence.sel $0xFFFF  }
0xc0: {  	[dreg:$0x0] =	wrdreg $0xFFFFFFFF;
	(pc) =	sbr.abs _section_cstart, $3  }
0xc1: {  	[dreg:$0x1] =	wrdreg $0xFFFFFFFF  }
0xc2: {  	_ =	task.clear_ibuf [dreg:s6], $0x2FFFF;
	_ =	strace $0x9FFFFFFF  }
0xc3: {  	(tm) =	ssettm $0x7FFFFFFF  }
tec
execute0_lowered:
.L_overlay_start_1:
0x0: {  	(tag) =	ssettag $0x1  }
0x1: {  	s0 =	rddreg [dreg:$0x0]  }
0x2: {  	s11 =	stileid.u32;
	s1 =	srdreg.scid  }
0x3: {  	s2 =	rddreg [dreg:$0x1];
	s6 =	smul.u32 $0x2800, s11  }
0x4: {  	s1 =	sand.u32 $0x1, s1;
	s4 =	sshll.u32 s11, $0x1;
	s21 =	smul.u32 $0xA000, s11  }
0x5: {  	s3 =	rddreg [dreg:$0x2];
	s7 =	sor.u32 s1, s4;
	s9 =	smul.u32 $0x28000, s1  }
0x6: {  	s4 =	simm.s32 $0x0;
	s1 =	ssub.s32 $0x2, s1;
	s5 =	smul.u32 $0x13, s7  }
0x7: {  	[smem:$0x7FF] =	sst s4;
	s8 =	smin.u32 s7, $0x11;
	s18 =	sshrl.u32 s6, $0x3  }
0x8: {  	s22 =	sshrl.u32 s1, $0x1;
	p0 =	slt.u32 s7, $0x11;
	s11 =	sadd.s32 s6, s2  }
0x9: {  	_ =	strace $0x8000004D;
	s9 =	sadd.s32 s6, s9;
	s10 =	sadd.s32 s18, s0  }
0xa: {  	s1 =	ssub.s32 s1, s22;
	s6 =	sadd.s32 s6, s3;
	[dreg:$0x7] =	wrdreg s11  }
0xb: {  	s5 =	sadd.s32 s8, s5;
	s20 =	sshrl.u32 s9, $0x3;
	s29 =	sadd.s32 $0x16400, s10  }
0xc: {  	s9 =	sshrl.u32 s21, $0x2;
	s30 =	smax.u32 s1, $0x1;
	[dreg:$0xc] =	wrdreg s29  }
0xd: {  	s31 =	sshrl.u32 s6, $0x3;
	s9 =	sadd.s32 s9, s2;
	[dreg:$0xe] =	wrdreg s30  }
0xe: {  	s5 =	sshll.u32 s5, $0x6;
	[dreg:$0xf] =	wrdreg s31;
	s24 =	sadd.s32 $0x800, s9  }
0xf: {  	s19 =	sadd.s32 s5, s0;
	s25 =	sadd.s32 $0x1000, s9;
	[dreg:$0x8] =	wrdreg s24  }
0x10: {  	s0 =	sadd.s32 s20, s0;
	s26 =	sadd.s32 $0x1800, s9;
	[dreg:$0x9] =	wrdreg s25  }
0x11: {  	s5 =	simm.s32 $0x50;
	s28 =	sadd.s32 $0x2000, s9;
	[dreg:$0xa] =	wrdreg s26  }
0x12: {  	s5 =	simm.s32 @!p0 $0x4C;
	s23 =	sadd.s32 $0x2A00, s19;
	[dreg:$0xb] =	wrdreg s28  }
0x13: {  	s0 =	sadd.s32 $0x1B400, s0;
	p0 =	sgt.u32 s7, $0x10;
	[dreg:$0x5] =	wrdreg s23  }
0x14: {  	s8 =	sadd.s32 $0xC640, s19;
	[dreg:$0xd] =	wrdreg s0;
	s0 =	simm.s32 @!p0 $0x0  }
0x15: {  	[dreg:$0x6] =	wrdreg s8;
	s0 =	simm.s32 @p0 $0x1  }
0x16: {  	s17 =	simm.s32 $0x11;
	v0 =	vimm.f32 $0.0e+00;
	[smem:$0x7FD] =	sst s0  }
.LBB2_1:
0x17: {  	s0 =	sld [smem:$0x7FD];
	_ =	sdelay $0x2  }
0x18: {  	p0 =	seq.s32 s0, $0x1  }
0x19: {  	s7 =	rddreg [dreg:$0x5];
	s0 =	simm.s32 @p0 $0x0;
	s1 =	simm.s32 @p0 $0x11  }
0x1a: {  	[tilespmem:s0], [sflag:$0x11] =	stream.linear.gather @p0 [hbm4b:s7+s0], $0x2600, $0x38;
	[tilespmem:$0xE000] =	vst v63  }
0x1b: {  	_ =	swait.ge @p0 [sflag:s1], $0x2600  }
0x1c: {  	[sflag:s1] =	ssyncset.done @p0 $0x0  }
0x1d: {  	s6 =	simm.s32 @p0 $0x2800;
	s8 =	rddreg [dreg:$0x6];
	[sflag:s1] =	ssyncadd.s32 @p0 $0xFFFFDA00  }
0x1e: {  	[tilespmem:s6], [sflag:$0x11] =	stream.linear.gather @p0 [hbm4b:s8+s0], $0x2600, $0x38;
	[tilespmem:$0xE000] =	vst v63  }
0x1f: {  	_ =	swait.ge @p0 [sflag:s1], $0x2600  }
0x20: {  	[sflag:s1] =	ssyncset.done @p0 $0x0  }
0x21: {  	s0 =	simm.s32 @!p0 $0x0;
	[sflag:s1] =	ssyncadd.s32 @p0 $0xFFFFDA00;
	s1 =	simm.s32 @!p0 $0x11  }
0x22: {  	[tilespmem:s0], [sflag:$0x11] =	stream.linear.gather @!p0 [hbm4b:s7+s0], $0x2800, $0x38;
	[tilespmem:$0xE000] =	vst v63  }
0x23: {  	_ =	swait.ge @!p0 [sflag:s1], $0x2800  }
0x24: {  	[sflag:s1] =	ssyncset.done @!p0 $0x0  }
0x25: {  	s6 =	simm.s32 @!p0 $0x2800;
	[sflag:s1] =	ssyncadd.s32 @!p0 $0xFFFFD800  }
0x26: {  	[tilespmem:s6], [sflag:$0x11] =	stream.linear.gather @!p0 [hbm4b:s8+s0], $0x2800, $0x38;
	[tilespmem:$0xE000] =	vst v63  }
0x27: {  	_ =	swait.ge @!p0 [sflag:s1], $0x2800  }
0x28: {  	[sflag:s1] =	ssyncset.done @!p0 $0x0  }
0x29: {  	s0 =	simm.s32 $0x40;
	[sflag:s1] =	ssyncadd.s32 @!p0 $0xFFFFD800;
	s1 =	simm.s32 $0x0  }
.LBB2_2:
0x2a: {  	p0 =	sne.s32 s0, $0x1FC0;
	[tilespmem:s1+$0x5000] =	vst v0;
	s1 =	smov.u32 s0;
	s0 =	sadd.s32 $0x40, s0  }
.Ltmp0:
0x2b: {  	(pc) =	sbr.rel @p0 .LBB2_2-.Ltmp0, $2  }
0x2c: {  	_ =	sdelay $0x2  }
0x2d: {  	s1 =	sshra.s32 s1, $0x2  }
0x2e: {  	[dreg:$0x4] =	wrdreg s4;
	[tilespmem:s1+$0x5000] =	vst v0;
	s28 =	simm.s32 $0x5000  }
0x2f: {  	[spmem:s11] =	stream.linear.scatter [tilespmem:s28], [sflag:$0x11], $0x800, $0x38;
	[tilespmem:$0xE000] =	vst v63  }
0x30: {  	_ =	swait.ge [sflag:s17], $0x800  }
0x31: {  	[sflag:s17] =	ssyncset.done $0x0  }
0x32: {  	s0 =	rddreg [dreg:$0x8];
	[sflag:s17] =	ssyncadd.s32 $0xFFFFF800  }
0x33: {  	[spmem:s0] =	stream.linear.scatter [tilespmem:s28], [sflag:$0x11], $0x800, $0x38;
	[tilespmem:$0xE000] =	vst v63  }
0x34: {  	_ =	swait.ge [sflag:s17], $0x800  }
0x35: {  	[sflag:s17] =	ssyncset.done $0x0  }
0x36: {  	s29 =	rddreg [dreg:$0x9];
	[sflag:s17] =	ssyncadd.s32 $0xFFFFF800  }
0x37: {  	[spmem:s29] =	stream.linear.scatter [tilespmem:s28], [sflag:$0x11], $0x800, $0x38;
	[tilespmem:$0xE000] =	vst v63  }
0x38: {  	_ =	swait.ge [sflag:s17], $0x800  }
0x39: {  	[sflag:s17] =	ssyncset.done $0x0  }
0x3a: {  	s4 =	rddreg [dreg:$0xa];
	[sflag:s17] =	ssyncadd.s32 $0xFFFFF800  }
0x3b: {  	[spmem:s4] =	stream.linear.scatter [tilespmem:s28], [sflag:$0x11], $0x800, $0x38;
	[tilespmem:$0xE000] =	vst v63  }
0x3c: {  	_ =	swait.ge [sflag:s17], $0x800  }
0x3d: {  	s7 =	stileid.u32;
	[sflag:s17] =	ssyncset.done $0x0  }
0x3e: {  	s0 =	sshll.u32 s7, $0x6;
	s6 =	rddreg [dreg:$0xb];
	[sflag:s17] =	ssyncadd.s32 $0xFFFFF800  }
0x3f: {  	[spmem:s6] =	stream.linear.scatter [tilespmem:s28], [sflag:$0x11], $0x800, $0x38;
	[tilespmem:$0xE000] =	vst v63  }
0x40: {  	s6 =	sor.u32 $0x1C11, s0  }
0x41: {  	_ =	swait.ge [sflag:s17], $0x800;
	[dreg:$0x10] =	wrdreg s6  }
0x42: {  	[sflag:s17] =	ssyncset.done $0x0;
	s8 =	rddreg [dreg:$0xc]  }
0x43: {  	s9 =	rddreg [dreg:$0xf];
	[sflag:s17] =	ssyncadd.s32 $0xFFFFF800  }
0x44: {  	[spmem:s9], [sflag:s6] =	dma.local [hbm:s8], $0x500  }
0x45: {  	_ =	swait.ge [sflag:s17], $0x500  }
0x46: {  	[sflag:s17] =	ssyncset.done $0x0  }
0x47: {  	[sflag:s17] =	ssyncadd.s32 $0xFFFFFB00  }
0x48: {  	s22 =	simm.s32 $0x0;
	s10 =	simm.s32 $0x80;
	[bflag:$0x0] =	sbarrier.arrive $0xFFFF  }
0x49: {  	[tilespmem:s28], [sflag:$0x1] =	stream.indirect.gather [spmem:s3], $0x10, s22, s10, $0xb8;
	[tilespmem:$0xE000] =	vst v63  }
0x4a: {  	s11 =	simm.s32 $0x5800  }
0x4b: {  	[tilespmem:s11], [sflag:$0x2] =	stream.indirect.gather [spmem:s3], $0x10, s10, s10, $0xb8;
	[tilespmem:$0xE000] =	vst v63  }
0x4c: {  	s12 =	simm.s32 $0x100;
	s13 =	simm.s32 $0x6000  }
0x4d: {  	[tilespmem:s13], [sflag:$0x3] =	stream.indirect.gather [spmem:s3], $0x10, s12, s10, $0xb8;
	[tilespmem:$0xE000] =	vst v63  }
0x4e: {  	s14 =	simm.s32 $0x180;
	s15 =	simm.s32 $0x6800  }
0x4f: {  	[tilespmem:s15], [sflag:$0x4] =	stream.indirect.gather [spmem:s3], $0x10, s14, s10, $0xb8;
	[tilespmem:$0xE000] =	vst v63  }
0x50: {  	s16 =	simm.s32 $0x200;
	s18 =	simm.s32 $0x7000  }
0x51: {  	[tilespmem:s18], [sflag:$0x5] =	stream.indirect.gather [spmem:s3], $0x10, s16, s10, $0xb8;
	[tilespmem:$0xE000] =	vst v63  }
0x52: {  	s19 =	simm.s32 $0x280;
	s20 =	simm.s32 $0x7800  }
0x53: {  	[tilespmem:s20], [sflag:$0x6] =	stream.indirect.gather [spmem:s3], $0x10, s19, s10, $0xb8;
	[tilespmem:$0xE000] =	vst v63  }
0x54: {  	s21 =	simm.s32 $0x300;
	s23 =	simm.s32 $0x8000;
	p2 =	sle.u32 s5, $0x0  }
0x55: {  	[tilespmem:s23], [sflag:$0x7] =	stream.indirect.gather [spmem:s3], $0x10, s21, s10, $0xb8;
	[tilespmem:$0xE000] =	vst v63  }
0x56: {  	s24 =	simm.s32 $0x380;
	s25 =	simm.s32 $0x8800;
	s0 =	simm.s32 @!p2 $0x1  }
0x57: {  	[tilespmem:s25], [sflag:$0x8] =	stream.indirect.gather [spmem:s3], $0x10, s24, s10, $0xb8;
	[tilespmem:$0xE000] =	vst v63  }
0x58: {  	p1 =	sle.u32 s5, $0x1;
	_ =	swait.ge @!p2 [sflag:s0], $0x800  }
0x59: {  	s1 =	simm.s32 @!p2 $0x2800;
	s7 =	simm.s32 @!p2 $0x80;
	[sflag:s0] =	ssyncset.done @!p2 $0x0  }
0x5a: {  	s6 =	simm.s32 @!p2 $0x5000;
	s9 =	simm.s32 @!p1 $0x2;
	[sflag:s0] =	ssyncadd.s32 @!p2 $0xFFFFF800  }
0x5b: {  	[spmem:s2] =	stream.indirect.scatter.add.f32 @!p2 [tilespmem:s6], [sflag:$0x9], $0x10, s1, s7, $0xb8;
	[tilespmem:$0xE000] =	vst v63  }
0x5c: {  	p0 =	sle.u32 s5, $0x2;
	_ =	swait.ge @!p1 [sflag:s9], $0x800  }
0x5d: {  	s0 =	simm.s32 @!p1 $0x2880;
	s1 =	simm.s32 @!p1 $0x5800;
	[sflag:s9] =	ssyncset.done @!p1 $0x0  }
0x5e: {  	s6 =	simm.s32 @!p0 $0x3;
	s7 =	simm.s32 @!p1 $0x80;
	[sflag:s9] =	ssyncadd.s32 @!p1 $0xFFFFF800  }
0x5f: {  	[spmem:s2] =	stream.indirect.scatter.add.f32 @!p1 [tilespmem:s1], [sflag:$0xA], $0x10, s0, s7, $0xb8;
	[tilespmem:$0xE000] =	vst v63  }
0x60: {  	_ =	swait.ge @!p0 [sflag:s6], $0x800  }
0x61: {  	p3 =	sle.u32 s5, $0x4;
	s0 =	simm.s32 @!p0 $0x80;
	[sflag:s6] =	ssyncset.done @!p0 $0x0  }
0x62: {  	s1 =	simm.s32 @!p0 $0x2900;
	s7 =	simm.s32 @!p0 $0x6000;
	[sflag:s6] =	ssyncadd.s32 @!p0 $0xFFFFF800  }
0x63: {  	[spmem:s2] =	stream.indirect.scatter.add.f32 @!p0 [tilespmem:s7], [sflag:$0xB], $0x10, s1, s0, $0xb8;
	[tilespmem:$0xE000] =	vst v63  }
0x64: {  	s0 =	simm.s32 @!p3 $0x0  }
0x65: {  	p5 =	sle.u32 s5, $0x3;
	s0 =	simm.s32 @p3 $0x1  }
0x66: {  	s9 =	simm.s32 @!p5 $0x4;
	[smem:$0x7F6] =	sst s0  }
0x67: {  	_ =	swait.ge @!p5 [sflag:s9], $0x800  }
0x68: {  	s6 =	simm.s32 @!p5 $0x80;
	s1 =	simm.s32 @!p5 $0x6800;
	[sflag:s9] =	ssyncset.done @!p5 $0x0  }
0x69: {  	s7 =	simm.s32 @!p3 $0x5;
	s0 =	simm.s32 @!p5 $0x2980;
	[sflag:s9] =	ssyncadd.s32 @!p5 $0xFFFFF800  }
0x6a: {  	[spmem:s2] =	stream.indirect.scatter.add.f32 @!p5 [tilespmem:s1], [sflag:$0xC], $0x10, s0, s6, $0xb8;
	[tilespmem:$0xE000] =	vst v63  }
0x6b: {  	_ =	swait.ge @!p3 [sflag:s7], $0x800  }
0x6c: {  	p4 =	sle.u32 s5, $0x5;
	s0 =	simm.s32 @!p3 $0x2A00;
	[sflag:s7] =	ssyncset.done @!p3 $0x0  }
0x6d: {  	s1 =	simm.s32 @!p3 $0x7000;
	s6 =	simm.s32 @!p3 $0x80;
	[sflag:s7] =	ssyncadd.s32 @!p3 $0xFFFFF800  }
0x6e: {  	[spmem:s2] =	stream.indirect.scatter.add.f32 @!p3 [tilespmem:s1], [sflag:$0xD], $0x10, s0, s6, $0xb8;
	[tilespmem:$0xE000] =	vst v63  }
0x6f: {  	s0 =	simm.s32 @!p4 $0x0  }
0x70: {  	s0 =	simm.s32 @p4 $0x1  }
0x71: {  	s9 =	simm.s32 @!p4 $0x6;
	[smem:$0x7F7] =	sst s0  }
0x72: {  	p3 =	por p4, p4;
	_ =	swait.ge @!p4 [sflag:s9], $0x800  }
0x73: {  	s1 =	simm.s32 @!p3 $0x7800;
	[sflag:s9] =	ssyncset.done @!p3 $0x0  }
0x74: {  	s6 =	simm.s32 @!p3 $0x80;
	s0 =	simm.s32 @!p3 $0x2A80;
	[sflag:s9] =	ssyncadd.s32 @!p3 $0xFFFFF800  }
0x75: {  	[spmem:s2] =	stream.indirect.scatter.add.f32 @!p3 [tilespmem:s1], [sflag:$0xE], $0x10, s0, s6, $0xb8;
	[tilespmem:$0xE000] =	vst v63  }
0x76: {  	p4 =	sle.u32 s5, $0x6;
	p3 =	sle.u32 s5, $0x7  }
0x77: {  	s7 =	simm.s32 @!p4 $0x8000;
	s0 =	simm.s32 @!p4 $0x7;
	p6 =	por p3, p3  }
0x78: {  	s9 =	simm.s32 @!p4 $0x80;
	_ =	swait.ge @!p4 [sflag:s0], $0x800;
	s1 =	simm.s32 @!p6 $0x0  }
0x79: {  	s6 =	simm.s32 @!p6 $0x8;
	[sflag:s0] =	ssyncset.done @!p4 $0x0;
	s1 =	simm.s32 @p6 $0x1  }
0x7a: {  	[sflag:s0] =	ssyncadd.s32 @!p4 $0xFFFFF800;
	[smem:$0x7FB] =	sst s1;
	s1 =	simm.s32 @!p4 $0x2B00  }
0x7b: {  	[spmem:s2] =	stream.indirect.scatter.add.f32 @!p4 [tilespmem:s7], [sflag:$0xF], $0x10, s1, s9, $0xb8;
	[tilespmem:$0xE000] =	vst v63  }
0x7c: {  	s0 =	simm.s32 @!p3 $0x80;
	_ =	swait.ge @!p6 [sflag:s6], $0x800  }
0x7d: {  	p3 =	sle.u32 @!p2 s5, $0x8;
	s1 =	simm.s32 @!p2 $0x9;
	[sflag:s6] =	ssyncset.done @!p6 $0x0  }
0x7e: {  	s7 =	simm.s32 @!p6 $0x2B80;
	s9 =	simm.s32 @!p6 $0x8800;
	[sflag:s6] =	ssyncadd.s32 @!p6 $0xFFFFF800  }
0x7f: {  	[spmem:s2] =	stream.indirect.scatter.add.f32 @!p6 [tilespmem:s9], [sflag:$0x10], $0x10, s7, s0, $0xb8;
	[tilespmem:$0xE000] =	vst v63  }
0x80: {  	p3 =	por p3, p2;
	_ =	swait.ge @!p2 [sflag:s1], $0x800  }
0x81: {  	s6 =	simm.s32 @!p3 $0x80;
	s0 =	simm.s32 @!p3 $0x5000;
	[sflag:s1] =	ssyncset.done @!p2 $0x0  }
0x82: {  	[sflag:s1] =	ssyncadd.s32 @!p2 $0xFFFFF800;
	s1 =	simm.s32 @!p3 $0x400;
	p2 =	sle.u32 @!p1 s5, $0x9  }
0x83: {  	[tilespmem:s0], [sflag:$0x1] =	stream.indirect.gather @!p3 [spmem:s3], $0x10, s1, s6, $0xb8;
	[tilespmem:$0xE000] =	vst v63  }
0x84: {  	s0 =	simm.s32 @!p1 $0xA;
	p2 =	por p2, p1  }
0x85: {  	_ =	swait.ge @!p1 [sflag:s0], $0x800;
	s1 =	simm.s32 @!p2 $0x5800;
	s6 =	simm.s32 @!p2 $0x480  }
0x86: {  	s7 =	simm.s32 @!p2 $0x80;
	[sflag:s0] =	ssyncset.done @!p1 $0x0;
	s26 =	sld [smem:$0x7F6]  }
0x87: {  	[sflag:s0] =	ssyncadd.s32 @!p1 $0xFFFFF800;
	s0 =	simm.s32 @!p0 $0xB;
	p1 =	sle.u32 @!p0 s5, $0xA  }
0x88: {  	[tilespmem:s1], [sflag:$0x2] =	stream.indirect.gather @!p2 [spmem:s3], $0x10, s6, s7, $0xb8;
	[tilespmem:$0xE000] =	vst v63  }
0x89: {  	s23 =	simm.s32 $0x8;
	p1 =	por p1, p0;
	_ =	swait.ge @!p0 [sflag:s0], $0x800  }
0x8a: {  	p2 =	seq.s32 s26, $0x1;
	s1 =	simm.s32 @!p1 $0x6000;
	s28 =	sld [smem:$0x7F7]  }
0x8b: {  	s6 =	simm.s32 @!p1 $0x80;
	[sflag:s0] =	ssyncset.done @!p0 $0x0;
	s29 =	sld [smem:$0x7FB]  }
0x8c: {  	[sflag:s0] =	ssyncadd.s32 @!p0 $0xFFFFF800;
	p0 =	sle.u32 @!p5 s5, $0xB;
	s0 =	simm.s32 @!p1 $0x500  }
0x8d: {  	[tilespmem:s1], [sflag:$0x3] =	stream.indirect.gather @!p1 [spmem:s3], $0x10, s0, s6, $0xb8;
	[tilespmem:$0xE000] =	vst v63  }
0x8e: {  	p6 =	por p0, p5;
	p0 =	sle.u32 @!p2 s5, $0xC;
	s0 =	simm.s32 @!p4 $0x0  }
0x8f: {  	p1 =	seq.s32 s28, $0x1;
	s1 =	simm.s32 @!p6 $0x580;
	p3 =	por p0, p2  }
0x90: {  	p0 =	sle.u32 @!p4 s5, $0xE;
	s0 =	simm.s32 @p4 $0x1;
	s7 =	simm.s32 @!p6 $0x80  }
0x91: {  	s9 =	simm.s32 @!p6 $0x6800;
	s31 =	simm.s32 @!p3 $0x600;
	[smem:$0x7F8] =	sst s0  }
0x92: {  	p0 =	por p0, p4;
	s10 =	simm.s32 @!p3 $0x80;
	s4 =	simm.s32 @!p3 $0x0  }
0x93: {  	s11 =	simm.s32 @!p3 $0x7000;
	s0 =	simm.s32 @!p0 $0x0;
	s30 =	simm.s32 @!p0 $0x700  }
0x94: {  	s4 =	simm.s32 @p3 $0x1;
	p3 =	seq.s32 s29, $0x1;
	s0 =	simm.s32 @p0 $0x1  }
0x95: {  	p0 =	sle.u32 @!p1 s5, $0xD;
	[smem:$0x7F9] =	sst s0;
	s0 =	simm.s32 @!p2 $0xD  }
0x96: {  	p2 =	por p6, p6;
	p6 =	por p0, p1;
	p0 =	sle.u32 @!p3 s5, $0xF  }
0x97: {  	s6 =	simm.s32 @!p5 $0xC;
	[smem:$0x7FA] =	sst s4;
	s4 =	simm.s32 @!p0 $0x0  }
0x98: {  	s24 =	simm.s32 $0x1000;
	_ =	swait.ge @!p5 [sflag:s6], $0x800;
	s4 =	simm.s32 @p0 $0x1  }
0x99: {  	p4 =	por p5, p5;
	s20 =	simm.s32 @!p3 $0x10;
	[smem:$0x7FC] =	sst s4  }
.LBB2_4:
0x9a: {  	[sflag:s6] =	ssyncset.done @!p4 $0x0;
	s16 =	sld [smem:$0x7F6]  }
0x9b: {  	[sflag:s6] =	ssyncadd.s32 @!p4 $0xFFFFF800  }
0x9c: {  	[tilespmem:s9], [sflag:$0x4] =	stream.indirect.gather @!p2 [spmem:s3], $0x10, s1, s7, $0xb8;
	[tilespmem:$0xE000] =	vst v63  }
0x9d: {  	s13 =	sadd.s32 $0x3, s23;
	p2 =	seq.s32 s16, $0x1  }
0x9e: {  	s25 =	smov.u32 s23;
	s4 =	sld [smem:$0x7F8];
	_ =	swait.ge @!p2 [sflag:s0], $0x800  }
0x9f: {  	s23 =	sadd.s32 $0x8, s23;
	s8 =	sadd.s32 $0x2, s25;
	s19 =	sld [smem:$0x7F9]  }
0xa0: {  	s12 =	sadd.s32 $0x6, s25;
	s26 =	sadd.s32 $0x7, s25;
	s7 =	simm.s32 @!p6 $0x7800  }
0xa1: {  	s9 =	sshra.s32 @!p6 s22, $0x2;
	p4 =	seq.s32 s4, $0x1;
	s16 =	sadd.s32 $0x4, s25  }
0xa2: {  	s18 =	simm.s32 @!p4 $0xF;
	s21 =	sld [smem:$0x7FC];
	p0 =	seq.s32 s19, $0x1  }
0xa3: {  	[sflag:s0] =	ssyncset.done @!p2 $0x0;
	s29 =	sld [smem:$0x7FA];
	s1 =	simm.s32 @!p0 $0x0  }
0xa4: {  	[sflag:s0] =	ssyncadd.s32 @!p2 $0xFFFFF800;
	p2 =	sge.u32 s26, s5;
	s1 =	simm.s32 @p0 $0x1  }
0xa5: {  	s28 =	simm.s32 @!p0 $0x80;
	[smem:$0x7F9] =	sst s1;
	s1 =	simm.s32 @!p3 $0x0  }
0xa6: {  	p0 =	por p3, p3;
	s1 =	simm.s32 @p3 $0x1;
	p3 =	sge.u32 s25, s5  }
0xa7: {  	p5 =	seq.s32 s21, $0x1;
	s21 =	simm.s32 @!p1 $0xE;
	s0 =	sshra.s32 @!p3 s24, $0x2  }
0xa8: {  	[smem:$0x7FB] =	sst s1;
	s1 =	sadd.s32 @!p3 $0x2800, s0;
	s0 =	simm.s32 @!p2 $0x0  }
0xa9: {  	p5 =	por p5, p0;
	p0 =	sge.u32 s13, s5;
	s0 =	simm.s32 @p2 $0x1  }
0xaa: {  	s19 =	simm.s32 @!p6 $0x80;
	[smem:$0x7EA] =	sst s0;
	s0 =	simm.s32 @!p0 $0x0  }
0xab: {  	s13 =	sadd.s32 $0x1, s25;
	s6 =	sshra.s32 @!p5 s22, $0x2;
	s0 =	simm.s32 @p0 $0x1  }
0xac: {  	s14 =	simm.s32 @!p5 $0x80;
	p0 =	seq.s32 s29, $0x1;
	[smem:$0x7F4] =	sst s0  }
0xad: {  	[tilespmem:s11], [sflag:$0x5] =	stream.indirect.gather @!p0 [spmem:s3], $0x10, s31, s10, $0xb8;
	[tilespmem:$0xE000] =	vst v63  }
0xae: {  	s15 =	simm.s32 @!p5 $0x8800;
	s22 =	sadd.s32 @!p6 $0x680, s9;
	_ =	swait.ge @!p1 [sflag:s21], $0x800  }
0xaf: {  	s26 =	simm.s32 @!p3 $0x9;
	s9 =	simm.s32 @!p3 $0x5000;
	[sflag:s21] =	ssyncset.done @!p1 $0x0  }
0xb0: {  	s4 =	sadd.s32 @!p5 $0x780, s6;
	s6 =	simm.s32 @!p3 $0x80;
	[sflag:s21] =	ssyncadd.s32 @!p1 $0xFFFFF800  }
0xb1: {  	[tilespmem:s7], [sflag:$0x6] =	stream.indirect.gather @!p6 [spmem:s3], $0x10, s22, s19, $0xb8;
	[tilespmem:$0xE000] =	vst v63  }
0xb2: {  	s29 =	simm.s32 @!p2 $0x80;
	p0 =	sge.u32 s8, s5;
	_ =	swait.ge @!p4 [sflag:s18], $0x800  }
0xb3: {  	s10 =	sshra.s32 @!p0 s24, $0x2;
	p6 =	sge.u32 s16, s5;
	s21 =	sld [smem:$0x7F9]  }
0xb4: {  	s31 =	simm.s32 @!p0 $0x80;
	s10 =	sadd.s32 @!p0 $0x2900, s10;
	s16 =	simm.s32 @!p6 $0x0  }
0xb5: {  	p1 =	por p0, p0;
	[sflag:s18] =	ssyncset.done @!p4 $0x0;
	s16 =	simm.s32 @p6 $0x1  }
0xb6: {  	s22 =	sld [smem:$0x7FB];
	[sflag:s18] =	ssyncadd.s32 @!p4 $0xFFFFF800;
	p0 =	seq.s32 s21, $0x1  }
0xb7: {  	[smem:$0x7F6] =	sst s16;
	s16 =	sadd.s32 @!p3 $0x8, s25;
	s18 =	simm.s32 @!p0 $0x8000  }
0xb8: {  	[tilespmem:s18], [sflag:$0x7] =	stream.indirect.gather @!p0 [spmem:s3], $0x10, s30, s28, $0xb8;
	[tilespmem:$0xE000] =	vst v63  }
0xb9: {  	s0 =	sshra.s32 @!p2 s24, $0x2;
	p4 =	seq.s32 s22, $0x1;
	p0 =	sge.u32 @!p3 s16, s5  }
0xba: {  	s18 =	sshra.s32 @!p6 s24, $0x2;
	_ =	swait.ge @!p4 [sflag:s20], $0x800;
	s16 =	simm.s32 @!p0 $0x0  }
0xbb: {  	s16 =	simm.s32 @p0 $0x1;
	[sflag:s20] =	ssyncset.done @!p4 $0x0;
	p0 =	por p4, p4  }
0xbc: {  	[smem:$0x7ED] =	sst s16;
	s16 =	sadd.s32 @!p1 $0xA, s25;
	[sflag:s20] =	ssyncadd.s32 @!p0 $0xFFFFF800  }
0xbd: {  	[tilespmem:s15], [sflag:$0x8] =	stream.indirect.gather @!p5 [spmem:s3], $0x10, s4, s14, $0xb8;
	[tilespmem:$0xE000] =	vst v63  }
0xbe: {  	s19 =	simm.s32 @!p3 $0x1;
	s30 =	sadd.s32 @!p6 $0x2A00, s18;
	p0 =	sge.u32 @!p1 s16, s5  }
0xbf: {  	p4 =	sge.u32 s12, s5;
	_ =	swait.ge @!p3 [sflag:s19], $0x800;
	s12 =	simm.s32 @!p0 $0x0  }
0xc0: {  	s18 =	sld [smem:$0x7F4];
	s12 =	simm.s32 @p0 $0x1;
	[sflag:s19] =	ssyncset.done @!p3 $0x0  }
0xc1: {  	[smem:$0x7EB] =	sst s12;
	[sflag:s19] =	ssyncadd.s32 @!p3 $0xFFFFF800;
	s12 =	simm.s32 @!p3 $0x0  }
0xc2: {  	s19 =	sld [smem:$0x7EA];
	s12 =	simm.s32 @p3 $0x1;
	p3 =	sne.s32 s23, $0x50  }
0xc3: {  	p2 =	sge.u32 s13, s5;
	[smem:$0x7EE] =	sst s12;
	s12 =	simm.s32 @!p3 $0x0  }
0xc4: {  	s8 =	sshra.s32 @!p2 s24, $0x2;
	p5 =	seq.s32 s18, $0x1;
	s12 =	simm.s32 @p3 $0x1  }
0xc5: {  	s14 =	sadd.s32 @!p5 $0xB, s25;
	p0 =	seq.s32 s19, $0x1;
	s21 =	sld [smem:$0x7EE]  }
0xc6: {  	[smem:$0x7F5] =	sst s12;
	s12 =	simm.s32 @!p1 $0x0;
	p3 =	por p0, p0  }
0xc7: {  	p0 =	sge.u32 @!p5 s14, s5;
	s12 =	simm.s32 @p1 $0x1;
	s15 =	simm.s32 @!p3 $0x0  }
0xc8: {  	s14 =	simm.s32 @!p0 $0x0;
	[smem:$0x7F3] =	sst s12;
	s15 =	simm.s32 @p3 $0x1  }
0xc9: {  	s13 =	sadd.s32 @!p2 $0x2880, s8;
	s14 =	simm.s32 @p0 $0x1;
	[smem:$0x7FB] =	sst s15  }
0xca: {  	s8 =	simm.s32 @!p2 $0x2;
	p0 =	seq.s32 s21, $0x1;
	[smem:$0x7EC] =	sst s14  }
0xcb: {  	[spmem:s2] =	stream.indirect.scatter.add.f32 @!p0 [tilespmem:s9], [sflag:$0x9], $0x10, s1, s6, $0xb8;
	[tilespmem:$0xE000] =	vst v63  }
0xcc: {  	_ =	swait.ge @!p2 [sflag:s8], $0x800  }
0xcd: {  	s7 =	simm.s32 @!p2 $0x5800;
	[sflag:s8] =	ssyncset.done @!p2 $0x0  }
0xce: {  	s12 =	simm.s32 @!p1 $0x3;
	s14 =	simm.s32 @!p2 $0x80;
	[sflag:s8] =	ssyncadd.s32 @!p2 $0xFFFFF800  }
0xcf: {  	[spmem:s2] =	stream.indirect.scatter.add.f32 @!p2 [tilespmem:s7], [sflag:$0xA], $0x10, s13, s14, $0xb8;
	[tilespmem:$0xE000] =	vst v63  }
0xd0: {  	_ =	swait.ge @!p1 [sflag:s12], $0x800  }
0xd1: {  	s13 =	sld [smem:$0x7EB];
	[sflag:s12] =	ssyncset.done @!p1 $0x0  }
0xd2: {  	s16 =	simm.s32 @!p1 $0x6000;
	[sflag:s12] =	ssyncadd.s32 @!p1 $0xFFFFF800  }
0xd3: {  	[spmem:s2] =	stream.indirect.scatter.add.f32 @!p1 [tilespmem:s16], [sflag:$0xB], $0x10, s10, s31, $0xb8;
	[tilespmem:$0xE000] =	vst v63  }
0xd4: {  	p0 =	seq.s32 s13, $0x1  }
0xd5: {  	s11 =	sadd.s32 $0x5, s25;
	p0 =	por p0, p1  }
0xd6: {  	p3 =	sge.u32 s11, s5;
	s6 =	simm.s32 @!p0 $0x0  }
0xd7: {  	s1 =	sshra.s32 @!p3 s24, $0x2;
	s6 =	simm.s32 @p0 $0x1  }
0xd8: {  	s21 =	sadd.s32 @!p3 $0x2A80, s1;
	s1 =	simm.s32 @!p5 $0x4;
	[smem:$0x7F1] =	sst s6  }
0xd9: {  	s28 =	simm.s32 @!p1 $0xB;
	s4 =	sshra.s32 @!p5 s24, $0x2;
	_ =	swait.ge @!p5 [sflag:s1], $0x800  }
0xda: {  	s18 =	simm.s32 @!p5 $0x6800;
	s15 =	sshra.s32 @!p4 s24, $0x2;
	s14 =	sld [smem:$0x7FB]  }
0xdb: {  	s11 =	sadd.s32 @!p4 $0x2B00, s15;
	s15 =	sld [smem:$0x7EC];
	[sflag:s1] =	ssyncset.done @!p5 $0x0  }
0xdc: {  	s19 =	simm.s32 @!p5 $0x80;
	s4 =	sadd.s32 @!p5 $0x2980, s4;
	[sflag:s1] =	ssyncadd.s32 @!p5 $0xFFFFF800  }
0xdd: {  	[spmem:s2] =	stream.indirect.scatter.add.f32 @!p5 [tilespmem:s18], [sflag:$0xC], $0x10, s4, s19, $0xb8;
	[tilespmem:$0xE000] =	vst v63  }
0xde: {  	s9 =	sshra.s32 @!p0 s24, $0x2;
	p0 =	seq.s32 s14, $0x1;
	p1 =	seq.s32 s15, $0x1  }
0xdf: {  	s6 =	simm.s32 @!p0 $0x8;
	p0 =	por p1, p5  }
0xe0: {  	s10 =	simm.s32 @!p0 $0x0  }
0xe1: {  	s10 =	simm.s32 @p0 $0x1  }
0xe2: {  	s12 =	simm.s32 @!p6 $0x5;
	[smem:$0x7F2] =	sst s10  }
0xe3: {  	s8 =	simm.s32 @!p6 $0x80;
	_ =	swait.ge @!p6 [sflag:s12], $0x800  }
0xe4: {  	s7 =	simm.s32 @!p6 $0x7000;
	s13 =	simm.s32 @!p3 $0x7800;
	s16 =	sld [smem:$0x7EE]  }
0xe5: {  	s15 =	simm.s32 @!p3 $0x6;
	s18 =	sld [smem:$0x7ED];
	[sflag:s12] =	ssyncset.done @!p6 $0x0  }
0xe6: {  	p1 =	por p3, p3;
	s14 =	sshra.s32 @!p0 s24, $0x2;
	[sflag:s12] =	ssyncadd.s32 @!p6 $0xFFFFF800  }
0xe7: {  	[spmem:s2] =	stream.indirect.scatter.add.f32 @!p6 [tilespmem:s7], [sflag:$0xD], $0x10, s30, s8, $0xb8;
	[tilespmem:$0xE000] =	vst v63  }
0xe8: {  	s1 =	sadd.s32 @!p0 $0x580, s14;
	p0 =	seq.s32 s16, $0x1;
	p3 =	seq.s32 s18, $0x1  }
0xe9: {  	p0 =	por p3, p0  }
0xea: {  	s4 =	simm.s32 @!p0 $0x0  }
0xeb: {  	s20 =	simm.s32 @!p4 $0x7;
	s10 =	simm.s32 @!p4 $0x8000;
	s4 =	simm.s32 @p0 $0x1  }
0xec: {  	s7 =	simm.s32 @!p1 $0x0;
	[smem:$0x7F0] =	sst s4;
	s4 =	sadd.s32 @!p6 $0xC, s25  }
0xed: {  	s7 =	simm.s32 @p1 $0x1;
	s14 =	sshra.s32 @!p0 s24, $0x2;
	p3 =	sge.u32 @!p6 s4, s5  }
0xee: {  	s4 =	simm.s32 @!p1 $0x80;
	_ =	swait.ge @!p1 [sflag:s15], $0x800;
	p3 =	por p3, p6  }
0xef: {  	[smem:$0x7F7] =	sst s7;
	[sflag:s15] =	ssyncset.done @!p1 $0x0;
	s7 =	simm.s32 @!p3 $0x0  }
0xf0: {  	s19 =	sld [smem:$0x7FB];
	[sflag:s15] =	ssyncadd.s32 @!p1 $0xFFFFF800;
	s7 =	simm.s32 @p3 $0x1  }
0xf1: {  	[spmem:s2] =	stream.indirect.scatter.add.f32 @!p1 [tilespmem:s13], [sflag:$0xE], $0x10, s21, s4, $0xb8;
	[tilespmem:$0xE000] =	vst v63  }
0xf2: {  	s12 =	simm.s32 @!p0 $0x5000;
	s8 =	sshra.s32 @!p3 s24, $0x2;
	[smem:$0x7FA] =	sst s7  }
0xf3: {  	s15 =	simm.s32 @!p4 $0x80;
	s31 =	sadd.s32 @!p3 $0x600, s8;
	_ =	swait.ge @!p4 [sflag:s20], $0x800  }
0xf4: {  	p0 =	seq.s32 s19, $0x1;
	[sflag:s20] =	ssyncset.done @!p4 $0x0;
	s21 =	sld [smem:$0x7F0]  }
0xf5: {  	s7 =	sadd.s32 @!p2 $0x9, s25;
	s0 =	sadd.s32 @!p0 $0x2B80, s0;
	[sflag:s20] =	ssyncadd.s32 @!p4 $0xFFFFF800  }
0xf6: {  	[spmem:s2] =	stream.indirect.scatter.add.f32 @!p4 [tilespmem:s10], [sflag:$0xF], $0x10, s11, s15, $0xb8;
	[tilespmem:$0xE000] =	vst v63  }
0xf7: {  	p3 =	sge.u32 @!p2 s7, s5;
	s7 =	simm.s32 @!p0 $0x8800;
	p1 =	seq.s32 s21, $0x1  }
0xf8: {  	s10 =	sadd.s32 @!p4 $0xE, s25;
	_ =	swait.ge @!p0 [sflag:s6], $0x800;
	s8 =	sadd.s32 @!p1 $0x400, s14  }
0xf9: {  	s13 =	simm.s32 @!p1 $0x80;
	[sflag:s6] =	ssyncset.done @!p0 $0x0;
	p1 =	sge.u32 @!p4 s10, s5  }
0xfa: {  	s11 =	sadd.s32 @!p0 $0xF, s25;
	s10 =	simm.s32 @!p1 $0x0;
	[sflag:s6] =	ssyncadd.s32 @!p0 $0xFFFFF800  }
0xfb: {  	s6 =	sld [smem:$0x7EE];
	s10 =	simm.s32 @p1 $0x1;
	p1 =	sge.u32 @!p0 s11, s5  }
0xfc: {  	[spmem:s2] =	stream.indirect.scatter.add.f32 @!p0 [tilespmem:s7], [sflag:$0x10], $0x10, s0, s29, $0xb8;
	[tilespmem:$0xE000] =	vst v63  }
0xfd: {  	[smem:$0x7EF] =	sst s10;
	s10 =	simm.s32 @!p1 $0x0  }
0xfe: {  	s10 =	simm.s32 @p1 $0x1  }
0xff: {  	p0 =	seq.s32 s6, $0x1;
	[smem:$0x7FC] =	sst s10  }
0x100: {  	s4 =	simm.s32 @!p2 $0xA;
	_ =	swait.ge @!p0 [sflag:s26], $0x800  }
0x101: {  	p3 =	por p3, p2;
	s0 =	simm.s32 @!p4 $0x0;
	s7 =	sld [smem:$0x7F1]  }
0x102: {  	s11 =	simm.s32 @!p3 $0x5800;
	s0 =	simm.s32 @p4 $0x1;
	s16 =	sld [smem:$0x7F0]  }
0x103: {  	s10 =	sshra.s32 @!p3 s24, $0x2;
	[smem:$0x7F8] =	sst s0;
	[sflag:s26] =	ssyncset.done @!p0 $0x0  }
0x104: {  	s15 =	sld [smem:$0x7FB];
	[sflag:s26] =	ssyncadd.s32 @!p0 $0xFFFFF800;
	p1 =	seq.s32 s7, $0x1  }
0x105: {  	p0 =	seq.s32 s16, $0x1;
	s14 =	sadd.s32 @!p1 $0x500, s9;
	s9 =	sld [smem:$0x7EF]  }
0x106: {  	[tilespmem:s12], [sflag:$0x1] =	stream.indirect.gather @!p0 [spmem:s3], $0x10, s8, s13, $0xb8;
	[tilespmem:$0xE000] =	vst v63  }
0x107: {  	s6 =	simm.s32 @!p5 $0xC;
	s10 =	sadd.s32 @!p3 $0x480, s10;
	_ =	swait.ge @!p2 [sflag:s4], $0x800  }
0x108: {  	p5 =	seq.s32 s15, $0x1;
	s15 =	simm.s32 @!p3 $0x80;
	s18 =	sld [smem:$0x7F1]  }
0x109: {  	[sflag:s4] =	ssyncset.done @!p2 $0x0;
	s19 =	sld [smem:$0x7F2];
	p1 =	seq.s32 s9, $0x1  }
0x10a: {  	s20 =	sld [smem:$0x7F3];
	[sflag:s4] =	ssyncadd.s32 @!p2 $0xFFFFF800;
	p4 =	por p1, p4  }
0x10b: {  	[tilespmem:s11], [sflag:$0x2] =	stream.indirect.gather @!p3 [spmem:s3], $0x10, s10, s15, $0xb8;
	[tilespmem:$0xE000] =	vst v63  }
0x10c: {  	s0 =	sshra.s32 @!p4 s24, $0x2;
	p0 =	seq.s32 s18, $0x1;
	s7 =	simm.s32 @!p4 $0x0  }
0x10d: {  	s8 =	simm.s32 @!p0 $0x6000;
	s7 =	simm.s32 @p4 $0x1;
	s30 =	sadd.s32 @!p4 $0x700, s0  }
0x10e: {  	s12 =	simm.s32 @!p0 $0x80;
	p4 =	por p0, p0;
	p0 =	seq.s32 s19, $0x1  }
0x10f: {  	[smem:$0x7F9] =	sst s7;
	s7 =	simm.s32 @!p0 $0x80  }
0x110: {  	p2 =	por p0, p0;
	s9 =	simm.s32 @!p0 $0x6800;
	p0 =	seq.s32 s20, $0x1  }
0x111: {  	_ =	swait.ge @!p0 [sflag:s28], $0x800  }
0x112: {  	s21 =	sld [smem:$0x7F7];
	[sflag:s28] =	ssyncset.done @!p0 $0x0  }
0x113: {  	s26 =	sld [smem:$0x7FA];
	[sflag:s28] =	ssyncadd.s32 @!p0 $0xFFFFF800  }
0x114: {  	[tilespmem:s8], [sflag:$0x3] =	stream.indirect.gather @!p4 [spmem:s3], $0x10, s14, s12, $0xb8;
	[tilespmem:$0xE000] =	vst v63  }
0x115: {  	s28 =	sld [smem:$0x7F4];
	p3 =	seq.s32 s21, $0x1  }
0x116: {  	s20 =	simm.s32 @!p5 $0x10;
	p1 =	seq.s32 s26, $0x1;
	s4 =	sadd.s32 @!p3 $0xD, s25  }
0x117: {  	s10 =	simm.s32 @!p1 $0x80;
	s11 =	simm.s32 @!p1 $0x7000;
	p1 =	por p3, p3  }
0x118: {  	p0 =	sge.u32 @!p3 s4, s5;
	p3 =	por p5, p5;
	p5 =	seq.s32 s28, $0x1  }
0x119: {  	_ =	swait.ge @!p5 [sflag:s6], $0x800  }
0x11a: {  	s29 =	sld [smem:$0x7F5];
	_ =	sdelay $0x2  }
0x11b: {  	s0 =	simm.s32 @!p6 $0xD;
	p6 =	por p0, p1;
	p0 =	seq.s32 s29, $0x1  }
.Ltmp1:
0x11c: {  	_ = 	snop;
	(pc) =	sbr.rel @p0 .LBB2_4-.Ltmp1, $2  }
0x11d: {  	_ =	sdelay $0x2  }
0x11e: {  	s22 =	smov.u32 s24;
	s24 =	sadd.s32 $0x1000, s24;
	p4 =	por p5, p5  }
0x11f: {  	[sflag:s6] =	ssyncset.done @!p4 $0x0;
	s19 =	sld [smem:$0x7F6]  }
0x120: {  	[sflag:s6] =	ssyncadd.s32 @!p4 $0xFFFFF800  }
0x121: {  	[tilespmem:s9], [sflag:$0x4] =	stream.indirect.gather @!p2 [spmem:s3], $0x10, s1, s7, $0xb8;
	[tilespmem:$0xE000] =	vst v63  }
0x122: {  	p5 =	seq.s32 s19, $0x1  }
0x123: {  	_ =	swait.ge @!p5 [sflag:s0], $0x800  }
0x124: {  	s21 =	sld [smem:$0x7FA];
	_ =	sdelay $0x1  }
0x125: {  	[sflag:s0] =	ssyncset.done @!p5 $0x0  }
0x126: {  	[sflag:s0] =	ssyncadd.s32 @!p5 $0xFFFFF800;
	s0 =	simm.s32 @!p1 $0xE;
	p0 =	seq.s32 s21, $0x1  }
0x127: {  	[tilespmem:s11], [sflag:$0x5] =	stream.indirect.gather @!p0 [spmem:s3], $0x10, s31, s10, $0xb8;
	[tilespmem:$0xE000] =	vst v63  }
0x128: {  	_ =	swait.ge @!p1 [sflag:s0], $0x800  }
0x129: {  	[sflag:s0] =	ssyncset.done @!p1 $0x0  }
0x12a: {  	s23 =	sld [smem:$0x7F8];
	[sflag:s0] =	ssyncadd.s32 @!p1 $0xFFFFF800;
	s0 =	sshra.s32 @!p6 s22, $0x2  }
0x12b: {  	s4 =	simm.s32 @!p6 $0x80;
	s1 =	simm.s32 @!p6 $0x7800;
	s0 =	sadd.s32 @!p6 $0x680, s0  }
0x12c: {  	[tilespmem:s1], [sflag:$0x6] =	stream.indirect.gather @!p6 [spmem:s3], $0x10, s0, s4, $0xb8;
	[tilespmem:$0xE000] =	vst v63  }
0x12d: {  	p0 =	seq.s32 s23, $0x1  }
0x12e: {  	s0 =	simm.s32 @!p0 $0xF  }
0x12f: {  	_ =	swait.ge @!p0 [sflag:s0], $0x800  }
0x130: {  	s24 =	sld [smem:$0x7F9];
	_ =	sdelay $0x1  }
0x131: {  	[sflag:s0] =	ssyncset.done @!p0 $0x0  }
0x132: {  	[sflag:s0] =	ssyncadd.s32 @!p0 $0xFFFFF800;
	p0 =	seq.s32 s24, $0x1  }
0x133: {  	s0 =	simm.s32 @!p0 $0x80;
	s1 =	simm.s32 @!p0 $0x8000  }
0x134: {  	[tilespmem:s1], [sflag:$0x7] =	stream.indirect.gather @!p0 [spmem:s3], $0x10, s30, s0, $0xb8;
	[tilespmem:$0xE000] =	vst v63  }
0x135: {  	_ =	swait.ge @!p3 [sflag:s20], $0x800  }
0x136: {  	s25 =	sld [smem:$0x7FC];
	_ =	sdelay $0x2  }
0x137: {  	p6 =	seq.s32 s25, $0x1  }
0x138: {  	[sflag:s20] =	ssyncset.done @!p3 $0x0;
	p0 =	por p6, p3  }
0x139: {  	[sflag:s20] =	ssyncadd.s32 @!p3 $0xFFFFF800;
	s0 =	sshra.s32 @!p0 s22, $0x2  }
0x13a: {  	s1 =	simm.s32 @!p0 $0x80;
	s4 =	simm.s32 @!p0 $0x8800;
	s0 =	sadd.s32 @!p0 $0x780, s0  }
0x13b: {  	[tilespmem:s4], [sflag:$0x8] =	stream.indirect.gather @!p0 [spmem:s3], $0x10, s0, s1, $0xb8;
	[tilespmem:$0xE000] =	vst v63  }
0x13c: {  	[bflag:$0x0] =	sbarrier.arrive $0xFFFF  }
0x13d: {  	s11 =	rddreg [dreg:$0x7]  }
0x13e: {  	s28 =	rddreg [dreg:$0xd]  }
0x13f: {  	s29 =	rddreg [dreg:$0x10];
	s26 =	sshrl.u32 s11, $0x3  }
0x140: {  	[hbm:s28], [sflag:s29] =	dma.local [spmem:s26], $0x500  }
0x141: {  	_ =	swait.ge [sflag:s17], $0x500  }
0x142: {  	s30 =	rddreg [dreg:$0x4]  }
0x143: {  	s31 =	rddreg [dreg:$0xe];
	s4 =	sadd.s32 $0x1, s30  }
0x144: {  	p0 =	sne.s32 s4, s31  }
.Ltmp2:
0x145: {  	_ = 	snop;
	(pc) =	sbr.rel @p0 .LBB2_1-.Ltmp2, $3  }
0x146: {  	_ =	sdelay $0x1  }
0x147: {  	[sflag:s17] =	ssyncset.done $0x0  }
0x148: {  	[sflag:s17] =	ssyncadd.s32 $0xFFFFFB00  }
0x149: {  	_ =	sfence.sel $0x180000  }
0x14a: {  	[bflag:$0x0] =	sbarrier.arrive $0xFFFF  }
0x14b: {  	_ =	strace $0x9000004D  }
0x14c: {  	s0 =	stileid.u32;
	[bflag:$0x2] =	sbarrier.arrive $0xFFFF  }
0x14d: {  	p0 =	sne.s32 s0, $0x0;
	s0 =	rddreg [dreg:$0x3]  }
0x14e: {  	s0 =	sadd.s32 @!p0 $0x100000, s0  }
0x14f: {  	[sflag:s0] =	ssyncadd.tile.s32 @!p0 $0x1;
	_ =	shalt  }
.Lfunc_end2:
_tile_overlayer_lowered:
.L_overlay_start_2:
0x150: {  	(tag) =	ssettag $0x2  }
0x151: {  	s0 =	rddreg [dreg:$0x0];
	s2 =	stileid.u32  }
0x152: {  	s1 =	rddreg [dreg:$0x1];
	p0 =	sne.s32 s2, $0x0  }
0x153: {  	s3 =	rddreg [dreg:$0x2];
	[bflag:$0x3] =	sbarrier.arrive $0xFFFF;
	s2 =	simm.s32 @!p0 $0x1C11  }
0x154: {  	[timem:s3], [sflag:s2] =	dma.local @!p0 [hbm:s0], s1  }
0x155: {  	s0 =	simm.s32 @!p0 $0x11  }
0x156: {  	_ =	swait.ge @!p0 [sflag:s0], s1  }
0x157: {  	s1 =	ssub.s32 @!p0 $0x0, s1;
	[sflag:s0] =	ssyncset.done @!p0 $0x0  }
0x158: {  	[sflag:s0] =	ssyncadd.s32 @!p0 s1  }
0x159: {  	[bflag:$0x3] =	sbarrier.arrive $0xFFFF  }
0x15a: {  	_ =	shalt  }

</sc_bundles>
